<compile_context>
chip_gen: v7x
topology: tpu7x:2x2x1
jax: 0.10.2.dev20260603
libtpu: 0.0.44.dev20260713+nightly
codegen_flags: <defaults>
</compile_context>

<pallas_src>
import dataclasses
import functools

import jax
import jax.numpy as jnp
from jax import lax
from jax.experimental import pallas as pl
from jax.experimental.pallas import tpu as pltpu
from jax.experimental.pallas import tpu_sc as plsc

_CH = 2
_NW = 32


def _sc_compiler_params():
    cp = pltpu.CompilerParams(use_tc_tiling_on_sc=False)
    if "needs_layout_passes" in pltpu.CompilerParams.__dataclass_fields__:
        cp = dataclasses.replace(cp, needs_layout_passes=False)
    return cp


def _sc_gather(embeddings, indices, lengths):
    d = embeddings.shape[1]
    n_sent, seq = indices.shape
    spw = n_sent // _NW
    nch_max = seq // _CH
    idx3 = indices.reshape(_NW, spw, nch_max, _CH)
    len2 = lengths.reshape(_NW, spw)
    mesh = plsc.VectorSubcoreMesh(core_axis_name="core", subcore_axis_name="subcore")

    @functools.partial(
        pl.kernel,
        out_type=jax.ShapeDtypeStruct((n_sent * seq, d), embeddings.dtype),
        mesh=mesh,
        scratch_types=[
            pltpu.VMEM((spw, nch_max, _CH), jnp.int32),
            pltpu.VMEM((seq, d), jnp.float32),
            pltpu.VMEM((seq, d), jnp.float32),
            pltpu.VMEM((_CH, d), jnp.float32),
            pltpu.VMEM((32,), jnp.int32),
            pltpu.VMEM((spw,), jnp.int32),
            pltpu.SemaphoreType.DMA,
            pltpu.SemaphoreType.DMA,
            pltpu.SemaphoreType.DMA,
            pltpu.SemaphoreType.DMA,
        ],
        compiler_params=_sc_compiler_params(),
    )
    def k(x_hbm, i_hbm, l_hbm, o_hbm, idx_v, buf0, buf1, pad_v, zidx, lvm,
          g0, g1, w0, w1):
        wid = lax.axis_index("subcore") * 2 + lax.axis_index("core")
        pltpu.sync_copy(i_hbm.at[wid], idx_v)
        pltpu.sync_copy(l_hbm.at[wid], lvm)
        zidx[pl.ds(0, 16)] = jnp.zeros((16,), jnp.int32)
        zidx[pl.ds(16, 16)] = jnp.zeros((16,), jnp.int32)
        pltpu.sync_copy(x_hbm.at[zidx.at[pl.ds(0, _CH)]], pad_v)

        bufs = (buf0, buf1)
        gsems = (g0, g1)
        wsems = (w0, w1)

        lane = lax.iota(jnp.int32, 16)

        def nch_at(vec, j):
            val = jnp.max(jnp.where(lane == j, vec, 0))
            return (val + (_CH - 1)) // _CH

        def fire_gathers(sl, b, nch):
            @pl.loop(0, nch)
            def _(ch):
                pltpu.async_copy(
                    x_hbm.at[idx_v.at[sl, ch]],
                    bufs[b].at[pl.ds(ch * _CH, _CH)],
                    gsems[b],
                )

        def drain_gathers(nch, b):
            @pl.loop(0, nch)
            def _(ch):
                pltpu.make_async_copy(
                    x_hbm.at[idx_v.at[0, 0]],
                    bufs[b].at[pl.ds(0, _CH)],
                    gsems[b],
                ).wait()

        def fire_writes(sl, b, nch):
            base = (wid * spw + sl) * seq

            @pl.loop(0, nch_max)
            def _(ch):
                dst = o_hbm.at[pl.ds(base + ch * _CH, _CH)]

                @pl.when(ch < nch)
                def _():
                    pltpu.async_copy(
                        bufs[b].at[pl.ds(ch * _CH, _CH)], dst, wsems[b]
                    )

                @pl.when(ch >= nch)
                def _():
                    pltpu.async_copy(pad_v, dst, wsems[b])

        def drain_writes(b):
            @pl.loop(0, nch_max)
            def _(ch):
                pltpu.make_async_copy(
                    bufs[b].at[pl.ds(0, _CH)],
                    o_hbm.at[pl.ds(0, _CH)],
                    wsems[b],
                ).wait()

        @pl.loop(0, spw, step=16)
        def _(o):
            lvec = lvm[pl.ds(o, 16)]
            lprev = lvm[pl.ds(jnp.maximum(o - 16, 0), 16)]
            nchs = [nch_at(lvec, j) for j in range(16)]
            nch_prev_w = nch_at(lprev, 15)
            for j in range(16):
                s = o + j
                b = j % 2
                nch_prev = nchs[j - 1] if j > 0 else nch_prev_w

                @pl.when(s >= 2)
                def _():
                    drain_writes(b)

                fire_gathers(s, b, nchs[j])

                @pl.when(s >= 1)
                def _():
                    drain_gathers(nch_prev, 1 - b)
                    fire_writes(s - 1, 1 - b, nch_prev)

        ltail = lvm[pl.ds(spw - 16, 16)]
        nch_tail = nch_at(ltail, 15)
        drain_gathers(nch_tail, 1)
        fire_writes(spw - 1, 1, nch_tail)
        drain_writes(0)
        drain_writes(1)

    return k(embeddings, idx3, len2)


def _tc_mask(lengths, batch, seq):

    def mk(len_ref, out_ref):
        pos = lax.broadcasted_iota(jnp.int32, out_ref.shape, 1)
        out_ref[...] = (pos < len_ref[...]).astype(jnp.int8)

    rows = 128
    return pl.pallas_call(
        mk,
        grid=(batch // rows,),
        in_specs=[pl.BlockSpec((rows, 1), lambda i: (i, 0))],
        out_specs=pl.BlockSpec((rows, seq), lambda i: (i, 0)),
        out_shape=jax.ShapeDtypeStruct((batch, seq), jnp.int8),
    )(lengths.reshape(batch, 1))


def kernel(indices, lengths, embeddings):
    batch, seq = indices.shape
    d = embeddings.shape[1]
    emb_flat = _sc_gather(embeddings, indices, lengths)
    emb_words = emb_flat.reshape(batch, seq, d)
    att_words = _tc_mask(lengths, batch, seq).astype(jnp.bool_)
    return (emb_words, att_words)

# --- scband reference (transcript-rebuilt; emitter-appended) ---
"""Pipeline reference for scband-non-contextual-embeddings-56513179680816 (READ-ONLY COPY).

The authoritative reference and input builder live on the scoring server;
editing this copy changes nothing except your own understanding.
"""

import jax, jax.numpy as jnp
import numpy as np

VOCAB = 1000000
EMB_DIM = 64
BATCH = 4096
MAX_LEN = 200
PAD_ID = 0


def setup_inputs(seed: int = 0) -> dict:
    key = jax.random.key(seed)
    k1, k2, k3 = jax.random.split(key, 3)
    raw_idx = jax.random.randint(k1, (BATCH, MAX_LEN), 0, VOCAB, dtype=jnp.int32)
    lengths = jax.random.randint(k2, (BATCH,), 1, MAX_LEN + 1, dtype=jnp.int32)
    # positions beyond each sentence length use the PAD token embedding,
    # mirroring the original forward's padding loop
    pos = jnp.arange(MAX_LEN, dtype=jnp.int32)[None, :]
    indices = jnp.where(pos < lengths[:, None], raw_idx, PAD_ID)
    embeddings = jax.random.normal(k3, (VOCAB, EMB_DIM), dtype=jnp.float32) * 0.02
    return {"indices": indices, "lengths": lengths, "embeddings": embeddings}


def reference(indices, lengths, embeddings):
    # emb_words[sidx, tidx] = embeddings[word_id]  (gather over the table),
    # with padded positions already mapped to the PAD row in `indices`.
    emb_words = jnp.take(embeddings, indices, axis=0)
    # att_words[sidx, tidx] = True for real tokens, False for padding
    pos = jnp.arange(indices.shape[1], dtype=jnp.int32)[None, :]
    att_words = pos < lengths[:, None]
    return (emb_words, att_words)

if __name__ == "__main__":
    import jax
    _d = setup_inputs()
    print(jax.jit(kernel)(*tuple(_d.values())))

</pallas_src>

<mosaic_0001>
#map = affine_map<(d0, d1) -> (0, 0)>
#map1 = affine_map<(d0, d1) -> (0, 0, 0, 0)>
module attributes {stable_mosaic.version = 14 : i64} {
  func.func @k(%arg0: i32, %arg1: i32, %arg2: memref<1000000x64xf32, #tpu.memory_space<hbm>>, %arg3: memref<32x128x100x2xi32, #tpu.memory_space<hbm>>, %arg4: memref<32x128xi32, #tpu.memory_space<hbm>>, %arg5: memref<819200x64xf32, #tpu.memory_space<hbm>>, %arg6: memref<128x100x2xi32, #tpu.memory_space<vmem>>, %arg7: memref<200x64xf32, #tpu.memory_space<vmem>>, %arg8: memref<200x64xf32, #tpu.memory_space<vmem>>, %arg9: memref<2x64xf32, #tpu.memory_space<vmem>>, %arg10: memref<32xi32, #tpu.memory_space<vmem>>, %arg11: memref<128xi32, #tpu.memory_space<vmem>>, %arg12: memref<!tpu.dma_semaphore, #tpu.memory_space<semaphore_mem>>, %arg13: memref<!tpu.dma_semaphore, #tpu.memory_space<semaphore_mem>>, %arg14: memref<!tpu.dma_semaphore, #tpu.memory_space<semaphore_mem>>, %arg15: memref<!tpu.dma_semaphore, #tpu.memory_space<semaphore_mem>>) attributes {dimension_semantics = [#tpu.dimension_semantics<core_parallel>, #tpu.dimension_semantics<subcore_parallel>], iteration_bounds = array<i64: 2, 16>, scalar_prefetch = 0 : i64, scratch_operands = 10 : i64, tpu.core_type = #tpu.core_type<sc_vector_subcore>, window_params = [{transform_indices = #map}, {transform_indices = #map1}, {transform_indices = #map}, {transform_indices = #map}]} {
    %mul3A = arith.constant 2 : i32
    %mul3A_0 = arith.muli %arg1, %mul3A : i32
    %add3A = arith.addi %mul3A_0, %arg0 : i32
    "tpu.region"() ({
      %run_scoped3A = tpu.sem_alloc : memref<!tpu.dma_semaphore, #tpu.memory_space<semaphore_mem>>
      %dma_start3A = arith.constant 0 : i32
      %dma_start3A_81 = arith.constant 0 : i32
      %dma_start3A_82 = arith.constant 0 : i32
      %dma_start3A_83 = tpu.memref_slice %arg3[%add3A, %dma_start3A, %dma_start3A_81, %dma_start3A_82] : memref<32x128x100x2xi32, #tpu.memory_space<hbm>> -> memref<1x128x100x2xi32, #tpu.memory_space<hbm>>
      %dma_start3A_84 = tpu.memref_squeeze %dma_start3A_83 : memref<1x128x100x2xi32, #tpu.memory_space<hbm>> -> memref<128x100x2xi32, #tpu.memory_space<hbm>>
      %dma_start3A_85 = arith.constant 0 : i32
      %dma_start3A_86 = arith.constant 0 : i32
      %dma_start3A_87 = arith.constant 0 : i32
      %dma_start3A_88 = tpu.memref_slice %arg3[%add3A, %dma_start3A_85, %dma_start3A_86, %dma_start3A_87] : memref<32x128x100x2xi32, #tpu.memory_space<hbm>> -> memref<1x128x100x2xi32, #tpu.memory_space<hbm>>
      %dma_start3A_89 = tpu.memref_squeeze %dma_start3A_88 : memref<1x128x100x2xi32, #tpu.memory_space<hbm>> -> memref<128x100x2xi32, #tpu.memory_space<hbm>>
      tpu.enqueue_dma source(%dma_start3A_89 : memref<128x100x2xi32, #tpu.memory_space<hbm>>) target(%arg6 : memref<128x100x2xi32, #tpu.memory_space<vmem>>) target_semaphore(%run_scoped3A : memref<!tpu.dma_semaphore, #tpu.memory_space<semaphore_mem>>)
      %dma_wait3A = arith.constant 0 : i32
      %dma_wait3A_90 = arith.constant 0 : i32
      %dma_wait3A_91 = arith.constant 0 : i32
      %dma_wait3A_92 = tpu.memref_slice %arg3[%add3A, %dma_wait3A, %dma_wait3A_90, %dma_wait3A_91] : memref<32x128x100x2xi32, #tpu.memory_space<hbm>> -> memref<1x128x100x2xi32, #tpu.memory_space<hbm>>
      %dma_wait3A_93 = tpu.memref_squeeze %dma_wait3A_92 : memref<1x128x100x2xi32, #tpu.memory_space<hbm>> -> memref<128x100x2xi32, #tpu.memory_space<hbm>>
      %dma_wait3A_94 = arith.constant 0 : i32
      %dma_wait3A_95 = arith.constant 0 : i32
      %dma_wait3A_96 = arith.constant 0 : i32
      %dma_wait3A_97 = tpu.memref_slice %arg3[%add3A, %dma_wait3A_94, %dma_wait3A_95, %dma_wait3A_96] : memref<32x128x100x2xi32, #tpu.memory_space<hbm>> -> memref<1x128x100x2xi32, #tpu.memory_space<hbm>>
      %dma_wait3A_98 = tpu.memref_squeeze %dma_wait3A_97 : memref<1x128x100x2xi32, #tpu.memory_space<hbm>> -> memref<128x100x2xi32, #tpu.memory_space<hbm>>
      tpu.wait_dma2 semaphore(%run_scoped3A : memref<!tpu.dma_semaphore, #tpu.memory_space<semaphore_mem>>) src(%dma_wait3A_98 : memref<128x100x2xi32, #tpu.memory_space<hbm>>) dst(%arg6 : memref<128x100x2xi32, #tpu.memory_space<vmem>>)
      tpu.yield
    }) : () -> ()
    "tpu.region"() ({
      %run_scoped3A = tpu.sem_alloc : memref<!tpu.dma_semaphore, #tpu.memory_space<semaphore_mem>>
      %dma_start3A = arith.constant 0 : i32
      %dma_start3A_81 = tpu.memref_slice %arg4[%add3A, %dma_start3A] : memref<32x128xi32, #tpu.memory_space<hbm>> -> memref<1x128xi32, #tpu.memory_space<hbm>>
      %dma_start3A_82 = tpu.memref_squeeze %dma_start3A_81 : memref<1x128xi32, #tpu.memory_space<hbm>> -> memref<128xi32, #tpu.memory_space<hbm>>
      %dma_start3A_83 = arith.constant 0 : i32
      %dma_start3A_84 = tpu.memref_slice %arg4[%add3A, %dma_start3A_83] : memref<32x128xi32, #tpu.memory_space<hbm>> -> memref<1x128xi32, #tpu.memory_space<hbm>>
      %dma_start3A_85 = tpu.memref_squeeze %dma_start3A_84 : memref<1x128xi32, #tpu.memory_space<hbm>> -> memref<128xi32, #tpu.memory_space<hbm>>
      tpu.enqueue_dma source(%dma_start3A_85 : memref<128xi32, #tpu.memory_space<hbm>>) target(%arg11 : memref<128xi32, #tpu.memory_space<vmem>>) target_semaphore(%run_scoped3A : memref<!tpu.dma_semaphore, #tpu.memory_space<semaphore_mem>>)
      %dma_wait3A = arith.constant 0 : i32
      %dma_wait3A_86 = tpu.memref_slice %arg4[%add3A, %dma_wait3A] : memref<32x128xi32, #tpu.memory_space<hbm>> -> memref<1x128xi32, #tpu.memory_space<hbm>>
      %dma_wait3A_87 = tpu.memref_squeeze %dma_wait3A_86 : memref<1x128xi32, #tpu.memory_space<hbm>> -> memref<128xi32, #tpu.memory_space<hbm>>
      %dma_wait3A_88 = arith.constant 0 : i32
      %dma_wait3A_89 = tpu.memref_slice %arg4[%add3A, %dma_wait3A_88] : memref<32x128xi32, #tpu.memory_space<hbm>> -> memref<1x128xi32, #tpu.memory_space<hbm>>
      %dma_wait3A_90 = tpu.memref_squeeze %dma_wait3A_89 : memref<1x128xi32, #tpu.memory_space<hbm>> -> memref<128xi32, #tpu.memory_space<hbm>>
      tpu.wait_dma2 semaphore(%run_scoped3A : memref<!tpu.dma_semaphore, #tpu.memory_space<semaphore_mem>>) src(%dma_wait3A_90 : memref<128xi32, #tpu.memory_space<hbm>>) dst(%arg11 : memref<128xi32, #tpu.memory_space<vmem>>)
      tpu.yield
    }) : () -> ()
    %broadcast_in_dim3A = arith.constant 0 : i32
    %broadcast_in_dim3A_1 = vector.broadcast %broadcast_in_dim3A : i32 to vector<16xi32>
    %swap3A = arith.constant 0 : index
    %swap3A_2 = tpu.vector_load %arg10[%swap3A] {strides = array<i32>} : memref<32xi32, #tpu.memory_space<vmem>>, vector<16xi32>,
    tpu.vector_store %arg10[%swap3A], %broadcast_in_dim3A_1 {strides = array<i32>} : memref<32xi32, #tpu.memory_space<vmem>>, vector<16xi32>,
    %broadcast_in_dim3A_3 = arith.constant 0 : i32
    %broadcast_in_dim3A_4 = vector.broadcast %broadcast_in_dim3A_3 : i32 to vector<16xi32>
    %swap3A_5 = arith.constant 16 : index
    %swap3A_6 = tpu.vector_load %arg10[%swap3A_5] {strides = array<i32>} : memref<32xi32, #tpu.memory_space<vmem>>, vector<16xi32>,
    tpu.vector_store %arg10[%swap3A_5], %broadcast_in_dim3A_4 {strides = array<i32>} : memref<32xi32, #tpu.memory_space<vmem>>, vector<16xi32>,
    "tpu.region"() ({
      %run_scoped3A = tpu.sem_alloc : memref<!tpu.dma_semaphore, #tpu.memory_space<semaphore_mem>>
      %dma_start3A = arith.constant 0 : i32
      %dma_start3A_81 = tpu.memref_slice %arg10[%dma_start3A] : memref<32xi32, #tpu.memory_space<vmem>> -> memref<2xi32, #tpu.memory_space<vmem>>
      %dma_start3A_82 = arith.constant 0 : i32
      %dma_start3A_83 = arith.constant 0 : i32
      %dma_start3A_84 = tpu.memref_slice %arg2[%dma_start3A_82, %dma_start3A_83] : memref<1000000x64xf32, #tpu.memory_space<hbm>> -> memref<1000000x64xf32, #tpu.memory_space<hbm>>
      tpu.enqueue_indirect_dma source(%dma_start3A_84 : memref<1000000x64xf32, #tpu.memory_space<hbm>>) target(%arg9 : memref<2x64xf32, #tpu.memory_space<vmem>>) offsets(%dma_start3A_81 : memref<2xi32, #tpu.memory_space<vmem>>) semaphore(%run_scoped3A : memref<!tpu.dma_semaphore, #tpu.memory_space<semaphore_mem>>)
      %dma_wait3A = arith.constant 0 : i32
      %dma_wait3A_85 = tpu.memref_slice %arg10[%dma_wait3A] : memref<32xi32, #tpu.memory_space<vmem>> -> memref<2xi32, #tpu.memory_space<vmem>>
      %dma_wait3A_86 = arith.constant 0 : i32
      %dma_wait3A_87 = arith.constant 0 : i32
      %dma_wait3A_88 = tpu.memref_slice %arg2[%dma_wait3A_86, %dma_wait3A_87] : memref<1000000x64xf32, #tpu.memory_space<hbm>> -> memref<1000000x64xf32, #tpu.memory_space<hbm>>
      tpu.wait_indirect_dma semaphore(%run_scoped3A : memref<!tpu.dma_semaphore, #tpu.memory_space<semaphore_mem>>) src(%dma_wait3A_88 : memref<1000000x64xf32, #tpu.memory_space<hbm>>) dst(%arg9 : memref<2x64xf32, #tpu.memory_space<vmem>>)
      tpu.yield
    }) : () -> ()
    %iota3A = tpu.iota {dimensions = array<i32: 0>} : vector<16xi32>
    %scan3A = arith.constant 0 : i32
    %scan3A_7 = arith.constant 8 : i32
    %scan3A_8 = arith.addi %scan3A, %scan3A_7 : i32
    %scan3A_9 = arith.constant 1 : i32
    scf.for %scan3A_81 = %scan3A to %scan3A_8 step %scan3A_9  : i32 {
      %mul3A_82 = arith.constant 16 : i32
      %mul3A_83 = arith.muli %scan3A_81, %mul3A_82 : i32
      %add3A_84 = arith.constant 0 : i32
      %add3A_85 = arith.addi %add3A_84, %mul3A_83 : i32
      %get3A_86 = arith.index_cast %add3A_85 : i32 to index
      %get3A_87 = tpu.vector_load %arg11[%get3A_86] {strides = array<i32>} : memref<128xi32, #tpu.memory_space<vmem>>, vector<16xi32>,
      %sub3A_88 = arith.constant 16 : i32
      %sub3A_89 = arith.subi %add3A_85, %sub3A_88 : i32
      %max3A = arith.constant 0 : i32
      %max3A_90 = arith.maxsi %sub3A_89, %max3A : i32
      %get3A_91 = arith.index_cast %max3A_90 : i32 to index
      %get3A_92 = tpu.vector_load %arg11[%get3A_91] {strides = array<i32>} : memref<128xi32, #tpu.memory_space<vmem>>, vector<16xi32>,
      %eq3A_93 = arith.constant 0 : i32
      %eq3A_94 = vector.broadcast %eq3A_93 : i32 to vector<16xi32>
      %eq3A_95 = arith.cmpi eq, %iota3A, %eq3A_94 : vector<16xi32>
      %jit3A_96 = arith.constant 0 : i32
      %broadcast_in_dim3A_97 = vector.broadcast %jit3A_96 : i32 to vector<16xi32>
      %select_n3A_98 = arith.select %eq3A_95, %get3A_87, %broadcast_in_dim3A_97 : vector<16xi1>, vector<16xi32>
      %reduce_max3A_99 = arith.constant true
      %reduce_max3A_100 = vector.broadcast %reduce_max3A_99 : i1 to vector<16xi1>
      %reduce_max3A_101 = arith.constant -2147483648 : i32
      %reduce_max3A_102 = vector.broadcast %reduce_max3A_101 : i32 to vector<16xi32>
      %reduce_max3A_103 = arith.xori %select_n3A_98, %reduce_max3A_102 : vector<16xi32>
      %reduce_max3A_104 = tpu.scan <max>, %reduce_max3A_103 masked %reduce_max3A_100 : vector<16xi32>, vector<16xi1> -> vector<16xi32>
      %reduce_max3A_105 = arith.xori %reduce_max3A_104, %reduce_max3A_102 : vector<16xi32>
      %reduce_max3A_106 = vector.extract %reduce_max3A_105[15] : i32 from vector<16xi32>
      %add3A_107 = arith.constant 1 : i32
      %add3A_108 = arith.addi %reduce_max3A_106, %add3A_107 : i32
      %jit3A_109 = arith.constant 2 : i32
      %div3A_110 = arith.divsi %add3A_108, %jit3A_109 : i32
      %sign3A_111 = arith.constant 0 : i32
      %sign3A_112 = arith.cmpi sgt, %add3A_108, %sign3A_111 : i32
      %sign3A_113 = arith.extui %sign3A_112 : i1 to i32
      %sign3A_114 = arith.constant 0 : i32
      %sign3A_115 = arith.cmpi slt, %add3A_108, %sign3A_114 : i32
      %sign3A_116 = arith.extui %sign3A_115 : i1 to i32
      %sign3A_117 = arith.subi %sign3A_113, %sign3A_116 : i32
      %sign3A_118 = arith.constant 0 : i32
      %sign3A_119 = arith.cmpi sgt, %jit3A_109, %sign3A_118 : i32
      %sign3A_120 = arith.extui %sign3A_119 : i1 to i32
      %sign3A_121 = arith.constant 0 : i32
      %sign3A_122 = arith.cmpi slt, %jit3A_109, %sign3A_121 : i32
      %sign3A_123 = arith.extui %sign3A_122 : i1 to i32
      %sign3A_124 = arith.subi %sign3A_120, %sign3A_123 : i32
      %ne3A_125 = arith.cmpi ne, %sign3A_117, %sign3A_124 : i32
      %rem3A_126 = arith.remsi %add3A_108, %jit3A_109 : i32
      %ne3A_127 = arith.constant 0 : i32
      %ne3A_128 = arith.cmpi ne, %rem3A_126, %ne3A_127 : i32
      %and3A_129 = arith.andi %ne3A_125, %ne3A_128 : i1
      %sub3A_130 = arith.constant 1 : i32
      %sub3A_131 = arith.subi %div3A_110, %sub3A_130 : i32
      %select_n3A_132 = arith.select %and3A_129, %sub3A_131, %div3A_110 : i32
      %eq3A_133 = arith.constant 1 : i32
      %eq3A_134 = vector.broadcast %eq3A_133 : i32 to vector<16xi32>
      %eq3A_135 = arith.cmpi eq, %iota3A, %eq3A_134 : vector<16xi32>
      %jit3A_136 = arith.constant 0 : i32
      %broadcast_in_dim3A_137 = vector.broadcast %jit3A_136 : i32 to vector<16xi32>
      %select_n3A_138 = arith.select %eq3A_135, %get3A_87, %broadcast_in_dim3A_137 : vector<16xi1>, vector<16xi32>
      %reduce_max3A_139 = arith.constant true
      %reduce_max3A_140 = vector.broadcast %reduce_max3A_139 : i1 to vector<16xi1>
      %reduce_max3A_141 = arith.constant -2147483648 : i32
      %reduce_max3A_142 = vector.broadcast %reduce_max3A_141 : i32 to vector<16xi32>
      %reduce_max3A_143 = arith.xori %select_n3A_138, %reduce_max3A_142 : vector<16xi32>
      %reduce_max3A_144 = tpu.scan <max>, %reduce_max3A_143 masked %reduce_max3A_140 : vector<16xi32>, vector<16xi1> -> vector<16xi32>
      %reduce_max3A_145 = arith.xori %reduce_max3A_144, %reduce_max3A_142 : vector<16xi32>
      %reduce_max3A_146 = vector.extract %reduce_max3A_145[15] : i32 from vector<16xi32>
      %add3A_147 = arith.constant 1 : i32
      %add3A_148 = arith.addi %reduce_max3A_146, %add3A_147 : i32
      %jit3A_149 = arith.constant 2 : i32
      %div3A_150 = arith.divsi %add3A_148, %jit3A_149 : i32
      %sign3A_151 = arith.constant 0 : i32
      %sign3A_152 = arith.cmpi sgt, %add3A_148, %sign3A_151 : i32
      %sign3A_153 = arith.extui %sign3A_152 : i1 to i32
      %sign3A_154 = arith.constant 0 : i32
      %sign3A_155 = arith.cmpi slt, %add3A_148, %sign3A_154 : i32
      %sign3A_156 = arith.extui %sign3A_155 : i1 to i32
      %sign3A_157 = arith.subi %sign3A_153, %sign3A_156 : i32
      %sign3A_158 = arith.constant 0 : i32
      %sign3A_159 = arith.cmpi sgt, %jit3A_149, %sign3A_158 : i32
      %sign3A_160 = arith.extui %sign3A_159 : i1 to i32
      %sign3A_161 = arith.constant 0 : i32
      %sign3A_162 = arith.cmpi slt, %jit3A_149, %sign3A_161 : i32
      %sign3A_163 = arith.extui %sign3A_162 : i1 to i32
      %sign3A_164 = arith.subi %sign3A_160, %sign3A_163 : i32
      %ne3A_165 = arith.cmpi ne, %sign3A_157, %sign3A_164 : i32
      %rem3A_166 = arith.remsi %add3A_148, %jit3A_149 : i32
      %ne3A_167 = arith.constant 0 : i32
      %ne3A_168 = arith.cmpi ne, %rem3A_166, %ne3A_167 : i32
      %and3A_169 = arith.andi %ne3A_165, %ne3A_168 : i1
      %sub3A_170 = arith.constant 1 : i32
      %sub3A_171 = arith.subi %div3A_150, %sub3A_170 : i32
      %select_n3A_172 = arith.select %and3A_169, %sub3A_171, %div3A_150 : i32
      %eq3A_173 = arith.constant 2 : i32
      %eq3A_174 = vector.broadcast %eq3A_173 : i32 to vector<16xi32>
      %eq3A_175 = arith.cmpi eq, %iota3A, %eq3A_174 : vector<16xi32>
      %jit3A_176 = arith.constant 0 : i32
      %broadcast_in_dim3A_177 = vector.broadcast %jit3A_176 : i32 to vector<16xi32>
      %select_n3A_178 = arith.select %eq3A_175, %get3A_87, %broadcast_in_dim3A_177 : vector<16xi1>, vector<16xi32>
      %reduce_max3A_179 = arith.constant true
      %reduce_max3A_180 = vector.broadcast %reduce_max3A_179 : i1 to vector<16xi1>
      %reduce_max3A_181 = arith.constant -2147483648 : i32
      %reduce_max3A_182 = vector.broadcast %reduce_max3A_181 : i32 to vector<16xi32>
      %reduce_max3A_183 = arith.xori %select_n3A_178, %reduce_max3A_182 : vector<16xi32>
      %reduce_max3A_184 = tpu.scan <max>, %reduce_max3A_183 masked %reduce_max3A_180 : vector<16xi32>, vector<16xi1> -> vector<16xi32>
      %reduce_max3A_185 = arith.xori %reduce_max3A_184, %reduce_max3A_182 : vector<16xi32>
      %reduce_max3A_186 = vector.extract %reduce_max3A_185[15] : i32 from vector<16xi32>
      %add3A_187 = arith.constant 1 : i32
      %add3A_188 = arith.addi %reduce_max3A_186, %add3A_187 : i32
      %jit3A_189 = arith.constant 2 : i32
      %div3A_190 = arith.divsi %add3A_188, %jit3A_189 : i32
      %sign3A_191 = arith.constant 0 : i32
      %sign3A_192 = arith.cmpi sgt, %add3A_188, %sign3A_191 : i32
      %sign3A_193 = arith.extui %sign3A_192 : i1 to i32
      %sign3A_194 = arith.constant 0 : i32
      %sign3A_195 = arith.cmpi slt, %add3A_188, %sign3A_194 : i32
      %sign3A_196 = arith.extui %sign3A_195 : i1 to i32
      %sign3A_197 = arith.subi %sign3A_193, %sign3A_196 : i32
      %sign3A_198 = arith.constant 0 : i32
      %sign3A_199 = arith.cmpi sgt, %jit3A_189, %sign3A_198 : i32
      %sign3A_200 = arith.extui %sign3A_199 : i1 to i32
      %sign3A_201 = arith.constant 0 : i32
      %sign3A_202 = arith.cmpi slt, %jit3A_189, %sign3A_201 : i32
      %sign3A_203 = arith.extui %sign3A_202 : i1 to i32
      %sign3A_204 = arith.subi %sign3A_200, %sign3A_203 : i32
      %ne3A_205 = arith.cmpi ne, %sign3A_197, %sign3A_204 : i32
      %rem3A_206 = arith.remsi %add3A_188, %jit3A_189 : i32
      %ne3A_207 = arith.constant 0 : i32
      %ne3A_208 = arith.cmpi ne, %rem3A_206, %ne3A_207 : i32
      %and3A_209 = arith.andi %ne3A_205, %ne3A_208 : i1
      %sub3A_210 = arith.constant 1 : i32
      %sub3A_211 = arith.subi %div3A_190, %sub3A_210 : i32
      %select_n3A_212 = arith.select %and3A_209, %sub3A_211, %div3A_190 : i32
      %eq3A_213 = arith.constant 3 : i32
      %eq3A_214 = vector.broadcast %eq3A_213 : i32 to vector<16xi32>
      %eq3A_215 = arith.cmpi eq, %iota3A, %eq3A_214 : vector<16xi32>
      %jit3A_216 = arith.constant 0 : i32
      %broadcast_in_dim3A_217 = vector.broadcast %jit3A_216 : i32 to vector<16xi32>
      %select_n3A_218 = arith.select %eq3A_215, %get3A_87, %broadcast_in_dim3A_217 : vector<16xi1>, vector<16xi32>
      %reduce_max3A_219 = arith.constant true
      %reduce_max3A_220 = vector.broadcast %reduce_max3A_219 : i1 to vector<16xi1>
      %reduce_max3A_221 = arith.constant -2147483648 : i32
      %reduce_max3A_222 = vector.broadcast %reduce_max3A_221 : i32 to vector<16xi32>
      %reduce_max3A_223 = arith.xori %select_n3A_218, %reduce_max3A_222 : vector<16xi32>
      %reduce_max3A_224 = tpu.scan <max>, %reduce_max3A_223 masked %reduce_max3A_220 : vector<16xi32>, vector<16xi1> -> vector<16xi32>
      %reduce_max3A_225 = arith.xori %reduce_max3A_224, %reduce_max3A_222 : vector<16xi32>
      %reduce_max3A_226 = vector.extract %reduce_max3A_225[15] : i32 from vector<16xi32>
      %add3A_227 = arith.constant 1 : i32
      %add3A_228 = arith.addi %reduce_max3A_226, %add3A_227 : i32
      %jit3A_229 = arith.constant 2 : i32
      %div3A_230 = arith.divsi %add3A_228, %jit3A_229 : i32
      %sign3A_231 = arith.constant 0 : i32
      %sign3A_232 = arith.cmpi sgt, %add3A_228, %sign3A_231 : i32
      %sign3A_233 = arith.extui %sign3A_232 : i1 to i32
      %sign3A_234 = arith.constant 0 : i32
      %sign3A_235 = arith.cmpi slt, %add3A_228, %sign3A_234 : i32
      %sign3A_236 = arith.extui %sign3A_235 : i1 to i32
      %sign3A_237 = arith.subi %sign3A_233, %sign3A_236 : i32
      %sign3A_238 = arith.constant 0 : i32
      %sign3A_239 = arith.cmpi sgt, %jit3A_229, %sign3A_238 : i32
      %sign3A_240 = arith.extui %sign3A_239 : i1 to i32
      %sign3A_241 = arith.constant 0 : i32
      %sign3A_242 = arith.cmpi slt, %jit3A_229, %sign3A_241 : i32
      %sign3A_243 = arith.extui %sign3A_242 : i1 to i32
      %sign3A_244 = arith.subi %sign3A_240, %sign3A_243 : i32
      %ne3A_245 = arith.cmpi ne, %sign3A_237, %sign3A_244 : i32
      %rem3A_246 = arith.remsi %add3A_228, %jit3A_229 : i32
      %ne3A_247 = arith.constant 0 : i32
      %ne3A_248 = arith.cmpi ne, %rem3A_246, %ne3A_247 : i32
      %and3A_249 = arith.andi %ne3A_245, %ne3A_248 : i1
      %sub3A_250 = arith.constant 1 : i32
      %sub3A_251 = arith.subi %div3A_230, %sub3A_250 : i32
      %select_n3A_252 = arith.select %and3A_249, %sub3A_251, %div3A_230 : i32
      %eq3A_253 = arith.constant 4 : i32
      %eq3A_254 = vector.broadcast %eq3A_253 : i32 to vector<16xi32>
      %eq3A_255 = arith.cmpi eq, %iota3A, %eq3A_254 : vector<16xi32>
      %jit3A_256 = arith.constant 0 : i32
      %broadcast_in_dim3A_257 = vector.broadcast %jit3A_256 : i32 to vector<16xi32>
      %select_n3A_258 = arith.select %eq3A_255, %get3A_87, %broadcast_in_dim3A_257 : vector<16xi1>, vector<16xi32>
      %reduce_max3A_259 = arith.constant true
      %reduce_max3A_260 = vector.broadcast %reduce_max3A_259 : i1 to vector<16xi1>
      %reduce_max3A_261 = arith.constant -2147483648 : i32
      %reduce_max3A_262 = vector.broadcast %reduce_max3A_261 : i32 to vector<16xi32>
      %reduce_max3A_263 = arith.xori %select_n3A_258, %reduce_max3A_262 : vector<16xi32>
      %reduce_max3A_264 = tpu.scan <max>, %reduce_max3A_263 masked %reduce_max3A_260 : vector<16xi32>, vector<16xi1> -> vector<16xi32>
      %reduce_max3A_265 = arith.xori %reduce_max3A_264, %reduce_max3A_262 : vector<16xi32>
      %reduce_max3A_266 = vector.extract %reduce_max3A_265[15] : i32 from vector<16xi32>
      %add3A_267 = arith.constant 1 : i32
      %add3A_268 = arith.addi %reduce_max3A_266, %add3A_267 : i32
      %jit3A_269 = arith.constant 2 : i32
      %div3A_270 = arith.divsi %add3A_268, %jit3A_269 : i32
      %sign3A_271 = arith.constant 0 : i32
      %sign3A_272 = arith.cmpi sgt, %add3A_268, %sign3A_271 : i32
      %sign3A_273 = arith.extui %sign3A_272 : i1 to i32
      %sign3A_274 = arith.constant 0 : i32
      %sign3A_275 = arith.cmpi slt, %add3A_268, %sign3A_274 : i32
      %sign3A_276 = arith.extui %sign3A_275 : i1 to i32
      %sign3A_277 = arith.subi %sign3A_273, %sign3A_276 : i32
      %sign3A_278 = arith.constant 0 : i32
      %sign3A_279 = arith.cmpi sgt, %jit3A_269, %sign3A_278 : i32
      %sign3A_280 = arith.extui %sign3A_279 : i1 to i32
      %sign3A_281 = arith.constant 0 : i32
      %sign3A_282 = arith.cmpi slt, %jit3A_269, %sign3A_281 : i32
      %sign3A_283 = arith.extui %sign3A_282 : i1 to i32
      %sign3A_284 = arith.subi %sign3A_280, %sign3A_283 : i32
      %ne3A_285 = arith.cmpi ne, %sign3A_277, %sign3A_284 : i32
      %rem3A_286 = arith.remsi %add3A_268, %jit3A_269 : i32
      %ne3A_287 = arith.constant 0 : i32
      %ne3A_288 = arith.cmpi ne, %rem3A_286, %ne3A_287 : i32
      %and3A_289 = arith.andi %ne3A_285, %ne3A_288 : i1
      %sub3A_290 = arith.constant 1 : i32
      %sub3A_291 = arith.subi %div3A_270, %sub3A_290 : i32
      %select_n3A_292 = arith.select %and3A_289, %sub3A_291, %div3A_270 : i32
      %eq3A_293 = arith.constant 5 : i32
      %eq3A_294 = vector.broadcast %eq3A_293 : i32 to vector<16xi32>
      %eq3A_295 = arith.cmpi eq, %iota3A, %eq3A_294 : vector<16xi32>
      %jit3A_296 = arith.constant 0 : i32
      %broadcast_in_dim3A_297 = vector.broadcast %jit3A_296 : i32 to vector<16xi32>
      %select_n3A_298 = arith.select %eq3A_295, %get3A_87, %broadcast_in_dim3A_297 : vector<16xi1>, vector<16xi32>
      %reduce_max3A_299 = arith.constant true
      %reduce_max3A_300 = vector.broadcast %reduce_max3A_299 : i1 to vector<16xi1>
      %reduce_max3A_301 = arith.constant -2147483648 : i32
      %reduce_max3A_302 = vector.broadcast %reduce_max3A_301 : i32 to vector<16xi32>
      %reduce_max3A_303 = arith.xori %select_n3A_298, %reduce_max3A_302 : vector<16xi32>
      %reduce_max3A_304 = tpu.scan <max>, %reduce_max3A_303 masked %reduce_max3A_300 : vector<16xi32>, vector<16xi1> -> vector<16xi32>
      %reduce_max3A_305 = arith.xori %reduce_max3A_304, %reduce_max3A_302 : vector<16xi32>
      %reduce_max3A_306 = vector.extract %reduce_max3A_305[15] : i32 from vector<16xi32>
      %add3A_307 = arith.constant 1 : i32
      %add3A_308 = arith.addi %reduce_max3A_306, %add3A_307 : i32
      %jit3A_309 = arith.constant 2 : i32
      %div3A_310 = arith.divsi %add3A_308, %jit3A_309 : i32
      %sign3A_311 = arith.constant 0 : i32
      %sign3A_312 = arith.cmpi sgt, %add3A_308, %sign3A_311 : i32
      %sign3A_313 = arith.extui %sign3A_312 : i1 to i32
      %sign3A_314 = arith.constant 0 : i32
      %sign3A_315 = arith.cmpi slt, %add3A_308, %sign3A_314 : i32
      %sign3A_316 = arith.extui %sign3A_315 : i1 to i32
      %sign3A_317 = arith.subi %sign3A_313, %sign3A_316 : i32
      %sign3A_318 = arith.constant 0 : i32
      %sign3A_319 = arith.cmpi sgt, %jit3A_309, %sign3A_318 : i32
      %sign3A_320 = arith.extui %sign3A_319 : i1 to i32
      %sign3A_321 = arith.constant 0 : i32
      %sign3A_322 = arith.cmpi slt, %jit3A_309, %sign3A_321 : i32
      %sign3A_323 = arith.extui %sign3A_322 : i1 to i32
      %sign3A_324 = arith.subi %sign3A_320, %sign3A_323 : i32
      %ne3A_325 = arith.cmpi ne, %sign3A_317, %sign3A_324 : i32
      %rem3A_326 = arith.remsi %add3A_308, %jit3A_309 : i32
      %ne3A_327 = arith.constant 0 : i32
      %ne3A_328 = arith.cmpi ne, %rem3A_326, %ne3A_327 : i32
      %and3A_329 = arith.andi %ne3A_325, %ne3A_328 : i1
      %sub3A_330 = arith.constant 1 : i32
      %sub3A_331 = arith.subi %div3A_310, %sub3A_330 : i32
      %select_n3A_332 = arith.select %and3A_329, %sub3A_331, %div3A_310 : i32
      %eq3A_333 = arith.constant 6 : i32
      %eq3A_334 = vector.broadcast %eq3A_333 : i32 to vector<16xi32>
      %eq3A_335 = arith.cmpi eq, %iota3A, %eq3A_334 : vector<16xi32>
      %jit3A_336 = arith.constant 0 : i32
      %broadcast_in_dim3A_337 = vector.broadcast %jit3A_336 : i32 to vector<16xi32>
      %select_n3A_338 = arith.select %eq3A_335, %get3A_87, %broadcast_in_dim3A_337 : vector<16xi1>, vector<16xi32>
      %reduce_max3A_339 = arith.constant true
      %reduce_max3A_340 = vector.broadcast %reduce_max3A_339 : i1 to vector<16xi1>
      %reduce_max3A_341 = arith.constant -2147483648 : i32
      %reduce_max3A_342 = vector.broadcast %reduce_max3A_341 : i32 to vector<16xi32>
      %reduce_max3A_343 = arith.xori %select_n3A_338, %reduce_max3A_342 : vector<16xi32>
      %reduce_max3A_344 = tpu.scan <max>, %reduce_max3A_343 masked %reduce_max3A_340 : vector<16xi32>, vector<16xi1> -> vector<16xi32>
      %reduce_max3A_345 = arith.xori %reduce_max3A_344, %reduce_max3A_342 : vector<16xi32>
      %reduce_max3A_346 = vector.extract %reduce_max3A_345[15] : i32 from vector<16xi32>
      %add3A_347 = arith.constant 1 : i32
      %add3A_348 = arith.addi %reduce_max3A_346, %add3A_347 : i32
      %jit3A_349 = arith.constant 2 : i32
      %div3A_350 = arith.divsi %add3A_348, %jit3A_349 : i32
      %sign3A_351 = arith.constant 0 : i32
      %sign3A_352 = arith.cmpi sgt, %add3A_348, %sign3A_351 : i32
      %sign3A_353 = arith.extui %sign3A_352 : i1 to i32
      %sign3A_354 = arith.constant 0 : i32
      %sign3A_355 = arith.cmpi slt, %add3A_348, %sign3A_354 : i32
      %sign3A_356 = arith.extui %sign3A_355 : i1 to i32
      %sign3A_357 = arith.subi %sign3A_353, %sign3A_356 : i32
      %sign3A_358 = arith.constant 0 : i32
      %sign3A_359 = arith.cmpi sgt, %jit3A_349, %sign3A_358 : i32
      %sign3A_360 = arith.extui %sign3A_359 : i1 to i32
      %sign3A_361 = arith.constant 0 : i32
      %sign3A_362 = arith.cmpi slt, %jit3A_349, %sign3A_361 : i32
      %sign3A_363 = arith.extui %sign3A_362 : i1 to i32
      %sign3A_364 = arith.subi %sign3A_360, %sign3A_363 : i32
      %ne3A_365 = arith.cmpi ne, %sign3A_357, %sign3A_364 : i32
      %rem3A_366 = arith.remsi %add3A_348, %jit3A_349 : i32
      %ne3A_367 = arith.constant 0 : i32
      %ne3A_368 = arith.cmpi ne, %rem3A_366, %ne3A_367 : i32
      %and3A_369 = arith.andi %ne3A_365, %ne3A_368 : i1
      %sub3A_370 = arith.constant 1 : i32
      %sub3A_371 = arith.subi %div3A_350, %sub3A_370 : i32
      %select_n3A_372 = arith.select %and3A_369, %sub3A_371, %div3A_350 : i32
      %eq3A_373 = arith.constant 7 : i32
      %eq3A_374 = vector.broadcast %eq3A_373 : i32 to vector<16xi32>
      %eq3A_375 = arith.cmpi eq, %iota3A, %eq3A_374 : vector<16xi32>
      %jit3A_376 = arith.constant 0 : i32
      %broadcast_in_dim3A_377 = vector.broadcast %jit3A_376 : i32 to vector<16xi32>
      %select_n3A_378 = arith.select %eq3A_375, %get3A_87, %broadcast_in_dim3A_377 : vector<16xi1>, vector<16xi32>
      %reduce_max3A_379 = arith.constant true
      %reduce_max3A_380 = vector.broadcast %reduce_max3A_379 : i1 to vector<16xi1>
      %reduce_max3A_381 = arith.constant -2147483648 : i32
      %reduce_max3A_382 = vector.broadcast %reduce_max3A_381 : i32 to vector<16xi32>
      %reduce_max3A_383 = arith.xori %select_n3A_378, %reduce_max3A_382 : vector<16xi32>
      %reduce_max3A_384 = tpu.scan <max>, %reduce_max3A_383 masked %reduce_max3A_380 : vector<16xi32>, vector<16xi1> -> vector<16xi32>
      %reduce_max3A_385 = arith.xori %reduce_max3A_384, %reduce_max3A_382 : vector<16xi32>
      %reduce_max3A_386 = vector.extract %reduce_max3A_385[15] : i32 from vector<16xi32>
      %add3A_387 = arith.constant 1 : i32
      %add3A_388 = arith.addi %reduce_max3A_386, %add3A_387 : i32
      %jit3A_389 = arith.constant 2 : i32
      %div3A_390 = arith.divsi %add3A_388, %jit3A_389 : i32
      %sign3A_391 = arith.constant 0 : i32
      %sign3A_392 = arith.cmpi sgt, %add3A_388, %sign3A_391 : i32
      %sign3A_393 = arith.extui %sign3A_392 : i1 to i32
      %sign3A_394 = arith.constant 0 : i32
      %sign3A_395 = arith.cmpi slt, %add3A_388, %sign3A_394 : i32
      %sign3A_396 = arith.extui %sign3A_395 : i1 to i32
      %sign3A_397 = arith.subi %sign3A_393, %sign3A_396 : i32
      %sign3A_398 = arith.constant 0 : i32
      %sign3A_399 = arith.cmpi sgt, %jit3A_389, %sign3A_398 : i32
      %sign3A_400 = arith.extui %sign3A_399 : i1 to i32
      %sign3A_401 = arith.constant 0 : i32
      %sign3A_402 = arith.cmpi slt, %jit3A_389, %sign3A_401 : i32
      %sign3A_403 = arith.extui %sign3A_402 : i1 to i32
      %sign3A_404 = arith.subi %sign3A_400, %sign3A_403 : i32
      %ne3A_405 = arith.cmpi ne, %sign3A_397, %sign3A_404 : i32
      %rem3A_406 = arith.remsi %add3A_388, %jit3A_389 : i32
      %ne3A_407 = arith.constant 0 : i32
      %ne3A_408 = arith.cmpi ne, %rem3A_406, %ne3A_407 : i32
      %and3A_409 = arith.andi %ne3A_405, %ne3A_408 : i1
      %sub3A_410 = arith.constant 1 : i32
      %sub3A_411 = arith.subi %div3A_390, %sub3A_410 : i32
      %select_n3A_412 = arith.select %and3A_409, %sub3A_411, %div3A_390 : i32
      %eq3A_413 = arith.constant 8 : i32
      %eq3A_414 = vector.broadcast %eq3A_413 : i32 to vector<16xi32>
      %eq3A_415 = arith.cmpi eq, %iota3A, %eq3A_414 : vector<16xi32>
      %jit3A_416 = arith.constant 0 : i32
      %broadcast_in_dim3A_417 = vector.broadcast %jit3A_416 : i32 to vector<16xi32>
      %select_n3A_418 = arith.select %eq3A_415, %get3A_87, %broadcast_in_dim3A_417 : vector<16xi1>, vector<16xi32>
      %reduce_max3A_419 = arith.constant true
      %reduce_max3A_420 = vector.broadcast %reduce_max3A_419 : i1 to vector<16xi1>
      %reduce_max3A_421 = arith.constant -2147483648 : i32
      %reduce_max3A_422 = vector.broadcast %reduce_max3A_421 : i32 to vector<16xi32>
      %reduce_max3A_423 = arith.xori %select_n3A_418, %reduce_max3A_422 : vector<16xi32>
      %reduce_max3A_424 = tpu.scan <max>, %reduce_max3A_423 masked %reduce_max3A_420 : vector<16xi32>, vector<16xi1> -> vector<16xi32>
      %reduce_max3A_425 = arith.xori %reduce_max3A_424, %reduce_max3A_422 : vector<16xi32>
      %reduce_max3A_426 = vector.extract %reduce_max3A_425[15] : i32 from vector<16xi32>
      %add3A_427 = arith.constant 1 : i32
      %add3A_428 = arith.addi %reduce_max3A_426, %add3A_427 : i32
      %jit3A_429 = arith.constant 2 : i32
      %div3A_430 = arith.divsi %add3A_428, %jit3A_429 : i32
      %sign3A_431 = arith.constant 0 : i32
      %sign3A_432 = arith.cmpi sgt, %add3A_428, %sign3A_431 : i32
      %sign3A_433 = arith.extui %sign3A_432 : i1 to i32
      %sign3A_434 = arith.constant 0 : i32
      %sign3A_435 = arith.cmpi slt, %add3A_428, %sign3A_434 : i32
      %sign3A_436 = arith.extui %sign3A_435 : i1 to i32
      %sign3A_437 = arith.subi %sign3A_433, %sign3A_436 : i32
      %sign3A_438 = arith.constant 0 : i32
      %sign3A_439 = arith.cmpi sgt, %jit3A_429, %sign3A_438 : i32
      %sign3A_440 = arith.extui %sign3A_439 : i1 to i32
      %sign3A_441 = arith.constant 0 : i32
      %sign3A_442 = arith.cmpi slt, %jit3A_429, %sign3A_441 : i32
      %sign3A_443 = arith.extui %sign3A_442 : i1 to i32
      %sign3A_444 = arith.subi %sign3A_440, %sign3A_443 : i32
      %ne3A_445 = arith.cmpi ne, %sign3A_437, %sign3A_444 : i32
      %rem3A_446 = arith.remsi %add3A_428, %jit3A_429 : i32
      %ne3A_447 = arith.constant 0 : i32
      %ne3A_448 = arith.cmpi ne, %rem3A_446, %ne3A_447 : i32
      %and3A_449 = arith.andi %ne3A_445, %ne3A_448 : i1
      %sub3A_450 = arith.constant 1 : i32
      %sub3A_451 = arith.subi %div3A_430, %sub3A_450 : i32
      %select_n3A_452 = arith.select %and3A_449, %sub3A_451, %div3A_430 : i32
      %eq3A_453 = arith.constant 9 : i32
      %eq3A_454 = vector.broadcast %eq3A_453 : i32 to vector<16xi32>
      %eq3A_455 = arith.cmpi eq, %iota3A, %eq3A_454 : vector<16xi32>
      %jit3A_456 = arith.constant 0 : i32
      %broadcast_in_dim3A_457 = vector.broadcast %jit3A_456 : i32 to vector<16xi32>
      %select_n3A_458 = arith.select %eq3A_455, %get3A_87, %broadcast_in_dim3A_457 : vector<16xi1>, vector<16xi32>
      %reduce_max3A_459 = arith.constant true
      %reduce_max3A_460 = vector.broadcast %reduce_max3A_459 : i1 to vector<16xi1>
      %reduce_max3A_461 = arith.constant -2147483648 : i32
      %reduce_max3A_462 = vector.broadcast %reduce_max3A_461 : i32 to vector<16xi32>
      %reduce_max3A_463 = arith.xori %select_n3A_458, %reduce_max3A_462 : vector<16xi32>
      %reduce_max3A_464 = tpu.scan <max>, %reduce_max3A_463 masked %reduce_max3A_460 : vector<16xi32>, vector<16xi1> -> vector<16xi32>
      %reduce_max3A_465 = arith.xori %reduce_max3A_464, %reduce_max3A_462 : vector<16xi32>
      %reduce_max3A_466 = vector.extract %reduce_max3A_465[15] : i32 from vector<16xi32>
      %add3A_467 = arith.constant 1 : i32
      %add3A_468 = arith.addi %reduce_max3A_466, %add3A_467 : i32
      %jit3A_469 = arith.constant 2 : i32
      %div3A_470 = arith.divsi %add3A_468, %jit3A_469 : i32
      %sign3A_471 = arith.constant 0 : i32
      %sign3A_472 = arith.cmpi sgt, %add3A_468, %sign3A_471 : i32
      %sign3A_473 = arith.extui %sign3A_472 : i1 to i32
      %sign3A_474 = arith.constant 0 : i32
      %sign3A_475 = arith.cmpi slt, %add3A_468, %sign3A_474 : i32
      %sign3A_476 = arith.extui %sign3A_475 : i1 to i32
      %sign3A_477 = arith.subi %sign3A_473, %sign3A_476 : i32
      %sign3A_478 = arith.constant 0 : i32
      %sign3A_479 = arith.cmpi sgt, %jit3A_469, %sign3A_478 : i32
      %sign3A_480 = arith.extui %sign3A_479 : i1 to i32
      %sign3A_481 = arith.constant 0 : i32
      %sign3A_482 = arith.cmpi slt, %jit3A_469, %sign3A_481 : i32
      %sign3A_483 = arith.extui %sign3A_482 : i1 to i32
      %sign3A_484 = arith.subi %sign3A_480, %sign3A_483 : i32
      %ne3A_485 = arith.cmpi ne, %sign3A_477, %sign3A_484 : i32
      %rem3A_486 = arith.remsi %add3A_468, %jit3A_469 : i32
      %ne3A_487 = arith.constant 0 : i32
      %ne3A_488 = arith.cmpi ne, %rem3A_486, %ne3A_487 : i32
      %and3A_489 = arith.andi %ne3A_485, %ne3A_488 : i1
      %sub3A_490 = arith.constant 1 : i32
      %sub3A_491 = arith.subi %div3A_470, %sub3A_490 : i32
      %select_n3A_492 = arith.select %and3A_489, %sub3A_491, %div3A_470 : i32
      %eq3A_493 = arith.constant 10 : i32
      %eq3A_494 = vector.broadcast %eq3A_493 : i32 to vector<16xi32>
      %eq3A_495 = arith.cmpi eq, %iota3A, %eq3A_494 : vector<16xi32>
      %jit3A_496 = arith.constant 0 : i32
      %broadcast_in_dim3A_497 = vector.broadcast %jit3A_496 : i32 to vector<16xi32>
      %select_n3A_498 = arith.select %eq3A_495, %get3A_87, %broadcast_in_dim3A_497 : vector<16xi1>, vector<16xi32>
      %reduce_max3A_499 = arith.constant true
      %reduce_max3A_500 = vector.broadcast %reduce_max3A_499 : i1 to vector<16xi1>
      %reduce_max3A_501 = arith.constant -2147483648 : i32
      %reduce_max3A_502 = vector.broadcast %reduce_max3A_501 : i32 to vector<16xi32>
      %reduce_max3A_503 = arith.xori %select_n3A_498, %reduce_max3A_502 : vector<16xi32>
      %reduce_max3A_504 = tpu.scan <max>, %reduce_max3A_503 masked %reduce_max3A_500 : vector<16xi32>, vector<16xi1> -> vector<16xi32>
      %reduce_max3A_505 = arith.xori %reduce_max3A_504, %reduce_max3A_502 : vector<16xi32>
      %reduce_max3A_506 = vector.extract %reduce_max3A_505[15] : i32 from vector<16xi32>
      %add3A_507 = arith.constant 1 : i32
      %add3A_508 = arith.addi %reduce_max3A_506, %add3A_507 : i32
      %jit3A_509 = arith.constant 2 : i32
      %div3A_510 = arith.divsi %add3A_508, %jit3A_509 : i32
      %sign3A_511 = arith.constant 0 : i32
      %sign3A_512 = arith.cmpi sgt, %add3A_508, %sign3A_511 : i32
      %sign3A_513 = arith.extui %sign3A_512 : i1 to i32
      %sign3A_514 = arith.constant 0 : i32
      %sign3A_515 = arith.cmpi slt, %add3A_508, %sign3A_514 : i32
      %sign3A_516 = arith.extui %sign3A_515 : i1 to i32
      %sign3A_517 = arith.subi %sign3A_513, %sign3A_516 : i32
      %sign3A_518 = arith.constant 0 : i32
      %sign3A_519 = arith.cmpi sgt, %jit3A_509, %sign3A_518 : i32
      %sign3A_520 = arith.extui %sign3A_519 : i1 to i32
      %sign3A_521 = arith.constant 0 : i32
      %sign3A_522 = arith.cmpi slt, %jit3A_509, %sign3A_521 : i32
      %sign3A_523 = arith.extui %sign3A_522 : i1 to i32
      %sign3A_524 = arith.subi %sign3A_520, %sign3A_523 : i32
      %ne3A_525 = arith.cmpi ne, %sign3A_517, %sign3A_524 : i32
      %rem3A_526 = arith.remsi %add3A_508, %jit3A_509 : i32
      %ne3A_527 = arith.constant 0 : i32
      %ne3A_528 = arith.cmpi ne, %rem3A_526, %ne3A_527 : i32
      %and3A_529 = arith.andi %ne3A_525, %ne3A_528 : i1
      %sub3A_530 = arith.constant 1 : i32
      %sub3A_531 = arith.subi %div3A_510, %sub3A_530 : i32
      %select_n3A_532 = arith.select %and3A_529, %sub3A_531, %div3A_510 : i32
      %eq3A_533 = arith.constant 11 : i32
      %eq3A_534 = vector.broadcast %eq3A_533 : i32 to vector<16xi32>
      %eq3A_535 = arith.cmpi eq, %iota3A, %eq3A_534 : vector<16xi32>
      %jit3A_536 = arith.constant 0 : i32
      %broadcast_in_dim3A_537 = vector.broadcast %jit3A_536 : i32 to vector<16xi32>
      %select_n3A_538 = arith.select %eq3A_535, %get3A_87, %broadcast_in_dim3A_537 : vector<16xi1>, vector<16xi32>
      %reduce_max3A_539 = arith.constant true
      %reduce_max3A_540 = vector.broadcast %reduce_max3A_539 : i1 to vector<16xi1>
      %reduce_max3A_541 = arith.constant -2147483648 : i32
      %reduce_max3A_542 = vector.broadcast %reduce_max3A_541 : i32 to vector<16xi32>
      %reduce_max3A_543 = arith.xori %select_n3A_538, %reduce_max3A_542 : vector<16xi32>
      %reduce_max3A_544 = tpu.scan <max>, %reduce_max3A_543 masked %reduce_max3A_540 : vector<16xi32>, vector<16xi1> -> vector<16xi32>
      %reduce_max3A_545 = arith.xori %reduce_max3A_544, %reduce_max3A_542 : vector<16xi32>
      %reduce_max3A_546 = vector.extract %reduce_max3A_545[15] : i32 from vector<16xi32>
      %add3A_547 = arith.constant 1 : i32
      %add3A_548 = arith.addi %reduce_max3A_546, %add3A_547 : i32
      %jit3A_549 = arith.constant 2 : i32
      %div3A_550 = arith.divsi %add3A_548, %jit3A_549 : i32
      %sign3A_551 = arith.constant 0 : i32
      %sign3A_552 = arith.cmpi sgt, %add3A_548, %sign3A_551 : i32
      %sign3A_553 = arith.extui %sign3A_552 : i1 to i32
      %sign3A_554 = arith.constant 0 : i32
      %sign3A_555 = arith.cmpi slt, %add3A_548, %sign3A_554 : i32
      %sign3A_556 = arith.extui %sign3A_555 : i1 to i32
      %sign3A_557 = arith.subi %sign3A_553, %sign3A_556 : i32
      %sign3A_558 = arith.constant 0 : i32
      %sign3A_559 = arith.cmpi sgt, %jit3A_549, %sign3A_558 : i32
      %sign3A_560 = arith.extui %sign3A_559 : i1 to i32
      %sign3A_561 = arith.constant 0 : i32
      %sign3A_562 = arith.cmpi slt, %jit3A_549, %sign3A_561 : i32
      %sign3A_563 = arith.extui %sign3A_562 : i1 to i32
      %sign3A_564 = arith.subi %sign3A_560, %sign3A_563 : i32
      %ne3A_565 = arith.cmpi ne, %sign3A_557, %sign3A_564 : i32
      %rem3A_566 = arith.remsi %add3A_548, %jit3A_549 : i32
      %ne3A_567 = arith.constant 0 : i32
      %ne3A_568 = arith.cmpi ne, %rem3A_566, %ne3A_567 : i32
      %and3A_569 = arith.andi %ne3A_565, %ne3A_568 : i1
      %sub3A_570 = arith.constant 1 : i32
      %sub3A_571 = arith.subi %div3A_550, %sub3A_570 : i32
      %select_n3A_572 = arith.select %and3A_569, %sub3A_571, %div3A_550 : i32
      %eq3A_573 = arith.constant 12 : i32
      %eq3A_574 = vector.broadcast %eq3A_573 : i32 to vector<16xi32>
      %eq3A_575 = arith.cmpi eq, %iota3A, %eq3A_574 : vector<16xi32>
      %jit3A_576 = arith.constant 0 : i32
      %broadcast_in_dim3A_577 = vector.broadcast %jit3A_576 : i32 to vector<16xi32>
      %select_n3A_578 = arith.select %eq3A_575, %get3A_87, %broadcast_in_dim3A_577 : vector<16xi1>, vector<16xi32>
      %reduce_max3A_579 = arith.constant true
      %reduce_max3A_580 = vector.broadcast %reduce_max3A_579 : i1 to vector<16xi1>
      %reduce_max3A_581 = arith.constant -2147483648 : i32
      %reduce_max3A_582 = vector.broadcast %reduce_max3A_581 : i32 to vector<16xi32>
      %reduce_max3A_583 = arith.xori %select_n3A_578, %reduce_max3A_582 : vector<16xi32>
      %reduce_max3A_584 = tpu.scan <max>, %reduce_max3A_583 masked %reduce_max3A_580 : vector<16xi32>, vector<16xi1> -> vector<16xi32>
      %reduce_max3A_585 = arith.xori %reduce_max3A_584, %reduce_max3A_582 : vector<16xi32>
      %reduce_max3A_586 = vector.extract %reduce_max3A_585[15] : i32 from vector<16xi32>
      %add3A_587 = arith.constant 1 : i32
      %add3A_588 = arith.addi %reduce_max3A_586, %add3A_587 : i32
      %jit3A_589 = arith.constant 2 : i32
      %div3A_590 = arith.divsi %add3A_588, %jit3A_589 : i32
      %sign3A_591 = arith.constant 0 : i32
      %sign3A_592 = arith.cmpi sgt, %add3A_588, %sign3A_591 : i32
      %sign3A_593 = arith.extui %sign3A_592 : i1 to i32
      %sign3A_594 = arith.constant 0 : i32
      %sign3A_595 = arith.cmpi slt, %add3A_588, %sign3A_594 : i32
      %sign3A_596 = arith.extui %sign3A_595 : i1 to i32
      %sign3A_597 = arith.subi %sign3A_593, %sign3A_596 : i32
      %sign3A_598 = arith.constant 0 : i32
      %sign3A_599 = arith.cmpi sgt, %jit3A_589, %sign3A_598 : i32
      %sign3A_600 = arith.extui %sign3A_599 : i1 to i32
      %sign3A_601 = arith.constant 0 : i32
      %sign3A_602 = arith.cmpi slt, %jit3A_589, %sign3A_601 : i32
      %sign3A_603 = arith.extui %sign3A_602 : i1 to i32
      %sign3A_604 = arith.subi %sign3A_600, %sign3A_603 : i32
      %ne3A_605 = arith.cmpi ne, %sign3A_597, %sign3A_604 : i32
      %rem3A_606 = arith.remsi %add3A_588, %jit3A_589 : i32
      %ne3A_607 = arith.constant 0 : i32
      %ne3A_608 = arith.cmpi ne, %rem3A_606, %ne3A_607 : i32
      %and3A_609 = arith.andi %ne3A_605, %ne3A_608 : i1
      %sub3A_610 = arith.constant 1 : i32
      %sub3A_611 = arith.subi %div3A_590, %sub3A_610 : i32
      %select_n3A_612 = arith.select %and3A_609, %sub3A_611, %div3A_590 : i32
      %eq3A_613 = arith.constant 13 : i32
      %eq3A_614 = vector.broadcast %eq3A_613 : i32 to vector<16xi32>
      %eq3A_615 = arith.cmpi eq, %iota3A, %eq3A_614 : vector<16xi32>
      %jit3A_616 = arith.constant 0 : i32
      %broadcast_in_dim3A_617 = vector.broadcast %jit3A_616 : i32 to vector<16xi32>
      %select_n3A_618 = arith.select %eq3A_615, %get3A_87, %broadcast_in_dim3A_617 : vector<16xi1>, vector<16xi32>
      %reduce_max3A_619 = arith.constant true
      %reduce_max3A_620 = vector.broadcast %reduce_max3A_619 : i1 to vector<16xi1>
      %reduce_max3A_621 = arith.constant -2147483648 : i32
      %reduce_max3A_622 = vector.broadcast %reduce_max3A_621 : i32 to vector<16xi32>
      %reduce_max3A_623 = arith.xori %select_n3A_618, %reduce_max3A_622 : vector<16xi32>
      %reduce_max3A_624 = tpu.scan <max>, %reduce_max3A_623 masked %reduce_max3A_620 : vector<16xi32>, vector<16xi1> -> vector<16xi32>
      %reduce_max3A_625 = arith.xori %reduce_max3A_624, %reduce_max3A_622 : vector<16xi32>
      %reduce_max3A_626 = vector.extract %reduce_max3A_625[15] : i32 from vector<16xi32>
      %add3A_627 = arith.constant 1 : i32
      %add3A_628 = arith.addi %reduce_max3A_626, %add3A_627 : i32
      %jit3A_629 = arith.constant 2 : i32
      %div3A_630 = arith.divsi %add3A_628, %jit3A_629 : i32
      %sign3A_631 = arith.constant 0 : i32
      %sign3A_632 = arith.cmpi sgt, %add3A_628, %sign3A_631 : i32
      %sign3A_633 = arith.extui %sign3A_632 : i1 to i32
      %sign3A_634 = arith.constant 0 : i32
      %sign3A_635 = arith.cmpi slt, %add3A_628, %sign3A_634 : i32
      %sign3A_636 = arith.extui %sign3A_635 : i1 to i32
      %sign3A_637 = arith.subi %sign3A_633, %sign3A_636 : i32
      %sign3A_638 = arith.constant 0 : i32
      %sign3A_639 = arith.cmpi sgt, %jit3A_629, %sign3A_638 : i32
      %sign3A_640 = arith.extui %sign3A_639 : i1 to i32
      %sign3A_641 = arith.constant 0 : i32
      %sign3A_642 = arith.cmpi slt, %jit3A_629, %sign3A_641 : i32
      %sign3A_643 = arith.extui %sign3A_642 : i1 to i32
      %sign3A_644 = arith.subi %sign3A_640, %sign3A_643 : i32
      %ne3A_645 = arith.cmpi ne, %sign3A_637, %sign3A_644 : i32
      %rem3A_646 = arith.remsi %add3A_628, %jit3A_629 : i32
      %ne3A_647 = arith.constant 0 : i32
      %ne3A_648 = arith.cmpi ne, %rem3A_646, %ne3A_647 : i32
      %and3A_649 = arith.andi %ne3A_645, %ne3A_648 : i1
      %sub3A_650 = arith.constant 1 : i32
      %sub3A_651 = arith.subi %div3A_630, %sub3A_650 : i32
      %select_n3A_652 = arith.select %and3A_649, %sub3A_651, %div3A_630 : i32
      %eq3A_653 = arith.constant 14 : i32
      %eq3A_654 = vector.broadcast %eq3A_653 : i32 to vector<16xi32>
      %eq3A_655 = arith.cmpi eq, %iota3A, %eq3A_654 : vector<16xi32>
      %jit3A_656 = arith.constant 0 : i32
      %broadcast_in_dim3A_657 = vector.broadcast %jit3A_656 : i32 to vector<16xi32>
      %select_n3A_658 = arith.select %eq3A_655, %get3A_87, %broadcast_in_dim3A_657 : vector<16xi1>, vector<16xi32>
      %reduce_max3A_659 = arith.constant true
      %reduce_max3A_660 = vector.broadcast %reduce_max3A_659 : i1 to vector<16xi1>
      %reduce_max3A_661 = arith.constant -2147483648 : i32
      %reduce_max3A_662 = vector.broadcast %reduce_max3A_661 : i32 to vector<16xi32>
      %reduce_max3A_663 = arith.xori %select_n3A_658, %reduce_max3A_662 : vector<16xi32>
      %reduce_max3A_664 = tpu.scan <max>, %reduce_max3A_663 masked %reduce_max3A_660 : vector<16xi32>, vector<16xi1> -> vector<16xi32>
      %reduce_max3A_665 = arith.xori %reduce_max3A_664, %reduce_max3A_662 : vector<16xi32>
      %reduce_max3A_666 = vector.extract %reduce_max3A_665[15] : i32 from vector<16xi32>
      %add3A_667 = arith.constant 1 : i32
      %add3A_668 = arith.addi %reduce_max3A_666, %add3A_667 : i32
      %jit3A_669 = arith.constant 2 : i32
      %div3A_670 = arith.divsi %add3A_668, %jit3A_669 : i32
      %sign3A_671 = arith.constant 0 : i32
      %sign3A_672 = arith.cmpi sgt, %add3A_668, %sign3A_671 : i32
      %sign3A_673 = arith.extui %sign3A_672 : i1 to i32
      %sign3A_674 = arith.constant 0 : i32
      %sign3A_675 = arith.cmpi slt, %add3A_668, %sign3A_674 : i32
      %sign3A_676 = arith.extui %sign3A_675 : i1 to i32
      %sign3A_677 = arith.subi %sign3A_673, %sign3A_676 : i32
      %sign3A_678 = arith.constant 0 : i32
      %sign3A_679 = arith.cmpi sgt, %jit3A_669, %sign3A_678 : i32
      %sign3A_680 = arith.extui %sign3A_679 : i1 to i32
      %sign3A_681 = arith.constant 0 : i32
      %sign3A_682 = arith.cmpi slt, %jit3A_669, %sign3A_681 : i32
      %sign3A_683 = arith.extui %sign3A_682 : i1 to i32
      %sign3A_684 = arith.subi %sign3A_680, %sign3A_683 : i32
      %ne3A_685 = arith.cmpi ne, %sign3A_677, %sign3A_684 : i32
      %rem3A_686 = arith.remsi %add3A_668, %jit3A_669 : i32
      %ne3A_687 = arith.constant 0 : i32
      %ne3A_688 = arith.cmpi ne, %rem3A_686, %ne3A_687 : i32
      %and3A_689 = arith.andi %ne3A_685, %ne3A_688 : i1
      %sub3A_690 = arith.constant 1 : i32
      %sub3A_691 = arith.subi %div3A_670, %sub3A_690 : i32
      %select_n3A_692 = arith.select %and3A_689, %sub3A_691, %div3A_670 : i32
      %eq3A_693 = arith.constant 15 : i32
      %eq3A_694 = vector.broadcast %eq3A_693 : i32 to vector<16xi32>
      %eq3A_695 = arith.cmpi eq, %iota3A, %eq3A_694 : vector<16xi32>
      %jit3A_696 = arith.constant 0 : i32
      %broadcast_in_dim3A_697 = vector.broadcast %jit3A_696 : i32 to vector<16xi32>
      %select_n3A_698 = arith.select %eq3A_695, %get3A_87, %broadcast_in_dim3A_697 : vector<16xi1>, vector<16xi32>
      %reduce_max3A_699 = arith.constant true
      %reduce_max3A_700 = vector.broadcast %reduce_max3A_699 : i1 to vector<16xi1>
      %reduce_max3A_701 = arith.constant -2147483648 : i32
      %reduce_max3A_702 = vector.broadcast %reduce_max3A_701 : i32 to vector<16xi32>
      %reduce_max3A_703 = arith.xori %select_n3A_698, %reduce_max3A_702 : vector<16xi32>
      %reduce_max3A_704 = tpu.scan <max>, %reduce_max3A_703 masked %reduce_max3A_700 : vector<16xi32>, vector<16xi1> -> vector<16xi32>
      %reduce_max3A_705 = arith.xori %reduce_max3A_704, %reduce_max3A_702 : vector<16xi32>
      %reduce_max3A_706 = vector.extract %reduce_max3A_705[15] : i32 from vector<16xi32>
      %add3A_707 = arith.constant 1 : i32
      %add3A_708 = arith.addi %reduce_max3A_706, %add3A_707 : i32
      %jit3A_709 = arith.constant 2 : i32
      %div3A_710 = arith.divsi %add3A_708, %jit3A_709 : i32
      %sign3A_711 = arith.constant 0 : i32
      %sign3A_712 = arith.cmpi sgt, %add3A_708, %sign3A_711 : i32
      %sign3A_713 = arith.extui %sign3A_712 : i1 to i32
      %sign3A_714 = arith.constant 0 : i32
      %sign3A_715 = arith.cmpi slt, %add3A_708, %sign3A_714 : i32
      %sign3A_716 = arith.extui %sign3A_715 : i1 to i32
      %sign3A_717 = arith.subi %sign3A_713, %sign3A_716 : i32
      %sign3A_718 = arith.constant 0 : i32
      %sign3A_719 = arith.cmpi sgt, %jit3A_709, %sign3A_718 : i32
      %sign3A_720 = arith.extui %sign3A_719 : i1 to i32
      %sign3A_721 = arith.constant 0 : i32
      %sign3A_722 = arith.cmpi slt, %jit3A_709, %sign3A_721 : i32
      %sign3A_723 = arith.extui %sign3A_722 : i1 to i32
      %sign3A_724 = arith.subi %sign3A_720, %sign3A_723 : i32
      %ne3A_725 = arith.cmpi ne, %sign3A_717, %sign3A_724 : i32
      %rem3A_726 = arith.remsi %add3A_708, %jit3A_709 : i32
      %ne3A_727 = arith.constant 0 : i32
      %ne3A_728 = arith.cmpi ne, %rem3A_726, %ne3A_727 : i32
      %and3A_729 = arith.andi %ne3A_725, %ne3A_728 : i1
      %sub3A_730 = arith.constant 1 : i32
      %sub3A_731 = arith.subi %div3A_710, %sub3A_730 : i32
      %select_n3A_732 = arith.select %and3A_729, %sub3A_731, %div3A_710 : i32
      %eq3A_733 = arith.constant 15 : i32
      %eq3A_734 = vector.broadcast %eq3A_733 : i32 to vector<16xi32>
      %eq3A_735 = arith.cmpi eq, %iota3A, %eq3A_734 : vector<16xi32>
      %jit3A_736 = arith.constant 0 : i32
      %broadcast_in_dim3A_737 = vector.broadcast %jit3A_736 : i32 to vector<16xi32>
      %select_n3A_738 = arith.select %eq3A_735, %get3A_92, %broadcast_in_dim3A_737 : vector<16xi1>, vector<16xi32>
      %reduce_max3A_739 = arith.constant true
      %reduce_max3A_740 = vector.broadcast %reduce_max3A_739 : i1 to vector<16xi1>
      %reduce_max3A_741 = arith.constant -2147483648 : i32
      %reduce_max3A_742 = vector.broadcast %reduce_max3A_741 : i32 to vector<16xi32>
      %reduce_max3A_743 = arith.xori %select_n3A_738, %reduce_max3A_742 : vector<16xi32>
      %reduce_max3A_744 = tpu.scan <max>, %reduce_max3A_743 masked %reduce_max3A_740 : vector<16xi32>, vector<16xi1> -> vector<16xi32>
      %reduce_max3A_745 = arith.xori %reduce_max3A_744, %reduce_max3A_742 : vector<16xi32>
      %reduce_max3A_746 = vector.extract %reduce_max3A_745[15] : i32 from vector<16xi32>
      %add3A_747 = arith.constant 1 : i32
      %add3A_748 = arith.addi %reduce_max3A_746, %add3A_747 : i32
      %jit3A_749 = arith.constant 2 : i32
      %div3A_750 = arith.divsi %add3A_748, %jit3A_749 : i32
      %sign3A_751 = arith.constant 0 : i32
      %sign3A_752 = arith.cmpi sgt, %add3A_748, %sign3A_751 : i32
      %sign3A_753 = arith.extui %sign3A_752 : i1 to i32
      %sign3A_754 = arith.constant 0 : i32
      %sign3A_755 = arith.cmpi slt, %add3A_748, %sign3A_754 : i32
      %sign3A_756 = arith.extui %sign3A_755 : i1 to i32
      %sign3A_757 = arith.subi %sign3A_753, %sign3A_756 : i32
      %sign3A_758 = arith.constant 0 : i32
      %sign3A_759 = arith.cmpi sgt, %jit3A_749, %sign3A_758 : i32
      %sign3A_760 = arith.extui %sign3A_759 : i1 to i32
      %sign3A_761 = arith.constant 0 : i32
      %sign3A_762 = arith.cmpi slt, %jit3A_749, %sign3A_761 : i32
      %sign3A_763 = arith.extui %sign3A_762 : i1 to i32
      %sign3A_764 = arith.subi %sign3A_760, %sign3A_763 : i32
      %ne3A_765 = arith.cmpi ne, %sign3A_757, %sign3A_764 : i32
      %rem3A_766 = arith.remsi %add3A_748, %jit3A_749 : i32
      %ne3A_767 = arith.constant 0 : i32
      %ne3A_768 = arith.cmpi ne, %rem3A_766, %ne3A_767 : i32
      %and3A_769 = arith.andi %ne3A_765, %ne3A_768 : i1
      %sub3A_770 = arith.constant 1 : i32
      %sub3A_771 = arith.subi %div3A_750, %sub3A_770 : i32
      %select_n3A_772 = arith.select %and3A_769, %sub3A_771, %div3A_750 : i32
      %add3A_773 = arith.constant 0 : i32
      %add3A_774 = arith.addi %add3A_85, %add3A_773 : i32
      %ge3A = arith.constant 2 : i32
      %ge3A_775 = arith.cmpi sge, %add3A_774, %ge3A : i32
      %convert_element_type3A = arith.extui %ge3A_775 : i1 to i32
      %cond3A = arith.constant 0 : i32
      %cond3A_776 = arith.cmpi ne, %convert_element_type3A, %cond3A : i32
      scf.if %cond3A_776 {
        %scan3A_1266 = arith.constant 0 : i32
        %scan3A_1267 = arith.constant 100 : i32
        %scan3A_1268 = arith.addi %scan3A_1266, %scan3A_1267 : i32
        %scan3A_1269 = arith.constant 1 : i32
        scf.for %scan3A_1271 = %scan3A_1266 to %scan3A_1268 step %scan3A_1269  : i32 {
          %mul3A_1272 = arith.constant 1 : i32
          %mul3A_1273 = arith.muli %scan3A_1271, %mul3A_1272 : i32
          %add3A_1274 = arith.constant 0 : i32
          %add3A_1275 = arith.addi %add3A_1274, %mul3A_1273 : i32
          %dma_wait3A = arith.constant 0 : i32
          %dma_wait3A_1276 = arith.constant 0 : i32
          %dma_wait3A_1277 = tpu.memref_slice %arg7[%dma_wait3A, %dma_wait3A_1276] : memref<200x64xf32, #tpu.memory_space<vmem>> -> memref<2x64xf32, #tpu.memory_space<vmem>>
          %dma_wait3A_1278 = arith.constant 0 : i32
          %dma_wait3A_1279 = arith.constant 0 : i32
          %dma_wait3A_1280 = tpu.memref_slice %arg5[%dma_wait3A_1278, %dma_wait3A_1279] : memref<819200x64xf32, #tpu.memory_space<hbm>> -> memref<2x64xf32, #tpu.memory_space<hbm>>
          %dma_wait3A_1281 = arith.constant 0 : i32
          %dma_wait3A_1282 = arith.constant 0 : i32
          %dma_wait3A_1283 = tpu.memref_slice %arg5[%dma_wait3A_1281, %dma_wait3A_1282] : memref<819200x64xf32, #tpu.memory_space<hbm>> -> memref<2x64xf32, #tpu.memory_space<hbm>>
          %dma_wait3A_1284 = arith.constant 0 : i32
          %dma_wait3A_1285 = arith.constant 0 : i32
          %dma_wait3A_1286 = tpu.memref_slice %arg7[%dma_wait3A_1284, %dma_wait3A_1285] : memref<200x64xf32, #tpu.memory_space<vmem>> -> memref<2x64xf32, #tpu.memory_space<vmem>>
          tpu.wait_dma2 semaphore(%arg14 : memref<!tpu.dma_semaphore, #tpu.memory_space<semaphore_mem>>) src(%dma_wait3A_1286 : memref<2x64xf32, #tpu.memory_space<vmem>>) dst(%dma_wait3A_1283 : memref<2x64xf32, #tpu.memory_space<hbm>>)
        }
        %scan3A_1270 = arith.constant 100 : i32
      } else {
      }
      %sub3A_777 = arith.constant 0 : i32
      %sub3A_778 = arith.subi %select_n3A_132, %sub3A_777 : i32
      %sub3A_779 = arith.constant 1 : i32
      %sub3A_780 = arith.constant 1 : i32
      %sub3A_781 = arith.subi %sub3A_779, %sub3A_780 : i32
      %add3A_782 = arith.addi %sub3A_778, %sub3A_781 : i32
      %div3A_783 = arith.constant 1 : i32
      %div3A_784 = arith.divsi %add3A_782, %div3A_783 : i32
      %while3A_785 = arith.constant 1 : i32
      %while3A_786 = arith.constant 0 : i32
      %while3A_787 = arith.constant 0 : i32
      %while3A_788 = arith.subi %div3A_784, %while3A_787 : i32
      %while3A_789 = arith.addi %while3A_787, %while3A_788 : i32
      %while3A_790 = arith.constant 1 : i32
      %while3A_791 = arith.divsi %while3A_788, %while3A_790 : i32
      %while3A_792 = arith.muli %while3A_791, %while3A_790 : i32
      %while3A_793 = arith.addi %while3A_787, %while3A_792 : i32
      %while3A_794 = arith.constant 1 : i32
      scf.for %while3A_1266 = %while3A_787 to %while3A_793 step %while3A_794  : i32 {
        %mul3A_1267 = arith.muli %while3A_1266, %while3A_785 : i32
        %add3A_1268 = arith.addi %while3A_786, %mul3A_1267 : i32
        %mul3A_1269 = arith.constant 2 : i32
        %mul3A_1270 = arith.muli %add3A_1268, %mul3A_1269 : i32
        %dma_start3A = arith.constant 0 : i32
        %dma_start3A_1271 = tpu.memref_slice %arg7[%mul3A_1270, %dma_start3A] : memref<200x64xf32, #tpu.memory_space<vmem>> -> memref<2x64xf32, #tpu.memory_space<vmem>>
        %dma_start3A_1272 = arith.constant 0 : i32
        %dma_start3A_1273 = tpu.memref_slice %arg6[%add3A_774, %add3A_1268, %dma_start3A_1272] : memref<128x100x2xi32, #tpu.memory_space<vmem>> -> memref<1x1x2xi32, #tpu.memory_space<vmem>>
        %dma_start3A_1274 = tpu.memref_squeeze %dma_start3A_1273 : memref<1x1x2xi32, #tpu.memory_space<vmem>> -> memref<2xi32, #tpu.memory_space<vmem>>
        %dma_start3A_1275 = arith.constant 0 : i32
        %dma_start3A_1276 = arith.constant 0 : i32
        %dma_start3A_1277 = tpu.memref_slice %arg2[%dma_start3A_1275, %dma_start3A_1276] : memref<1000000x64xf32, #tpu.memory_space<hbm>> -> memref<1000000x64xf32, #tpu.memory_space<hbm>>
        tpu.enqueue_indirect_dma source(%dma_start3A_1277 : memref<1000000x64xf32, #tpu.memory_space<hbm>>) target(%dma_start3A_1271 : memref<2x64xf32, #tpu.memory_space<vmem>>) offsets(%dma_start3A_1274 : memref<2xi32, #tpu.memory_space<vmem>>) semaphore(%arg12 : memref<!tpu.dma_semaphore, #tpu.memory_space<semaphore_mem>>)
      }
      %while3A_795 = arith.constant 1 : i32
      scf.for %while3A_1266 = %while3A_793 to %while3A_789 step %while3A_795  : i32 {
        %mul3A_1267 = arith.muli %while3A_1266, %while3A_785 : i32
        %add3A_1268 = arith.addi %while3A_786, %mul3A_1267 : i32
        %mul3A_1269 = arith.constant 2 : i32
        %mul3A_1270 = arith.muli %add3A_1268, %mul3A_1269 : i32
        %dma_start3A = arith.constant 0 : i32
        %dma_start3A_1271 = tpu.memref_slice %arg7[%mul3A_1270, %dma_start3A] : memref<200x64xf32, #tpu.memory_space<vmem>> -> memref<2x64xf32, #tpu.memory_space<vmem>>
        %dma_start3A_1272 = arith.constant 0 : i32
        %dma_start3A_1273 = tpu.memref_slice %arg6[%add3A_774, %add3A_1268, %dma_start3A_1272] : memref<128x100x2xi32, #tpu.memory_space<vmem>> -> memref<1x1x2xi32, #tpu.memory_space<vmem>>
        %dma_start3A_1274 = tpu.memref_squeeze %dma_start3A_1273 : memref<1x1x2xi32, #tpu.memory_space<vmem>> -> memref<2xi32, #tpu.memory_space<vmem>>
        %dma_start3A_1275 = arith.constant 0 : i32
        %dma_start3A_1276 = arith.constant 0 : i32
        %dma_start3A_1277 = tpu.memref_slice %arg2[%dma_start3A_1275, %dma_start3A_1276] : memref<1000000x64xf32, #tpu.memory_space<hbm>> -> memref<1000000x64xf32, #tpu.memory_space<hbm>>
        tpu.enqueue_indirect_dma source(%dma_start3A_1277 : memref<1000000x64xf32, #tpu.memory_space<hbm>>) target(%dma_start3A_1271 : memref<2x64xf32, #tpu.memory_space<vmem>>) offsets(%dma_start3A_1274 : memref<2xi32, #tpu.memory_space<vmem>>) semaphore(%arg12 : memref<!tpu.dma_semaphore, #tpu.memory_space<semaphore_mem>>)
      }
      %ge3A_796 = arith.constant 1 : i32
      %ge3A_797 = arith.cmpi sge, %add3A_774, %ge3A_796 : i32
      %convert_element_type3A_798 = arith.extui %ge3A_797 : i1 to i32
      %cond3A_799 = arith.constant 0 : i32
      %cond3A_800 = arith.cmpi ne, %convert_element_type3A_798, %cond3A_799 : i32
      scf.if %cond3A_800 {
        %sub3A_1266 = arith.constant 0 : i32
        %sub3A_1267 = arith.subi %select_n3A_772, %sub3A_1266 : i32
        %sub3A_1268 = arith.constant 1 : i32
        %sub3A_1269 = arith.constant 1 : i32
        %sub3A_1270 = arith.subi %sub3A_1268, %sub3A_1269 : i32
        %add3A_1271 = arith.addi %sub3A_1267, %sub3A_1270 : i32
        %div3A_1272 = arith.constant 1 : i32
        %div3A_1273 = arith.divsi %add3A_1271, %div3A_1272 : i32
        %while3A_1274 = arith.constant 1 : i32
        %while3A_1275 = arith.constant 0 : i32
        %while3A_1276 = arith.constant 0 : i32
        %while3A_1277 = arith.subi %div3A_1273, %while3A_1276 : i32
        %while3A_1278 = arith.addi %while3A_1276, %while3A_1277 : i32
        %while3A_1279 = arith.constant 1 : i32
        %while3A_1280 = arith.divsi %while3A_1277, %while3A_1279 : i32
        %while3A_1281 = arith.muli %while3A_1280, %while3A_1279 : i32
        %while3A_1282 = arith.addi %while3A_1276, %while3A_1281 : i32
        %while3A_1283 = arith.constant 1 : i32
        scf.for %while3A_1297 = %while3A_1276 to %while3A_1282 step %while3A_1283  : i32 {
          %mul3A_1298 = arith.muli %while3A_1297, %while3A_1274 : i32
          %add3A_1299 = arith.addi %while3A_1275, %mul3A_1298 : i32
          %dma_wait3A = arith.constant 0 : i32
          %dma_wait3A_1300 = arith.constant 0 : i32
          %dma_wait3A_1301 = arith.constant 0 : i32
          %dma_wait3A_1302 = arith.constant 0 : i32
          %dma_wait3A_1303 = tpu.memref_slice %arg8[%dma_wait3A_1301, %dma_wait3A_1302] : memref<200x64xf32, #tpu.memory_space<vmem>> -> memref<2x64xf32, #tpu.memory_space<vmem>>
          %dma_wait3A_1304 = arith.constant 0 : i32
          %dma_wait3A_1305 = tpu.memref_slice %arg6[%dma_wait3A, %dma_wait3A_1300, %dma_wait3A_1304] : memref<128x100x2xi32, #tpu.memory_space<vmem>> -> memref<1x1x2xi32, #tpu.memory_space<vmem>>
          %dma_wait3A_1306 = tpu.memref_squeeze %dma_wait3A_1305 : memref<1x1x2xi32, #tpu.memory_space<vmem>> -> memref<2xi32, #tpu.memory_space<vmem>>
          %dma_wait3A_1307 = arith.constant 0 : i32
          %dma_wait3A_1308 = arith.constant 0 : i32
          %dma_wait3A_1309 = tpu.memref_slice %arg2[%dma_wait3A_1307, %dma_wait3A_1308] : memref<1000000x64xf32, #tpu.memory_space<hbm>> -> memref<1000000x64xf32, #tpu.memory_space<hbm>>
          tpu.wait_indirect_dma semaphore(%arg13 : memref<!tpu.dma_semaphore, #tpu.memory_space<semaphore_mem>>) src(%dma_wait3A_1309 : memref<1000000x64xf32, #tpu.memory_space<hbm>>) dst(%dma_wait3A_1303 : memref<2x64xf32, #tpu.memory_space<vmem>>)
        }
        %while3A_1284 = arith.constant 1 : i32
        scf.for %while3A_1297 = %while3A_1282 to %while3A_1278 step %while3A_1284  : i32 {
          %mul3A_1298 = arith.muli %while3A_1297, %while3A_1274 : i32
          %add3A_1299 = arith.addi %while3A_1275, %mul3A_1298 : i32
          %dma_wait3A = arith.constant 0 : i32
          %dma_wait3A_1300 = arith.constant 0 : i32
          %dma_wait3A_1301 = arith.constant 0 : i32
          %dma_wait3A_1302 = arith.constant 0 : i32
          %dma_wait3A_1303 = tpu.memref_slice %arg8[%dma_wait3A_1301, %dma_wait3A_1302] : memref<200x64xf32, #tpu.memory_space<vmem>> -> memref<2x64xf32, #tpu.memory_space<vmem>>
          %dma_wait3A_1304 = arith.constant 0 : i32
          %dma_wait3A_1305 = tpu.memref_slice %arg6[%dma_wait3A, %dma_wait3A_1300, %dma_wait3A_1304] : memref<128x100x2xi32, #tpu.memory_space<vmem>> -> memref<1x1x2xi32, #tpu.memory_space<vmem>>
          %dma_wait3A_1306 = tpu.memref_squeeze %dma_wait3A_1305 : memref<1x1x2xi32, #tpu.memory_space<vmem>> -> memref<2xi32, #tpu.memory_space<vmem>>
          %dma_wait3A_1307 = arith.constant 0 : i32
          %dma_wait3A_1308 = arith.constant 0 : i32
          %dma_wait3A_1309 = tpu.memref_slice %arg2[%dma_wait3A_1307, %dma_wait3A_1308] : memref<1000000x64xf32, #tpu.memory_space<hbm>> -> memref<1000000x64xf32, #tpu.memory_space<hbm>>
          tpu.wait_indirect_dma semaphore(%arg13 : memref<!tpu.dma_semaphore, #tpu.memory_space<semaphore_mem>>) src(%dma_wait3A_1309 : memref<1000000x64xf32, #tpu.memory_space<hbm>>) dst(%dma_wait3A_1303 : memref<2x64xf32, #tpu.memory_space<vmem>>)
        }
        %sub3A_1285 = arith.constant 1 : i32
        %sub3A_1286 = arith.subi %add3A_774, %sub3A_1285 : i32
        %mul3A_1287 = arith.constant 128 : i32
        %mul3A_1288 = arith.muli %add3A, %mul3A_1287 : i32
        %add3A_1289 = arith.addi %mul3A_1288, %sub3A_1286 : i32
        %mul3A_1290 = arith.constant 200 : i32
        %mul3A_1291 = arith.muli %add3A_1289, %mul3A_1290 : i32
        %scan3A_1292 = arith.constant 0 : i32
        %scan3A_1293 = arith.constant 100 : i32
        %scan3A_1294 = arith.addi %scan3A_1292, %scan3A_1293 : i32
        %scan3A_1295 = arith.constant 1 : i32
        scf.for %scan3A_1297 = %scan3A_1292 to %scan3A_1294 step %scan3A_1295  : i32 {
          %mul3A_1298 = arith.constant 1 : i32
          %mul3A_1299 = arith.muli %scan3A_1297, %mul3A_1298 : i32
          %add3A_1300 = arith.constant 0 : i32
          %add3A_1301 = arith.addi %add3A_1300, %mul3A_1299 : i32
          %mul3A_1302 = arith.constant 2 : i32
          %mul3A_1303 = arith.muli %add3A_1301, %mul3A_1302 : i32
          %add3A_1304 = arith.addi %mul3A_1291, %mul3A_1303 : i32
          %lt3A = arith.cmpi slt, %add3A_1301, %select_n3A_772 : i32
          %convert_element_type3A_1305 = arith.extui %lt3A : i1 to i32
          %cond3A_1306 = arith.constant 0 : i32
          %cond3A_1307 = arith.cmpi ne, %convert_element_type3A_1305, %cond3A_1306 : i32
          scf.if %cond3A_1307 {
            %mul3A_1312 = arith.constant 2 : i32
            %mul3A_1313 = arith.muli %add3A_1301, %mul3A_1312 : i32
            %dma_start3A = arith.constant 0 : i32
            %dma_start3A_1314 = tpu.memref_slice %arg8[%mul3A_1313, %dma_start3A] : memref<200x64xf32, #tpu.memory_space<vmem>> -> memref<2x64xf32, #tpu.memory_space<vmem>>
            %dma_start3A_1315 = arith.constant 0 : i32
            %dma_start3A_1316 = tpu.memref_slice %arg5[%add3A_1304, %dma_start3A_1315] : memref<819200x64xf32, #tpu.memory_space<hbm>> -> memref<2x64xf32, #tpu.memory_space<hbm>>
            %dma_start3A_1317 = arith.constant 0 : i32
            %dma_start3A_1318 = tpu.memref_slice %arg5[%add3A_1304, %dma_start3A_1317] : memref<819200x64xf32, #tpu.memory_space<hbm>> -> memref<2x64xf32, #tpu.memory_space<hbm>>
            %dma_start3A_1319 = arith.constant 0 : i32
            %dma_start3A_1320 = tpu.memref_slice %arg8[%mul3A_1313, %dma_start3A_1319] : memref<200x64xf32, #tpu.memory_space<vmem>> -> memref<2x64xf32, #tpu.memory_space<vmem>>
            tpu.enqueue_dma source(%dma_start3A_1320 : memref<2x64xf32, #tpu.memory_space<vmem>>) target(%dma_start3A_1318 : memref<2x64xf32, #tpu.memory_space<hbm>>) target_semaphore(%arg15 : memref<!tpu.dma_semaphore, #tpu.memory_space<semaphore_mem>>)
          } else {
          }
          %ge3A_1308 = arith.cmpi sge, %add3A_1301, %select_n3A_772 : i32
          %convert_element_type3A_1309 = arith.extui %ge3A_1308 : i1 to i32
          %cond3A_1310 = arith.constant 0 : i32
          %cond3A_1311 = arith.cmpi ne, %convert_element_type3A_1309, %cond3A_1310 : i32
          scf.if %cond3A_1311 {
            %dma_start3A = arith.constant 0 : i32
            %dma_start3A_1312 = tpu.memref_slice %arg5[%add3A_1304, %dma_start3A] : memref<819200x64xf32, #tpu.memory_space<hbm>> -> memref<2x64xf32, #tpu.memory_space<hbm>>
            %dma_start3A_1313 = arith.constant 0 : i32
            %dma_start3A_1314 = tpu.memref_slice %arg5[%add3A_1304, %dma_start3A_1313] : memref<819200x64xf32, #tpu.memory_space<hbm>> -> memref<2x64xf32, #tpu.memory_space<hbm>>
            tpu.enqueue_dma source(%arg9 : memref<2x64xf32, #tpu.memory_space<vmem>>) target(%dma_start3A_1314 : memref<2x64xf32, #tpu.memory_space<hbm>>) target_semaphore(%arg15 : memref<!tpu.dma_semaphore, #tpu.memory_space<semaphore_mem>>)
          } else {
          }
        }
        %scan3A_1296 = arith.constant 100 : i32
      } else {
      }
      %add3A_801 = arith.constant 1 : i32
      %add3A_802 = arith.addi %add3A_85, %add3A_801 : i32
      %ge3A_803 = arith.constant 2 : i32
      %ge3A_804 = arith.cmpi sge, %add3A_802, %ge3A_803 : i32
      %convert_element_type3A_805 = arith.extui %ge3A_804 : i1 to i32
      %cond3A_806 = arith.constant 0 : i32
      %cond3A_807 = arith.cmpi ne, %convert_element_type3A_805, %cond3A_806 : i32
      scf.if %cond3A_807 {
        %scan3A_1266 = arith.constant 0 : i32
        %scan3A_1267 = arith.constant 100 : i32
        %scan3A_1268 = arith.addi %scan3A_1266, %scan3A_1267 : i32
        %scan3A_1269 = arith.constant 1 : i32
        scf.for %scan3A_1271 = %scan3A_1266 to %scan3A_1268 step %scan3A_1269  : i32 {
          %mul3A_1272 = arith.constant 1 : i32
          %mul3A_1273 = arith.muli %scan3A_1271, %mul3A_1272 : i32
          %add3A_1274 = arith.constant 0 : i32
          %add3A_1275 = arith.addi %add3A_1274, %mul3A_1273 : i32
          %dma_wait3A = arith.constant 0 : i32
          %dma_wait3A_1276 = arith.constant 0 : i32
          %dma_wait3A_1277 = tpu.memref_slice %arg8[%dma_wait3A, %dma_wait3A_1276] : memref<200x64xf32, #tpu.memory_space<vmem>> -> memref<2x64xf32, #tpu.memory_space<vmem>>
          %dma_wait3A_1278 = arith.constant 0 : i32
          %dma_wait3A_1279 = arith.constant 0 : i32
          %dma_wait3A_1280 = tpu.memref_slice %arg5[%dma_wait3A_1278, %dma_wait3A_1279] : memref<819200x64xf32, #tpu.memory_space<hbm>> -> memref<2x64xf32, #tpu.memory_space<hbm>>
          %dma_wait3A_1281 = arith.constant 0 : i32
          %dma_wait3A_1282 = arith.constant 0 : i32
          %dma_wait3A_1283 = tpu.memref_slice %arg5[%dma_wait3A_1281, %dma_wait3A_1282] : memref<819200x64xf32, #tpu.memory_space<hbm>> -> memref<2x64xf32, #tpu.memory_space<hbm>>
          %dma_wait3A_1284 = arith.constant 0 : i32
          %dma_wait3A_1285 = arith.constant 0 : i32
          %dma_wait3A_1286 = tpu.memref_slice %arg8[%dma_wait3A_1284, %dma_wait3A_1285] : memref<200x64xf32, #tpu.memory_space<vmem>> -> memref<2x64xf32, #tpu.memory_space<vmem>>
          tpu.wait_dma2 semaphore(%arg15 : memref<!tpu.dma_semaphore, #tpu.memory_space<semaphore_mem>>) src(%dma_wait3A_1286 : memref<2x64xf32, #tpu.memory_space<vmem>>) dst(%dma_wait3A_1283 : memref<2x64xf32, #tpu.memory_space<hbm>>)
        }
        %scan3A_1270 = arith.constant 100 : i32
      } else {
      }
      %sub3A_808 = arith.constant 0 : i32
      %sub3A_809 = arith.subi %select_n3A_172, %sub3A_808 : i32
      %sub3A_810 = arith.constant 1 : i32
      %sub3A_811 = arith.constant 1 : i32
      %sub3A_812 = arith.subi %sub3A_810, %sub3A_811 : i32
      %add3A_813 = arith.addi %sub3A_809, %sub3A_812 : i32
      %div3A_814 = arith.constant 1 : i32
      %div3A_815 = arith.divsi %add3A_813, %div3A_814 : i32
      %while3A_816 = arith.constant 1 : i32
      %while3A_817 = arith.constant 0 : i32
      %while3A_818 = arith.constant 0 : i32
      %while3A_819 = arith.subi %div3A_815, %while3A_818 : i32
      %while3A_820 = arith.addi %while3A_818, %while3A_819 : i32
      %while3A_821 = arith.constant 1 : i32
      %while3A_822 = arith.divsi %while3A_819, %while3A_821 : i32
      %while3A_823 = arith.muli %while3A_822, %while3A_821 : i32
      %while3A_824 = arith.addi %while3A_818, %while3A_823 : i32
      %while3A_825 = arith.constant 1 : i32
      scf.for %while3A_1266 = %while3A_818 to %while3A_824 step %while3A_825  : i32 {
        %mul3A_1267 = arith.muli %while3A_1266, %while3A_816 : i32
        %add3A_1268 = arith.addi %while3A_817, %mul3A_1267 : i32
        %mul3A_1269 = arith.constant 2 : i32
        %mul3A_1270 = arith.muli %add3A_1268, %mul3A_1269 : i32
        %dma_start3A = arith.constant 0 : i32
        %dma_start3A_1271 = tpu.memref_slice %arg8[%mul3A_1270, %dma_start3A] : memref<200x64xf32, #tpu.memory_space<vmem>> -> memref<2x64xf32, #tpu.memory_space<vmem>>
        %dma_start3A_1272 = arith.constant 0 : i32
        %dma_start3A_1273 = tpu.memref_slice %arg6[%add3A_802, %add3A_1268, %dma_start3A_1272] : memref<128x100x2xi32, #tpu.memory_space<vmem>> -> memref<1x1x2xi32, #tpu.memory_space<vmem>>
        %dma_start3A_1274 = tpu.memref_squeeze %dma_start3A_1273 : memref<1x1x2xi32, #tpu.memory_space<vmem>> -> memref<2xi32, #tpu.memory_space<vmem>>
        %dma_start3A_1275 = arith.constant 0 : i32
        %dma_start3A_1276 = arith.constant 0 : i32
        %dma_start3A_1277 = tpu.memref_slice %arg2[%dma_start3A_1275, %dma_start3A_1276] : memref<1000000x64xf32, #tpu.memory_space<hbm>> -> memref<1000000x64xf32, #tpu.memory_space<hbm>>
        tpu.enqueue_indirect_dma source(%dma_start3A_1277 : memref<1000000x64xf32, #tpu.memory_space<hbm>>) target(%dma_start3A_1271 : memref<2x64xf32, #tpu.memory_space<vmem>>) offsets(%dma_start3A_1274 : memref<2xi32, #tpu.memory_space<vmem>>) semaphore(%arg13 : memref<!tpu.dma_semaphore, #tpu.memory_space<semaphore_mem>>)
      }
      %while3A_826 = arith.constant 1 : i32
      scf.for %while3A_1266 = %while3A_824 to %while3A_820 step %while3A_826  : i32 {
        %mul3A_1267 = arith.muli %while3A_1266, %while3A_816 : i32
        %add3A_1268 = arith.addi %while3A_817, %mul3A_1267 : i32
        %mul3A_1269 = arith.constant 2 : i32
        %mul3A_1270 = arith.muli %add3A_1268, %mul3A_1269 : i32
        %dma_start3A = arith.constant 0 : i32
        %dma_start3A_1271 = tpu.memref_slice %arg8[%mul3A_1270, %dma_start3A] : memref<200x64xf32, #tpu.memory_space<vmem>> -> memref<2x64xf32, #tpu.memory_space<vmem>>
        %dma_start3A_1272 = arith.constant 0 : i32
        %dma_start3A_1273 = tpu.memref_slice %arg6[%add3A_802, %add3A_1268, %dma_start3A_1272] : memref<128x100x2xi32, #tpu.memory_space<vmem>> -> memref<1x1x2xi32, #tpu.memory_space<vmem>>
        %dma_start3A_1274 = tpu.memref_squeeze %dma_start3A_1273 : memref<1x1x2xi32, #tpu.memory_space<vmem>> -> memref<2xi32, #tpu.memory_space<vmem>>
        %dma_start3A_1275 = arith.constant 0 : i32
        %dma_start3A_1276 = arith.constant 0 : i32
        %dma_start3A_1277 = tpu.memref_slice %arg2[%dma_start3A_1275, %dma_start3A_1276] : memref<1000000x64xf32, #tpu.memory_space<hbm>> -> memref<1000000x64xf32, #tpu.memory_space<hbm>>
        tpu.enqueue_indirect_dma source(%dma_start3A_1277 : memref<1000000x64xf32, #tpu.memory_space<hbm>>) target(%dma_start3A_1271 : memref<2x64xf32, #tpu.memory_space<vmem>>) offsets(%dma_start3A_1274 : memref<2xi32, #tpu.memory_space<vmem>>) semaphore(%arg13 : memref<!tpu.dma_semaphore, #tpu.memory_space<semaphore_mem>>)
      }
      %ge3A_827 = arith.constant 1 : i32
      %ge3A_828 = arith.cmpi sge, %add3A_802, %ge3A_827 : i32
      %convert_element_type3A_829 = arith.extui %ge3A_828 : i1 to i32
      %cond3A_830 = arith.constant 0 : i32
      %cond3A_831 = arith.cmpi ne, %convert_element_type3A_829, %cond3A_830 : i32
      scf.if %cond3A_831 {
        %sub3A_1266 = arith.constant 0 : i32
        %sub3A_1267 = arith.subi %select_n3A_132, %sub3A_1266 : i32
        %sub3A_1268 = arith.constant 1 : i32
        %sub3A_1269 = arith.constant 1 : i32
        %sub3A_1270 = arith.subi %sub3A_1268, %sub3A_1269 : i32
        %add3A_1271 = arith.addi %sub3A_1267, %sub3A_1270 : i32
        %div3A_1272 = arith.constant 1 : i32
        %div3A_1273 = arith.divsi %add3A_1271, %div3A_1272 : i32
        %while3A_1274 = arith.constant 1 : i32
        %while3A_1275 = arith.constant 0 : i32
        %while3A_1276 = arith.constant 0 : i32
        %while3A_1277 = arith.subi %div3A_1273, %while3A_1276 : i32
        %while3A_1278 = arith.addi %while3A_1276, %while3A_1277 : i32
        %while3A_1279 = arith.constant 1 : i32
        %while3A_1280 = arith.divsi %while3A_1277, %while3A_1279 : i32
        %while3A_1281 = arith.muli %while3A_1280, %while3A_1279 : i32
        %while3A_1282 = arith.addi %while3A_1276, %while3A_1281 : i32
        %while3A_1283 = arith.constant 1 : i32
        scf.for %while3A_1297 = %while3A_1276 to %while3A_1282 step %while3A_1283  : i32 {
          %mul3A_1298 = arith.muli %while3A_1297, %while3A_1274 : i32
          %add3A_1299 = arith.addi %while3A_1275, %mul3A_1298 : i32
          %dma_wait3A = arith.constant 0 : i32
          %dma_wait3A_1300 = arith.constant 0 : i32
          %dma_wait3A_1301 = arith.constant 0 : i32
          %dma_wait3A_1302 = arith.constant 0 : i32
          %dma_wait3A_1303 = tpu.memref_slice %arg7[%dma_wait3A_1301, %dma_wait3A_1302] : memref<200x64xf32, #tpu.memory_space<vmem>> -> memref<2x64xf32, #tpu.memory_space<vmem>>
          %dma_wait3A_1304 = arith.constant 0 : i32
          %dma_wait3A_1305 = tpu.memref_slice %arg6[%dma_wait3A, %dma_wait3A_1300, %dma_wait3A_1304] : memref<128x100x2xi32, #tpu.memory_space<vmem>> -> memref<1x1x2xi32, #tpu.memory_space<vmem>>
          %dma_wait3A_1306 = tpu.memref_squeeze %dma_wait3A_1305 : memref<1x1x2xi32, #tpu.memory_space<vmem>> -> memref<2xi32, #tpu.memory_space<vmem>>
          %dma_wait3A_1307 = arith.constant 0 : i32
          %dma_wait3A_1308 = arith.constant 0 : i32
          %dma_wait3A_1309 = tpu.memref_slice %arg2[%dma_wait3A_1307, %dma_wait3A_1308] : memref<1000000x64xf32, #tpu.memory_space<hbm>> -> memref<1000000x64xf32, #tpu.memory_space<hbm>>
          tpu.wait_indirect_dma semaphore(%arg12 : memref<!tpu.dma_semaphore, #tpu.memory_space<semaphore_mem>>) src(%dma_wait3A_1309 : memref<1000000x64xf32, #tpu.memory_space<hbm>>) dst(%dma_wait3A_1303 : memref<2x64xf32, #tpu.memory_space<vmem>>)
        }
        %while3A_1284 = arith.constant 1 : i32
        scf.for %while3A_1297 = %while3A_1282 to %while3A_1278 step %while3A_1284  : i32 {
          %mul3A_1298 = arith.muli %while3A_1297, %while3A_1274 : i32
          %add3A_1299 = arith.addi %while3A_1275, %mul3A_1298 : i32
          %dma_wait3A = arith.constant 0 : i32
          %dma_wait3A_1300 = arith.constant 0 : i32
          %dma_wait3A_1301 = arith.constant 0 : i32
          %dma_wait3A_1302 = arith.constant 0 : i32
          %dma_wait3A_1303 = tpu.memref_slice %arg7[%dma_wait3A_1301, %dma_wait3A_1302] : memref<200x64xf32, #tpu.memory_space<vmem>> -> memref<2x64xf32, #tpu.memory_space<vmem>>
          %dma_wait3A_1304 = arith.constant 0 : i32
          %dma_wait3A_1305 = tpu.memref_slice %arg6[%dma_wait3A, %dma_wait3A_1300, %dma_wait3A_1304] : memref<128x100x2xi32, #tpu.memory_space<vmem>> -> memref<1x1x2xi32, #tpu.memory_space<vmem>>
          %dma_wait3A_1306 = tpu.memref_squeeze %dma_wait3A_1305 : memref<1x1x2xi32, #tpu.memory_space<vmem>> -> memref<2xi32, #tpu.memory_space<vmem>>
          %dma_wait3A_1307 = arith.constant 0 : i32
          %dma_wait3A_1308 = arith.constant 0 : i32
          %dma_wait3A_1309 = tpu.memref_slice %arg2[%dma_wait3A_1307, %dma_wait3A_1308] : memref<1000000x64xf32, #tpu.memory_space<hbm>> -> memref<1000000x64xf32, #tpu.memory_space<hbm>>
          tpu.wait_indirect_dma semaphore(%arg12 : memref<!tpu.dma_semaphore, #tpu.memory_space<semaphore_mem>>) src(%dma_wait3A_1309 : memref<1000000x64xf32, #tpu.memory_space<hbm>>) dst(%dma_wait3A_1303 : memref<2x64xf32, #tpu.memory_space<vmem>>)
        }
        %sub3A_1285 = arith.constant 1 : i32
        %sub3A_1286 = arith.subi %add3A_802, %sub3A_1285 : i32
        %mul3A_1287 = arith.constant 128 : i32
        %mul3A_1288 = arith.muli %add3A, %mul3A_1287 : i32
        %add3A_1289 = arith.addi %mul3A_1288, %sub3A_1286 : i32
        %mul3A_1290 = arith.constant 200 : i32
        %mul3A_1291 = arith.muli %add3A_1289, %mul3A_1290 : i32
        %scan3A_1292 = arith.constant 0 : i32
        %scan3A_1293 = arith.constant 100 : i32
        %scan3A_1294 = arith.addi %scan3A_1292, %scan3A_1293 : i32
        %scan3A_1295 = arith.constant 1 : i32
        scf.for %scan3A_1297 = %scan3A_1292 to %scan3A_1294 step %scan3A_1295  : i32 {
          %mul3A_1298 = arith.constant 1 : i32
          %mul3A_1299 = arith.muli %scan3A_1297, %mul3A_1298 : i32
          %add3A_1300 = arith.constant 0 : i32
          %add3A_1301 = arith.addi %add3A_1300, %mul3A_1299 : i32
          %mul3A_1302 = arith.constant 2 : i32
          %mul3A_1303 = arith.muli %add3A_1301, %mul3A_1302 : i32
          %add3A_1304 = arith.addi %mul3A_1291, %mul3A_1303 : i32
          %lt3A = arith.cmpi slt, %add3A_1301, %select_n3A_132 : i32
          %convert_element_type3A_1305 = arith.extui %lt3A : i1 to i32
          %cond3A_1306 = arith.constant 0 : i32
          %cond3A_1307 = arith.cmpi ne, %convert_element_type3A_1305, %cond3A_1306 : i32
          scf.if %cond3A_1307 {
            %mul3A_1312 = arith.constant 2 : i32
            %mul3A_1313 = arith.muli %add3A_1301, %mul3A_1312 : i32
            %dma_start3A = arith.constant 0 : i32
            %dma_start3A_1314 = tpu.memref_slice %arg7[%mul3A_1313, %dma_start3A] : memref<200x64xf32, #tpu.memory_space<vmem>> -> memref<2x64xf32, #tpu.memory_space<vmem>>
            %dma_start3A_1315 = arith.constant 0 : i32
            %dma_start3A_1316 = tpu.memref_slice %arg5[%add3A_1304, %dma_start3A_1315] : memref<819200x64xf32, #tpu.memory_space<hbm>> -> memref<2x64xf32, #tpu.memory_space<hbm>>
            %dma_start3A_1317 = arith.constant 0 : i32
            %dma_start3A_1318 = tpu.memref_slice %arg5[%add3A_1304, %dma_start3A_1317] : memref<819200x64xf32, #tpu.memory_space<hbm>> -> memref<2x64xf32, #tpu.memory_space<hbm>>
            %dma_start3A_1319 = arith.constant 0 : i32
            %dma_start3A_1320 = tpu.memref_slice %arg7[%mul3A_1313, %dma_start3A_1319] : memref<200x64xf32, #tpu.memory_space<vmem>> -> memref<2x64xf32, #tpu.memory_space<vmem>>
            tpu.enqueue_dma source(%dma_start3A_1320 : memref<2x64xf32, #tpu.memory_space<vmem>>) target(%dma_start3A_1318 : memref<2x64xf32, #tpu.memory_space<hbm>>) target_semaphore(%arg14 : memref<!tpu.dma_semaphore, #tpu.memory_space<semaphore_mem>>)
          } else {
          }
          %ge3A_1308 = arith.cmpi sge, %add3A_1301, %select_n3A_132 : i32
          %convert_element_type3A_1309 = arith.extui %ge3A_1308 : i1 to i32
          %cond3A_1310 = arith.constant 0 : i32
          %cond3A_1311 = arith.cmpi ne, %convert_element_type3A_1309, %cond3A_1310 : i32
          scf.if %cond3A_1311 {
            %dma_start3A = arith.constant 0 : i32
            %dma_start3A_1312 = tpu.memref_slice %arg5[%add3A_1304, %dma_start3A] : memref<819200x64xf32, #tpu.memory_space<hbm>> -> memref<2x64xf32, #tpu.memory_space<hbm>>
            %dma_start3A_1313 = arith.constant 0 : i32
            %dma_start3A_1314 = tpu.memref_slice %arg5[%add3A_1304, %dma_start3A_1313] : memref<819200x64xf32, #tpu.memory_space<hbm>> -> memref<2x64xf32, #tpu.memory_space<hbm>>
            tpu.enqueue_dma source(%arg9 : memref<2x64xf32, #tpu.memory_space<vmem>>) target(%dma_start3A_1314 : memref<2x64xf32, #tpu.memory_space<hbm>>) target_semaphore(%arg14 : memref<!tpu.dma_semaphore, #tpu.memory_space<semaphore_mem>>)
          } else {
          }
        }
        %scan3A_1296 = arith.constant 100 : i32
      } else {
      }
      %add3A_832 = arith.constant 2 : i32
      %add3A_833 = arith.addi %add3A_85, %add3A_832 : i32
      %ge3A_834 = arith.constant 2 : i32
      %ge3A_835 = arith.cmpi sge, %add3A_833, %ge3A_834 : i32
      %convert_element_type3A_836 = arith.extui %ge3A_835 : i1 to i32
      %cond3A_837 = arith.constant 0 : i32
      %cond3A_838 = arith.cmpi ne, %convert_element_type3A_836, %cond3A_837 : i32
      scf.if %cond3A_838 {
        %scan3A_1266 = arith.constant 0 : i32
        %scan3A_1267 = arith.constant 100 : i32
        %scan3A_1268 = arith.addi %scan3A_1266, %scan3A_1267 : i32
        %scan3A_1269 = arith.constant 1 : i32
        scf.for %scan3A_1271 = %scan3A_1266 to %scan3A_1268 step %scan3A_1269  : i32 {
          %mul3A_1272 = arith.constant 1 : i32
          %mul3A_1273 = arith.muli %scan3A_1271, %mul3A_1272 : i32
          %add3A_1274 = arith.constant 0 : i32
          %add3A_1275 = arith.addi %add3A_1274, %mul3A_1273 : i32
          %dma_wait3A = arith.constant 0 : i32
          %dma_wait3A_1276 = arith.constant 0 : i32
          %dma_wait3A_1277 = tpu.memref_slice %arg7[%dma_wait3A, %dma_wait3A_1276] : memref<200x64xf32, #tpu.memory_space<vmem>> -> memref<2x64xf32, #tpu.memory_space<vmem>>
          %dma_wait3A_1278 = arith.constant 0 : i32
          %dma_wait3A_1279 = arith.constant 0 : i32
          %dma_wait3A_1280 = tpu.memref_slice %arg5[%dma_wait3A_1278, %dma_wait3A_1279] : memref<819200x64xf32, #tpu.memory_space<hbm>> -> memref<2x64xf32, #tpu.memory_space<hbm>>
          %dma_wait3A_1281 = arith.constant 0 : i32
          %dma_wait3A_1282 = arith.constant 0 : i32
          %dma_wait3A_1283 = tpu.memref_slice %arg5[%dma_wait3A_1281, %dma_wait3A_1282] : memref<819200x64xf32, #tpu.memory_space<hbm>> -> memref<2x64xf32, #tpu.memory_space<hbm>>
          %dma_wait3A_1284 = arith.constant 0 : i32
          %dma_wait3A_1285 = arith.constant 0 : i32
          %dma_wait3A_1286 = tpu.memref_slice %arg7[%dma_wait3A_1284, %dma_wait3A_1285] : memref<200x64xf32, #tpu.memory_space<vmem>> -> memref<2x64xf32, #tpu.memory_space<vmem>>
          tpu.wait_dma2 semaphore(%arg14 : memref<!tpu.dma_semaphore, #tpu.memory_space<semaphore_mem>>) src(%dma_wait3A_1286 : memref<2x64xf32, #tpu.memory_space<vmem>>) dst(%dma_wait3A_1283 : memref<2x64xf32, #tpu.memory_space<hbm>>)
        }
        %scan3A_1270 = arith.constant 100 : i32
      } else {
      }
      %sub3A_839 = arith.constant 0 : i32
      %sub3A_840 = arith.subi %select_n3A_212, %sub3A_839 : i32
      %sub3A_841 = arith.constant 1 : i32
      %sub3A_842 = arith.constant 1 : i32
      %sub3A_843 = arith.subi %sub3A_841, %sub3A_842 : i32
      %add3A_844 = arith.addi %sub3A_840, %sub3A_843 : i32
      %div3A_845 = arith.constant 1 : i32
      %div3A_846 = arith.divsi %add3A_844, %div3A_845 : i32
      %while3A_847 = arith.constant 1 : i32
      %while3A_848 = arith.constant 0 : i32
      %while3A_849 = arith.constant 0 : i32
      %while3A_850 = arith.subi %div3A_846, %while3A_849 : i32
      %while3A_851 = arith.addi %while3A_849, %while3A_850 : i32
      %while3A_852 = arith.constant 1 : i32
      %while3A_853 = arith.divsi %while3A_850, %while3A_852 : i32
      %while3A_854 = arith.muli %while3A_853, %while3A_852 : i32
      %while3A_855 = arith.addi %while3A_849, %while3A_854 : i32
      %while3A_856 = arith.constant 1 : i32
      scf.for %while3A_1266 = %while3A_849 to %while3A_855 step %while3A_856  : i32 {
        %mul3A_1267 = arith.muli %while3A_1266, %while3A_847 : i32
        %add3A_1268 = arith.addi %while3A_848, %mul3A_1267 : i32
        %mul3A_1269 = arith.constant 2 : i32
        %mul3A_1270 = arith.muli %add3A_1268, %mul3A_1269 : i32
        %dma_start3A = arith.constant 0 : i32
        %dma_start3A_1271 = tpu.memref_slice %arg7[%mul3A_1270, %dma_start3A] : memref<200x64xf32, #tpu.memory_space<vmem>> -> memref<2x64xf32, #tpu.memory_space<vmem>>
        %dma_start3A_1272 = arith.constant 0 : i32
        %dma_start3A_1273 = tpu.memref_slice %arg6[%add3A_833, %add3A_1268, %dma_start3A_1272] : memref<128x100x2xi32, #tpu.memory_space<vmem>> -> memref<1x1x2xi32, #tpu.memory_space<vmem>>
        %dma_start3A_1274 = tpu.memref_squeeze %dma_start3A_1273 : memref<1x1x2xi32, #tpu.memory_space<vmem>> -> memref<2xi32, #tpu.memory_space<vmem>>
        %dma_start3A_1275 = arith.constant 0 : i32
        %dma_start3A_1276 = arith.constant 0 : i32
        %dma_start3A_1277 = tpu.memref_slice %arg2[%dma_start3A_1275, %dma_start3A_1276] : memref<1000000x64xf32, #tpu.memory_space<hbm>> -> memref<1000000x64xf32, #tpu.memory_space<hbm>>
        tpu.enqueue_indirect_dma source(%dma_start3A_1277 : memref<1000000x64xf32, #tpu.memory_space<hbm>>) target(%dma_start3A_1271 : memref<2x64xf32, #tpu.memory_space<vmem>>) offsets(%dma_start3A_1274 : memref<2xi32, #tpu.memory_space<vmem>>) semaphore(%arg12 : memref<!tpu.dma_semaphore, #tpu.memory_space<semaphore_mem>>)
      }
      %while3A_857 = arith.constant 1 : i32
      scf.for %while3A_1266 = %while3A_855 to %while3A_851 step %while3A_857  : i32 {
        %mul3A_1267 = arith.muli %while3A_1266, %while3A_847 : i32
        %add3A_1268 = arith.addi %while3A_848, %mul3A_1267 : i32
        %mul3A_1269 = arith.constant 2 : i32
        %mul3A_1270 = arith.muli %add3A_1268, %mul3A_1269 : i32
        %dma_start3A = arith.constant 0 : i32
        %dma_start3A_1271 = tpu.memref_slice %arg7[%mul3A_1270, %dma_start3A] : memref<200x64xf32, #tpu.memory_space<vmem>> -> memref<2x64xf32, #tpu.memory_space<vmem>>
        %dma_start3A_1272 = arith.constant 0 : i32
        %dma_start3A_1273 = tpu.memref_slice %arg6[%add3A_833, %add3A_1268, %dma_start3A_1272] : memref<128x100x2xi32, #tpu.memory_space<vmem>> -> memref<1x1x2xi32, #tpu.memory_space<vmem>>
        %dma_start3A_1274 = tpu.memref_squeeze %dma_start3A_1273 : memref<1x1x2xi32, #tpu.memory_space<vmem>> -> memref<2xi32, #tpu.memory_space<vmem>>
        %dma_start3A_1275 = arith.constant 0 : i32
        %dma_start3A_1276 = arith.constant 0 : i32
        %dma_start3A_1277 = tpu.memref_slice %arg2[%dma_start3A_1275, %dma_start3A_1276] : memref<1000000x64xf32, #tpu.memory_space<hbm>> -> memref<1000000x64xf32, #tpu.memory_space<hbm>>
        tpu.enqueue_indirect_dma source(%dma_start3A_1277 : memref<1000000x64xf32, #tpu.memory_space<hbm>>) target(%dma_start3A_1271 : memref<2x64xf32, #tpu.memory_space<vmem>>) offsets(%dma_start3A_1274 : memref<2xi32, #tpu.memory_space<vmem>>) semaphore(%arg12 : memref<!tpu.dma_semaphore, #tpu.memory_space<semaphore_mem>>)
      }
      %ge3A_858 = arith.constant 1 : i32
      %ge3A_859 = arith.cmpi sge, %add3A_833, %ge3A_858 : i32
      %convert_element_type3A_860 = arith.extui %ge3A_859 : i1 to i32
      %cond3A_861 = arith.constant 0 : i32
      %cond3A_862 = arith.cmpi ne, %convert_element_type3A_860, %cond3A_861 : i32
      scf.if %cond3A_862 {
        %sub3A_1266 = arith.constant 0 : i32
        %sub3A_1267 = arith.subi %select_n3A_172, %sub3A_1266 : i32
        %sub3A_1268 = arith.constant 1 : i32
        %sub3A_1269 = arith.constant 1 : i32
        %sub3A_1270 = arith.subi %sub3A_1268, %sub3A_1269 : i32
        %add3A_1271 = arith.addi %sub3A_1267, %sub3A_1270 : i32
        %div3A_1272 = arith.constant 1 : i32
        %div3A_1273 = arith.divsi %add3A_1271, %div3A_1272 : i32
        %while3A_1274 = arith.constant 1 : i32
        %while3A_1275 = arith.constant 0 : i32
        %while3A_1276 = arith.constant 0 : i32
        %while3A_1277 = arith.subi %div3A_1273, %while3A_1276 : i32
        %while3A_1278 = arith.addi %while3A_1276, %while3A_1277 : i32
        %while3A_1279 = arith.constant 1 : i32
        %while3A_1280 = arith.divsi %while3A_1277, %while3A_1279 : i32
        %while3A_1281 = arith.muli %while3A_1280, %while3A_1279 : i32
        %while3A_1282 = arith.addi %while3A_1276, %while3A_1281 : i32
        %while3A_1283 = arith.constant 1 : i32
        scf.for %while3A_1297 = %while3A_1276 to %while3A_1282 step %while3A_1283  : i32 {
          %mul3A_1298 = arith.muli %while3A_1297, %while3A_1274 : i32
          %add3A_1299 = arith.addi %while3A_1275, %mul3A_1298 : i32
          %dma_wait3A = arith.constant 0 : i32
          %dma_wait3A_1300 = arith.constant 0 : i32
          %dma_wait3A_1301 = arith.constant 0 : i32
          %dma_wait3A_1302 = arith.constant 0 : i32
          %dma_wait3A_1303 = tpu.memref_slice %arg8[%dma_wait3A_1301, %dma_wait3A_1302] : memref<200x64xf32, #tpu.memory_space<vmem>> -> memref<2x64xf32, #tpu.memory_space<vmem>>
          %dma_wait3A_1304 = arith.constant 0 : i32
          %dma_wait3A_1305 = tpu.memref_slice %arg6[%dma_wait3A, %dma_wait3A_1300, %dma_wait3A_1304] : memref<128x100x2xi32, #tpu.memory_space<vmem>> -> memref<1x1x2xi32, #tpu.memory_space<vmem>>
          %dma_wait3A_1306 = tpu.memref_squeeze %dma_wait3A_1305 : memref<1x1x2xi32, #tpu.memory_space<vmem>> -> memref<2xi32, #tpu.memory_space<vmem>>
          %dma_wait3A_1307 = arith.constant 0 : i32
          %dma_wait3A_1308 = arith.constant 0 : i32
          %dma_wait3A_1309 = tpu.memref_slice %arg2[%dma_wait3A_1307, %dma_wait3A_1308] : memref<1000000x64xf32, #tpu.memory_space<hbm>> -> memref<1000000x64xf32, #tpu.memory_space<hbm>>
          tpu.wait_indirect_dma semaphore(%arg13 : memref<!tpu.dma_semaphore, #tpu.memory_space<semaphore_mem>>) src(%dma_wait3A_1309 : memref<1000000x64xf32, #tpu.memory_space<hbm>>) dst(%dma_wait3A_1303 : memref<2x64xf32, #tpu.memory_space<vmem>>)
        }
        %while3A_1284 = arith.constant 1 : i32
        scf.for %while3A_1297 = %while3A_1282 to %while3A_1278 step %while3A_1284  : i32 {
          %mul3A_1298 = arith.muli %while3A_1297, %while3A_1274 : i32
          %add3A_1299 = arith.addi %while3A_1275, %mul3A_1298 : i32
          %dma_wait3A = arith.constant 0 : i32
          %dma_wait3A_1300 = arith.constant 0 : i32
          %dma_wait3A_1301 = arith.constant 0 : i32
          %dma_wait3A_1302 = arith.constant 0 : i32
          %dma_wait3A_1303 = tpu.memref_slice %arg8[%dma_wait3A_1301, %dma_wait3A_1302] : memref<200x64xf32, #tpu.memory_space<vmem>> -> memref<2x64xf32, #tpu.memory_space<vmem>>
          %dma_wait3A_1304 = arith.constant 0 : i32
          %dma_wait3A_1305 = tpu.memref_slice %arg6[%dma_wait3A, %dma_wait3A_1300, %dma_wait3A_1304] : memref<128x100x2xi32, #tpu.memory_space<vmem>> -> memref<1x1x2xi32, #tpu.memory_space<vmem>>
          %dma_wait3A_1306 = tpu.memref_squeeze %dma_wait3A_1305 : memref<1x1x2xi32, #tpu.memory_space<vmem>> -> memref<2xi32, #tpu.memory_space<vmem>>
          %dma_wait3A_1307 = arith.constant 0 : i32
          %dma_wait3A_1308 = arith.constant 0 : i32
          %dma_wait3A_1309 = tpu.memref_slice %arg2[%dma_wait3A_1307, %dma_wait3A_1308] : memref<1000000x64xf32, #tpu.memory_space<hbm>> -> memref<1000000x64xf32, #tpu.memory_space<hbm>>
          tpu.wait_indirect_dma semaphore(%arg13 : memref<!tpu.dma_semaphore, #tpu.memory_space<semaphore_mem>>) src(%dma_wait3A_1309 : memref<1000000x64xf32, #tpu.memory_space<hbm>>) dst(%dma_wait3A_1303 : memref<2x64xf32, #tpu.memory_space<vmem>>)
        }
        %sub3A_1285 = arith.constant 1 : i32
        %sub3A_1286 = arith.subi %add3A_833, %sub3A_1285 : i32
        %mul3A_1287 = arith.constant 128 : i32
        %mul3A_1288 = arith.muli %add3A, %mul3A_1287 : i32
        %add3A_1289 = arith.addi %mul3A_1288, %sub3A_1286 : i32
        %mul3A_1290 = arith.constant 200 : i32
        %mul3A_1291 = arith.muli %add3A_1289, %mul3A_1290 : i32
        %scan3A_1292 = arith.constant 0 : i32
        %scan3A_1293 = arith.constant 100 : i32
        %scan3A_1294 = arith.addi %scan3A_1292, %scan3A_1293 : i32
        %scan3A_1295 = arith.constant 1 : i32
        scf.for %scan3A_1297 = %scan3A_1292 to %scan3A_1294 step %scan3A_1295  : i32 {
          %mul3A_1298 = arith.constant 1 : i32
          %mul3A_1299 = arith.muli %scan3A_1297, %mul3A_1298 : i32
          %add3A_1300 = arith.constant 0 : i32
          %add3A_1301 = arith.addi %add3A_1300, %mul3A_1299 : i32
          %mul3A_1302 = arith.constant 2 : i32
          %mul3A_1303 = arith.muli %add3A_1301, %mul3A_1302 : i32
          %add3A_1304 = arith.addi %mul3A_1291, %mul3A_1303 : i32
          %lt3A = arith.cmpi slt, %add3A_1301, %select_n3A_172 : i32
          %convert_element_type3A_1305 = arith.extui %lt3A : i1 to i32
          %cond3A_1306 = arith.constant 0 : i32
          %cond3A_1307 = arith.cmpi ne, %convert_element_type3A_1305, %cond3A_1306 : i32
          scf.if %cond3A_1307 {
            %mul3A_1312 = arith.constant 2 : i32
            %mul3A_1313 = arith.muli %add3A_1301, %mul3A_1312 : i32
            %dma_start3A = arith.constant 0 : i32
            %dma_start3A_1314 = tpu.memref_slice %arg8[%mul3A_1313, %dma_start3A] : memref<200x64xf32, #tpu.memory_space<vmem>> -> memref<2x64xf32, #tpu.memory_space<vmem>>
            %dma_start3A_1315 = arith.constant 0 : i32
            %dma_start3A_1316 = tpu.memref_slice %arg5[%add3A_1304, %dma_start3A_1315] : memref<819200x64xf32, #tpu.memory_space<hbm>> -> memref<2x64xf32, #tpu.memory_space<hbm>>
            %dma_start3A_1317 = arith.constant 0 : i32
            %dma_start3A_1318 = tpu.memref_slice %arg5[%add3A_1304, %dma_start3A_1317] : memref<819200x64xf32, #tpu.memory_space<hbm>> -> memref<2x64xf32, #tpu.memory_space<hbm>>
            %dma_start3A_1319 = arith.constant 0 : i32
            %dma_start3A_1320 = tpu.memref_slice %arg8[%mul3A_1313, %dma_start3A_1319] : memref<200x64xf32, #tpu.memory_space<vmem>> -> memref<2x64xf32, #tpu.memory_space<vmem>>
            tpu.enqueue_dma source(%dma_start3A_1320 : memref<2x64xf32, #tpu.memory_space<vmem>>) target(%dma_start3A_1318 : memref<2x64xf32, #tpu.memory_space<hbm>>) target_semaphore(%arg15 : memref<!tpu.dma_semaphore, #tpu.memory_space<semaphore_mem>>)
          } else {
          }
          %ge3A_1308 = arith.cmpi sge, %add3A_1301, %select_n3A_172 : i32
          %convert_element_type3A_1309 = arith.extui %ge3A_1308 : i1 to i32
          %cond3A_1310 = arith.constant 0 : i32
          %cond3A_1311 = arith.cmpi ne, %convert_element_type3A_1309, %cond3A_1310 : i32
          scf.if %cond3A_1311 {
            %dma_start3A = arith.constant 0 : i32
            %dma_start3A_1312 = tpu.memref_slice %arg5[%add3A_1304, %dma_start3A] : memref<819200x64xf32, #tpu.memory_space<hbm>> -> memref<2x64xf32, #tpu.memory_space<hbm>>
            %dma_start3A_1313 = arith.constant 0 : i32
            %dma_start3A_1314 = tpu.memref_slice %arg5[%add3A_1304, %dma_start3A_1313] : memref<819200x64xf32, #tpu.memory_space<hbm>> -> memref<2x64xf32, #tpu.memory_space<hbm>>
            tpu.enqueue_dma source(%arg9 : memref<2x64xf32, #tpu.memory_space<vmem>>) target(%dma_start3A_1314 : memref<2x64xf32, #tpu.memory_space<hbm>>) target_semaphore(%arg15 : memref<!tpu.dma_semaphore, #tpu.memory_space<semaphore_mem>>)
          } else {
          }
        }
        %scan3A_1296 = arith.constant 100 : i32
      } else {
      }
      %add3A_863 = arith.constant 3 : i32
      %add3A_864 = arith.addi %add3A_85, %add3A_863 : i32
      %ge3A_865 = arith.constant 2 : i32
      %ge3A_866 = arith.cmpi sge, %add3A_864, %ge3A_865 : i32
      %convert_element_type3A_867 = arith.extui %ge3A_866 : i1 to i32
      %cond3A_868 = arith.constant 0 : i32
      %cond3A_869 = arith.cmpi ne, %convert_element_type3A_867, %cond3A_868 : i32
      scf.if %cond3A_869 {
        %scan3A_1266 = arith.constant 0 : i32
        %scan3A_1267 = arith.constant 100 : i32
        %scan3A_1268 = arith.addi %scan3A_1266, %scan3A_1267 : i32
        %scan3A_1269 = arith.constant 1 : i32
        scf.for %scan3A_1271 = %scan3A_1266 to %scan3A_1268 step %scan3A_1269  : i32 {
          %mul3A_1272 = arith.constant 1 : i32
          %mul3A_1273 = arith.muli %scan3A_1271, %mul3A_1272 : i32
          %add3A_1274 = arith.constant 0 : i32
          %add3A_1275 = arith.addi %add3A_1274, %mul3A_1273 : i32
          %dma_wait3A = arith.constant 0 : i32
          %dma_wait3A_1276 = arith.constant 0 : i32
          %dma_wait3A_1277 = tpu.memref_slice %arg8[%dma_wait3A, %dma_wait3A_1276] : memref<200x64xf32, #tpu.memory_space<vmem>> -> memref<2x64xf32, #tpu.memory_space<vmem>>
          %dma_wait3A_1278 = arith.constant 0 : i32
          %dma_wait3A_1279 = arith.constant 0 : i32
          %dma_wait3A_1280 = tpu.memref_slice %arg5[%dma_wait3A_1278, %dma_wait3A_1279] : memref<819200x64xf32, #tpu.memory_space<hbm>> -> memref<2x64xf32, #tpu.memory_space<hbm>>
          %dma_wait3A_1281 = arith.constant 0 : i32
          %dma_wait3A_1282 = arith.constant 0 : i32
          %dma_wait3A_1283 = tpu.memref_slice %arg5[%dma_wait3A_1281, %dma_wait3A_1282] : memref<819200x64xf32, #tpu.memory_space<hbm>> -> memref<2x64xf32, #tpu.memory_space<hbm>>
          %dma_wait3A_1284 = arith.constant 0 : i32
          %dma_wait3A_1285 = arith.constant 0 : i32
          %dma_wait3A_1286 = tpu.memref_slice %arg8[%dma_wait3A_1284, %dma_wait3A_1285] : memref<200x64xf32, #tpu.memory_space<vmem>> -> memref<2x64xf32, #tpu.memory_space<vmem>>
          tpu.wait_dma2 semaphore(%arg15 : memref<!tpu.dma_semaphore, #tpu.memory_space<semaphore_mem>>) src(%dma_wait3A_1286 : memref<2x64xf32, #tpu.memory_space<vmem>>) dst(%dma_wait3A_1283 : memref<2x64xf32, #tpu.memory_space<hbm>>)
        }
        %scan3A_1270 = arith.constant 100 : i32
      } else {
      }
      %sub3A_870 = arith.constant 0 : i32
      %sub3A_871 = arith.subi %select_n3A_252, %sub3A_870 : i32
      %sub3A_872 = arith.constant 1 : i32
      %sub3A_873 = arith.constant 1 : i32
      %sub3A_874 = arith.subi %sub3A_872, %sub3A_873 : i32
      %add3A_875 = arith.addi %sub3A_871, %sub3A_874 : i32
      %div3A_876 = arith.constant 1 : i32
      %div3A_877 = arith.divsi %add3A_875, %div3A_876 : i32
      %while3A_878 = arith.constant 1 : i32
      %while3A_879 = arith.constant 0 : i32
      %while3A_880 = arith.constant 0 : i32
      %while3A_881 = arith.subi %div3A_877, %while3A_880 : i32
      %while3A_882 = arith.addi %while3A_880, %while3A_881 : i32
      %while3A_883 = arith.constant 1 : i32
      %while3A_884 = arith.divsi %while3A_881, %while3A_883 : i32
      %while3A_885 = arith.muli %while3A_884, %while3A_883 : i32
      %while3A_886 = arith.addi %while3A_880, %while3A_885 : i32
      %while3A_887 = arith.constant 1 : i32
      scf.for %while3A_1266 = %while3A_880 to %while3A_886 step %while3A_887  : i32 {
        %mul3A_1267 = arith.muli %while3A_1266, %while3A_878 : i32
        %add3A_1268 = arith.addi %while3A_879, %mul3A_1267 : i32
        %mul3A_1269 = arith.constant 2 : i32
        %mul3A_1270 = arith.muli %add3A_1268, %mul3A_1269 : i32
        %dma_start3A = arith.constant 0 : i32
        %dma_start3A_1271 = tpu.memref_slice %arg8[%mul3A_1270, %dma_start3A] : memref<200x64xf32, #tpu.memory_space<vmem>> -> memref<2x64xf32, #tpu.memory_space<vmem>>
        %dma_start3A_1272 = arith.constant 0 : i32
        %dma_start3A_1273 = tpu.memref_slice %arg6[%add3A_864, %add3A_1268, %dma_start3A_1272] : memref<128x100x2xi32, #tpu.memory_space<vmem>> -> memref<1x1x2xi32, #tpu.memory_space<vmem>>
        %dma_start3A_1274 = tpu.memref_squeeze %dma_start3A_1273 : memref<1x1x2xi32, #tpu.memory_space<vmem>> -> memref<2xi32, #tpu.memory_space<vmem>>
        %dma_start3A_1275 = arith.constant 0 : i32
        %dma_start3A_1276 = arith.constant 0 : i32
        %dma_start3A_1277 = tpu.memref_slice %arg2[%dma_start3A_1275, %dma_start3A_1276] : memref<1000000x64xf32, #tpu.memory_space<hbm>> -> memref<1000000x64xf32, #tpu.memory_space<hbm>>
        tpu.enqueue_indirect_dma source(%dma_start3A_1277 : memref<1000000x64xf32, #tpu.memory_space<hbm>>) target(%dma_start3A_1271 : memref<2x64xf32, #tpu.memory_space<vmem>>) offsets(%dma_start3A_1274 : memref<2xi32, #tpu.memory_space<vmem>>) semaphore(%arg13 : memref<!tpu.dma_semaphore, #tpu.memory_space<semaphore_mem>>)
      }
      %while3A_888 = arith.constant 1 : i32
      scf.for %while3A_1266 = %while3A_886 to %while3A_882 step %while3A_888  : i32 {
        %mul3A_1267 = arith.muli %while3A_1266, %while3A_878 : i32
        %add3A_1268 = arith.addi %while3A_879, %mul3A_1267 : i32
        %mul3A_1269 = arith.constant 2 : i32
        %mul3A_1270 = arith.muli %add3A_1268, %mul3A_1269 : i32
        %dma_start3A = arith.constant 0 : i32
        %dma_start3A_1271 = tpu.memref_slice %arg8[%mul3A_1270, %dma_start3A] : memref<200x64xf32, #tpu.memory_space<vmem>> -> memref<2x64xf32, #tpu.memory_space<vmem>>
        %dma_start3A_1272 = arith.constant 0 : i32
        %dma_start3A_1273 = tpu.memref_slice %arg6[%add3A_864, %add3A_1268, %dma_start3A_1272] : memref<128x100x2xi32, #tpu.memory_space<vmem>> -> memref<1x1x2xi32, #tpu.memory_space<vmem>>
        %dma_start3A_1274 = tpu.memref_squeeze %dma_start3A_1273 : memref<1x1x2xi32, #tpu.memory_space<vmem>> -> memref<2xi32, #tpu.memory_space<vmem>>
        %dma_start3A_1275 = arith.constant 0 : i32
        %dma_start3A_1276 = arith.constant 0 : i32
        %dma_start3A_1277 = tpu.memref_slice %arg2[%dma_start3A_1275, %dma_start3A_1276] : memref<1000000x64xf32, #tpu.memory_space<hbm>> -> memref<1000000x64xf32, #tpu.memory_space<hbm>>
        tpu.enqueue_indirect_dma source(%dma_start3A_1277 : memref<1000000x64xf32, #tpu.memory_space<hbm>>) target(%dma_start3A_1271 : memref<2x64xf32, #tpu.memory_space<vmem>>) offsets(%dma_start3A_1274 : memref<2xi32, #tpu.memory_space<vmem>>) semaphore(%arg13 : memref<!tpu.dma_semaphore, #tpu.memory_space<semaphore_mem>>)
      }
      %ge3A_889 = arith.constant 1 : i32
      %ge3A_890 = arith.cmpi sge, %add3A_864, %ge3A_889 : i32
      %convert_element_type3A_891 = arith.extui %ge3A_890 : i1 to i32
      %cond3A_892 = arith.constant 0 : i32
      %cond3A_893 = arith.cmpi ne, %convert_element_type3A_891, %cond3A_892 : i32
      scf.if %cond3A_893 {
        %sub3A_1266 = arith.constant 0 : i32
        %sub3A_1267 = arith.subi %select_n3A_212, %sub3A_1266 : i32
        %sub3A_1268 = arith.constant 1 : i32
        %sub3A_1269 = arith.constant 1 : i32
        %sub3A_1270 = arith.subi %sub3A_1268, %sub3A_1269 : i32
        %add3A_1271 = arith.addi %sub3A_1267, %sub3A_1270 : i32
        %div3A_1272 = arith.constant 1 : i32
        %div3A_1273 = arith.divsi %add3A_1271, %div3A_1272 : i32
        %while3A_1274 = arith.constant 1 : i32
        %while3A_1275 = arith.constant 0 : i32
        %while3A_1276 = arith.constant 0 : i32
        %while3A_1277 = arith.subi %div3A_1273, %while3A_1276 : i32
        %while3A_1278 = arith.addi %while3A_1276, %while3A_1277 : i32
        %while3A_1279 = arith.constant 1 : i32
        %while3A_1280 = arith.divsi %while3A_1277, %while3A_1279 : i32
        %while3A_1281 = arith.muli %while3A_1280, %while3A_1279 : i32
        %while3A_1282 = arith.addi %while3A_1276, %while3A_1281 : i32
        %while3A_1283 = arith.constant 1 : i32
        scf.for %while3A_1297 = %while3A_1276 to %while3A_1282 step %while3A_1283  : i32 {
          %mul3A_1298 = arith.muli %while3A_1297, %while3A_1274 : i32
          %add3A_1299 = arith.addi %while3A_1275, %mul3A_1298 : i32
          %dma_wait3A = arith.constant 0 : i32
          %dma_wait3A_1300 = arith.constant 0 : i32
          %dma_wait3A_1301 = arith.constant 0 : i32
          %dma_wait3A_1302 = arith.constant 0 : i32
          %dma_wait3A_1303 = tpu.memref_slice %arg7[%dma_wait3A_1301, %dma_wait3A_1302] : memref<200x64xf32, #tpu.memory_space<vmem>> -> memref<2x64xf32, #tpu.memory_space<vmem>>
          %dma_wait3A_1304 = arith.constant 0 : i32
          %dma_wait3A_1305 = tpu.memref_slice %arg6[%dma_wait3A, %dma_wait3A_1300, %dma_wait3A_1304] : memref<128x100x2xi32, #tpu.memory_space<vmem>> -> memref<1x1x2xi32, #tpu.memory_space<vmem>>
          %dma_wait3A_1306 = tpu.memref_squeeze %dma_wait3A_1305 : memref<1x1x2xi32, #tpu.memory_space<vmem>> -> memref<2xi32, #tpu.memory_space<vmem>>
          %dma_wait3A_1307 = arith.constant 0 : i32
          %dma_wait3A_1308 = arith.constant 0 : i32
          %dma_wait3A_1309 = tpu.memref_slice %arg2[%dma_wait3A_1307, %dma_wait3A_1308] : memref<1000000x64xf32, #tpu.memory_space<hbm>> -> memref<1000000x64xf32, #tpu.memory_space<hbm>>
          tpu.wait_indirect_dma semaphore(%arg12 : memref<!tpu.dma_semaphore, #tpu.memory_space<semaphore_mem>>) src(%dma_wait3A_1309 : memref<1000000x64xf32, #tpu.memory_space<hbm>>) dst(%dma_wait3A_1303 : memref<2x64xf32, #tpu.memory_space<vmem>>)
        }
        %while3A_1284 = arith.constant 1 : i32
        scf.for %while3A_1297 = %while3A_1282 to %while3A_1278 step %while3A_1284  : i32 {
          %mul3A_1298 = arith.muli %while3A_1297, %while3A_1274 : i32
          %add3A_1299 = arith.addi %while3A_1275, %mul3A_1298 : i32
          %dma_wait3A = arith.constant 0 : i32
          %dma_wait3A_1300 = arith.constant 0 : i32
          %dma_wait3A_1301 = arith.constant 0 : i32
          %dma_wait3A_1302 = arith.constant 0 : i32
          %dma_wait3A_1303 = tpu.memref_slice %arg7[%dma_wait3A_1301, %dma_wait3A_1302] : memref<200x64xf32, #tpu.memory_space<vmem>> -> memref<2x64xf32, #tpu.memory_space<vmem>>
          %dma_wait3A_1304 = arith.constant 0 : i32
          %dma_wait3A_1305 = tpu.memref_slice %arg6[%dma_wait3A, %dma_wait3A_1300, %dma_wait3A_1304] : memref<128x100x2xi32, #tpu.memory_space<vmem>> -> memref<1x1x2xi32, #tpu.memory_space<vmem>>
          %dma_wait3A_1306 = tpu.memref_squeeze %dma_wait3A_1305 : memref<1x1x2xi32, #tpu.memory_space<vmem>> -> memref<2xi32, #tpu.memory_space<vmem>>
          %dma_wait3A_1307 = arith.constant 0 : i32
          %dma_wait3A_1308 = arith.constant 0 : i32
          %dma_wait3A_1309 = tpu.memref_slice %arg2[%dma_wait3A_1307, %dma_wait3A_1308] : memref<1000000x64xf32, #tpu.memory_space<hbm>> -> memref<1000000x64xf32, #tpu.memory_space<hbm>>
          tpu.wait_indirect_dma semaphore(%arg12 : memref<!tpu.dma_semaphore, #tpu.memory_space<semaphore_mem>>) src(%dma_wait3A_1309 : memref<1000000x64xf32, #tpu.memory_space<hbm>>) dst(%dma_wait3A_1303 : memref<2x64xf32, #tpu.memory_space<vmem>>)
        }
        %sub3A_1285 = arith.constant 1 : i32
        %sub3A_1286 = arith.subi %add3A_864, %sub3A_1285 : i32
        %mul3A_1287 = arith.constant 128 : i32
        %mul3A_1288 = arith.muli %add3A, %mul3A_1287 : i32
        %add3A_1289 = arith.addi %mul3A_1288, %sub3A_1286 : i32
        %mul3A_1290 = arith.constant 200 : i32
        %mul3A_1291 = arith.muli %add3A_1289, %mul3A_1290 : i32
        %scan3A_1292 = arith.constant 0 : i32
        %scan3A_1293 = arith.constant 100 : i32
        %scan3A_1294 = arith.addi %scan3A_1292, %scan3A_1293 : i32
        %scan3A_1295 = arith.constant 1 : i32
        scf.for %scan3A_1297 = %scan3A_1292 to %scan3A_1294 step %scan3A_1295  : i32 {
          %mul3A_1298 = arith.constant 1 : i32
          %mul3A_1299 = arith.muli %scan3A_1297, %mul3A_1298 : i32
          %add3A_1300 = arith.constant 0 : i32
          %add3A_1301 = arith.addi %add3A_1300, %mul3A_1299 : i32
          %mul3A_1302 = arith.constant 2 : i32
          %mul3A_1303 = arith.muli %add3A_1301, %mul3A_1302 : i32
          %add3A_1304 = arith.addi %mul3A_1291, %mul3A_1303 : i32
          %lt3A = arith.cmpi slt, %add3A_1301, %select_n3A_212 : i32
          %convert_element_type3A_1305 = arith.extui %lt3A : i1 to i32
          %cond3A_1306 = arith.constant 0 : i32
          %cond3A_1307 = arith.cmpi ne, %convert_element_type3A_1305, %cond3A_1306 : i32
          scf.if %cond3A_1307 {
            %mul3A_1312 = arith.constant 2 : i32
            %mul3A_1313 = arith.muli %add3A_1301, %mul3A_1312 : i32
            %dma_start3A = arith.constant 0 : i32
            %dma_start3A_1314 = tpu.memref_slice %arg7[%mul3A_1313, %dma_start3A] : memref<200x64xf32, #tpu.memory_space<vmem>> -> memref<2x64xf32, #tpu.memory_space<vmem>>
            %dma_start3A_1315 = arith.constant 0 : i32
            %dma_start3A_1316 = tpu.memref_slice %arg5[%add3A_1304, %dma_start3A_1315] : memref<819200x64xf32, #tpu.memory_space<hbm>> -> memref<2x64xf32, #tpu.memory_space<hbm>>
            %dma_start3A_1317 = arith.constant 0 : i32
            %dma_start3A_1318 = tpu.memref_slice %arg5[%add3A_1304, %dma_start3A_1317] : memref<819200x64xf32, #tpu.memory_space<hbm>> -> memref<2x64xf32, #tpu.memory_space<hbm>>
            %dma_start3A_1319 = arith.constant 0 : i32
            %dma_start3A_1320 = tpu.memref_slice %arg7[%mul3A_1313, %dma_start3A_1319] : memref<200x64xf32, #tpu.memory_space<vmem>> -> memref<2x64xf32, #tpu.memory_space<vmem>>
            tpu.enqueue_dma source(%dma_start3A_1320 : memref<2x64xf32, #tpu.memory_space<vmem>>) target(%dma_start3A_1318 : memref<2x64xf32, #tpu.memory_space<hbm>>) target_semaphore(%arg14 : memref<!tpu.dma_semaphore, #tpu.memory_space<semaphore_mem>>)
          } else {
          }
          %ge3A_1308 = arith.cmpi sge, %add3A_1301, %select_n3A_212 : i32
          %convert_element_type3A_1309 = arith.extui %ge3A_1308 : i1 to i32
          %cond3A_1310 = arith.constant 0 : i32
          %cond3A_1311 = arith.cmpi ne, %convert_element_type3A_1309, %cond3A_1310 : i32
          scf.if %cond3A_1311 {
            %dma_start3A = arith.constant 0 : i32
            %dma_start3A_1312 = tpu.memref_slice %arg5[%add3A_1304, %dma_start3A] : memref<819200x64xf32, #tpu.memory_space<hbm>> -> memref<2x64xf32, #tpu.memory_space<hbm>>
            %dma_start3A_1313 = arith.constant 0 : i32
            %dma_start3A_1314 = tpu.memref_slice %arg5[%add3A_1304, %dma_start3A_1313] : memref<819200x64xf32, #tpu.memory_space<hbm>> -> memref<2x64xf32, #tpu.memory_space<hbm>>
            tpu.enqueue_dma source(%arg9 : memref<2x64xf32, #tpu.memory_space<vmem>>) target(%dma_start3A_1314 : memref<2x64xf32, #tpu.memory_space<hbm>>) target_semaphore(%arg14 : memref<!tpu.dma_semaphore, #tpu.memory_space<semaphore_mem>>)
          } else {
          }
        }
        %scan3A_1296 = arith.constant 100 : i32
      } else {
      }
      %add3A_894 = arith.constant 4 : i32
      %add3A_895 = arith.addi %add3A_85, %add3A_894 : i32
      %ge3A_896 = arith.constant 2 : i32
      %ge3A_897 = arith.cmpi sge, %add3A_895, %ge3A_896 : i32
      %convert_element_type3A_898 = arith.extui %ge3A_897 : i1 to i32
      %cond3A_899 = arith.constant 0 : i32
      %cond3A_900 = arith.cmpi ne, %convert_element_type3A_898, %cond3A_899 : i32
      scf.if %cond3A_900 {
        %scan3A_1266 = arith.constant 0 : i32
        %scan3A_1267 = arith.constant 100 : i32
        %scan3A_1268 = arith.addi %scan3A_1266, %scan3A_1267 : i32
        %scan3A_1269 = arith.constant 1 : i32
        scf.for %scan3A_1271 = %scan3A_1266 to %scan3A_1268 step %scan3A_1269  : i32 {
          %mul3A_1272 = arith.constant 1 : i32
          %mul3A_1273 = arith.muli %scan3A_1271, %mul3A_1272 : i32
          %add3A_1274 = arith.constant 0 : i32
          %add3A_1275 = arith.addi %add3A_1274, %mul3A_1273 : i32
          %dma_wait3A = arith.constant 0 : i32
          %dma_wait3A_1276 = arith.constant 0 : i32
          %dma_wait3A_1277 = tpu.memref_slice %arg7[%dma_wait3A, %dma_wait3A_1276] : memref<200x64xf32, #tpu.memory_space<vmem>> -> memref<2x64xf32, #tpu.memory_space<vmem>>
          %dma_wait3A_1278 = arith.constant 0 : i32
          %dma_wait3A_1279 = arith.constant 0 : i32
          %dma_wait3A_1280 = tpu.memref_slice %arg5[%dma_wait3A_1278, %dma_wait3A_1279] : memref<819200x64xf32, #tpu.memory_space<hbm>> -> memref<2x64xf32, #tpu.memory_space<hbm>>
          %dma_wait3A_1281 = arith.constant 0 : i32
          %dma_wait3A_1282 = arith.constant 0 : i32
          %dma_wait3A_1283 = tpu.memref_slice %arg5[%dma_wait3A_1281, %dma_wait3A_1282] : memref<819200x64xf32, #tpu.memory_space<hbm>> -> memref<2x64xf32, #tpu.memory_space<hbm>>
          %dma_wait3A_1284 = arith.constant 0 : i32
          %dma_wait3A_1285 = arith.constant 0 : i32
          %dma_wait3A_1286 = tpu.memref_slice %arg7[%dma_wait3A_1284, %dma_wait3A_1285] : memref<200x64xf32, #tpu.memory_space<vmem>> -> memref<2x64xf32, #tpu.memory_space<vmem>>
          tpu.wait_dma2 semaphore(%arg14 : memref<!tpu.dma_semaphore, #tpu.memory_space<semaphore_mem>>) src(%dma_wait3A_1286 : memref<2x64xf32, #tpu.memory_space<vmem>>) dst(%dma_wait3A_1283 : memref<2x64xf32, #tpu.memory_space<hbm>>)
        }
        %scan3A_1270 = arith.constant 100 : i32
      } else {
      }
      %sub3A_901 = arith.constant 0 : i32
      %sub3A_902 = arith.subi %select_n3A_292, %sub3A_901 : i32
      %sub3A_903 = arith.constant 1 : i32
      %sub3A_904 = arith.constant 1 : i32
      %sub3A_905 = arith.subi %sub3A_903, %sub3A_904 : i32
      %add3A_906 = arith.addi %sub3A_902, %sub3A_905 : i32
      %div3A_907 = arith.constant 1 : i32
      %div3A_908 = arith.divsi %add3A_906, %div3A_907 : i32
      %while3A_909 = arith.constant 1 : i32
      %while3A_910 = arith.constant 0 : i32
      %while3A_911 = arith.constant 0 : i32
      %while3A_912 = arith.subi %div3A_908, %while3A_911 : i32
      %while3A_913 = arith.addi %while3A_911, %while3A_912 : i32
      %while3A_914 = arith.constant 1 : i32
      %while3A_915 = arith.divsi %while3A_912, %while3A_914 : i32
      %while3A_916 = arith.muli %while3A_915, %while3A_914 : i32
      %while3A_917 = arith.addi %while3A_911, %while3A_916 : i32
      %while3A_918 = arith.constant 1 : i32
      scf.for %while3A_1266 = %while3A_911 to %while3A_917 step %while3A_918  : i32 {
        %mul3A_1267 = arith.muli %while3A_1266, %while3A_909 : i32
        %add3A_1268 = arith.addi %while3A_910, %mul3A_1267 : i32
        %mul3A_1269 = arith.constant 2 : i32
        %mul3A_1270 = arith.muli %add3A_1268, %mul3A_1269 : i32
        %dma_start3A = arith.constant 0 : i32
        %dma_start3A_1271 = tpu.memref_slice %arg7[%mul3A_1270, %dma_start3A] : memref<200x64xf32, #tpu.memory_space<vmem>> -> memref<2x64xf32, #tpu.memory_space<vmem>>
        %dma_start3A_1272 = arith.constant 0 : i32
        %dma_start3A_1273 = tpu.memref_slice %arg6[%add3A_895, %add3A_1268, %dma_start3A_1272] : memref<128x100x2xi32, #tpu.memory_space<vmem>> -> memref<1x1x2xi32, #tpu.memory_space<vmem>>
        %dma_start3A_1274 = tpu.memref_squeeze %dma_start3A_1273 : memref<1x1x2xi32, #tpu.memory_space<vmem>> -> memref<2xi32, #tpu.memory_space<vmem>>
        %dma_start3A_1275 = arith.constant 0 : i32
        %dma_start3A_1276 = arith.constant 0 : i32
        %dma_start3A_1277 = tpu.memref_slice %arg2[%dma_start3A_1275, %dma_start3A_1276] : memref<1000000x64xf32, #tpu.memory_space<hbm>> -> memref<1000000x64xf32, #tpu.memory_space<hbm>>
        tpu.enqueue_indirect_dma source(%dma_start3A_1277 : memref<1000000x64xf32, #tpu.memory_space<hbm>>) target(%dma_start3A_1271 : memref<2x64xf32, #tpu.memory_space<vmem>>) offsets(%dma_start3A_1274 : memref<2xi32, #tpu.memory_space<vmem>>) semaphore(%arg12 : memref<!tpu.dma_semaphore, #tpu.memory_space<semaphore_mem>>)
      }
      %while3A_919 = arith.constant 1 : i32
      scf.for %while3A_1266 = %while3A_917 to %while3A_913 step %while3A_919  : i32 {
        %mul3A_1267 = arith.muli %while3A_1266, %while3A_909 : i32
        %add3A_1268 = arith.addi %while3A_910, %mul3A_1267 : i32
        %mul3A_1269 = arith.constant 2 : i32
        %mul3A_1270 = arith.muli %add3A_1268, %mul3A_1269 : i32
        %dma_start3A = arith.constant 0 : i32
        %dma_start3A_1271 = tpu.memref_slice %arg7[%mul3A_1270, %dma_start3A] : memref<200x64xf32, #tpu.memory_space<vmem>> -> memref<2x64xf32, #tpu.memory_space<vmem>>
        %dma_start3A_1272 = arith.constant 0 : i32
        %dma_start3A_1273 = tpu.memref_slice %arg6[%add3A_895, %add3A_1268, %dma_start3A_1272] : memref<128x100x2xi32, #tpu.memory_space<vmem>> -> memref<1x1x2xi32, #tpu.memory_space<vmem>>
        %dma_start3A_1274 = tpu.memref_squeeze %dma_start3A_1273 : memref<1x1x2xi32, #tpu.memory_space<vmem>> -> memref<2xi32, #tpu.memory_space<vmem>>
        %dma_start3A_1275 = arith.constant 0 : i32
        %dma_start3A_1276 = arith.constant 0 : i32
        %dma_start3A_1277 = tpu.memref_slice %arg2[%dma_start3A_1275, %dma_start3A_1276] : memref<1000000x64xf32, #tpu.memory_space<hbm>> -> memref<1000000x64xf32, #tpu.memory_space<hbm>>
        tpu.enqueue_indirect_dma source(%dma_start3A_1277 : memref<1000000x64xf32, #tpu.memory_space<hbm>>) target(%dma_start3A_1271 : memref<2x64xf32, #tpu.memory_space<vmem>>) offsets(%dma_start3A_1274 : memref<2xi32, #tpu.memory_space<vmem>>) semaphore(%arg12 : memref<!tpu.dma_semaphore, #tpu.memory_space<semaphore_mem>>)
      }
      %ge3A_920 = arith.constant 1 : i32
      %ge3A_921 = arith.cmpi sge, %add3A_895, %ge3A_920 : i32
      %convert_element_type3A_922 = arith.extui %ge3A_921 : i1 to i32
      %cond3A_923 = arith.constant 0 : i32
      %cond3A_924 = arith.cmpi ne, %convert_element_type3A_922, %cond3A_923 : i32
      scf.if %cond3A_924 {
        %sub3A_1266 = arith.constant 0 : i32
        %sub3A_1267 = arith.subi %select_n3A_252, %sub3A_1266 : i32
        %sub3A_1268 = arith.constant 1 : i32
        %sub3A_1269 = arith.constant 1 : i32
        %sub3A_1270 = arith.subi %sub3A_1268, %sub3A_1269 : i32
        %add3A_1271 = arith.addi %sub3A_1267, %sub3A_1270 : i32
        %div3A_1272 = arith.constant 1 : i32
        %div3A_1273 = arith.divsi %add3A_1271, %div3A_1272 : i32
        %while3A_1274 = arith.constant 1 : i32
        %while3A_1275 = arith.constant 0 : i32
        %while3A_1276 = arith.constant 0 : i32
        %while3A_1277 = arith.subi %div3A_1273, %while3A_1276 : i32
        %while3A_1278 = arith.addi %while3A_1276, %while3A_1277 : i32
        %while3A_1279 = arith.constant 1 : i32
        %while3A_1280 = arith.divsi %while3A_1277, %while3A_1279 : i32
        %while3A_1281 = arith.muli %while3A_1280, %while3A_1279 : i32
        %while3A_1282 = arith.addi %while3A_1276, %while3A_1281 : i32
        %while3A_1283 = arith.constant 1 : i32
        scf.for %while3A_1297 = %while3A_1276 to %while3A_1282 step %while3A_1283  : i32 {
          %mul3A_1298 = arith.muli %while3A_1297, %while3A_1274 : i32
          %add3A_1299 = arith.addi %while3A_1275, %mul3A_1298 : i32
          %dma_wait3A = arith.constant 0 : i32
          %dma_wait3A_1300 = arith.constant 0 : i32
          %dma_wait3A_1301 = arith.constant 0 : i32
          %dma_wait3A_1302 = arith.constant 0 : i32
          %dma_wait3A_1303 = tpu.memref_slice %arg8[%dma_wait3A_1301, %dma_wait3A_1302] : memref<200x64xf32, #tpu.memory_space<vmem>> -> memref<2x64xf32, #tpu.memory_space<vmem>>
          %dma_wait3A_1304 = arith.constant 0 : i32
          %dma_wait3A_1305 = tpu.memref_slice %arg6[%dma_wait3A, %dma_wait3A_1300, %dma_wait3A_1304] : memref<128x100x2xi32, #tpu.memory_space<vmem>> -> memref<1x1x2xi32, #tpu.memory_space<vmem>>
          %dma_wait3A_1306 = tpu.memref_squeeze %dma_wait3A_1305 : memref<1x1x2xi32, #tpu.memory_space<vmem>> -> memref<2xi32, #tpu.memory_space<vmem>>
          %dma_wait3A_1307 = arith.constant 0 : i32
          %dma_wait3A_1308 = arith.constant 0 : i32
          %dma_wait3A_1309 = tpu.memref_slice %arg2[%dma_wait3A_1307, %dma_wait3A_1308] : memref<1000000x64xf32, #tpu.memory_space<hbm>> -> memref<1000000x64xf32, #tpu.memory_space<hbm>>
          tpu.wait_indirect_dma semaphore(%arg13 : memref<!tpu.dma_semaphore, #tpu.memory_space<semaphore_mem>>) src(%dma_wait3A_1309 : memref<1000000x64xf32, #tpu.memory_space<hbm>>) dst(%dma_wait3A_1303 : memref<2x64xf32, #tpu.memory_space<vmem>>)
        }
        %while3A_1284 = arith.constant 1 : i32
        scf.for %while3A_1297 = %while3A_1282 to %while3A_1278 step %while3A_1284  : i32 {
          %mul3A_1298 = arith.muli %while3A_1297, %while3A_1274 : i32
          %add3A_1299 = arith.addi %while3A_1275, %mul3A_1298 : i32
          %dma_wait3A = arith.constant 0 : i32
          %dma_wait3A_1300 = arith.constant 0 : i32
          %dma_wait3A_1301 = arith.constant 0 : i32
          %dma_wait3A_1302 = arith.constant 0 : i32
          %dma_wait3A_1303 = tpu.memref_slice %arg8[%dma_wait3A_1301, %dma_wait3A_1302] : memref<200x64xf32, #tpu.memory_space<vmem>> -> memref<2x64xf32, #tpu.memory_space<vmem>>
          %dma_wait3A_1304 = arith.constant 0 : i32
          %dma_wait3A_1305 = tpu.memref_slice %arg6[%dma_wait3A, %dma_wait3A_1300, %dma_wait3A_1304] : memref<128x100x2xi32, #tpu.memory_space<vmem>> -> memref<1x1x2xi32, #tpu.memory_space<vmem>>
          %dma_wait3A_1306 = tpu.memref_squeeze %dma_wait3A_1305 : memref<1x1x2xi32, #tpu.memory_space<vmem>> -> memref<2xi32, #tpu.memory_space<vmem>>
          %dma_wait3A_1307 = arith.constant 0 : i32
          %dma_wait3A_1308 = arith.constant 0 : i32
          %dma_wait3A_1309 = tpu.memref_slice %arg2[%dma_wait3A_1307, %dma_wait3A_1308] : memref<1000000x64xf32, #tpu.memory_space<hbm>> -> memref<1000000x64xf32, #tpu.memory_space<hbm>>
          tpu.wait_indirect_dma semaphore(%arg13 : memref<!tpu.dma_semaphore, #tpu.memory_space<semaphore_mem>>) src(%dma_wait3A_1309 : memref<1000000x64xf32, #tpu.memory_space<hbm>>) dst(%dma_wait3A_1303 : memref<2x64xf32, #tpu.memory_space<vmem>>)
        }
        %sub3A_1285 = arith.constant 1 : i32
        %sub3A_1286 = arith.subi %add3A_895, %sub3A_1285 : i32
        %mul3A_1287 = arith.constant 128 : i32
        %mul3A_1288 = arith.muli %add3A, %mul3A_1287 : i32
        %add3A_1289 = arith.addi %mul3A_1288, %sub3A_1286 : i32
        %mul3A_1290 = arith.constant 200 : i32
        %mul3A_1291 = arith.muli %add3A_1289, %mul3A_1290 : i32
        %scan3A_1292 = arith.constant 0 : i32
        %scan3A_1293 = arith.constant 100 : i32
        %scan3A_1294 = arith.addi %scan3A_1292, %scan3A_1293 : i32
        %scan3A_1295 = arith.constant 1 : i32
        scf.for %scan3A_1297 = %scan3A_1292 to %scan3A_1294 step %scan3A_1295  : i32 {
          %mul3A_1298 = arith.constant 1 : i32
          %mul3A_1299 = arith.muli %scan3A_1297, %mul3A_1298 : i32
          %add3A_1300 = arith.constant 0 : i32
          %add3A_1301 = arith.addi %add3A_1300, %mul3A_1299 : i32
          %mul3A_1302 = arith.constant 2 : i32
          %mul3A_1303 = arith.muli %add3A_1301, %mul3A_1302 : i32
          %add3A_1304 = arith.addi %mul3A_1291, %mul3A_1303 : i32
          %lt3A = arith.cmpi slt, %add3A_1301, %select_n3A_252 : i32
          %convert_element_type3A_1305 = arith.extui %lt3A : i1 to i32
          %cond3A_1306 = arith.constant 0 : i32
          %cond3A_1307 = arith.cmpi ne, %convert_element_type3A_1305, %cond3A_1306 : i32
          scf.if %cond3A_1307 {
            %mul3A_1312 = arith.constant 2 : i32
            %mul3A_1313 = arith.muli %add3A_1301, %mul3A_1312 : i32
            %dma_start3A = arith.constant 0 : i32
            %dma_start3A_1314 = tpu.memref_slice %arg8[%mul3A_1313, %dma_start3A] : memref<200x64xf32, #tpu.memory_space<vmem>> -> memref<2x64xf32, #tpu.memory_space<vmem>>
            %dma_start3A_1315 = arith.constant 0 : i32
            %dma_start3A_1316 = tpu.memref_slice %arg5[%add3A_1304, %dma_start3A_1315] : memref<819200x64xf32, #tpu.memory_space<hbm>> -> memref<2x64xf32, #tpu.memory_space<hbm>>
            %dma_start3A_1317 = arith.constant 0 : i32
            %dma_start3A_1318 = tpu.memref_slice %arg5[%add3A_1304, %dma_start3A_1317] : memref<819200x64xf32, #tpu.memory_space<hbm>> -> memref<2x64xf32, #tpu.memory_space<hbm>>
            %dma_start3A_1319 = arith.constant 0 : i32
            %dma_start3A_1320 = tpu.memref_slice %arg8[%mul3A_1313, %dma_start3A_1319] : memref<200x64xf32, #tpu.memory_space<vmem>> -> memref<2x64xf32, #tpu.memory_space<vmem>>
            tpu.enqueue_dma source(%dma_start3A_1320 : memref<2x64xf32, #tpu.memory_space<vmem>>) target(%dma_start3A_1318 : memref<2x64xf32, #tpu.memory_space<hbm>>) target_semaphore(%arg15 : memref<!tpu.dma_semaphore, #tpu.memory_space<semaphore_mem>>)
          } else {
          }
          %ge3A_1308 = arith.cmpi sge, %add3A_1301, %select_n3A_252 : i32
          %convert_element_type3A_1309 = arith.extui %ge3A_1308 : i1 to i32
          %cond3A_1310 = arith.constant 0 : i32
          %cond3A_1311 = arith.cmpi ne, %convert_element_type3A_1309, %cond3A_1310 : i32
          scf.if %cond3A_1311 {
            %dma_start3A = arith.constant 0 : i32
            %dma_start3A_1312 = tpu.memref_slice %arg5[%add3A_1304, %dma_start3A] : memref<819200x64xf32, #tpu.memory_space<hbm>> -> memref<2x64xf32, #tpu.memory_space<hbm>>
            %dma_start3A_1313 = arith.constant 0 : i32
            %dma_start3A_1314 = tpu.memref_slice %arg5[%add3A_1304, %dma_start3A_1313] : memref<819200x64xf32, #tpu.memory_space<hbm>> -> memref<2x64xf32, #tpu.memory_space<hbm>>
            tpu.enqueue_dma source(%arg9 : memref<2x64xf32, #tpu.memory_space<vmem>>) target(%dma_start3A_1314 : memref<2x64xf32, #tpu.memory_space<hbm>>) target_semaphore(%arg15 : memref<!tpu.dma_semaphore, #tpu.memory_space<semaphore_mem>>)
          } else {
          }
        }
        %scan3A_1296 = arith.constant 100 : i32
      } else {
      }
      %add3A_925 = arith.constant 5 : i32
      %add3A_926 = arith.addi %add3A_85, %add3A_925 : i32
      %ge3A_927 = arith.constant 2 : i32
      %ge3A_928 = arith.cmpi sge, %add3A_926, %ge3A_927 : i32
      %convert_element_type3A_929 = arith.extui %ge3A_928 : i1 to i32
      %cond3A_930 = arith.constant 0 : i32
      %cond3A_931 = arith.cmpi ne, %convert_element_type3A_929, %cond3A_930 : i32
      scf.if %cond3A_931 {
        %scan3A_1266 = arith.constant 0 : i32
        %scan3A_1267 = arith.constant 100 : i32
        %scan3A_1268 = arith.addi %scan3A_1266, %scan3A_1267 : i32
        %scan3A_1269 = arith.constant 1 : i32
        scf.for %scan3A_1271 = %scan3A_1266 to %scan3A_1268 step %scan3A_1269  : i32 {
          %mul3A_1272 = arith.constant 1 : i32
          %mul3A_1273 = arith.muli %scan3A_1271, %mul3A_1272 : i32
          %add3A_1274 = arith.constant 0 : i32
          %add3A_1275 = arith.addi %add3A_1274, %mul3A_1273 : i32
          %dma_wait3A = arith.constant 0 : i32
          %dma_wait3A_1276 = arith.constant 0 : i32
          %dma_wait3A_1277 = tpu.memref_slice %arg8[%dma_wait3A, %dma_wait3A_1276] : memref<200x64xf32, #tpu.memory_space<vmem>> -> memref<2x64xf32, #tpu.memory_space<vmem>>
          %dma_wait3A_1278 = arith.constant 0 : i32
          %dma_wait3A_1279 = arith.constant 0 : i32
          %dma_wait3A_1280 = tpu.memref_slice %arg5[%dma_wait3A_1278, %dma_wait3A_1279] : memref<819200x64xf32, #tpu.memory_space<hbm>> -> memref<2x64xf32, #tpu.memory_space<hbm>>
          %dma_wait3A_1281 = arith.constant 0 : i32
          %dma_wait3A_1282 = arith.constant 0 : i32
          %dma_wait3A_1283 = tpu.memref_slice %arg5[%dma_wait3A_1281, %dma_wait3A_1282] : memref<819200x64xf32, #tpu.memory_space<hbm>> -> memref<2x64xf32, #tpu.memory_space<hbm>>
          %dma_wait3A_1284 = arith.constant 0 : i32
          %dma_wait3A_1285 = arith.constant 0 : i32
          %dma_wait3A_1286 = tpu.memref_slice %arg8[%dma_wait3A_1284, %dma_wait3A_1285] : memref<200x64xf32, #tpu.memory_space<vmem>> -> memref<2x64xf32, #tpu.memory_space<vmem>>
          tpu.wait_dma2 semaphore(%arg15 : memref<!tpu.dma_semaphore, #tpu.memory_space<semaphore_mem>>) src(%dma_wait3A_1286 : memref<2x64xf32, #tpu.memory_space<vmem>>) dst(%dma_wait3A_1283 : memref<2x64xf32, #tpu.memory_space<hbm>>)
        }
        %scan3A_1270 = arith.constant 100 : i32
      } else {
      }
      %sub3A_932 = arith.constant 0 : i32
      %sub3A_933 = arith.subi %select_n3A_332, %sub3A_932 : i32
      %sub3A_934 = arith.constant 1 : i32
      %sub3A_935 = arith.constant 1 : i32
      %sub3A_936 = arith.subi %sub3A_934, %sub3A_935 : i32
      %add3A_937 = arith.addi %sub3A_933, %sub3A_936 : i32
      %div3A_938 = arith.constant 1 : i32
      %div3A_939 = arith.divsi %add3A_937, %div3A_938 : i32
      %while3A_940 = arith.constant 1 : i32
      %while3A_941 = arith.constant 0 : i32
      %while3A_942 = arith.constant 0 : i32
      %while3A_943 = arith.subi %div3A_939, %while3A_942 : i32
      %while3A_944 = arith.addi %while3A_942, %while3A_943 : i32
      %while3A_945 = arith.constant 1 : i32
      %while3A_946 = arith.divsi %while3A_943, %while3A_945 : i32
      %while3A_947 = arith.muli %while3A_946, %while3A_945 : i32
      %while3A_948 = arith.addi %while3A_942, %while3A_947 : i32
      %while3A_949 = arith.constant 1 : i32
      scf.for %while3A_1266 = %while3A_942 to %while3A_948 step %while3A_949  : i32 {
        %mul3A_1267 = arith.muli %while3A_1266, %while3A_940 : i32
        %add3A_1268 = arith.addi %while3A_941, %mul3A_1267 : i32
        %mul3A_1269 = arith.constant 2 : i32
        %mul3A_1270 = arith.muli %add3A_1268, %mul3A_1269 : i32
        %dma_start3A = arith.constant 0 : i32
        %dma_start3A_1271 = tpu.memref_slice %arg8[%mul3A_1270, %dma_start3A] : memref<200x64xf32, #tpu.memory_space<vmem>> -> memref<2x64xf32, #tpu.memory_space<vmem>>
        %dma_start3A_1272 = arith.constant 0 : i32
        %dma_start3A_1273 = tpu.memref_slice %arg6[%add3A_926, %add3A_1268, %dma_start3A_1272] : memref<128x100x2xi32, #tpu.memory_space<vmem>> -> memref<1x1x2xi32, #tpu.memory_space<vmem>>
        %dma_start3A_1274 = tpu.memref_squeeze %dma_start3A_1273 : memref<1x1x2xi32, #tpu.memory_space<vmem>> -> memref<2xi32, #tpu.memory_space<vmem>>
        %dma_start3A_1275 = arith.constant 0 : i32
        %dma_start3A_1276 = arith.constant 0 : i32
        %dma_start3A_1277 = tpu.memref_slice %arg2[%dma_start3A_1275, %dma_start3A_1276] : memref<1000000x64xf32, #tpu.memory_space<hbm>> -> memref<1000000x64xf32, #tpu.memory_space<hbm>>
        tpu.enqueue_indirect_dma source(%dma_start3A_1277 : memref<1000000x64xf32, #tpu.memory_space<hbm>>) target(%dma_start3A_1271 : memref<2x64xf32, #tpu.memory_space<vmem>>) offsets(%dma_start3A_1274 : memref<2xi32, #tpu.memory_space<vmem>>) semaphore(%arg13 : memref<!tpu.dma_semaphore, #tpu.memory_space<semaphore_mem>>)
      }
      %while3A_950 = arith.constant 1 : i32
      scf.for %while3A_1266 = %while3A_948 to %while3A_944 step %while3A_950  : i32 {
        %mul3A_1267 = arith.muli %while3A_1266, %while3A_940 : i32
        %add3A_1268 = arith.addi %while3A_941, %mul3A_1267 : i32
        %mul3A_1269 = arith.constant 2 : i32
        %mul3A_1270 = arith.muli %add3A_1268, %mul3A_1269 : i32
        %dma_start3A = arith.constant 0 : i32
        %dma_start3A_1271 = tpu.memref_slice %arg8[%mul3A_1270, %dma_start3A] : memref<200x64xf32, #tpu.memory_space<vmem>> -> memref<2x64xf32, #tpu.memory_space<vmem>>
        %dma_start3A_1272 = arith.constant 0 : i32
        %dma_start3A_1273 = tpu.memref_slice %arg6[%add3A_926, %add3A_1268, %dma_start3A_1272] : memref<128x100x2xi32, #tpu.memory_space<vmem>> -> memref<1x1x2xi32, #tpu.memory_space<vmem>>
        %dma_start3A_1274 = tpu.memref_squeeze %dma_start3A_1273 : memref<1x1x2xi32, #tpu.memory_space<vmem>> -> memref<2xi32, #tpu.memory_space<vmem>>
        %dma_start3A_1275 = arith.constant 0 : i32
        %dma_start3A_1276 = arith.constant 0 : i32
        %dma_start3A_1277 = tpu.memref_slice %arg2[%dma_start3A_1275, %dma_start3A_1276] : memref<1000000x64xf32, #tpu.memory_space<hbm>> -> memref<1000000x64xf32, #tpu.memory_space<hbm>>
        tpu.enqueue_indirect_dma source(%dma_start3A_1277 : memref<1000000x64xf32, #tpu.memory_space<hbm>>) target(%dma_start3A_1271 : memref<2x64xf32, #tpu.memory_space<vmem>>) offsets(%dma_start3A_1274 : memref<2xi32, #tpu.memory_space<vmem>>) semaphore(%arg13 : memref<!tpu.dma_semaphore, #tpu.memory_space<semaphore_mem>>)
      }
      %ge3A_951 = arith.constant 1 : i32
      %ge3A_952 = arith.cmpi sge, %add3A_926, %ge3A_951 : i32
      %convert_element_type3A_953 = arith.extui %ge3A_952 : i1 to i32
      %cond3A_954 = arith.constant 0 : i32
      %cond3A_955 = arith.cmpi ne, %convert_element_type3A_953, %cond3A_954 : i32
      scf.if %cond3A_955 {
        %sub3A_1266 = arith.constant 0 : i32
        %sub3A_1267 = arith.subi %select_n3A_292, %sub3A_1266 : i32
        %sub3A_1268 = arith.constant 1 : i32
        %sub3A_1269 = arith.constant 1 : i32
        %sub3A_1270 = arith.subi %sub3A_1268, %sub3A_1269 : i32
        %add3A_1271 = arith.addi %sub3A_1267, %sub3A_1270 : i32
        %div3A_1272 = arith.constant 1 : i32
        %div3A_1273 = arith.divsi %add3A_1271, %div3A_1272 : i32
        %while3A_1274 = arith.constant 1 : i32
        %while3A_1275 = arith.constant 0 : i32
        %while3A_1276 = arith.constant 0 : i32
        %while3A_1277 = arith.subi %div3A_1273, %while3A_1276 : i32
        %while3A_1278 = arith.addi %while3A_1276, %while3A_1277 : i32
        %while3A_1279 = arith.constant 1 : i32
        %while3A_1280 = arith.divsi %while3A_1277, %while3A_1279 : i32
        %while3A_1281 = arith.muli %while3A_1280, %while3A_1279 : i32
        %while3A_1282 = arith.addi %while3A_1276, %while3A_1281 : i32
        %while3A_1283 = arith.constant 1 : i32
        scf.for %while3A_1297 = %while3A_1276 to %while3A_1282 step %while3A_1283  : i32 {
          %mul3A_1298 = arith.muli %while3A_1297, %while3A_1274 : i32
          %add3A_1299 = arith.addi %while3A_1275, %mul3A_1298 : i32
          %dma_wait3A = arith.constant 0 : i32
          %dma_wait3A_1300 = arith.constant 0 : i32
          %dma_wait3A_1301 = arith.constant 0 : i32
          %dma_wait3A_1302 = arith.constant 0 : i32
          %dma_wait3A_1303 = tpu.memref_slice %arg7[%dma_wait3A_1301, %dma_wait3A_1302] : memref<200x64xf32, #tpu.memory_space<vmem>> -> memref<2x64xf32, #tpu.memory_space<vmem>>
          %dma_wait3A_1304 = arith.constant 0 : i32
          %dma_wait3A_1305 = tpu.memref_slice %arg6[%dma_wait3A, %dma_wait3A_1300, %dma_wait3A_1304] : memref<128x100x2xi32, #tpu.memory_space<vmem>> -> memref<1x1x2xi32, #tpu.memory_space<vmem>>
          %dma_wait3A_1306 = tpu.memref_squeeze %dma_wait3A_1305 : memref<1x1x2xi32, #tpu.memory_space<vmem>> -> memref<2xi32, #tpu.memory_space<vmem>>
          %dma_wait3A_1307 = arith.constant 0 : i32
          %dma_wait3A_1308 = arith.constant 0 : i32
          %dma_wait3A_1309 = tpu.memref_slice %arg2[%dma_wait3A_1307, %dma_wait3A_1308] : memref<1000000x64xf32, #tpu.memory_space<hbm>> -> memref<1000000x64xf32, #tpu.memory_space<hbm>>
          tpu.wait_indirect_dma semaphore(%arg12 : memref<!tpu.dma_semaphore, #tpu.memory_space<semaphore_mem>>) src(%dma_wait3A_1309 : memref<1000000x64xf32, #tpu.memory_space<hbm>>) dst(%dma_wait3A_1303 : memref<2x64xf32, #tpu.memory_space<vmem>>)
        }
        %while3A_1284 = arith.constant 1 : i32
        scf.for %while3A_1297 = %while3A_1282 to %while3A_1278 step %while3A_1284  : i32 {
          %mul3A_1298 = arith.muli %while3A_1297, %while3A_1274 : i32
          %add3A_1299 = arith.addi %while3A_1275, %mul3A_1298 : i32
          %dma_wait3A = arith.constant 0 : i32
          %dma_wait3A_1300 = arith.constant 0 : i32
          %dma_wait3A_1301 = arith.constant 0 : i32
          %dma_wait3A_1302 = arith.constant 0 : i32
          %dma_wait3A_1303 = tpu.memref_slice %arg7[%dma_wait3A_1301, %dma_wait3A_1302] : memref<200x64xf32, #tpu.memory_space<vmem>> -> memref<2x64xf32, #tpu.memory_space<vmem>>
          %dma_wait3A_1304 = arith.constant 0 : i32
          %dma_wait3A_1305 = tpu.memref_slice %arg6[%dma_wait3A, %dma_wait3A_1300, %dma_wait3A_1304] : memref<128x100x2xi32, #tpu.memory_space<vmem>> -> memref<1x1x2xi32, #tpu.memory_space<vmem>>
          %dma_wait3A_1306 = tpu.memref_squeeze %dma_wait3A_1305 : memref<1x1x2xi32, #tpu.memory_space<vmem>> -> memref<2xi32, #tpu.memory_space<vmem>>
          %dma_wait3A_1307 = arith.constant 0 : i32
          %dma_wait3A_1308 = arith.constant 0 : i32
          %dma_wait3A_1309 = tpu.memref_slice %arg2[%dma_wait3A_1307, %dma_wait3A_1308] : memref<1000000x64xf32, #tpu.memory_space<hbm>> -> memref<1000000x64xf32, #tpu.memory_space<hbm>>
          tpu.wait_indirect_dma semaphore(%arg12 : memref<!tpu.dma_semaphore, #tpu.memory_space<semaphore_mem>>) src(%dma_wait3A_1309 : memref<1000000x64xf32, #tpu.memory_space<hbm>>) dst(%dma_wait3A_1303 : memref<2x64xf32, #tpu.memory_space<vmem>>)
        }
        %sub3A_1285 = arith.constant 1 : i32
        %sub3A_1286 = arith.subi %add3A_926, %sub3A_1285 : i32
        %mul3A_1287 = arith.constant 128 : i32
        %mul3A_1288 = arith.muli %add3A, %mul3A_1287 : i32
        %add3A_1289 = arith.addi %mul3A_1288, %sub3A_1286 : i32
        %mul3A_1290 = arith.constant 200 : i32
        %mul3A_1291 = arith.muli %add3A_1289, %mul3A_1290 : i32
        %scan3A_1292 = arith.constant 0 : i32
        %scan3A_1293 = arith.constant 100 : i32
        %scan3A_1294 = arith.addi %scan3A_1292, %scan3A_1293 : i32
        %scan3A_1295 = arith.constant 1 : i32
        scf.for %scan3A_1297 = %scan3A_1292 to %scan3A_1294 step %scan3A_1295  : i32 {
          %mul3A_1298 = arith.constant 1 : i32
          %mul3A_1299 = arith.muli %scan3A_1297, %mul3A_1298 : i32
          %add3A_1300 = arith.constant 0 : i32
          %add3A_1301 = arith.addi %add3A_1300, %mul3A_1299 : i32
          %mul3A_1302 = arith.constant 2 : i32
          %mul3A_1303 = arith.muli %add3A_1301, %mul3A_1302 : i32
          %add3A_1304 = arith.addi %mul3A_1291, %mul3A_1303 : i32
          %lt3A = arith.cmpi slt, %add3A_1301, %select_n3A_292 : i32
          %convert_element_type3A_1305 = arith.extui %lt3A : i1 to i32
          %cond3A_1306 = arith.constant 0 : i32
          %cond3A_1307 = arith.cmpi ne, %convert_element_type3A_1305, %cond3A_1306 : i32
          scf.if %cond3A_1307 {
            %mul3A_1312 = arith.constant 2 : i32
            %mul3A_1313 = arith.muli %add3A_1301, %mul3A_1312 : i32
            %dma_start3A = arith.constant 0 : i32
            %dma_start3A_1314 = tpu.memref_slice %arg7[%mul3A_1313, %dma_start3A] : memref<200x64xf32, #tpu.memory_space<vmem>> -> memref<2x64xf32, #tpu.memory_space<vmem>>
            %dma_start3A_1315 = arith.constant 0 : i32
            %dma_start3A_1316 = tpu.memref_slice %arg5[%add3A_1304, %dma_start3A_1315] : memref<819200x64xf32, #tpu.memory_space<hbm>> -> memref<2x64xf32, #tpu.memory_space<hbm>>
            %dma_start3A_1317 = arith.constant 0 : i32
            %dma_start3A_1318 = tpu.memref_slice %arg5[%add3A_1304, %dma_start3A_1317] : memref<819200x64xf32, #tpu.memory_space<hbm>> -> memref<2x64xf32, #tpu.memory_space<hbm>>
            %dma_start3A_1319 = arith.constant 0 : i32
            %dma_start3A_1320 = tpu.memref_slice %arg7[%mul3A_1313, %dma_start3A_1319] : memref<200x64xf32, #tpu.memory_space<vmem>> -> memref<2x64xf32, #tpu.memory_space<vmem>>
            tpu.enqueue_dma source(%dma_start3A_1320 : memref<2x64xf32, #tpu.memory_space<vmem>>) target(%dma_start3A_1318 : memref<2x64xf32, #tpu.memory_space<hbm>>) target_semaphore(%arg14 : memref<!tpu.dma_semaphore, #tpu.memory_space<semaphore_mem>>)
          } else {
          }
          %ge3A_1308 = arith.cmpi sge, %add3A_1301, %select_n3A_292 : i32
          %convert_element_type3A_1309 = arith.extui %ge3A_1308 : i1 to i32
          %cond3A_1310 = arith.constant 0 : i32
          %cond3A_1311 = arith.cmpi ne, %convert_element_type3A_1309, %cond3A_1310 : i32
          scf.if %cond3A_1311 {
            %dma_start3A = arith.constant 0 : i32
            %dma_start3A_1312 = tpu.memref_slice %arg5[%add3A_1304, %dma_start3A] : memref<819200x64xf32, #tpu.memory_space<hbm>> -> memref<2x64xf32, #tpu.memory_space<hbm>>
            %dma_start3A_1313 = arith.constant 0 : i32
            %dma_start3A_1314 = tpu.memref_slice %arg5[%add3A_1304, %dma_start3A_1313] : memref<819200x64xf32, #tpu.memory_space<hbm>> -> memref<2x64xf32, #tpu.memory_space<hbm>>
            tpu.enqueue_dma source(%arg9 : memref<2x64xf32, #tpu.memory_space<vmem>>) target(%dma_start3A_1314 : memref<2x64xf32, #tpu.memory_space<hbm>>) target_semaphore(%arg14 : memref<!tpu.dma_semaphore, #tpu.memory_space<semaphore_mem>>)
          } else {
          }
        }
        %scan3A_1296 = arith.constant 100 : i32
      } else {
      }
      %add3A_956 = arith.constant 6 : i32
      %add3A_957 = arith.addi %add3A_85, %add3A_956 : i32
      %ge3A_958 = arith.constant 2 : i32
      %ge3A_959 = arith.cmpi sge, %add3A_957, %ge3A_958 : i32
      %convert_element_type3A_960 = arith.extui %ge3A_959 : i1 to i32
      %cond3A_961 = arith.constant 0 : i32
      %cond3A_962 = arith.cmpi ne, %convert_element_type3A_960, %cond3A_961 : i32
      scf.if %cond3A_962 {
        %scan3A_1266 = arith.constant 0 : i32
        %scan3A_1267 = arith.constant 100 : i32
        %scan3A_1268 = arith.addi %scan3A_1266, %scan3A_1267 : i32
        %scan3A_1269 = arith.constant 1 : i32
        scf.for %scan3A_1271 = %scan3A_1266 to %scan3A_1268 step %scan3A_1269  : i32 {
          %mul3A_1272 = arith.constant 1 : i32
          %mul3A_1273 = arith.muli %scan3A_1271, %mul3A_1272 : i32
          %add3A_1274 = arith.constant 0 : i32
          %add3A_1275 = arith.addi %add3A_1274, %mul3A_1273 : i32
          %dma_wait3A = arith.constant 0 : i32
          %dma_wait3A_1276 = arith.constant 0 : i32
          %dma_wait3A_1277 = tpu.memref_slice %arg7[%dma_wait3A, %dma_wait3A_1276] : memref<200x64xf32, #tpu.memory_space<vmem>> -> memref<2x64xf32, #tpu.memory_space<vmem>>
          %dma_wait3A_1278 = arith.constant 0 : i32
          %dma_wait3A_1279 = arith.constant 0 : i32
          %dma_wait3A_1280 = tpu.memref_slice %arg5[%dma_wait3A_1278, %dma_wait3A_1279] : memref<819200x64xf32, #tpu.memory_space<hbm>> -> memref<2x64xf32, #tpu.memory_space<hbm>>
          %dma_wait3A_1281 = arith.constant 0 : i32
          %dma_wait3A_1282 = arith.constant 0 : i32
          %dma_wait3A_1283 = tpu.memref_slice %arg5[%dma_wait3A_1281, %dma_wait3A_1282] : memref<819200x64xf32, #tpu.memory_space<hbm>> -> memref<2x64xf32, #tpu.memory_space<hbm>>
          %dma_wait3A_1284 = arith.constant 0 : i32
          %dma_wait3A_1285 = arith.constant 0 : i32
          %dma_wait3A_1286 = tpu.memref_slice %arg7[%dma_wait3A_1284, %dma_wait3A_1285] : memref<200x64xf32, #tpu.memory_space<vmem>> -> memref<2x64xf32, #tpu.memory_space<vmem>>
          tpu.wait_dma2 semaphore(%arg14 : memref<!tpu.dma_semaphore, #tpu.memory_space<semaphore_mem>>) src(%dma_wait3A_1286 : memref<2x64xf32, #tpu.memory_space<vmem>>) dst(%dma_wait3A_1283 : memref<2x64xf32, #tpu.memory_space<hbm>>)
        }
        %scan3A_1270 = arith.constant 100 : i32
      } else {
      }
      %sub3A_963 = arith.constant 0 : i32
      %sub3A_964 = arith.subi %select_n3A_372, %sub3A_963 : i32
      %sub3A_965 = arith.constant 1 : i32
      %sub3A_966 = arith.constant 1 : i32
      %sub3A_967 = arith.subi %sub3A_965, %sub3A_966 : i32
      %add3A_968 = arith.addi %sub3A_964, %sub3A_967 : i32
      %div3A_969 = arith.constant 1 : i32
      %div3A_970 = arith.divsi %add3A_968, %div3A_969 : i32
      %while3A_971 = arith.constant 1 : i32
      %while3A_972 = arith.constant 0 : i32
      %while3A_973 = arith.constant 0 : i32
      %while3A_974 = arith.subi %div3A_970, %while3A_973 : i32
      %while3A_975 = arith.addi %while3A_973, %while3A_974 : i32
      %while3A_976 = arith.constant 1 : i32
      %while3A_977 = arith.divsi %while3A_974, %while3A_976 : i32
      %while3A_978 = arith.muli %while3A_977, %while3A_976 : i32
      %while3A_979 = arith.addi %while3A_973, %while3A_978 : i32
      %while3A_980 = arith.constant 1 : i32
      scf.for %while3A_1266 = %while3A_973 to %while3A_979 step %while3A_980  : i32 {
        %mul3A_1267 = arith.muli %while3A_1266, %while3A_971 : i32
        %add3A_1268 = arith.addi %while3A_972, %mul3A_1267 : i32
        %mul3A_1269 = arith.constant 2 : i32
        %mul3A_1270 = arith.muli %add3A_1268, %mul3A_1269 : i32
        %dma_start3A = arith.constant 0 : i32
        %dma_start3A_1271 = tpu.memref_slice %arg7[%mul3A_1270, %dma_start3A] : memref<200x64xf32, #tpu.memory_space<vmem>> -> memref<2x64xf32, #tpu.memory_space<vmem>>
        %dma_start3A_1272 = arith.constant 0 : i32
        %dma_start3A_1273 = tpu.memref_slice %arg6[%add3A_957, %add3A_1268, %dma_start3A_1272] : memref<128x100x2xi32, #tpu.memory_space<vmem>> -> memref<1x1x2xi32, #tpu.memory_space<vmem>>
        %dma_start3A_1274 = tpu.memref_squeeze %dma_start3A_1273 : memref<1x1x2xi32, #tpu.memory_space<vmem>> -> memref<2xi32, #tpu.memory_space<vmem>>
        %dma_start3A_1275 = arith.constant 0 : i32
        %dma_start3A_1276 = arith.constant 0 : i32
        %dma_start3A_1277 = tpu.memref_slice %arg2[%dma_start3A_1275, %dma_start3A_1276] : memref<1000000x64xf32, #tpu.memory_space<hbm>> -> memref<1000000x64xf32, #tpu.memory_space<hbm>>
        tpu.enqueue_indirect_dma source(%dma_start3A_1277 : memref<1000000x64xf32, #tpu.memory_space<hbm>>) target(%dma_start3A_1271 : memref<2x64xf32, #tpu.memory_space<vmem>>) offsets(%dma_start3A_1274 : memref<2xi32, #tpu.memory_space<vmem>>) semaphore(%arg12 : memref<!tpu.dma_semaphore, #tpu.memory_space<semaphore_mem>>)
      }
      %while3A_981 = arith.constant 1 : i32
      scf.for %while3A_1266 = %while3A_979 to %while3A_975 step %while3A_981  : i32 {
        %mul3A_1267 = arith.muli %while3A_1266, %while3A_971 : i32
        %add3A_1268 = arith.addi %while3A_972, %mul3A_1267 : i32
        %mul3A_1269 = arith.constant 2 : i32
        %mul3A_1270 = arith.muli %add3A_1268, %mul3A_1269 : i32
        %dma_start3A = arith.constant 0 : i32
        %dma_start3A_1271 = tpu.memref_slice %arg7[%mul3A_1270, %dma_start3A] : memref<200x64xf32, #tpu.memory_space<vmem>> -> memref<2x64xf32, #tpu.memory_space<vmem>>
        %dma_start3A_1272 = arith.constant 0 : i32
        %dma_start3A_1273 = tpu.memref_slice %arg6[%add3A_957, %add3A_1268, %dma_start3A_1272] : memref<128x100x2xi32, #tpu.memory_space<vmem>> -> memref<1x1x2xi32, #tpu.memory_space<vmem>>
        %dma_start3A_1274 = tpu.memref_squeeze %dma_start3A_1273 : memref<1x1x2xi32, #tpu.memory_space<vmem>> -> memref<2xi32, #tpu.memory_space<vmem>>
        %dma_start3A_1275 = arith.constant 0 : i32
        %dma_start3A_1276 = arith.constant 0 : i32
        %dma_start3A_1277 = tpu.memref_slice %arg2[%dma_start3A_1275, %dma_start3A_1276] : memref<1000000x64xf32, #tpu.memory_space<hbm>> -> memref<1000000x64xf32, #tpu.memory_space<hbm>>
        tpu.enqueue_indirect_dma source(%dma_start3A_1277 : memref<1000000x64xf32, #tpu.memory_space<hbm>>) target(%dma_start3A_1271 : memref<2x64xf32, #tpu.memory_space<vmem>>) offsets(%dma_start3A_1274 : memref<2xi32, #tpu.memory_space<vmem>>) semaphore(%arg12 : memref<!tpu.dma_semaphore, #tpu.memory_space<semaphore_mem>>)
      }
      %ge3A_982 = arith.constant 1 : i32
      %ge3A_983 = arith.cmpi sge, %add3A_957, %ge3A_982 : i32
      %convert_element_type3A_984 = arith.extui %ge3A_983 : i1 to i32
      %cond3A_985 = arith.constant 0 : i32
      %cond3A_986 = arith.cmpi ne, %convert_element_type3A_984, %cond3A_985 : i32
      scf.if %cond3A_986 {
        %sub3A_1266 = arith.constant 0 : i32
        %sub3A_1267 = arith.subi %select_n3A_332, %sub3A_1266 : i32
        %sub3A_1268 = arith.constant 1 : i32
        %sub3A_1269 = arith.constant 1 : i32
        %sub3A_1270 = arith.subi %sub3A_1268, %sub3A_1269 : i32
        %add3A_1271 = arith.addi %sub3A_1267, %sub3A_1270 : i32
        %div3A_1272 = arith.constant 1 : i32
        %div3A_1273 = arith.divsi %add3A_1271, %div3A_1272 : i32
        %while3A_1274 = arith.constant 1 : i32
        %while3A_1275 = arith.constant 0 : i32
        %while3A_1276 = arith.constant 0 : i32
        %while3A_1277 = arith.subi %div3A_1273, %while3A_1276 : i32
        %while3A_1278 = arith.addi %while3A_1276, %while3A_1277 : i32
        %while3A_1279 = arith.constant 1 : i32
        %while3A_1280 = arith.divsi %while3A_1277, %while3A_1279 : i32
        %while3A_1281 = arith.muli %while3A_1280, %while3A_1279 : i32
        %while3A_1282 = arith.addi %while3A_1276, %while3A_1281 : i32
        %while3A_1283 = arith.constant 1 : i32
        scf.for %while3A_1297 = %while3A_1276 to %while3A_1282 step %while3A_1283  : i32 {
          %mul3A_1298 = arith.muli %while3A_1297, %while3A_1274 : i32
          %add3A_1299 = arith.addi %while3A_1275, %mul3A_1298 : i32
          %dma_wait3A = arith.constant 0 : i32
          %dma_wait3A_1300 = arith.constant 0 : i32
          %dma_wait3A_1301 = arith.constant 0 : i32
          %dma_wait3A_1302 = arith.constant 0 : i32
          %dma_wait3A_1303 = tpu.memref_slice %arg8[%dma_wait3A_1301, %dma_wait3A_1302] : memref<200x64xf32, #tpu.memory_space<vmem>> -> memref<2x64xf32, #tpu.memory_space<vmem>>
          %dma_wait3A_1304 = arith.constant 0 : i32
          %dma_wait3A_1305 = tpu.memref_slice %arg6[%dma_wait3A, %dma_wait3A_1300, %dma_wait3A_1304] : memref<128x100x2xi32, #tpu.memory_space<vmem>> -> memref<1x1x2xi32, #tpu.memory_space<vmem>>
          %dma_wait3A_1306 = tpu.memref_squeeze %dma_wait3A_1305 : memref<1x1x2xi32, #tpu.memory_space<vmem>> -> memref<2xi32, #tpu.memory_space<vmem>>
          %dma_wait3A_1307 = arith.constant 0 : i32
          %dma_wait3A_1308 = arith.constant 0 : i32
          %dma_wait3A_1309 = tpu.memref_slice %arg2[%dma_wait3A_1307, %dma_wait3A_1308] : memref<1000000x64xf32, #tpu.memory_space<hbm>> -> memref<1000000x64xf32, #tpu.memory_space<hbm>>
          tpu.wait_indirect_dma semaphore(%arg13 : memref<!tpu.dma_semaphore, #tpu.memory_space<semaphore_mem>>) src(%dma_wait3A_1309 : memref<1000000x64xf32, #tpu.memory_space<hbm>>) dst(%dma_wait3A_1303 : memref<2x64xf32, #tpu.memory_space<vmem>>)
        }
        %while3A_1284 = arith.constant 1 : i32
        scf.for %while3A_1297 = %while3A_1282 to %while3A_1278 step %while3A_1284  : i32 {
          %mul3A_1298 = arith.muli %while3A_1297, %while3A_1274 : i32
          %add3A_1299 = arith.addi %while3A_1275, %mul3A_1298 : i32
          %dma_wait3A = arith.constant 0 : i32
          %dma_wait3A_1300 = arith.constant 0 : i32
          %dma_wait3A_1301 = arith.constant 0 : i32
          %dma_wait3A_1302 = arith.constant 0 : i32
          %dma_wait3A_1303 = tpu.memref_slice %arg8[%dma_wait3A_1301, %dma_wait3A_1302] : memref<200x64xf32, #tpu.memory_space<vmem>> -> memref<2x64xf32, #tpu.memory_space<vmem>>
          %dma_wait3A_1304 = arith.constant 0 : i32
          %dma_wait3A_1305 = tpu.memref_slice %arg6[%dma_wait3A, %dma_wait3A_1300, %dma_wait3A_1304] : memref<128x100x2xi32, #tpu.memory_space<vmem>> -> memref<1x1x2xi32, #tpu.memory_space<vmem>>
          %dma_wait3A_1306 = tpu.memref_squeeze %dma_wait3A_1305 : memref<1x1x2xi32, #tpu.memory_space<vmem>> -> memref<2xi32, #tpu.memory_space<vmem>>
          %dma_wait3A_1307 = arith.constant 0 : i32
          %dma_wait3A_1308 = arith.constant 0 : i32
          %dma_wait3A_1309 = tpu.memref_slice %arg2[%dma_wait3A_1307, %dma_wait3A_1308] : memref<1000000x64xf32, #tpu.memory_space<hbm>> -> memref<1000000x64xf32, #tpu.memory_space<hbm>>
          tpu.wait_indirect_dma semaphore(%arg13 : memref<!tpu.dma_semaphore, #tpu.memory_space<semaphore_mem>>) src(%dma_wait3A_1309 : memref<1000000x64xf32, #tpu.memory_space<hbm>>) dst(%dma_wait3A_1303 : memref<2x64xf32, #tpu.memory_space<vmem>>)
        }
        %sub3A_1285 = arith.constant 1 : i32
        %sub3A_1286 = arith.subi %add3A_957, %sub3A_1285 : i32
        %mul3A_1287 = arith.constant 128 : i32
        %mul3A_1288 = arith.muli %add3A, %mul3A_1287 : i32
        %add3A_1289 = arith.addi %mul3A_1288, %sub3A_1286 : i32
        %mul3A_1290 = arith.constant 200 : i32
        %mul3A_1291 = arith.muli %add3A_1289, %mul3A_1290 : i32
        %scan3A_1292 = arith.constant 0 : i32
        %scan3A_1293 = arith.constant 100 : i32
        %scan3A_1294 = arith.addi %scan3A_1292, %scan3A_1293 : i32
        %scan3A_1295 = arith.constant 1 : i32
        scf.for %scan3A_1297 = %scan3A_1292 to %scan3A_1294 step %scan3A_1295  : i32 {
          %mul3A_1298 = arith.constant 1 : i32
          %mul3A_1299 = arith.muli %scan3A_1297, %mul3A_1298 : i32
          %add3A_1300 = arith.constant 0 : i32
          %add3A_1301 = arith.addi %add3A_1300, %mul3A_1299 : i32
          %mul3A_1302 = arith.constant 2 : i32
          %mul3A_1303 = arith.muli %add3A_1301, %mul3A_1302 : i32
          %add3A_1304 = arith.addi %mul3A_1291, %mul3A_1303 : i32
          %lt3A = arith.cmpi slt, %add3A_1301, %select_n3A_332 : i32
          %convert_element_type3A_1305 = arith.extui %lt3A : i1 to i32
          %cond3A_1306 = arith.constant 0 : i32
          %cond3A_1307 = arith.cmpi ne, %convert_element_type3A_1305, %cond3A_1306 : i32
          scf.if %cond3A_1307 {
            %mul3A_1312 = arith.constant 2 : i32
            %mul3A_1313 = arith.muli %add3A_1301, %mul3A_1312 : i32
            %dma_start3A = arith.constant 0 : i32
            %dma_start3A_1314 = tpu.memref_slice %arg8[%mul3A_1313, %dma_start3A] : memref<200x64xf32, #tpu.memory_space<vmem>> -> memref<2x64xf32, #tpu.memory_space<vmem>>
            %dma_start3A_1315 = arith.constant 0 : i32
            %dma_start3A_1316 = tpu.memref_slice %arg5[%add3A_1304, %dma_start3A_1315] : memref<819200x64xf32, #tpu.memory_space<hbm>> -> memref<2x64xf32, #tpu.memory_space<hbm>>
            %dma_start3A_1317 = arith.constant 0 : i32
            %dma_start3A_1318 = tpu.memref_slice %arg5[%add3A_1304, %dma_start3A_1317] : memref<819200x64xf32, #tpu.memory_space<hbm>> -> memref<2x64xf32, #tpu.memory_space<hbm>>
            %dma_start3A_1319 = arith.constant 0 : i32
            %dma_start3A_1320 = tpu.memref_slice %arg8[%mul3A_1313, %dma_start3A_1319] : memref<200x64xf32, #tpu.memory_space<vmem>> -> memref<2x64xf32, #tpu.memory_space<vmem>>
            tpu.enqueue_dma source(%dma_start3A_1320 : memref<2x64xf32, #tpu.memory_space<vmem>>) target(%dma_start3A_1318 : memref<2x64xf32, #tpu.memory_space<hbm>>) target_semaphore(%arg15 : memref<!tpu.dma_semaphore, #tpu.memory_space<semaphore_mem>>)
          } else {
          }
          %ge3A_1308 = arith.cmpi sge, %add3A_1301, %select_n3A_332 : i32
          %convert_element_type3A_1309 = arith.extui %ge3A_1308 : i1 to i32
          %cond3A_1310 = arith.constant 0 : i32
          %cond3A_1311 = arith.cmpi ne, %convert_element_type3A_1309, %cond3A_1310 : i32
          scf.if %cond3A_1311 {
            %dma_start3A = arith.constant 0 : i32
            %dma_start3A_1312 = tpu.memref_slice %arg5[%add3A_1304, %dma_start3A] : memref<819200x64xf32, #tpu.memory_space<hbm>> -> memref<2x64xf32, #tpu.memory_space<hbm>>
            %dma_start3A_1313 = arith.constant 0 : i32
            %dma_start3A_1314 = tpu.memref_slice %arg5[%add3A_1304, %dma_start3A_1313] : memref<819200x64xf32, #tpu.memory_space<hbm>> -> memref<2x64xf32, #tpu.memory_space<hbm>>
            tpu.enqueue_dma source(%arg9 : memref<2x64xf32, #tpu.memory_space<vmem>>) target(%dma_start3A_1314 : memref<2x64xf32, #tpu.memory_space<hbm>>) target_semaphore(%arg15 : memref<!tpu.dma_semaphore, #tpu.memory_space<semaphore_mem>>)
          } else {
          }
        }
        %scan3A_1296 = arith.constant 100 : i32
      } else {
      }
      %add3A_987 = arith.constant 7 : i32
      %add3A_988 = arith.addi %add3A_85, %add3A_987 : i32
      %ge3A_989 = arith.constant 2 : i32
      %ge3A_990 = arith.cmpi sge, %add3A_988, %ge3A_989 : i32
      %convert_element_type3A_991 = arith.extui %ge3A_990 : i1 to i32
      %cond3A_992 = arith.constant 0 : i32
      %cond3A_993 = arith.cmpi ne, %convert_element_type3A_991, %cond3A_992 : i32
      scf.if %cond3A_993 {
        %scan3A_1266 = arith.constant 0 : i32
        %scan3A_1267 = arith.constant 100 : i32
        %scan3A_1268 = arith.addi %scan3A_1266, %scan3A_1267 : i32
        %scan3A_1269 = arith.constant 1 : i32
        scf.for %scan3A_1271 = %scan3A_1266 to %scan3A_1268 step %scan3A_1269  : i32 {
          %mul3A_1272 = arith.constant 1 : i32
          %mul3A_1273 = arith.muli %scan3A_1271, %mul3A_1272 : i32
          %add3A_1274 = arith.constant 0 : i32
          %add3A_1275 = arith.addi %add3A_1274, %mul3A_1273 : i32
          %dma_wait3A = arith.constant 0 : i32
          %dma_wait3A_1276 = arith.constant 0 : i32
          %dma_wait3A_1277 = tpu.memref_slice %arg8[%dma_wait3A, %dma_wait3A_1276] : memref<200x64xf32, #tpu.memory_space<vmem>> -> memref<2x64xf32, #tpu.memory_space<vmem>>
          %dma_wait3A_1278 = arith.constant 0 : i32
          %dma_wait3A_1279 = arith.constant 0 : i32
          %dma_wait3A_1280 = tpu.memref_slice %arg5[%dma_wait3A_1278, %dma_wait3A_1279] : memref<819200x64xf32, #tpu.memory_space<hbm>> -> memref<2x64xf32, #tpu.memory_space<hbm>>
          %dma_wait3A_1281 = arith.constant 0 : i32
          %dma_wait3A_1282 = arith.constant 0 : i32
          %dma_wait3A_1283 = tpu.memref_slice %arg5[%dma_wait3A_1281, %dma_wait3A_1282] : memref<819200x64xf32, #tpu.memory_space<hbm>> -> memref<2x64xf32, #tpu.memory_space<hbm>>
          %dma_wait3A_1284 = arith.constant 0 : i32
          %dma_wait3A_1285 = arith.constant 0 : i32
          %dma_wait3A_1286 = tpu.memref_slice %arg8[%dma_wait3A_1284, %dma_wait3A_1285] : memref<200x64xf32, #tpu.memory_space<vmem>> -> memref<2x64xf32, #tpu.memory_space<vmem>>
          tpu.wait_dma2 semaphore(%arg15 : memref<!tpu.dma_semaphore, #tpu.memory_space<semaphore_mem>>) src(%dma_wait3A_1286 : memref<2x64xf32, #tpu.memory_space<vmem>>) dst(%dma_wait3A_1283 : memref<2x64xf32, #tpu.memory_space<hbm>>)
        }
        %scan3A_1270 = arith.constant 100 : i32
      } else {
      }
      %sub3A_994 = arith.constant 0 : i32
      %sub3A_995 = arith.subi %select_n3A_412, %sub3A_994 : i32
      %sub3A_996 = arith.constant 1 : i32
      %sub3A_997 = arith.constant 1 : i32
      %sub3A_998 = arith.subi %sub3A_996, %sub3A_997 : i32
      %add3A_999 = arith.addi %sub3A_995, %sub3A_998 : i32
      %div3A_1000 = arith.constant 1 : i32
      %div3A_1001 = arith.divsi %add3A_999, %div3A_1000 : i32
      %while3A_1002 = arith.constant 1 : i32
      %while3A_1003 = arith.constant 0 : i32
      %while3A_1004 = arith.constant 0 : i32
      %while3A_1005 = arith.subi %div3A_1001, %while3A_1004 : i32
      %while3A_1006 = arith.addi %while3A_1004, %while3A_1005 : i32
      %while3A_1007 = arith.constant 1 : i32
      %while3A_1008 = arith.divsi %while3A_1005, %while3A_1007 : i32
      %while3A_1009 = arith.muli %while3A_1008, %while3A_1007 : i32
      %while3A_1010 = arith.addi %while3A_1004, %while3A_1009 : i32
      %while3A_1011 = arith.constant 1 : i32
      scf.for %while3A_1266 = %while3A_1004 to %while3A_1010 step %while3A_1011  : i32 {
        %mul3A_1267 = arith.muli %while3A_1266, %while3A_1002 : i32
        %add3A_1268 = arith.addi %while3A_1003, %mul3A_1267 : i32
        %mul3A_1269 = arith.constant 2 : i32
        %mul3A_1270 = arith.muli %add3A_1268, %mul3A_1269 : i32
        %dma_start3A = arith.constant 0 : i32
        %dma_start3A_1271 = tpu.memref_slice %arg8[%mul3A_1270, %dma_start3A] : memref<200x64xf32, #tpu.memory_space<vmem>> -> memref<2x64xf32, #tpu.memory_space<vmem>>
        %dma_start3A_1272 = arith.constant 0 : i32
        %dma_start3A_1273 = tpu.memref_slice %arg6[%add3A_988, %add3A_1268, %dma_start3A_1272] : memref<128x100x2xi32, #tpu.memory_space<vmem>> -> memref<1x1x2xi32, #tpu.memory_space<vmem>>
        %dma_start3A_1274 = tpu.memref_squeeze %dma_start3A_1273 : memref<1x1x2xi32, #tpu.memory_space<vmem>> -> memref<2xi32, #tpu.memory_space<vmem>>
        %dma_start3A_1275 = arith.constant 0 : i32
        %dma_start3A_1276 = arith.constant 0 : i32
        %dma_start3A_1277 = tpu.memref_slice %arg2[%dma_start3A_1275, %dma_start3A_1276] : memref<1000000x64xf32, #tpu.memory_space<hbm>> -> memref<1000000x64xf32, #tpu.memory_space<hbm>>
        tpu.enqueue_indirect_dma source(%dma_start3A_1277 : memref<1000000x64xf32, #tpu.memory_space<hbm>>) target(%dma_start3A_1271 : memref<2x64xf32, #tpu.memory_space<vmem>>) offsets(%dma_start3A_1274 : memref<2xi32, #tpu.memory_space<vmem>>) semaphore(%arg13 : memref<!tpu.dma_semaphore, #tpu.memory_space<semaphore_mem>>)
      }
      %while3A_1012 = arith.constant 1 : i32
      scf.for %while3A_1266 = %while3A_1010 to %while3A_1006 step %while3A_1012  : i32 {
        %mul3A_1267 = arith.muli %while3A_1266, %while3A_1002 : i32
        %add3A_1268 = arith.addi %while3A_1003, %mul3A_1267 : i32
        %mul3A_1269 = arith.constant 2 : i32
        %mul3A_1270 = arith.muli %add3A_1268, %mul3A_1269 : i32
        %dma_start3A = arith.constant 0 : i32
        %dma_start3A_1271 = tpu.memref_slice %arg8[%mul3A_1270, %dma_start3A] : memref<200x64xf32, #tpu.memory_space<vmem>> -> memref<2x64xf32, #tpu.memory_space<vmem>>
        %dma_start3A_1272 = arith.constant 0 : i32
        %dma_start3A_1273 = tpu.memref_slice %arg6[%add3A_988, %add3A_1268, %dma_start3A_1272] : memref<128x100x2xi32, #tpu.memory_space<vmem>> -> memref<1x1x2xi32, #tpu.memory_space<vmem>>
        %dma_start3A_1274 = tpu.memref_squeeze %dma_start3A_1273 : memref<1x1x2xi32, #tpu.memory_space<vmem>> -> memref<2xi32, #tpu.memory_space<vmem>>
        %dma_start3A_1275 = arith.constant 0 : i32
        %dma_start3A_1276 = arith.constant 0 : i32
        %dma_start3A_1277 = tpu.memref_slice %arg2[%dma_start3A_1275, %dma_start3A_1276] : memref<1000000x64xf32, #tpu.memory_space<hbm>> -> memref<1000000x64xf32, #tpu.memory_space<hbm>>
        tpu.enqueue_indirect_dma source(%dma_start3A_1277 : memref<1000000x64xf32, #tpu.memory_space<hbm>>) target(%dma_start3A_1271 : memref<2x64xf32, #tpu.memory_space<vmem>>) offsets(%dma_start3A_1274 : memref<2xi32, #tpu.memory_space<vmem>>) semaphore(%arg13 : memref<!tpu.dma_semaphore, #tpu.memory_space<semaphore_mem>>)
      }
      %ge3A_1013 = arith.constant 1 : i32
      %ge3A_1014 = arith.cmpi sge, %add3A_988, %ge3A_1013 : i32
      %convert_element_type3A_1015 = arith.extui %ge3A_1014 : i1 to i32
      %cond3A_1016 = arith.constant 0 : i32
      %cond3A_1017 = arith.cmpi ne, %convert_element_type3A_1015, %cond3A_1016 : i32
      scf.if %cond3A_1017 {
        %sub3A_1266 = arith.constant 0 : i32
        %sub3A_1267 = arith.subi %select_n3A_372, %sub3A_1266 : i32
        %sub3A_1268 = arith.constant 1 : i32
        %sub3A_1269 = arith.constant 1 : i32
        %sub3A_1270 = arith.subi %sub3A_1268, %sub3A_1269 : i32
        %add3A_1271 = arith.addi %sub3A_1267, %sub3A_1270 : i32
        %div3A_1272 = arith.constant 1 : i32
        %div3A_1273 = arith.divsi %add3A_1271, %div3A_1272 : i32
        %while3A_1274 = arith.constant 1 : i32
        %while3A_1275 = arith.constant 0 : i32
        %while3A_1276 = arith.constant 0 : i32
        %while3A_1277 = arith.subi %div3A_1273, %while3A_1276 : i32
        %while3A_1278 = arith.addi %while3A_1276, %while3A_1277 : i32
        %while3A_1279 = arith.constant 1 : i32
        %while3A_1280 = arith.divsi %while3A_1277, %while3A_1279 : i32
        %while3A_1281 = arith.muli %while3A_1280, %while3A_1279 : i32
        %while3A_1282 = arith.addi %while3A_1276, %while3A_1281 : i32
        %while3A_1283 = arith.constant 1 : i32
        scf.for %while3A_1297 = %while3A_1276 to %while3A_1282 step %while3A_1283  : i32 {
          %mul3A_1298 = arith.muli %while3A_1297, %while3A_1274 : i32
          %add3A_1299 = arith.addi %while3A_1275, %mul3A_1298 : i32
          %dma_wait3A = arith.constant 0 : i32
          %dma_wait3A_1300 = arith.constant 0 : i32
          %dma_wait3A_1301 = arith.constant 0 : i32
          %dma_wait3A_1302 = arith.constant 0 : i32
          %dma_wait3A_1303 = tpu.memref_slice %arg7[%dma_wait3A_1301, %dma_wait3A_1302] : memref<200x64xf32, #tpu.memory_space<vmem>> -> memref<2x64xf32, #tpu.memory_space<vmem>>
          %dma_wait3A_1304 = arith.constant 0 : i32
          %dma_wait3A_1305 = tpu.memref_slice %arg6[%dma_wait3A, %dma_wait3A_1300, %dma_wait3A_1304] : memref<128x100x2xi32, #tpu.memory_space<vmem>> -> memref<1x1x2xi32, #tpu.memory_space<vmem>>
          %dma_wait3A_1306 = tpu.memref_squeeze %dma_wait3A_1305 : memref<1x1x2xi32, #tpu.memory_space<vmem>> -> memref<2xi32, #tpu.memory_space<vmem>>
          %dma_wait3A_1307 = arith.constant 0 : i32
          %dma_wait3A_1308 = arith.constant 0 : i32
          %dma_wait3A_1309 = tpu.memref_slice %arg2[%dma_wait3A_1307, %dma_wait3A_1308] : memref<1000000x64xf32, #tpu.memory_space<hbm>> -> memref<1000000x64xf32, #tpu.memory_space<hbm>>
          tpu.wait_indirect_dma semaphore(%arg12 : memref<!tpu.dma_semaphore, #tpu.memory_space<semaphore_mem>>) src(%dma_wait3A_1309 : memref<1000000x64xf32, #tpu.memory_space<hbm>>) dst(%dma_wait3A_1303 : memref<2x64xf32, #tpu.memory_space<vmem>>)
        }
        %while3A_1284 = arith.constant 1 : i32
        scf.for %while3A_1297 = %while3A_1282 to %while3A_1278 step %while3A_1284  : i32 {
          %mul3A_1298 = arith.muli %while3A_1297, %while3A_1274 : i32
          %add3A_1299 = arith.addi %while3A_1275, %mul3A_1298 : i32
          %dma_wait3A = arith.constant 0 : i32
          %dma_wait3A_1300 = arith.constant 0 : i32
          %dma_wait3A_1301 = arith.constant 0 : i32
          %dma_wait3A_1302 = arith.constant 0 : i32
          %dma_wait3A_1303 = tpu.memref_slice %arg7[%dma_wait3A_1301, %dma_wait3A_1302] : memref<200x64xf32, #tpu.memory_space<vmem>> -> memref<2x64xf32, #tpu.memory_space<vmem>>
          %dma_wait3A_1304 = arith.constant 0 : i32
          %dma_wait3A_1305 = tpu.memref_slice %arg6[%dma_wait3A, %dma_wait3A_1300, %dma_wait3A_1304] : memref<128x100x2xi32, #tpu.memory_space<vmem>> -> memref<1x1x2xi32, #tpu.memory_space<vmem>>
          %dma_wait3A_1306 = tpu.memref_squeeze %dma_wait3A_1305 : memref<1x1x2xi32, #tpu.memory_space<vmem>> -> memref<2xi32, #tpu.memory_space<vmem>>
          %dma_wait3A_1307 = arith.constant 0 : i32
          %dma_wait3A_1308 = arith.constant 0 : i32
          %dma_wait3A_1309 = tpu.memref_slice %arg2[%dma_wait3A_1307, %dma_wait3A_1308] : memref<1000000x64xf32, #tpu.memory_space<hbm>> -> memref<1000000x64xf32, #tpu.memory_space<hbm>>
          tpu.wait_indirect_dma semaphore(%arg12 : memref<!tpu.dma_semaphore, #tpu.memory_space<semaphore_mem>>) src(%dma_wait3A_1309 : memref<1000000x64xf32, #tpu.memory_space<hbm>>) dst(%dma_wait3A_1303 : memref<2x64xf32, #tpu.memory_space<vmem>>)
        }
        %sub3A_1285 = arith.constant 1 : i32
        %sub3A_1286 = arith.subi %add3A_988, %sub3A_1285 : i32
        %mul3A_1287 = arith.constant 128 : i32
        %mul3A_1288 = arith.muli %add3A, %mul3A_1287 : i32
        %add3A_1289 = arith.addi %mul3A_1288, %sub3A_1286 : i32
        %mul3A_1290 = arith.constant 200 : i32
        %mul3A_1291 = arith.muli %add3A_1289, %mul3A_1290 : i32
        %scan3A_1292 = arith.constant 0 : i32
        %scan3A_1293 = arith.constant 100 : i32
        %scan3A_1294 = arith.addi %scan3A_1292, %scan3A_1293 : i32
        %scan3A_1295 = arith.constant 1 : i32
        scf.for %scan3A_1297 = %scan3A_1292 to %scan3A_1294 step %scan3A_1295  : i32 {
          %mul3A_1298 = arith.constant 1 : i32
          %mul3A_1299 = arith.muli %scan3A_1297, %mul3A_1298 : i32
          %add3A_1300 = arith.constant 0 : i32
          %add3A_1301 = arith.addi %add3A_1300, %mul3A_1299 : i32
          %mul3A_1302 = arith.constant 2 : i32
          %mul3A_1303 = arith.muli %add3A_1301, %mul3A_1302 : i32
          %add3A_1304 = arith.addi %mul3A_1291, %mul3A_1303 : i32
          %lt3A = arith.cmpi slt, %add3A_1301, %select_n3A_372 : i32
          %convert_element_type3A_1305 = arith.extui %lt3A : i1 to i32
          %cond3A_1306 = arith.constant 0 : i32
          %cond3A_1307 = arith.cmpi ne, %convert_element_type3A_1305, %cond3A_1306 : i32
          scf.if %cond3A_1307 {
            %mul3A_1312 = arith.constant 2 : i32
            %mul3A_1313 = arith.muli %add3A_1301, %mul3A_1312 : i32
            %dma_start3A = arith.constant 0 : i32
            %dma_start3A_1314 = tpu.memref_slice %arg7[%mul3A_1313, %dma_start3A] : memref<200x64xf32, #tpu.memory_space<vmem>> -> memref<2x64xf32, #tpu.memory_space<vmem>>
            %dma_start3A_1315 = arith.constant 0 : i32
            %dma_start3A_1316 = tpu.memref_slice %arg5[%add3A_1304, %dma_start3A_1315] : memref<819200x64xf32, #tpu.memory_space<hbm>> -> memref<2x64xf32, #tpu.memory_space<hbm>>
            %dma_start3A_1317 = arith.constant 0 : i32
            %dma_start3A_1318 = tpu.memref_slice %arg5[%add3A_1304, %dma_start3A_1317] : memref<819200x64xf32, #tpu.memory_space<hbm>> -> memref<2x64xf32, #tpu.memory_space<hbm>>
            %dma_start3A_1319 = arith.constant 0 : i32
            %dma_start3A_1320 = tpu.memref_slice %arg7[%mul3A_1313, %dma_start3A_1319] : memref<200x64xf32, #tpu.memory_space<vmem>> -> memref<2x64xf32, #tpu.memory_space<vmem>>
            tpu.enqueue_dma source(%dma_start3A_1320 : memref<2x64xf32, #tpu.memory_space<vmem>>) target(%dma_start3A_1318 : memref<2x64xf32, #tpu.memory_space<hbm>>) target_semaphore(%arg14 : memref<!tpu.dma_semaphore, #tpu.memory_space<semaphore_mem>>)
          } else {
          }
          %ge3A_1308 = arith.cmpi sge, %add3A_1301, %select_n3A_372 : i32
          %convert_element_type3A_1309 = arith.extui %ge3A_1308 : i1 to i32
          %cond3A_1310 = arith.constant 0 : i32
          %cond3A_1311 = arith.cmpi ne, %convert_element_type3A_1309, %cond3A_1310 : i32
          scf.if %cond3A_1311 {
            %dma_start3A = arith.constant 0 : i32
            %dma_start3A_1312 = tpu.memref_slice %arg5[%add3A_1304, %dma_start3A] : memref<819200x64xf32, #tpu.memory_space<hbm>> -> memref<2x64xf32, #tpu.memory_space<hbm>>
            %dma_start3A_1313 = arith.constant 0 : i32
            %dma_start3A_1314 = tpu.memref_slice %arg5[%add3A_1304, %dma_start3A_1313] : memref<819200x64xf32, #tpu.memory_space<hbm>> -> memref<2x64xf32, #tpu.memory_space<hbm>>
            tpu.enqueue_dma source(%arg9 : memref<2x64xf32, #tpu.memory_space<vmem>>) target(%dma_start3A_1314 : memref<2x64xf32, #tpu.memory_space<hbm>>) target_semaphore(%arg14 : memref<!tpu.dma_semaphore, #tpu.memory_space<semaphore_mem>>)
          } else {
          }
        }
        %scan3A_1296 = arith.constant 100 : i32
      } else {
      }
      %add3A_1018 = arith.constant 8 : i32
      %add3A_1019 = arith.addi %add3A_85, %add3A_1018 : i32
      %ge3A_1020 = arith.constant 2 : i32
      %ge3A_1021 = arith.cmpi sge, %add3A_1019, %ge3A_1020 : i32
      %convert_element_type3A_1022 = arith.extui %ge3A_1021 : i1 to i32
      %cond3A_1023 = arith.constant 0 : i32
      %cond3A_1024 = arith.cmpi ne, %convert_element_type3A_1022, %cond3A_1023 : i32
      scf.if %cond3A_1024 {
        %scan3A_1266 = arith.constant 0 : i32
        %scan3A_1267 = arith.constant 100 : i32
        %scan3A_1268 = arith.addi %scan3A_1266, %scan3A_1267 : i32
        %scan3A_1269 = arith.constant 1 : i32
        scf.for %scan3A_1271 = %scan3A_1266 to %scan3A_1268 step %scan3A_1269  : i32 {
          %mul3A_1272 = arith.constant 1 : i32
          %mul3A_1273 = arith.muli %scan3A_1271, %mul3A_1272 : i32
          %add3A_1274 = arith.constant 0 : i32
          %add3A_1275 = arith.addi %add3A_1274, %mul3A_1273 : i32
          %dma_wait3A = arith.constant 0 : i32
          %dma_wait3A_1276 = arith.constant 0 : i32
          %dma_wait3A_1277 = tpu.memref_slice %arg7[%dma_wait3A, %dma_wait3A_1276] : memref<200x64xf32, #tpu.memory_space<vmem>> -> memref<2x64xf32, #tpu.memory_space<vmem>>
          %dma_wait3A_1278 = arith.constant 0 : i32
          %dma_wait3A_1279 = arith.constant 0 : i32
          %dma_wait3A_1280 = tpu.memref_slice %arg5[%dma_wait3A_1278, %dma_wait3A_1279] : memref<819200x64xf32, #tpu.memory_space<hbm>> -> memref<2x64xf32, #tpu.memory_space<hbm>>
          %dma_wait3A_1281 = arith.constant 0 : i32
          %dma_wait3A_1282 = arith.constant 0 : i32
          %dma_wait3A_1283 = tpu.memref_slice %arg5[%dma_wait3A_1281, %dma_wait3A_1282] : memref<819200x64xf32, #tpu.memory_space<hbm>> -> memref<2x64xf32, #tpu.memory_space<hbm>>
          %dma_wait3A_1284 = arith.constant 0 : i32
          %dma_wait3A_1285 = arith.constant 0 : i32
          %dma_wait3A_1286 = tpu.memref_slice %arg7[%dma_wait3A_1284, %dma_wait3A_1285] : memref<200x64xf32, #tpu.memory_space<vmem>> -> memref<2x64xf32, #tpu.memory_space<vmem>>
          tpu.wait_dma2 semaphore(%arg14 : memref<!tpu.dma_semaphore, #tpu.memory_space<semaphore_mem>>) src(%dma_wait3A_1286 : memref<2x64xf32, #tpu.memory_space<vmem>>) dst(%dma_wait3A_1283 : memref<2x64xf32, #tpu.memory_space<hbm>>)
        }
        %scan3A_1270 = arith.constant 100 : i32
      } else {
      }
      %sub3A_1025 = arith.constant 0 : i32
      %sub3A_1026 = arith.subi %select_n3A_452, %sub3A_1025 : i32
      %sub3A_1027 = arith.constant 1 : i32
      %sub3A_1028 = arith.constant 1 : i32
      %sub3A_1029 = arith.subi %sub3A_1027, %sub3A_1028 : i32
      %add3A_1030 = arith.addi %sub3A_1026, %sub3A_1029 : i32
      %div3A_1031 = arith.constant 1 : i32
      %div3A_1032 = arith.divsi %add3A_1030, %div3A_1031 : i32
      %while3A_1033 = arith.constant 1 : i32
      %while3A_1034 = arith.constant 0 : i32
      %while3A_1035 = arith.constant 0 : i32
      %while3A_1036 = arith.subi %div3A_1032, %while3A_1035 : i32
      %while3A_1037 = arith.addi %while3A_1035, %while3A_1036 : i32
      %while3A_1038 = arith.constant 1 : i32
      %while3A_1039 = arith.divsi %while3A_1036, %while3A_1038 : i32
      %while3A_1040 = arith.muli %while3A_1039, %while3A_1038 : i32
      %while3A_1041 = arith.addi %while3A_1035, %while3A_1040 : i32
      %while3A_1042 = arith.constant 1 : i32
      scf.for %while3A_1266 = %while3A_1035 to %while3A_1041 step %while3A_1042  : i32 {
        %mul3A_1267 = arith.muli %while3A_1266, %while3A_1033 : i32
        %add3A_1268 = arith.addi %while3A_1034, %mul3A_1267 : i32
        %mul3A_1269 = arith.constant 2 : i32
        %mul3A_1270 = arith.muli %add3A_1268, %mul3A_1269 : i32
        %dma_start3A = arith.constant 0 : i32
        %dma_start3A_1271 = tpu.memref_slice %arg7[%mul3A_1270, %dma_start3A] : memref<200x64xf32, #tpu.memory_space<vmem>> -> memref<2x64xf32, #tpu.memory_space<vmem>>
        %dma_start3A_1272 = arith.constant 0 : i32
        %dma_start3A_1273 = tpu.memref_slice %arg6[%add3A_1019, %add3A_1268, %dma_start3A_1272] : memref<128x100x2xi32, #tpu.memory_space<vmem>> -> memref<1x1x2xi32, #tpu.memory_space<vmem>>
        %dma_start3A_1274 = tpu.memref_squeeze %dma_start3A_1273 : memref<1x1x2xi32, #tpu.memory_space<vmem>> -> memref<2xi32, #tpu.memory_space<vmem>>
        %dma_start3A_1275 = arith.constant 0 : i32
        %dma_start3A_1276 = arith.constant 0 : i32
        %dma_start3A_1277 = tpu.memref_slice %arg2[%dma_start3A_1275, %dma_start3A_1276] : memref<1000000x64xf32, #tpu.memory_space<hbm>> -> memref<1000000x64xf32, #tpu.memory_space<hbm>>
        tpu.enqueue_indirect_dma source(%dma_start3A_1277 : memref<1000000x64xf32, #tpu.memory_space<hbm>>) target(%dma_start3A_1271 : memref<2x64xf32, #tpu.memory_space<vmem>>) offsets(%dma_start3A_1274 : memref<2xi32, #tpu.memory_space<vmem>>) semaphore(%arg12 : memref<!tpu.dma_semaphore, #tpu.memory_space<semaphore_mem>>)
      }
      %while3A_1043 = arith.constant 1 : i32
      scf.for %while3A_1266 = %while3A_1041 to %while3A_1037 step %while3A_1043  : i32 {
        %mul3A_1267 = arith.muli %while3A_1266, %while3A_1033 : i32
        %add3A_1268 = arith.addi %while3A_1034, %mul3A_1267 : i32
        %mul3A_1269 = arith.constant 2 : i32
        %mul3A_1270 = arith.muli %add3A_1268, %mul3A_1269 : i32
        %dma_start3A = arith.constant 0 : i32
        %dma_start3A_1271 = tpu.memref_slice %arg7[%mul3A_1270, %dma_start3A] : memref<200x64xf32, #tpu.memory_space<vmem>> -> memref<2x64xf32, #tpu.memory_space<vmem>>
        %dma_start3A_1272 = arith.constant 0 : i32
        %dma_start3A_1273 = tpu.memref_slice %arg6[%add3A_1019, %add3A_1268, %dma_start3A_1272] : memref<128x100x2xi32, #tpu.memory_space<vmem>> -> memref<1x1x2xi32, #tpu.memory_space<vmem>>
        %dma_start3A_1274 = tpu.memref_squeeze %dma_start3A_1273 : memref<1x1x2xi32, #tpu.memory_space<vmem>> -> memref<2xi32, #tpu.memory_space<vmem>>
        %dma_start3A_1275 = arith.constant 0 : i32
        %dma_start3A_1276 = arith.constant 0 : i32
        %dma_start3A_1277 = tpu.memref_slice %arg2[%dma_start3A_1275, %dma_start3A_1276] : memref<1000000x64xf32, #tpu.memory_space<hbm>> -> memref<1000000x64xf32, #tpu.memory_space<hbm>>
        tpu.enqueue_indirect_dma source(%dma_start3A_1277 : memref<1000000x64xf32, #tpu.memory_space<hbm>>) target(%dma_start3A_1271 : memref<2x64xf32, #tpu.memory_space<vmem>>) offsets(%dma_start3A_1274 : memref<2xi32, #tpu.memory_space<vmem>>) semaphore(%arg12 : memref<!tpu.dma_semaphore, #tpu.memory_space<semaphore_mem>>)
      }
      %ge3A_1044 = arith.constant 1 : i32
      %ge3A_1045 = arith.cmpi sge, %add3A_1019, %ge3A_1044 : i32
      %convert_element_type3A_1046 = arith.extui %ge3A_1045 : i1 to i32
      %cond3A_1047 = arith.constant 0 : i32
      %cond3A_1048 = arith.cmpi ne, %convert_element_type3A_1046, %cond3A_1047 : i32
      scf.if %cond3A_1048 {
        %sub3A_1266 = arith.constant 0 : i32
        %sub3A_1267 = arith.subi %select_n3A_412, %sub3A_1266 : i32
        %sub3A_1268 = arith.constant 1 : i32
        %sub3A_1269 = arith.constant 1 : i32
        %sub3A_1270 = arith.subi %sub3A_1268, %sub3A_1269 : i32
        %add3A_1271 = arith.addi %sub3A_1267, %sub3A_1270 : i32
        %div3A_1272 = arith.constant 1 : i32
        %div3A_1273 = arith.divsi %add3A_1271, %div3A_1272 : i32
        %while3A_1274 = arith.constant 1 : i32
        %while3A_1275 = arith.constant 0 : i32
        %while3A_1276 = arith.constant 0 : i32
        %while3A_1277 = arith.subi %div3A_1273, %while3A_1276 : i32
        %while3A_1278 = arith.addi %while3A_1276, %while3A_1277 : i32
        %while3A_1279 = arith.constant 1 : i32
        %while3A_1280 = arith.divsi %while3A_1277, %while3A_1279 : i32
        %while3A_1281 = arith.muli %while3A_1280, %while3A_1279 : i32
        %while3A_1282 = arith.addi %while3A_1276, %while3A_1281 : i32
        %while3A_1283 = arith.constant 1 : i32
        scf.for %while3A_1297 = %while3A_1276 to %while3A_1282 step %while3A_1283  : i32 {
          %mul3A_1298 = arith.muli %while3A_1297, %while3A_1274 : i32
          %add3A_1299 = arith.addi %while3A_1275, %mul3A_1298 : i32
          %dma_wait3A = arith.constant 0 : i32
          %dma_wait3A_1300 = arith.constant 0 : i32
          %dma_wait3A_1301 = arith.constant 0 : i32
          %dma_wait3A_1302 = arith.constant 0 : i32
          %dma_wait3A_1303 = tpu.memref_slice %arg8[%dma_wait3A_1301, %dma_wait3A_1302] : memref<200x64xf32, #tpu.memory_space<vmem>> -> memref<2x64xf32, #tpu.memory_space<vmem>>
          %dma_wait3A_1304 = arith.constant 0 : i32
          %dma_wait3A_1305 = tpu.memref_slice %arg6[%dma_wait3A, %dma_wait3A_1300, %dma_wait3A_1304] : memref<128x100x2xi32, #tpu.memory_space<vmem>> -> memref<1x1x2xi32, #tpu.memory_space<vmem>>
          %dma_wait3A_1306 = tpu.memref_squeeze %dma_wait3A_1305 : memref<1x1x2xi32, #tpu.memory_space<vmem>> -> memref<2xi32, #tpu.memory_space<vmem>>
          %dma_wait3A_1307 = arith.constant 0 : i32
          %dma_wait3A_1308 = arith.constant 0 : i32
          %dma_wait3A_1309 = tpu.memref_slice %arg2[%dma_wait3A_1307, %dma_wait3A_1308] : memref<1000000x64xf32, #tpu.memory_space<hbm>> -> memref<1000000x64xf32, #tpu.memory_space<hbm>>
          tpu.wait_indirect_dma semaphore(%arg13 : memref<!tpu.dma_semaphore, #tpu.memory_space<semaphore_mem>>) src(%dma_wait3A_1309 : memref<1000000x64xf32, #tpu.memory_space<hbm>>) dst(%dma_wait3A_1303 : memref<2x64xf32, #tpu.memory_space<vmem>>)
        }
        %while3A_1284 = arith.constant 1 : i32
        scf.for %while3A_1297 = %while3A_1282 to %while3A_1278 step %while3A_1284  : i32 {
          %mul3A_1298 = arith.muli %while3A_1297, %while3A_1274 : i32
          %add3A_1299 = arith.addi %while3A_1275, %mul3A_1298 : i32
          %dma_wait3A = arith.constant 0 : i32
          %dma_wait3A_1300 = arith.constant 0 : i32
          %dma_wait3A_1301 = arith.constant 0 : i32
          %dma_wait3A_1302 = arith.constant 0 : i32
          %dma_wait3A_1303 = tpu.memref_slice %arg8[%dma_wait3A_1301, %dma_wait3A_1302] : memref<200x64xf32, #tpu.memory_space<vmem>> -> memref<2x64xf32, #tpu.memory_space<vmem>>
          %dma_wait3A_1304 = arith.constant 0 : i32
          %dma_wait3A_1305 = tpu.memref_slice %arg6[%dma_wait3A, %dma_wait3A_1300, %dma_wait3A_1304] : memref<128x100x2xi32, #tpu.memory_space<vmem>> -> memref<1x1x2xi32, #tpu.memory_space<vmem>>
          %dma_wait3A_1306 = tpu.memref_squeeze %dma_wait3A_1305 : memref<1x1x2xi32, #tpu.memory_space<vmem>> -> memref<2xi32, #tpu.memory_space<vmem>>
          %dma_wait3A_1307 = arith.constant 0 : i32
          %dma_wait3A_1308 = arith.constant 0 : i32
          %dma_wait3A_1309 = tpu.memref_slice %arg2[%dma_wait3A_1307, %dma_wait3A_1308] : memref<1000000x64xf32, #tpu.memory_space<hbm>> -> memref<1000000x64xf32, #tpu.memory_space<hbm>>
          tpu.wait_indirect_dma semaphore(%arg13 : memref<!tpu.dma_semaphore, #tpu.memory_space<semaphore_mem>>) src(%dma_wait3A_1309 : memref<1000000x64xf32, #tpu.memory_space<hbm>>) dst(%dma_wait3A_1303 : memref<2x64xf32, #tpu.memory_space<vmem>>)
        }
        %sub3A_1285 = arith.constant 1 : i32
        %sub3A_1286 = arith.subi %add3A_1019, %sub3A_1285 : i32
        %mul3A_1287 = arith.constant 128 : i32
        %mul3A_1288 = arith.muli %add3A, %mul3A_1287 : i32
        %add3A_1289 = arith.addi %mul3A_1288, %sub3A_1286 : i32
        %mul3A_1290 = arith.constant 200 : i32
        %mul3A_1291 = arith.muli %add3A_1289, %mul3A_1290 : i32
        %scan3A_1292 = arith.constant 0 : i32
        %scan3A_1293 = arith.constant 100 : i32
        %scan3A_1294 = arith.addi %scan3A_1292, %scan3A_1293 : i32
        %scan3A_1295 = arith.constant 1 : i32
        scf.for %scan3A_1297 = %scan3A_1292 to %scan3A_1294 step %scan3A_1295  : i32 {
          %mul3A_1298 = arith.constant 1 : i32
          %mul3A_1299 = arith.muli %scan3A_1297, %mul3A_1298 : i32
          %add3A_1300 = arith.constant 0 : i32
          %add3A_1301 = arith.addi %add3A_1300, %mul3A_1299 : i32
          %mul3A_1302 = arith.constant 2 : i32
          %mul3A_1303 = arith.muli %add3A_1301, %mul3A_1302 : i32
          %add3A_1304 = arith.addi %mul3A_1291, %mul3A_1303 : i32
          %lt3A = arith.cmpi slt, %add3A_1301, %select_n3A_412 : i32
          %convert_element_type3A_1305 = arith.extui %lt3A : i1 to i32
          %cond3A_1306 = arith.constant 0 : i32
          %cond3A_1307 = arith.cmpi ne, %convert_element_type3A_1305, %cond3A_1306 : i32
          scf.if %cond3A_1307 {
            %mul3A_1312 = arith.constant 2 : i32
            %mul3A_1313 = arith.muli %add3A_1301, %mul3A_1312 : i32
            %dma_start3A = arith.constant 0 : i32
            %dma_start3A_1314 = tpu.memref_slice %arg8[%mul3A_1313, %dma_start3A] : memref<200x64xf32, #tpu.memory_space<vmem>> -> memref<2x64xf32, #tpu.memory_space<vmem>>
            %dma_start3A_1315 = arith.constant 0 : i32
            %dma_start3A_1316 = tpu.memref_slice %arg5[%add3A_1304, %dma_start3A_1315] : memref<819200x64xf32, #tpu.memory_space<hbm>> -> memref<2x64xf32, #tpu.memory_space<hbm>>
            %dma_start3A_1317 = arith.constant 0 : i32
            %dma_start3A_1318 = tpu.memref_slice %arg5[%add3A_1304, %dma_start3A_1317] : memref<819200x64xf32, #tpu.memory_space<hbm>> -> memref<2x64xf32, #tpu.memory_space<hbm>>
            %dma_start3A_1319 = arith.constant 0 : i32
            %dma_start3A_1320 = tpu.memref_slice %arg8[%mul3A_1313, %dma_start3A_1319] : memref<200x64xf32, #tpu.memory_space<vmem>> -> memref<2x64xf32, #tpu.memory_space<vmem>>
            tpu.enqueue_dma source(%dma_start3A_1320 : memref<2x64xf32, #tpu.memory_space<vmem>>) target(%dma_start3A_1318 : memref<2x64xf32, #tpu.memory_space<hbm>>) target_semaphore(%arg15 : memref<!tpu.dma_semaphore, #tpu.memory_space<semaphore_mem>>)
          } else {
          }
          %ge3A_1308 = arith.cmpi sge, %add3A_1301, %select_n3A_412 : i32
          %convert_element_type3A_1309 = arith.extui %ge3A_1308 : i1 to i32
          %cond3A_1310 = arith.constant 0 : i32
          %cond3A_1311 = arith.cmpi ne, %convert_element_type3A_1309, %cond3A_1310 : i32
          scf.if %cond3A_1311 {
            %dma_start3A = arith.constant 0 : i32
            %dma_start3A_1312 = tpu.memref_slice %arg5[%add3A_1304, %dma_start3A] : memref<819200x64xf32, #tpu.memory_space<hbm>> -> memref<2x64xf32, #tpu.memory_space<hbm>>
            %dma_start3A_1313 = arith.constant 0 : i32
            %dma_start3A_1314 = tpu.memref_slice %arg5[%add3A_1304, %dma_start3A_1313] : memref<819200x64xf32, #tpu.memory_space<hbm>> -> memref<2x64xf32, #tpu.memory_space<hbm>>
            tpu.enqueue_dma source(%arg9 : memref<2x64xf32, #tpu.memory_space<vmem>>) target(%dma_start3A_1314 : memref<2x64xf32, #tpu.memory_space<hbm>>) target_semaphore(%arg15 : memref<!tpu.dma_semaphore, #tpu.memory_space<semaphore_mem>>)
          } else {
          }
        }
        %scan3A_1296 = arith.constant 100 : i32
      } else {
      }
      %add3A_1049 = arith.constant 9 : i32
      %add3A_1050 = arith.addi %add3A_85, %add3A_1049 : i32
      %ge3A_1051 = arith.constant 2 : i32
      %ge3A_1052 = arith.cmpi sge, %add3A_1050, %ge3A_1051 : i32
      %convert_element_type3A_1053 = arith.extui %ge3A_1052 : i1 to i32
      %cond3A_1054 = arith.constant 0 : i32
      %cond3A_1055 = arith.cmpi ne, %convert_element_type3A_1053, %cond3A_1054 : i32
      scf.if %cond3A_1055 {
        %scan3A_1266 = arith.constant 0 : i32
        %scan3A_1267 = arith.constant 100 : i32
        %scan3A_1268 = arith.addi %scan3A_1266, %scan3A_1267 : i32
        %scan3A_1269 = arith.constant 1 : i32
        scf.for %scan3A_1271 = %scan3A_1266 to %scan3A_1268 step %scan3A_1269  : i32 {
          %mul3A_1272 = arith.constant 1 : i32
          %mul3A_1273 = arith.muli %scan3A_1271, %mul3A_1272 : i32
          %add3A_1274 = arith.constant 0 : i32
          %add3A_1275 = arith.addi %add3A_1274, %mul3A_1273 : i32
          %dma_wait3A = arith.constant 0 : i32
          %dma_wait3A_1276 = arith.constant 0 : i32
          %dma_wait3A_1277 = tpu.memref_slice %arg8[%dma_wait3A, %dma_wait3A_1276] : memref<200x64xf32, #tpu.memory_space<vmem>> -> memref<2x64xf32, #tpu.memory_space<vmem>>
          %dma_wait3A_1278 = arith.constant 0 : i32
          %dma_wait3A_1279 = arith.constant 0 : i32
          %dma_wait3A_1280 = tpu.memref_slice %arg5[%dma_wait3A_1278, %dma_wait3A_1279] : memref<819200x64xf32, #tpu.memory_space<hbm>> -> memref<2x64xf32, #tpu.memory_space<hbm>>
          %dma_wait3A_1281 = arith.constant 0 : i32
          %dma_wait3A_1282 = arith.constant 0 : i32
          %dma_wait3A_1283 = tpu.memref_slice %arg5[%dma_wait3A_1281, %dma_wait3A_1282] : memref<819200x64xf32, #tpu.memory_space<hbm>> -> memref<2x64xf32, #tpu.memory_space<hbm>>
          %dma_wait3A_1284 = arith.constant 0 : i32
          %dma_wait3A_1285 = arith.constant 0 : i32
          %dma_wait3A_1286 = tpu.memref_slice %arg8[%dma_wait3A_1284, %dma_wait3A_1285] : memref<200x64xf32, #tpu.memory_space<vmem>> -> memref<2x64xf32, #tpu.memory_space<vmem>>
          tpu.wait_dma2 semaphore(%arg15 : memref<!tpu.dma_semaphore, #tpu.memory_space<semaphore_mem>>) src(%dma_wait3A_1286 : memref<2x64xf32, #tpu.memory_space<vmem>>) dst(%dma_wait3A_1283 : memref<2x64xf32, #tpu.memory_space<hbm>>)
        }
        %scan3A_1270 = arith.constant 100 : i32
      } else {
      }
      %sub3A_1056 = arith.constant 0 : i32
      %sub3A_1057 = arith.subi %select_n3A_492, %sub3A_1056 : i32
      %sub3A_1058 = arith.constant 1 : i32
      %sub3A_1059 = arith.constant 1 : i32
      %sub3A_1060 = arith.subi %sub3A_1058, %sub3A_1059 : i32
      %add3A_1061 = arith.addi %sub3A_1057, %sub3A_1060 : i32
      %div3A_1062 = arith.constant 1 : i32
      %div3A_1063 = arith.divsi %add3A_1061, %div3A_1062 : i32
      %while3A_1064 = arith.constant 1 : i32
      %while3A_1065 = arith.constant 0 : i32
      %while3A_1066 = arith.constant 0 : i32
      %while3A_1067 = arith.subi %div3A_1063, %while3A_1066 : i32
      %while3A_1068 = arith.addi %while3A_1066, %while3A_1067 : i32
      %while3A_1069 = arith.constant 1 : i32
      %while3A_1070 = arith.divsi %while3A_1067, %while3A_1069 : i32
      %while3A_1071 = arith.muli %while3A_1070, %while3A_1069 : i32
      %while3A_1072 = arith.addi %while3A_1066, %while3A_1071 : i32
      %while3A_1073 = arith.constant 1 : i32
      scf.for %while3A_1266 = %while3A_1066 to %while3A_1072 step %while3A_1073  : i32 {
        %mul3A_1267 = arith.muli %while3A_1266, %while3A_1064 : i32
        %add3A_1268 = arith.addi %while3A_1065, %mul3A_1267 : i32
        %mul3A_1269 = arith.constant 2 : i32
        %mul3A_1270 = arith.muli %add3A_1268, %mul3A_1269 : i32
        %dma_start3A = arith.constant 0 : i32
        %dma_start3A_1271 = tpu.memref_slice %arg8[%mul3A_1270, %dma_start3A] : memref<200x64xf32, #tpu.memory_space<vmem>> -> memref<2x64xf32, #tpu.memory_space<vmem>>
        %dma_start3A_1272 = arith.constant 0 : i32
        %dma_start3A_1273 = tpu.memref_slice %arg6[%add3A_1050, %add3A_1268, %dma_start3A_1272] : memref<128x100x2xi32, #tpu.memory_space<vmem>> -> memref<1x1x2xi32, #tpu.memory_space<vmem>>
        %dma_start3A_1274 = tpu.memref_squeeze %dma_start3A_1273 : memref<1x1x2xi32, #tpu.memory_space<vmem>> -> memref<2xi32, #tpu.memory_space<vmem>>
        %dma_start3A_1275 = arith.constant 0 : i32
        %dma_start3A_1276 = arith.constant 0 : i32
        %dma_start3A_1277 = tpu.memref_slice %arg2[%dma_start3A_1275, %dma_start3A_1276] : memref<1000000x64xf32, #tpu.memory_space<hbm>> -> memref<1000000x64xf32, #tpu.memory_space<hbm>>
        tpu.enqueue_indirect_dma source(%dma_start3A_1277 : memref<1000000x64xf32, #tpu.memory_space<hbm>>) target(%dma_start3A_1271 : memref<2x64xf32, #tpu.memory_space<vmem>>) offsets(%dma_start3A_1274 : memref<2xi32, #tpu.memory_space<vmem>>) semaphore(%arg13 : memref<!tpu.dma_semaphore, #tpu.memory_space<semaphore_mem>>)
      }
      %while3A_1074 = arith.constant 1 : i32
      scf.for %while3A_1266 = %while3A_1072 to %while3A_1068 step %while3A_1074  : i32 {
        %mul3A_1267 = arith.muli %while3A_1266, %while3A_1064 : i32
        %add3A_1268 = arith.addi %while3A_1065, %mul3A_1267 : i32
        %mul3A_1269 = arith.constant 2 : i32
        %mul3A_1270 = arith.muli %add3A_1268, %mul3A_1269 : i32
        %dma_start3A = arith.constant 0 : i32
        %dma_start3A_1271 = tpu.memref_slice %arg8[%mul3A_1270, %dma_start3A] : memref<200x64xf32, #tpu.memory_space<vmem>> -> memref<2x64xf32, #tpu.memory_space<vmem>>
        %dma_start3A_1272 = arith.constant 0 : i32
        %dma_start3A_1273 = tpu.memref_slice %arg6[%add3A_1050, %add3A_1268, %dma_start3A_1272] : memref<128x100x2xi32, #tpu.memory_space<vmem>> -> memref<1x1x2xi32, #tpu.memory_space<vmem>>
        %dma_start3A_1274 = tpu.memref_squeeze %dma_start3A_1273 : memref<1x1x2xi32, #tpu.memory_space<vmem>> -> memref<2xi32, #tpu.memory_space<vmem>>
        %dma_start3A_1275 = arith.constant 0 : i32
        %dma_start3A_1276 = arith.constant 0 : i32
        %dma_start3A_1277 = tpu.memref_slice %arg2[%dma_start3A_1275, %dma_start3A_1276] : memref<1000000x64xf32, #tpu.memory_space<hbm>> -> memref<1000000x64xf32, #tpu.memory_space<hbm>>
        tpu.enqueue_indirect_dma source(%dma_start3A_1277 : memref<1000000x64xf32, #tpu.memory_space<hbm>>) target(%dma_start3A_1271 : memref<2x64xf32, #tpu.memory_space<vmem>>) offsets(%dma_start3A_1274 : memref<2xi32, #tpu.memory_space<vmem>>) semaphore(%arg13 : memref<!tpu.dma_semaphore, #tpu.memory_space<semaphore_mem>>)
      }
      %ge3A_1075 = arith.constant 1 : i32
      %ge3A_1076 = arith.cmpi sge, %add3A_1050, %ge3A_1075 : i32
      %convert_element_type3A_1077 = arith.extui %ge3A_1076 : i1 to i32
      %cond3A_1078 = arith.constant 0 : i32
      %cond3A_1079 = arith.cmpi ne, %convert_element_type3A_1077, %cond3A_1078 : i32
      scf.if %cond3A_1079 {
        %sub3A_1266 = arith.constant 0 : i32
        %sub3A_1267 = arith.subi %select_n3A_452, %sub3A_1266 : i32
        %sub3A_1268 = arith.constant 1 : i32
        %sub3A_1269 = arith.constant 1 : i32
        %sub3A_1270 = arith.subi %sub3A_1268, %sub3A_1269 : i32
        %add3A_1271 = arith.addi %sub3A_1267, %sub3A_1270 : i32
        %div3A_1272 = arith.constant 1 : i32
        %div3A_1273 = arith.divsi %add3A_1271, %div3A_1272 : i32
        %while3A_1274 = arith.constant 1 : i32
        %while3A_1275 = arith.constant 0 : i32
        %while3A_1276 = arith.constant 0 : i32
        %while3A_1277 = arith.subi %div3A_1273, %while3A_1276 : i32
        %while3A_1278 = arith.addi %while3A_1276, %while3A_1277 : i32
        %while3A_1279 = arith.constant 1 : i32
        %while3A_1280 = arith.divsi %while3A_1277, %while3A_1279 : i32
        %while3A_1281 = arith.muli %while3A_1280, %while3A_1279 : i32
        %while3A_1282 = arith.addi %while3A_1276, %while3A_1281 : i32
        %while3A_1283 = arith.constant 1 : i32
        scf.for %while3A_1297 = %while3A_1276 to %while3A_1282 step %while3A_1283  : i32 {
          %mul3A_1298 = arith.muli %while3A_1297, %while3A_1274 : i32
          %add3A_1299 = arith.addi %while3A_1275, %mul3A_1298 : i32
          %dma_wait3A = arith.constant 0 : i32
          %dma_wait3A_1300 = arith.constant 0 : i32
          %dma_wait3A_1301 = arith.constant 0 : i32
          %dma_wait3A_1302 = arith.constant 0 : i32
          %dma_wait3A_1303 = tpu.memref_slice %arg7[%dma_wait3A_1301, %dma_wait3A_1302] : memref<200x64xf32, #tpu.memory_space<vmem>> -> memref<2x64xf32, #tpu.memory_space<vmem>>
          %dma_wait3A_1304 = arith.constant 0 : i32
          %dma_wait3A_1305 = tpu.memref_slice %arg6[%dma_wait3A, %dma_wait3A_1300, %dma_wait3A_1304] : memref<128x100x2xi32, #tpu.memory_space<vmem>> -> memref<1x1x2xi32, #tpu.memory_space<vmem>>
          %dma_wait3A_1306 = tpu.memref_squeeze %dma_wait3A_1305 : memref<1x1x2xi32, #tpu.memory_space<vmem>> -> memref<2xi32, #tpu.memory_space<vmem>>
          %dma_wait3A_1307 = arith.constant 0 : i32
          %dma_wait3A_1308 = arith.constant 0 : i32
          %dma_wait3A_1309 = tpu.memref_slice %arg2[%dma_wait3A_1307, %dma_wait3A_1308] : memref<1000000x64xf32, #tpu.memory_space<hbm>> -> memref<1000000x64xf32, #tpu.memory_space<hbm>>
          tpu.wait_indirect_dma semaphore(%arg12 : memref<!tpu.dma_semaphore, #tpu.memory_space<semaphore_mem>>) src(%dma_wait3A_1309 : memref<1000000x64xf32, #tpu.memory_space<hbm>>) dst(%dma_wait3A_1303 : memref<2x64xf32, #tpu.memory_space<vmem>>)
        }
        %while3A_1284 = arith.constant 1 : i32
        scf.for %while3A_1297 = %while3A_1282 to %while3A_1278 step %while3A_1284  : i32 {
          %mul3A_1298 = arith.muli %while3A_1297, %while3A_1274 : i32
          %add3A_1299 = arith.addi %while3A_1275, %mul3A_1298 : i32
          %dma_wait3A = arith.constant 0 : i32
          %dma_wait3A_1300 = arith.constant 0 : i32
          %dma_wait3A_1301 = arith.constant 0 : i32
          %dma_wait3A_1302 = arith.constant 0 : i32
          %dma_wait3A_1303 = tpu.memref_slice %arg7[%dma_wait3A_1301, %dma_wait3A_1302] : memref<200x64xf32, #tpu.memory_space<vmem>> -> memref<2x64xf32, #tpu.memory_space<vmem>>
          %dma_wait3A_1304 = arith.constant 0 : i32
          %dma_wait3A_1305 = tpu.memref_slice %arg6[%dma_wait3A, %dma_wait3A_1300, %dma_wait3A_1304] : memref<128x100x2xi32, #tpu.memory_space<vmem>> -> memref<1x1x2xi32, #tpu.memory_space<vmem>>
          %dma_wait3A_1306 = tpu.memref_squeeze %dma_wait3A_1305 : memref<1x1x2xi32, #tpu.memory_space<vmem>> -> memref<2xi32, #tpu.memory_space<vmem>>
          %dma_wait3A_1307 = arith.constant 0 : i32
          %dma_wait3A_1308 = arith.constant 0 : i32
          %dma_wait3A_1309 = tpu.memref_slice %arg2[%dma_wait3A_1307, %dma_wait3A_1308] : memref<1000000x64xf32, #tpu.memory_space<hbm>> -> memref<1000000x64xf32, #tpu.memory_space<hbm>>
          tpu.wait_indirect_dma semaphore(%arg12 : memref<!tpu.dma_semaphore, #tpu.memory_space<semaphore_mem>>) src(%dma_wait3A_1309 : memref<1000000x64xf32, #tpu.memory_space<hbm>>) dst(%dma_wait3A_1303 : memref<2x64xf32, #tpu.memory_space<vmem>>)
        }
        %sub3A_1285 = arith.constant 1 : i32
        %sub3A_1286 = arith.subi %add3A_1050, %sub3A_1285 : i32
        %mul3A_1287 = arith.constant 128 : i32
        %mul3A_1288 = arith.muli %add3A, %mul3A_1287 : i32
        %add3A_1289 = arith.addi %mul3A_1288, %sub3A_1286 : i32
        %mul3A_1290 = arith.constant 200 : i32
        %mul3A_1291 = arith.muli %add3A_1289, %mul3A_1290 : i32
        %scan3A_1292 = arith.constant 0 : i32
        %scan3A_1293 = arith.constant 100 : i32
        %scan3A_1294 = arith.addi %scan3A_1292, %scan3A_1293 : i32
        %scan3A_1295 = arith.constant 1 : i32
        scf.for %scan3A_1297 = %scan3A_1292 to %scan3A_1294 step %scan3A_1295  : i32 {
          %mul3A_1298 = arith.constant 1 : i32
          %mul3A_1299 = arith.muli %scan3A_1297, %mul3A_1298 : i32
          %add3A_1300 = arith.constant 0 : i32
          %add3A_1301 = arith.addi %add3A_1300, %mul3A_1299 : i32
          %mul3A_1302 = arith.constant 2 : i32
          %mul3A_1303 = arith.muli %add3A_1301, %mul3A_1302 : i32
          %add3A_1304 = arith.addi %mul3A_1291, %mul3A_1303 : i32
          %lt3A = arith.cmpi slt, %add3A_1301, %select_n3A_452 : i32
          %convert_element_type3A_1305 = arith.extui %lt3A : i1 to i32
          %cond3A_1306 = arith.constant 0 : i32
          %cond3A_1307 = arith.cmpi ne, %convert_element_type3A_1305, %cond3A_1306 : i32
          scf.if %cond3A_1307 {
            %mul3A_1312 = arith.constant 2 : i32
            %mul3A_1313 = arith.muli %add3A_1301, %mul3A_1312 : i32
            %dma_start3A = arith.constant 0 : i32
            %dma_start3A_1314 = tpu.memref_slice %arg7[%mul3A_1313, %dma_start3A] : memref<200x64xf32, #tpu.memory_space<vmem>> -> memref<2x64xf32, #tpu.memory_space<vmem>>
            %dma_start3A_1315 = arith.constant 0 : i32
            %dma_start3A_1316 = tpu.memref_slice %arg5[%add3A_1304, %dma_start3A_1315] : memref<819200x64xf32, #tpu.memory_space<hbm>> -> memref<2x64xf32, #tpu.memory_space<hbm>>
            %dma_start3A_1317 = arith.constant 0 : i32
            %dma_start3A_1318 = tpu.memref_slice %arg5[%add3A_1304, %dma_start3A_1317] : memref<819200x64xf32, #tpu.memory_space<hbm>> -> memref<2x64xf32, #tpu.memory_space<hbm>>
            %dma_start3A_1319 = arith.constant 0 : i32
            %dma_start3A_1320 = tpu.memref_slice %arg7[%mul3A_1313, %dma_start3A_1319] : memref<200x64xf32, #tpu.memory_space<vmem>> -> memref<2x64xf32, #tpu.memory_space<vmem>>
            tpu.enqueue_dma source(%dma_start3A_1320 : memref<2x64xf32, #tpu.memory_space<vmem>>) target(%dma_start3A_1318 : memref<2x64xf32, #tpu.memory_space<hbm>>) target_semaphore(%arg14 : memref<!tpu.dma_semaphore, #tpu.memory_space<semaphore_mem>>)
          } else {
          }
          %ge3A_1308 = arith.cmpi sge, %add3A_1301, %select_n3A_452 : i32
          %convert_element_type3A_1309 = arith.extui %ge3A_1308 : i1 to i32
          %cond3A_1310 = arith.constant 0 : i32
          %cond3A_1311 = arith.cmpi ne, %convert_element_type3A_1309, %cond3A_1310 : i32
          scf.if %cond3A_1311 {
            %dma_start3A = arith.constant 0 : i32
            %dma_start3A_1312 = tpu.memref_slice %arg5[%add3A_1304, %dma_start3A] : memref<819200x64xf32, #tpu.memory_space<hbm>> -> memref<2x64xf32, #tpu.memory_space<hbm>>
            %dma_start3A_1313 = arith.constant 0 : i32
            %dma_start3A_1314 = tpu.memref_slice %arg5[%add3A_1304, %dma_start3A_1313] : memref<819200x64xf32, #tpu.memory_space<hbm>> -> memref<2x64xf32, #tpu.memory_space<hbm>>
            tpu.enqueue_dma source(%arg9 : memref<2x64xf32, #tpu.memory_space<vmem>>) target(%dma_start3A_1314 : memref<2x64xf32, #tpu.memory_space<hbm>>) target_semaphore(%arg14 : memref<!tpu.dma_semaphore, #tpu.memory_space<semaphore_mem>>)
          } else {
          }
        }
        %scan3A_1296 = arith.constant 100 : i32
      } else {
      }
      %add3A_1080 = arith.constant 10 : i32
      %add3A_1081 = arith.addi %add3A_85, %add3A_1080 : i32
      %ge3A_1082 = arith.constant 2 : i32
      %ge3A_1083 = arith.cmpi sge, %add3A_1081, %ge3A_1082 : i32
      %convert_element_type3A_1084 = arith.extui %ge3A_1083 : i1 to i32
      %cond3A_1085 = arith.constant 0 : i32
      %cond3A_1086 = arith.cmpi ne, %convert_element_type3A_1084, %cond3A_1085 : i32
      scf.if %cond3A_1086 {
        %scan3A_1266 = arith.constant 0 : i32
        %scan3A_1267 = arith.constant 100 : i32
        %scan3A_1268 = arith.addi %scan3A_1266, %scan3A_1267 : i32
        %scan3A_1269 = arith.constant 1 : i32
        scf.for %scan3A_1271 = %scan3A_1266 to %scan3A_1268 step %scan3A_1269  : i32 {
          %mul3A_1272 = arith.constant 1 : i32
          %mul3A_1273 = arith.muli %scan3A_1271, %mul3A_1272 : i32
          %add3A_1274 = arith.constant 0 : i32
          %add3A_1275 = arith.addi %add3A_1274, %mul3A_1273 : i32
          %dma_wait3A = arith.constant 0 : i32
          %dma_wait3A_1276 = arith.constant 0 : i32
          %dma_wait3A_1277 = tpu.memref_slice %arg7[%dma_wait3A, %dma_wait3A_1276] : memref<200x64xf32, #tpu.memory_space<vmem>> -> memref<2x64xf32, #tpu.memory_space<vmem>>
          %dma_wait3A_1278 = arith.constant 0 : i32
          %dma_wait3A_1279 = arith.constant 0 : i32
          %dma_wait3A_1280 = tpu.memref_slice %arg5[%dma_wait3A_1278, %dma_wait3A_1279] : memref<819200x64xf32, #tpu.memory_space<hbm>> -> memref<2x64xf32, #tpu.memory_space<hbm>>
          %dma_wait3A_1281 = arith.constant 0 : i32
          %dma_wait3A_1282 = arith.constant 0 : i32
          %dma_wait3A_1283 = tpu.memref_slice %arg5[%dma_wait3A_1281, %dma_wait3A_1282] : memref<819200x64xf32, #tpu.memory_space<hbm>> -> memref<2x64xf32, #tpu.memory_space<hbm>>
          %dma_wait3A_1284 = arith.constant 0 : i32
          %dma_wait3A_1285 = arith.constant 0 : i32
          %dma_wait3A_1286 = tpu.memref_slice %arg7[%dma_wait3A_1284, %dma_wait3A_1285] : memref<200x64xf32, #tpu.memory_space<vmem>> -> memref<2x64xf32, #tpu.memory_space<vmem>>
          tpu.wait_dma2 semaphore(%arg14 : memref<!tpu.dma_semaphore, #tpu.memory_space<semaphore_mem>>) src(%dma_wait3A_1286 : memref<2x64xf32, #tpu.memory_space<vmem>>) dst(%dma_wait3A_1283 : memref<2x64xf32, #tpu.memory_space<hbm>>)
        }
        %scan3A_1270 = arith.constant 100 : i32
      } else {
      }
      %sub3A_1087 = arith.constant 0 : i32
      %sub3A_1088 = arith.subi %select_n3A_532, %sub3A_1087 : i32
      %sub3A_1089 = arith.constant 1 : i32
      %sub3A_1090 = arith.constant 1 : i32
      %sub3A_1091 = arith.subi %sub3A_1089, %sub3A_1090 : i32
      %add3A_1092 = arith.addi %sub3A_1088, %sub3A_1091 : i32
      %div3A_1093 = arith.constant 1 : i32
      %div3A_1094 = arith.divsi %add3A_1092, %div3A_1093 : i32
      %while3A_1095 = arith.constant 1 : i32
      %while3A_1096 = arith.constant 0 : i32
      %while3A_1097 = arith.constant 0 : i32
      %while3A_1098 = arith.subi %div3A_1094, %while3A_1097 : i32
      %while3A_1099 = arith.addi %while3A_1097, %while3A_1098 : i32
      %while3A_1100 = arith.constant 1 : i32
      %while3A_1101 = arith.divsi %while3A_1098, %while3A_1100 : i32
      %while3A_1102 = arith.muli %while3A_1101, %while3A_1100 : i32
      %while3A_1103 = arith.addi %while3A_1097, %while3A_1102 : i32
      %while3A_1104 = arith.constant 1 : i32
      scf.for %while3A_1266 = %while3A_1097 to %while3A_1103 step %while3A_1104  : i32 {
        %mul3A_1267 = arith.muli %while3A_1266, %while3A_1095 : i32
        %add3A_1268 = arith.addi %while3A_1096, %mul3A_1267 : i32
        %mul3A_1269 = arith.constant 2 : i32
        %mul3A_1270 = arith.muli %add3A_1268, %mul3A_1269 : i32
        %dma_start3A = arith.constant 0 : i32
        %dma_start3A_1271 = tpu.memref_slice %arg7[%mul3A_1270, %dma_start3A] : memref<200x64xf32, #tpu.memory_space<vmem>> -> memref<2x64xf32, #tpu.memory_space<vmem>>
        %dma_start3A_1272 = arith.constant 0 : i32
        %dma_start3A_1273 = tpu.memref_slice %arg6[%add3A_1081, %add3A_1268, %dma_start3A_1272] : memref<128x100x2xi32, #tpu.memory_space<vmem>> -> memref<1x1x2xi32, #tpu.memory_space<vmem>>
        %dma_start3A_1274 = tpu.memref_squeeze %dma_start3A_1273 : memref<1x1x2xi32, #tpu.memory_space<vmem>> -> memref<2xi32, #tpu.memory_space<vmem>>
        %dma_start3A_1275 = arith.constant 0 : i32
        %dma_start3A_1276 = arith.constant 0 : i32
        %dma_start3A_1277 = tpu.memref_slice %arg2[%dma_start3A_1275, %dma_start3A_1276] : memref<1000000x64xf32, #tpu.memory_space<hbm>> -> memref<1000000x64xf32, #tpu.memory_space<hbm>>
        tpu.enqueue_indirect_dma source(%dma_start3A_1277 : memref<1000000x64xf32, #tpu.memory_space<hbm>>) target(%dma_start3A_1271 : memref<2x64xf32, #tpu.memory_space<vmem>>) offsets(%dma_start3A_1274 : memref<2xi32, #tpu.memory_space<vmem>>) semaphore(%arg12 : memref<!tpu.dma_semaphore, #tpu.memory_space<semaphore_mem>>)
      }
      %while3A_1105 = arith.constant 1 : i32
      scf.for %while3A_1266 = %while3A_1103 to %while3A_1099 step %while3A_1105  : i32 {
        %mul3A_1267 = arith.muli %while3A_1266, %while3A_1095 : i32
        %add3A_1268 = arith.addi %while3A_1096, %mul3A_1267 : i32
        %mul3A_1269 = arith.constant 2 : i32
        %mul3A_1270 = arith.muli %add3A_1268, %mul3A_1269 : i32
        %dma_start3A = arith.constant 0 : i32
        %dma_start3A_1271 = tpu.memref_slice %arg7[%mul3A_1270, %dma_start3A] : memref<200x64xf32, #tpu.memory_space<vmem>> -> memref<2x64xf32, #tpu.memory_space<vmem>>
        %dma_start3A_1272 = arith.constant 0 : i32
        %dma_start3A_1273 = tpu.memref_slice %arg6[%add3A_1081, %add3A_1268, %dma_start3A_1272] : memref<128x100x2xi32, #tpu.memory_space<vmem>> -> memref<1x1x2xi32, #tpu.memory_space<vmem>>
        %dma_start3A_1274 = tpu.memref_squeeze %dma_start3A_1273 : memref<1x1x2xi32, #tpu.memory_space<vmem>> -> memref<2xi32, #tpu.memory_space<vmem>>
        %dma_start3A_1275 = arith.constant 0 : i32
        %dma_start3A_1276 = arith.constant 0 : i32
        %dma_start3A_1277 = tpu.memref_slice %arg2[%dma_start3A_1275, %dma_start3A_1276] : memref<1000000x64xf32, #tpu.memory_space<hbm>> -> memref<1000000x64xf32, #tpu.memory_space<hbm>>
        tpu.enqueue_indirect_dma source(%dma_start3A_1277 : memref<1000000x64xf32, #tpu.memory_space<hbm>>) target(%dma_start3A_1271 : memref<2x64xf32, #tpu.memory_space<vmem>>) offsets(%dma_start3A_1274 : memref<2xi32, #tpu.memory_space<vmem>>) semaphore(%arg12 : memref<!tpu.dma_semaphore, #tpu.memory_space<semaphore_mem>>)
      }
      %ge3A_1106 = arith.constant 1 : i32
      %ge3A_1107 = arith.cmpi sge, %add3A_1081, %ge3A_1106 : i32
      %convert_element_type3A_1108 = arith.extui %ge3A_1107 : i1 to i32
      %cond3A_1109 = arith.constant 0 : i32
      %cond3A_1110 = arith.cmpi ne, %convert_element_type3A_1108, %cond3A_1109 : i32
      scf.if %cond3A_1110 {
        %sub3A_1266 = arith.constant 0 : i32
        %sub3A_1267 = arith.subi %select_n3A_492, %sub3A_1266 : i32
        %sub3A_1268 = arith.constant 1 : i32
        %sub3A_1269 = arith.constant 1 : i32
        %sub3A_1270 = arith.subi %sub3A_1268, %sub3A_1269 : i32
        %add3A_1271 = arith.addi %sub3A_1267, %sub3A_1270 : i32
        %div3A_1272 = arith.constant 1 : i32
        %div3A_1273 = arith.divsi %add3A_1271, %div3A_1272 : i32
        %while3A_1274 = arith.constant 1 : i32
        %while3A_1275 = arith.constant 0 : i32
        %while3A_1276 = arith.constant 0 : i32
        %while3A_1277 = arith.subi %div3A_1273, %while3A_1276 : i32
        %while3A_1278 = arith.addi %while3A_1276, %while3A_1277 : i32
        %while3A_1279 = arith.constant 1 : i32
        %while3A_1280 = arith.divsi %while3A_1277, %while3A_1279 : i32
        %while3A_1281 = arith.muli %while3A_1280, %while3A_1279 : i32
        %while3A_1282 = arith.addi %while3A_1276, %while3A_1281 : i32
        %while3A_1283 = arith.constant 1 : i32
        scf.for %while3A_1297 = %while3A_1276 to %while3A_1282 step %while3A_1283  : i32 {
          %mul3A_1298 = arith.muli %while3A_1297, %while3A_1274 : i32
          %add3A_1299 = arith.addi %while3A_1275, %mul3A_1298 : i32
          %dma_wait3A = arith.constant 0 : i32
          %dma_wait3A_1300 = arith.constant 0 : i32
          %dma_wait3A_1301 = arith.constant 0 : i32
          %dma_wait3A_1302 = arith.constant 0 : i32
          %dma_wait3A_1303 = tpu.memref_slice %arg8[%dma_wait3A_1301, %dma_wait3A_1302] : memref<200x64xf32, #tpu.memory_space<vmem>> -> memref<2x64xf32, #tpu.memory_space<vmem>>
          %dma_wait3A_1304 = arith.constant 0 : i32
          %dma_wait3A_1305 = tpu.memref_slice %arg6[%dma_wait3A, %dma_wait3A_1300, %dma_wait3A_1304] : memref<128x100x2xi32, #tpu.memory_space<vmem>> -> memref<1x1x2xi32, #tpu.memory_space<vmem>>
          %dma_wait3A_1306 = tpu.memref_squeeze %dma_wait3A_1305 : memref<1x1x2xi32, #tpu.memory_space<vmem>> -> memref<2xi32, #tpu.memory_space<vmem>>
          %dma_wait3A_1307 = arith.constant 0 : i32
          %dma_wait3A_1308 = arith.constant 0 : i32
          %dma_wait3A_1309 = tpu.memref_slice %arg2[%dma_wait3A_1307, %dma_wait3A_1308] : memref<1000000x64xf32, #tpu.memory_space<hbm>> -> memref<1000000x64xf32, #tpu.memory_space<hbm>>
          tpu.wait_indirect_dma semaphore(%arg13 : memref<!tpu.dma_semaphore, #tpu.memory_space<semaphore_mem>>) src(%dma_wait3A_1309 : memref<1000000x64xf32, #tpu.memory_space<hbm>>) dst(%dma_wait3A_1303 : memref<2x64xf32, #tpu.memory_space<vmem>>)
        }
        %while3A_1284 = arith.constant 1 : i32
        scf.for %while3A_1297 = %while3A_1282 to %while3A_1278 step %while3A_1284  : i32 {
          %mul3A_1298 = arith.muli %while3A_1297, %while3A_1274 : i32
          %add3A_1299 = arith.addi %while3A_1275, %mul3A_1298 : i32
          %dma_wait3A = arith.constant 0 : i32
          %dma_wait3A_1300 = arith.constant 0 : i32
          %dma_wait3A_1301 = arith.constant 0 : i32
          %dma_wait3A_1302 = arith.constant 0 : i32
          %dma_wait3A_1303 = tpu.memref_slice %arg8[%dma_wait3A_1301, %dma_wait3A_1302] : memref<200x64xf32, #tpu.memory_space<vmem>> -> memref<2x64xf32, #tpu.memory_space<vmem>>
          %dma_wait3A_1304 = arith.constant 0 : i32
          %dma_wait3A_1305 = tpu.memref_slice %arg6[%dma_wait3A, %dma_wait3A_1300, %dma_wait3A_1304] : memref<128x100x2xi32, #tpu.memory_space<vmem>> -> memref<1x1x2xi32, #tpu.memory_space<vmem>>
          %dma_wait3A_1306 = tpu.memref_squeeze %dma_wait3A_1305 : memref<1x1x2xi32, #tpu.memory_space<vmem>> -> memref<2xi32, #tpu.memory_space<vmem>>
          %dma_wait3A_1307 = arith.constant 0 : i32
          %dma_wait3A_1308 = arith.constant 0 : i32
          %dma_wait3A_1309 = tpu.memref_slice %arg2[%dma_wait3A_1307, %dma_wait3A_1308] : memref<1000000x64xf32, #tpu.memory_space<hbm>> -> memref<1000000x64xf32, #tpu.memory_space<hbm>>
          tpu.wait_indirect_dma semaphore(%arg13 : memref<!tpu.dma_semaphore, #tpu.memory_space<semaphore_mem>>) src(%dma_wait3A_1309 : memref<1000000x64xf32, #tpu.memory_space<hbm>>) dst(%dma_wait3A_1303 : memref<2x64xf32, #tpu.memory_space<vmem>>)
        }
        %sub3A_1285 = arith.constant 1 : i32
        %sub3A_1286 = arith.subi %add3A_1081, %sub3A_1285 : i32
        %mul3A_1287 = arith.constant 128 : i32
        %mul3A_1288 = arith.muli %add3A, %mul3A_1287 : i32
        %add3A_1289 = arith.addi %mul3A_1288, %sub3A_1286 : i32
        %mul3A_1290 = arith.constant 200 : i32
        %mul3A_1291 = arith.muli %add3A_1289, %mul3A_1290 : i32
        %scan3A_1292 = arith.constant 0 : i32
        %scan3A_1293 = arith.constant 100 : i32
        %scan3A_1294 = arith.addi %scan3A_1292, %scan3A_1293 : i32
        %scan3A_1295 = arith.constant 1 : i32
        scf.for %scan3A_1297 = %scan3A_1292 to %scan3A_1294 step %scan3A_1295  : i32 {
          %mul3A_1298 = arith.constant 1 : i32
          %mul3A_1299 = arith.muli %scan3A_1297, %mul3A_1298 : i32
          %add3A_1300 = arith.constant 0 : i32
          %add3A_1301 = arith.addi %add3A_1300, %mul3A_1299 : i32
          %mul3A_1302 = arith.constant 2 : i32
          %mul3A_1303 = arith.muli %add3A_1301, %mul3A_1302 : i32
          %add3A_1304 = arith.addi %mul3A_1291, %mul3A_1303 : i32
          %lt3A = arith.cmpi slt, %add3A_1301, %select_n3A_492 : i32
          %convert_element_type3A_1305 = arith.extui %lt3A : i1 to i32
          %cond3A_1306 = arith.constant 0 : i32
          %cond3A_1307 = arith.cmpi ne, %convert_element_type3A_1305, %cond3A_1306 : i32
          scf.if %cond3A_1307 {
            %mul3A_1312 = arith.constant 2 : i32
            %mul3A_1313 = arith.muli %add3A_1301, %mul3A_1312 : i32
            %dma_start3A = arith.constant 0 : i32
            %dma_start3A_1314 = tpu.memref_slice %arg8[%mul3A_1313, %dma_start3A] : memref<200x64xf32, #tpu.memory_space<vmem>> -> memref<2x64xf32, #tpu.memory_space<vmem>>
            %dma_start3A_1315 = arith.constant 0 : i32
            %dma_start3A_1316 = tpu.memref_slice %arg5[%add3A_1304, %dma_start3A_1315] : memref<819200x64xf32, #tpu.memory_space<hbm>> -> memref<2x64xf32, #tpu.memory_space<hbm>>
            %dma_start3A_1317 = arith.constant 0 : i32
            %dma_start3A_1318 = tpu.memref_slice %arg5[%add3A_1304, %dma_start3A_1317] : memref<819200x64xf32, #tpu.memory_space<hbm>> -> memref<2x64xf32, #tpu.memory_space<hbm>>
            %dma_start3A_1319 = arith.constant 0 : i32
            %dma_start3A_1320 = tpu.memref_slice %arg8[%mul3A_1313, %dma_start3A_1319] : memref<200x64xf32, #tpu.memory_space<vmem>> -> memref<2x64xf32, #tpu.memory_space<vmem>>
            tpu.enqueue_dma source(%dma_start3A_1320 : memref<2x64xf32, #tpu.memory_space<vmem>>) target(%dma_start3A_1318 : memref<2x64xf32, #tpu.memory_space<hbm>>) target_semaphore(%arg15 : memref<!tpu.dma_semaphore, #tpu.memory_space<semaphore_mem>>)
          } else {
          }
          %ge3A_1308 = arith.cmpi sge, %add3A_1301, %select_n3A_492 : i32
          %convert_element_type3A_1309 = arith.extui %ge3A_1308 : i1 to i32
          %cond3A_1310 = arith.constant 0 : i32
          %cond3A_1311 = arith.cmpi ne, %convert_element_type3A_1309, %cond3A_1310 : i32
          scf.if %cond3A_1311 {
            %dma_start3A = arith.constant 0 : i32
            %dma_start3A_1312 = tpu.memref_slice %arg5[%add3A_1304, %dma_start3A] : memref<819200x64xf32, #tpu.memory_space<hbm>> -> memref<2x64xf32, #tpu.memory_space<hbm>>
            %dma_start3A_1313 = arith.constant 0 : i32
            %dma_start3A_1314 = tpu.memref_slice %arg5[%add3A_1304, %dma_start3A_1313] : memref<819200x64xf32, #tpu.memory_space<hbm>> -> memref<2x64xf32, #tpu.memory_space<hbm>>
            tpu.enqueue_dma source(%arg9 : memref<2x64xf32, #tpu.memory_space<vmem>>) target(%dma_start3A_1314 : memref<2x64xf32, #tpu.memory_space<hbm>>) target_semaphore(%arg15 : memref<!tpu.dma_semaphore, #tpu.memory_space<semaphore_mem>>)
          } else {
          }
        }
        %scan3A_1296 = arith.constant 100 : i32
      } else {
      }
      %add3A_1111 = arith.constant 11 : i32
      %add3A_1112 = arith.addi %add3A_85, %add3A_1111 : i32
      %ge3A_1113 = arith.constant 2 : i32
      %ge3A_1114 = arith.cmpi sge, %add3A_1112, %ge3A_1113 : i32
      %convert_element_type3A_1115 = arith.extui %ge3A_1114 : i1 to i32
      %cond3A_1116 = arith.constant 0 : i32
      %cond3A_1117 = arith.cmpi ne, %convert_element_type3A_1115, %cond3A_1116 : i32
      scf.if %cond3A_1117 {
        %scan3A_1266 = arith.constant 0 : i32
        %scan3A_1267 = arith.constant 100 : i32
        %scan3A_1268 = arith.addi %scan3A_1266, %scan3A_1267 : i32
        %scan3A_1269 = arith.constant 1 : i32
        scf.for %scan3A_1271 = %scan3A_1266 to %scan3A_1268 step %scan3A_1269  : i32 {
          %mul3A_1272 = arith.constant 1 : i32
          %mul3A_1273 = arith.muli %scan3A_1271, %mul3A_1272 : i32
          %add3A_1274 = arith.constant 0 : i32
          %add3A_1275 = arith.addi %add3A_1274, %mul3A_1273 : i32
          %dma_wait3A = arith.constant 0 : i32
          %dma_wait3A_1276 = arith.constant 0 : i32
          %dma_wait3A_1277 = tpu.memref_slice %arg8[%dma_wait3A, %dma_wait3A_1276] : memref<200x64xf32, #tpu.memory_space<vmem>> -> memref<2x64xf32, #tpu.memory_space<vmem>>
          %dma_wait3A_1278 = arith.constant 0 : i32
          %dma_wait3A_1279 = arith.constant 0 : i32
          %dma_wait3A_1280 = tpu.memref_slice %arg5[%dma_wait3A_1278, %dma_wait3A_1279] : memref<819200x64xf32, #tpu.memory_space<hbm>> -> memref<2x64xf32, #tpu.memory_space<hbm>>
          %dma_wait3A_1281 = arith.constant 0 : i32
          %dma_wait3A_1282 = arith.constant 0 : i32
          %dma_wait3A_1283 = tpu.memref_slice %arg5[%dma_wait3A_1281, %dma_wait3A_1282] : memref<819200x64xf32, #tpu.memory_space<hbm>> -> memref<2x64xf32, #tpu.memory_space<hbm>>
          %dma_wait3A_1284 = arith.constant 0 : i32
          %dma_wait3A_1285 = arith.constant 0 : i32
          %dma_wait3A_1286 = tpu.memref_slice %arg8[%dma_wait3A_1284, %dma_wait3A_1285] : memref<200x64xf32, #tpu.memory_space<vmem>> -> memref<2x64xf32, #tpu.memory_space<vmem>>
          tpu.wait_dma2 semaphore(%arg15 : memref<!tpu.dma_semaphore, #tpu.memory_space<semaphore_mem>>) src(%dma_wait3A_1286 : memref<2x64xf32, #tpu.memory_space<vmem>>) dst(%dma_wait3A_1283 : memref<2x64xf32, #tpu.memory_space<hbm>>)
        }
        %scan3A_1270 = arith.constant 100 : i32
      } else {
      }
      %sub3A_1118 = arith.constant 0 : i32
      %sub3A_1119 = arith.subi %select_n3A_572, %sub3A_1118 : i32
      %sub3A_1120 = arith.constant 1 : i32
      %sub3A_1121 = arith.constant 1 : i32
      %sub3A_1122 = arith.subi %sub3A_1120, %sub3A_1121 : i32
      %add3A_1123 = arith.addi %sub3A_1119, %sub3A_1122 : i32
      %div3A_1124 = arith.constant 1 : i32
      %div3A_1125 = arith.divsi %add3A_1123, %div3A_1124 : i32
      %while3A_1126 = arith.constant 1 : i32
      %while3A_1127 = arith.constant 0 : i32
      %while3A_1128 = arith.constant 0 : i32
      %while3A_1129 = arith.subi %div3A_1125, %while3A_1128 : i32
      %while3A_1130 = arith.addi %while3A_1128, %while3A_1129 : i32
      %while3A_1131 = arith.constant 1 : i32
      %while3A_1132 = arith.divsi %while3A_1129, %while3A_1131 : i32
      %while3A_1133 = arith.muli %while3A_1132, %while3A_1131 : i32
      %while3A_1134 = arith.addi %while3A_1128, %while3A_1133 : i32
      %while3A_1135 = arith.constant 1 : i32
      scf.for %while3A_1266 = %while3A_1128 to %while3A_1134 step %while3A_1135  : i32 {
        %mul3A_1267 = arith.muli %while3A_1266, %while3A_1126 : i32
        %add3A_1268 = arith.addi %while3A_1127, %mul3A_1267 : i32
        %mul3A_1269 = arith.constant 2 : i32
        %mul3A_1270 = arith.muli %add3A_1268, %mul3A_1269 : i32
        %dma_start3A = arith.constant 0 : i32
        %dma_start3A_1271 = tpu.memref_slice %arg8[%mul3A_1270, %dma_start3A] : memref<200x64xf32, #tpu.memory_space<vmem>> -> memref<2x64xf32, #tpu.memory_space<vmem>>
        %dma_start3A_1272 = arith.constant 0 : i32
        %dma_start3A_1273 = tpu.memref_slice %arg6[%add3A_1112, %add3A_1268, %dma_start3A_1272] : memref<128x100x2xi32, #tpu.memory_space<vmem>> -> memref<1x1x2xi32, #tpu.memory_space<vmem>>
        %dma_start3A_1274 = tpu.memref_squeeze %dma_start3A_1273 : memref<1x1x2xi32, #tpu.memory_space<vmem>> -> memref<2xi32, #tpu.memory_space<vmem>>
        %dma_start3A_1275 = arith.constant 0 : i32
        %dma_start3A_1276 = arith.constant 0 : i32
        %dma_start3A_1277 = tpu.memref_slice %arg2[%dma_start3A_1275, %dma_start3A_1276] : memref<1000000x64xf32, #tpu.memory_space<hbm>> -> memref<1000000x64xf32, #tpu.memory_space<hbm>>
        tpu.enqueue_indirect_dma source(%dma_start3A_1277 : memref<1000000x64xf32, #tpu.memory_space<hbm>>) target(%dma_start3A_1271 : memref<2x64xf32, #tpu.memory_space<vmem>>) offsets(%dma_start3A_1274 : memref<2xi32, #tpu.memory_space<vmem>>) semaphore(%arg13 : memref<!tpu.dma_semaphore, #tpu.memory_space<semaphore_mem>>)
      }
      %while3A_1136 = arith.constant 1 : i32
      scf.for %while3A_1266 = %while3A_1134 to %while3A_1130 step %while3A_1136  : i32 {
        %mul3A_1267 = arith.muli %while3A_1266, %while3A_1126 : i32
        %add3A_1268 = arith.addi %while3A_1127, %mul3A_1267 : i32
        %mul3A_1269 = arith.constant 2 : i32
        %mul3A_1270 = arith.muli %add3A_1268, %mul3A_1269 : i32
        %dma_start3A = arith.constant 0 : i32
        %dma_start3A_1271 = tpu.memref_slice %arg8[%mul3A_1270, %dma_start3A] : memref<200x64xf32, #tpu.memory_space<vmem>> -> memref<2x64xf32, #tpu.memory_space<vmem>>
        %dma_start3A_1272 = arith.constant 0 : i32
        %dma_start3A_1273 = tpu.memref_slice %arg6[%add3A_1112, %add3A_1268, %dma_start3A_1272] : memref<128x100x2xi32, #tpu.memory_space<vmem>> -> memref<1x1x2xi32, #tpu.memory_space<vmem>>
        %dma_start3A_1274 = tpu.memref_squeeze %dma_start3A_1273 : memref<1x1x2xi32, #tpu.memory_space<vmem>> -> memref<2xi32, #tpu.memory_space<vmem>>
        %dma_start3A_1275 = arith.constant 0 : i32
        %dma_start3A_1276 = arith.constant 0 : i32
        %dma_start3A_1277 = tpu.memref_slice %arg2[%dma_start3A_1275, %dma_start3A_1276] : memref<1000000x64xf32, #tpu.memory_space<hbm>> -> memref<1000000x64xf32, #tpu.memory_space<hbm>>
        tpu.enqueue_indirect_dma source(%dma_start3A_1277 : memref<1000000x64xf32, #tpu.memory_space<hbm>>) target(%dma_start3A_1271 : memref<2x64xf32, #tpu.memory_space<vmem>>) offsets(%dma_start3A_1274 : memref<2xi32, #tpu.memory_space<vmem>>) semaphore(%arg13 : memref<!tpu.dma_semaphore, #tpu.memory_space<semaphore_mem>>)
      }
      %ge3A_1137 = arith.constant 1 : i32
      %ge3A_1138 = arith.cmpi sge, %add3A_1112, %ge3A_1137 : i32
      %convert_element_type3A_1139 = arith.extui %ge3A_1138 : i1 to i32
      %cond3A_1140 = arith.constant 0 : i32
      %cond3A_1141 = arith.cmpi ne, %convert_element_type3A_1139, %cond3A_1140 : i32
      scf.if %cond3A_1141 {
        %sub3A_1266 = arith.constant 0 : i32
        %sub3A_1267 = arith.subi %select_n3A_532, %sub3A_1266 : i32
        %sub3A_1268 = arith.constant 1 : i32
        %sub3A_1269 = arith.constant 1 : i32
        %sub3A_1270 = arith.subi %sub3A_1268, %sub3A_1269 : i32
        %add3A_1271 = arith.addi %sub3A_1267, %sub3A_1270 : i32
        %div3A_1272 = arith.constant 1 : i32
        %div3A_1273 = arith.divsi %add3A_1271, %div3A_1272 : i32
        %while3A_1274 = arith.constant 1 : i32
        %while3A_1275 = arith.constant 0 : i32
        %while3A_1276 = arith.constant 0 : i32
        %while3A_1277 = arith.subi %div3A_1273, %while3A_1276 : i32
        %while3A_1278 = arith.addi %while3A_1276, %while3A_1277 : i32
        %while3A_1279 = arith.constant 1 : i32
        %while3A_1280 = arith.divsi %while3A_1277, %while3A_1279 : i32
        %while3A_1281 = arith.muli %while3A_1280, %while3A_1279 : i32
        %while3A_1282 = arith.addi %while3A_1276, %while3A_1281 : i32
        %while3A_1283 = arith.constant 1 : i32
        scf.for %while3A_1297 = %while3A_1276 to %while3A_1282 step %while3A_1283  : i32 {
          %mul3A_1298 = arith.muli %while3A_1297, %while3A_1274 : i32
          %add3A_1299 = arith.addi %while3A_1275, %mul3A_1298 : i32
          %dma_wait3A = arith.constant 0 : i32
          %dma_wait3A_1300 = arith.constant 0 : i32
          %dma_wait3A_1301 = arith.constant 0 : i32
          %dma_wait3A_1302 = arith.constant 0 : i32
          %dma_wait3A_1303 = tpu.memref_slice %arg7[%dma_wait3A_1301, %dma_wait3A_1302] : memref<200x64xf32, #tpu.memory_space<vmem>> -> memref<2x64xf32, #tpu.memory_space<vmem>>
          %dma_wait3A_1304 = arith.constant 0 : i32
          %dma_wait3A_1305 = tpu.memref_slice %arg6[%dma_wait3A, %dma_wait3A_1300, %dma_wait3A_1304] : memref<128x100x2xi32, #tpu.memory_space<vmem>> -> memref<1x1x2xi32, #tpu.memory_space<vmem>>
          %dma_wait3A_1306 = tpu.memref_squeeze %dma_wait3A_1305 : memref<1x1x2xi32, #tpu.memory_space<vmem>> -> memref<2xi32, #tpu.memory_space<vmem>>
          %dma_wait3A_1307 = arith.constant 0 : i32
          %dma_wait3A_1308 = arith.constant 0 : i32
          %dma_wait3A_1309 = tpu.memref_slice %arg2[%dma_wait3A_1307, %dma_wait3A_1308] : memref<1000000x64xf32, #tpu.memory_space<hbm>> -> memref<1000000x64xf32, #tpu.memory_space<hbm>>
          tpu.wait_indirect_dma semaphore(%arg12 : memref<!tpu.dma_semaphore, #tpu.memory_space<semaphore_mem>>) src(%dma_wait3A_1309 : memref<1000000x64xf32, #tpu.memory_space<hbm>>) dst(%dma_wait3A_1303 : memref<2x64xf32, #tpu.memory_space<vmem>>)
        }
        %while3A_1284 = arith.constant 1 : i32
        scf.for %while3A_1297 = %while3A_1282 to %while3A_1278 step %while3A_1284  : i32 {
          %mul3A_1298 = arith.muli %while3A_1297, %while3A_1274 : i32
          %add3A_1299 = arith.addi %while3A_1275, %mul3A_1298 : i32
          %dma_wait3A = arith.constant 0 : i32
          %dma_wait3A_1300 = arith.constant 0 : i32
          %dma_wait3A_1301 = arith.constant 0 : i32
          %dma_wait3A_1302 = arith.constant 0 : i32
          %dma_wait3A_1303 = tpu.memref_slice %arg7[%dma_wait3A_1301, %dma_wait3A_1302] : memref<200x64xf32, #tpu.memory_space<vmem>> -> memref<2x64xf32, #tpu.memory_space<vmem>>
          %dma_wait3A_1304 = arith.constant 0 : i32
          %dma_wait3A_1305 = tpu.memref_slice %arg6[%dma_wait3A, %dma_wait3A_1300, %dma_wait3A_1304] : memref<128x100x2xi32, #tpu.memory_space<vmem>> -> memref<1x1x2xi32, #tpu.memory_space<vmem>>
          %dma_wait3A_1306 = tpu.memref_squeeze %dma_wait3A_1305 : memref<1x1x2xi32, #tpu.memory_space<vmem>> -> memref<2xi32, #tpu.memory_space<vmem>>
          %dma_wait3A_1307 = arith.constant 0 : i32
          %dma_wait3A_1308 = arith.constant 0 : i32
          %dma_wait3A_1309 = tpu.memref_slice %arg2[%dma_wait3A_1307, %dma_wait3A_1308] : memref<1000000x64xf32, #tpu.memory_space<hbm>> -> memref<1000000x64xf32, #tpu.memory_space<hbm>>
          tpu.wait_indirect_dma semaphore(%arg12 : memref<!tpu.dma_semaphore, #tpu.memory_space<semaphore_mem>>) src(%dma_wait3A_1309 : memref<1000000x64xf32, #tpu.memory_space<hbm>>) dst(%dma_wait3A_1303 : memref<2x64xf32, #tpu.memory_space<vmem>>)
        }
        %sub3A_1285 = arith.constant 1 : i32
        %sub3A_1286 = arith.subi %add3A_1112, %sub3A_1285 : i32
        %mul3A_1287 = arith.constant 128 : i32
        %mul3A_1288 = arith.muli %add3A, %mul3A_1287 : i32
        %add3A_1289 = arith.addi %mul3A_1288, %sub3A_1286 : i32
        %mul3A_1290 = arith.constant 200 : i32
        %mul3A_1291 = arith.muli %add3A_1289, %mul3A_1290 : i32
        %scan3A_1292 = arith.constant 0 : i32
        %scan3A_1293 = arith.constant 100 : i32
        %scan3A_1294 = arith.addi %scan3A_1292, %scan3A_1293 : i32
        %scan3A_1295 = arith.constant 1 : i32
        scf.for %scan3A_1297 = %scan3A_1292 to %scan3A_1294 step %scan3A_1295  : i32 {
          %mul3A_1298 = arith.constant 1 : i32
          %mul3A_1299 = arith.muli %scan3A_1297, %mul3A_1298 : i32
          %add3A_1300 = arith.constant 0 : i32
          %add3A_1301 = arith.addi %add3A_1300, %mul3A_1299 : i32
          %mul3A_1302 = arith.constant 2 : i32
          %mul3A_1303 = arith.muli %add3A_1301, %mul3A_1302 : i32
          %add3A_1304 = arith.addi %mul3A_1291, %mul3A_1303 : i32
          %lt3A = arith.cmpi slt, %add3A_1301, %select_n3A_532 : i32
          %convert_element_type3A_1305 = arith.extui %lt3A : i1 to i32
          %cond3A_1306 = arith.constant 0 : i32
          %cond3A_1307 = arith.cmpi ne, %convert_element_type3A_1305, %cond3A_1306 : i32
          scf.if %cond3A_1307 {
            %mul3A_1312 = arith.constant 2 : i32
            %mul3A_1313 = arith.muli %add3A_1301, %mul3A_1312 : i32
            %dma_start3A = arith.constant 0 : i32
            %dma_start3A_1314 = tpu.memref_slice %arg7[%mul3A_1313, %dma_start3A] : memref<200x64xf32, #tpu.memory_space<vmem>> -> memref<2x64xf32, #tpu.memory_space<vmem>>
            %dma_start3A_1315 = arith.constant 0 : i32
            %dma_start3A_1316 = tpu.memref_slice %arg5[%add3A_1304, %dma_start3A_1315] : memref<819200x64xf32, #tpu.memory_space<hbm>> -> memref<2x64xf32, #tpu.memory_space<hbm>>
            %dma_start3A_1317 = arith.constant 0 : i32
            %dma_start3A_1318 = tpu.memref_slice %arg5[%add3A_1304, %dma_start3A_1317] : memref<819200x64xf32, #tpu.memory_space<hbm>> -> memref<2x64xf32, #tpu.memory_space<hbm>>
            %dma_start3A_1319 = arith.constant 0 : i32
            %dma_start3A_1320 = tpu.memref_slice %arg7[%mul3A_1313, %dma_start3A_1319] : memref<200x64xf32, #tpu.memory_space<vmem>> -> memref<2x64xf32, #tpu.memory_space<vmem>>
            tpu.enqueue_dma source(%dma_start3A_1320 : memref<2x64xf32, #tpu.memory_space<vmem>>) target(%dma_start3A_1318 : memref<2x64xf32, #tpu.memory_space<hbm>>) target_semaphore(%arg14 : memref<!tpu.dma_semaphore, #tpu.memory_space<semaphore_mem>>)
          } else {
          }
          %ge3A_1308 = arith.cmpi sge, %add3A_1301, %select_n3A_532 : i32
          %convert_element_type3A_1309 = arith.extui %ge3A_1308 : i1 to i32
          %cond3A_1310 = arith.constant 0 : i32
          %cond3A_1311 = arith.cmpi ne, %convert_element_type3A_1309, %cond3A_1310 : i32
          scf.if %cond3A_1311 {
            %dma_start3A = arith.constant 0 : i32
            %dma_start3A_1312 = tpu.memref_slice %arg5[%add3A_1304, %dma_start3A] : memref<819200x64xf32, #tpu.memory_space<hbm>> -> memref<2x64xf32, #tpu.memory_space<hbm>>
            %dma_start3A_1313 = arith.constant 0 : i32
            %dma_start3A_1314 = tpu.memref_slice %arg5[%add3A_1304, %dma_start3A_1313] : memref<819200x64xf32, #tpu.memory_space<hbm>> -> memref<2x64xf32, #tpu.memory_space<hbm>>
            tpu.enqueue_dma source(%arg9 : memref<2x64xf32, #tpu.memory_space<vmem>>) target(%dma_start3A_1314 : memref<2x64xf32, #tpu.memory_space<hbm>>) target_semaphore(%arg14 : memref<!tpu.dma_semaphore, #tpu.memory_space<semaphore_mem>>)
          } else {
          }
        }
        %scan3A_1296 = arith.constant 100 : i32
      } else {
      }
      %add3A_1142 = arith.constant 12 : i32
      %add3A_1143 = arith.addi %add3A_85, %add3A_1142 : i32
      %ge3A_1144 = arith.constant 2 : i32
      %ge3A_1145 = arith.cmpi sge, %add3A_1143, %ge3A_1144 : i32
      %convert_element_type3A_1146 = arith.extui %ge3A_1145 : i1 to i32
      %cond3A_1147 = arith.constant 0 : i32
      %cond3A_1148 = arith.cmpi ne, %convert_element_type3A_1146, %cond3A_1147 : i32
      scf.if %cond3A_1148 {
        %scan3A_1266 = arith.constant 0 : i32
        %scan3A_1267 = arith.constant 100 : i32
        %scan3A_1268 = arith.addi %scan3A_1266, %scan3A_1267 : i32
        %scan3A_1269 = arith.constant 1 : i32
        scf.for %scan3A_1271 = %scan3A_1266 to %scan3A_1268 step %scan3A_1269  : i32 {
          %mul3A_1272 = arith.constant 1 : i32
          %mul3A_1273 = arith.muli %scan3A_1271, %mul3A_1272 : i32
          %add3A_1274 = arith.constant 0 : i32
          %add3A_1275 = arith.addi %add3A_1274, %mul3A_1273 : i32
          %dma_wait3A = arith.constant 0 : i32
          %dma_wait3A_1276 = arith.constant 0 : i32
          %dma_wait3A_1277 = tpu.memref_slice %arg7[%dma_wait3A, %dma_wait3A_1276] : memref<200x64xf32, #tpu.memory_space<vmem>> -> memref<2x64xf32, #tpu.memory_space<vmem>>
          %dma_wait3A_1278 = arith.constant 0 : i32
          %dma_wait3A_1279 = arith.constant 0 : i32
          %dma_wait3A_1280 = tpu.memref_slice %arg5[%dma_wait3A_1278, %dma_wait3A_1279] : memref<819200x64xf32, #tpu.memory_space<hbm>> -> memref<2x64xf32, #tpu.memory_space<hbm>>
          %dma_wait3A_1281 = arith.constant 0 : i32
          %dma_wait3A_1282 = arith.constant 0 : i32
          %dma_wait3A_1283 = tpu.memref_slice %arg5[%dma_wait3A_1281, %dma_wait3A_1282] : memref<819200x64xf32, #tpu.memory_space<hbm>> -> memref<2x64xf32, #tpu.memory_space<hbm>>
          %dma_wait3A_1284 = arith.constant 0 : i32
          %dma_wait3A_1285 = arith.constant 0 : i32
          %dma_wait3A_1286 = tpu.memref_slice %arg7[%dma_wait3A_1284, %dma_wait3A_1285] : memref<200x64xf32, #tpu.memory_space<vmem>> -> memref<2x64xf32, #tpu.memory_space<vmem>>
          tpu.wait_dma2 semaphore(%arg14 : memref<!tpu.dma_semaphore, #tpu.memory_space<semaphore_mem>>) src(%dma_wait3A_1286 : memref<2x64xf32, #tpu.memory_space<vmem>>) dst(%dma_wait3A_1283 : memref<2x64xf32, #tpu.memory_space<hbm>>)
        }
        %scan3A_1270 = arith.constant 100 : i32
      } else {
      }
      %sub3A_1149 = arith.constant 0 : i32
      %sub3A_1150 = arith.subi %select_n3A_612, %sub3A_1149 : i32
      %sub3A_1151 = arith.constant 1 : i32
      %sub3A_1152 = arith.constant 1 : i32
      %sub3A_1153 = arith.subi %sub3A_1151, %sub3A_1152 : i32
      %add3A_1154 = arith.addi %sub3A_1150, %sub3A_1153 : i32
      %div3A_1155 = arith.constant 1 : i32
      %div3A_1156 = arith.divsi %add3A_1154, %div3A_1155 : i32
      %while3A_1157 = arith.constant 1 : i32
      %while3A_1158 = arith.constant 0 : i32
      %while3A_1159 = arith.constant 0 : i32
      %while3A_1160 = arith.subi %div3A_1156, %while3A_1159 : i32
      %while3A_1161 = arith.addi %while3A_1159, %while3A_1160 : i32
      %while3A_1162 = arith.constant 1 : i32
      %while3A_1163 = arith.divsi %while3A_1160, %while3A_1162 : i32
      %while3A_1164 = arith.muli %while3A_1163, %while3A_1162 : i32
      %while3A_1165 = arith.addi %while3A_1159, %while3A_1164 : i32
      %while3A_1166 = arith.constant 1 : i32
      scf.for %while3A_1266 = %while3A_1159 to %while3A_1165 step %while3A_1166  : i32 {
        %mul3A_1267 = arith.muli %while3A_1266, %while3A_1157 : i32
        %add3A_1268 = arith.addi %while3A_1158, %mul3A_1267 : i32
        %mul3A_1269 = arith.constant 2 : i32
        %mul3A_1270 = arith.muli %add3A_1268, %mul3A_1269 : i32
        %dma_start3A = arith.constant 0 : i32
        %dma_start3A_1271 = tpu.memref_slice %arg7[%mul3A_1270, %dma_start3A] : memref<200x64xf32, #tpu.memory_space<vmem>> -> memref<2x64xf32, #tpu.memory_space<vmem>>
        %dma_start3A_1272 = arith.constant 0 : i32
        %dma_start3A_1273 = tpu.memref_slice %arg6[%add3A_1143, %add3A_1268, %dma_start3A_1272] : memref<128x100x2xi32, #tpu.memory_space<vmem>> -> memref<1x1x2xi32, #tpu.memory_space<vmem>>
        %dma_start3A_1274 = tpu.memref_squeeze %dma_start3A_1273 : memref<1x1x2xi32, #tpu.memory_space<vmem>> -> memref<2xi32, #tpu.memory_space<vmem>>
        %dma_start3A_1275 = arith.constant 0 : i32
        %dma_start3A_1276 = arith.constant 0 : i32
        %dma_start3A_1277 = tpu.memref_slice %arg2[%dma_start3A_1275, %dma_start3A_1276] : memref<1000000x64xf32, #tpu.memory_space<hbm>> -> memref<1000000x64xf32, #tpu.memory_space<hbm>>
        tpu.enqueue_indirect_dma source(%dma_start3A_1277 : memref<1000000x64xf32, #tpu.memory_space<hbm>>) target(%dma_start3A_1271 : memref<2x64xf32, #tpu.memory_space<vmem>>) offsets(%dma_start3A_1274 : memref<2xi32, #tpu.memory_space<vmem>>) semaphore(%arg12 : memref<!tpu.dma_semaphore, #tpu.memory_space<semaphore_mem>>)
      }
      %while3A_1167 = arith.constant 1 : i32
      scf.for %while3A_1266 = %while3A_1165 to %while3A_1161 step %while3A_1167  : i32 {
        %mul3A_1267 = arith.muli %while3A_1266, %while3A_1157 : i32
        %add3A_1268 = arith.addi %while3A_1158, %mul3A_1267 : i32
        %mul3A_1269 = arith.constant 2 : i32
        %mul3A_1270 = arith.muli %add3A_1268, %mul3A_1269 : i32
        %dma_start3A = arith.constant 0 : i32
        %dma_start3A_1271 = tpu.memref_slice %arg7[%mul3A_1270, %dma_start3A] : memref<200x64xf32, #tpu.memory_space<vmem>> -> memref<2x64xf32, #tpu.memory_space<vmem>>
        %dma_start3A_1272 = arith.constant 0 : i32
        %dma_start3A_1273 = tpu.memref_slice %arg6[%add3A_1143, %add3A_1268, %dma_start3A_1272] : memref<128x100x2xi32, #tpu.memory_space<vmem>> -> memref<1x1x2xi32, #tpu.memory_space<vmem>>
        %dma_start3A_1274 = tpu.memref_squeeze %dma_start3A_1273 : memref<1x1x2xi32, #tpu.memory_space<vmem>> -> memref<2xi32, #tpu.memory_space<vmem>>
        %dma_start3A_1275 = arith.constant 0 : i32
        %dma_start3A_1276 = arith.constant 0 : i32
        %dma_start3A_1277 = tpu.memref_slice %arg2[%dma_start3A_1275, %dma_start3A_1276] : memref<1000000x64xf32, #tpu.memory_space<hbm>> -> memref<1000000x64xf32, #tpu.memory_space<hbm>>
        tpu.enqueue_indirect_dma source(%dma_start3A_1277 : memref<1000000x64xf32, #tpu.memory_space<hbm>>) target(%dma_start3A_1271 : memref<2x64xf32, #tpu.memory_space<vmem>>) offsets(%dma_start3A_1274 : memref<2xi32, #tpu.memory_space<vmem>>) semaphore(%arg12 : memref<!tpu.dma_semaphore, #tpu.memory_space<semaphore_mem>>)
      }
      %ge3A_1168 = arith.constant 1 : i32
      %ge3A_1169 = arith.cmpi sge, %add3A_1143, %ge3A_1168 : i32
      %convert_element_type3A_1170 = arith.extui %ge3A_1169 : i1 to i32
      %cond3A_1171 = arith.constant 0 : i32
      %cond3A_1172 = arith.cmpi ne, %convert_element_type3A_1170, %cond3A_1171 : i32
      scf.if %cond3A_1172 {
        %sub3A_1266 = arith.constant 0 : i32
        %sub3A_1267 = arith.subi %select_n3A_572, %sub3A_1266 : i32
        %sub3A_1268 = arith.constant 1 : i32
        %sub3A_1269 = arith.constant 1 : i32
        %sub3A_1270 = arith.subi %sub3A_1268, %sub3A_1269 : i32
        %add3A_1271 = arith.addi %sub3A_1267, %sub3A_1270 : i32
        %div3A_1272 = arith.constant 1 : i32
        %div3A_1273 = arith.divsi %add3A_1271, %div3A_1272 : i32
        %while3A_1274 = arith.constant 1 : i32
        %while3A_1275 = arith.constant 0 : i32
        %while3A_1276 = arith.constant 0 : i32
        %while3A_1277 = arith.subi %div3A_1273, %while3A_1276 : i32
        %while3A_1278 = arith.addi %while3A_1276, %while3A_1277 : i32
        %while3A_1279 = arith.constant 1 : i32
        %while3A_1280 = arith.divsi %while3A_1277, %while3A_1279 : i32
        %while3A_1281 = arith.muli %while3A_1280, %while3A_1279 : i32
        %while3A_1282 = arith.addi %while3A_1276, %while3A_1281 : i32
        %while3A_1283 = arith.constant 1 : i32
        scf.for %while3A_1297 = %while3A_1276 to %while3A_1282 step %while3A_1283  : i32 {
          %mul3A_1298 = arith.muli %while3A_1297, %while3A_1274 : i32
          %add3A_1299 = arith.addi %while3A_1275, %mul3A_1298 : i32
          %dma_wait3A = arith.constant 0 : i32
          %dma_wait3A_1300 = arith.constant 0 : i32
          %dma_wait3A_1301 = arith.constant 0 : i32
          %dma_wait3A_1302 = arith.constant 0 : i32
          %dma_wait3A_1303 = tpu.memref_slice %arg8[%dma_wait3A_1301, %dma_wait3A_1302] : memref<200x64xf32, #tpu.memory_space<vmem>> -> memref<2x64xf32, #tpu.memory_space<vmem>>
          %dma_wait3A_1304 = arith.constant 0 : i32
          %dma_wait3A_1305 = tpu.memref_slice %arg6[%dma_wait3A, %dma_wait3A_1300, %dma_wait3A_1304] : memref<128x100x2xi32, #tpu.memory_space<vmem>> -> memref<1x1x2xi32, #tpu.memory_space<vmem>>
          %dma_wait3A_1306 = tpu.memref_squeeze %dma_wait3A_1305 : memref<1x1x2xi32, #tpu.memory_space<vmem>> -> memref<2xi32, #tpu.memory_space<vmem>>
          %dma_wait3A_1307 = arith.constant 0 : i32
          %dma_wait3A_1308 = arith.constant 0 : i32
          %dma_wait3A_1309 = tpu.memref_slice %arg2[%dma_wait3A_1307, %dma_wait3A_1308] : memref<1000000x64xf32, #tpu.memory_space<hbm>> -> memref<1000000x64xf32, #tpu.memory_space<hbm>>
          tpu.wait_indirect_dma semaphore(%arg13 : memref<!tpu.dma_semaphore, #tpu.memory_space<semaphore_mem>>) src(%dma_wait3A_1309 : memref<1000000x64xf32, #tpu.memory_space<hbm>>) dst(%dma_wait3A_1303 : memref<2x64xf32, #tpu.memory_space<vmem>>)
        }
        %while3A_1284 = arith.constant 1 : i32
        scf.for %while3A_1297 = %while3A_1282 to %while3A_1278 step %while3A_1284  : i32 {
          %mul3A_1298 = arith.muli %while3A_1297, %while3A_1274 : i32
          %add3A_1299 = arith.addi %while3A_1275, %mul3A_1298 : i32
          %dma_wait3A = arith.constant 0 : i32
          %dma_wait3A_1300 = arith.constant 0 : i32
          %dma_wait3A_1301 = arith.constant 0 : i32
          %dma_wait3A_1302 = arith.constant 0 : i32
          %dma_wait3A_1303 = tpu.memref_slice %arg8[%dma_wait3A_1301, %dma_wait3A_1302] : memref<200x64xf32, #tpu.memory_space<vmem>> -> memref<2x64xf32, #tpu.memory_space<vmem>>
          %dma_wait3A_1304 = arith.constant 0 : i32
          %dma_wait3A_1305 = tpu.memref_slice %arg6[%dma_wait3A, %dma_wait3A_1300, %dma_wait3A_1304] : memref<128x100x2xi32, #tpu.memory_space<vmem>> -> memref<1x1x2xi32, #tpu.memory_space<vmem>>
          %dma_wait3A_1306 = tpu.memref_squeeze %dma_wait3A_1305 : memref<1x1x2xi32, #tpu.memory_space<vmem>> -> memref<2xi32, #tpu.memory_space<vmem>>
          %dma_wait3A_1307 = arith.constant 0 : i32
          %dma_wait3A_1308 = arith.constant 0 : i32
          %dma_wait3A_1309 = tpu.memref_slice %arg2[%dma_wait3A_1307, %dma_wait3A_1308] : memref<1000000x64xf32, #tpu.memory_space<hbm>> -> memref<1000000x64xf32, #tpu.memory_space<hbm>>
          tpu.wait_indirect_dma semaphore(%arg13 : memref<!tpu.dma_semaphore, #tpu.memory_space<semaphore_mem>>) src(%dma_wait3A_1309 : memref<1000000x64xf32, #tpu.memory_space<hbm>>) dst(%dma_wait3A_1303 : memref<2x64xf32, #tpu.memory_space<vmem>>)
        }
        %sub3A_1285 = arith.constant 1 : i32
        %sub3A_1286 = arith.subi %add3A_1143, %sub3A_1285 : i32
        %mul3A_1287 = arith.constant 128 : i32
        %mul3A_1288 = arith.muli %add3A, %mul3A_1287 : i32
        %add3A_1289 = arith.addi %mul3A_1288, %sub3A_1286 : i32
        %mul3A_1290 = arith.constant 200 : i32
        %mul3A_1291 = arith.muli %add3A_1289, %mul3A_1290 : i32
        %scan3A_1292 = arith.constant 0 : i32
        %scan3A_1293 = arith.constant 100 : i32
        %scan3A_1294 = arith.addi %scan3A_1292, %scan3A_1293 : i32
        %scan3A_1295 = arith.constant 1 : i32
        scf.for %scan3A_1297 = %scan3A_1292 to %scan3A_1294 step %scan3A_1295  : i32 {
          %mul3A_1298 = arith.constant 1 : i32
          %mul3A_1299 = arith.muli %scan3A_1297, %mul3A_1298 : i32
          %add3A_1300 = arith.constant 0 : i32
          %add3A_1301 = arith.addi %add3A_1300, %mul3A_1299 : i32
          %mul3A_1302 = arith.constant 2 : i32
          %mul3A_1303 = arith.muli %add3A_1301, %mul3A_1302 : i32
          %add3A_1304 = arith.addi %mul3A_1291, %mul3A_1303 : i32
          %lt3A = arith.cmpi slt, %add3A_1301, %select_n3A_572 : i32
          %convert_element_type3A_1305 = arith.extui %lt3A : i1 to i32
          %cond3A_1306 = arith.constant 0 : i32
          %cond3A_1307 = arith.cmpi ne, %convert_element_type3A_1305, %cond3A_1306 : i32
          scf.if %cond3A_1307 {
            %mul3A_1312 = arith.constant 2 : i32
            %mul3A_1313 = arith.muli %add3A_1301, %mul3A_1312 : i32
            %dma_start3A = arith.constant 0 : i32
            %dma_start3A_1314 = tpu.memref_slice %arg8[%mul3A_1313, %dma_start3A] : memref<200x64xf32, #tpu.memory_space<vmem>> -> memref<2x64xf32, #tpu.memory_space<vmem>>
            %dma_start3A_1315 = arith.constant 0 : i32
            %dma_start3A_1316 = tpu.memref_slice %arg5[%add3A_1304, %dma_start3A_1315] : memref<819200x64xf32, #tpu.memory_space<hbm>> -> memref<2x64xf32, #tpu.memory_space<hbm>>
            %dma_start3A_1317 = arith.constant 0 : i32
            %dma_start3A_1318 = tpu.memref_slice %arg5[%add3A_1304, %dma_start3A_1317] : memref<819200x64xf32, #tpu.memory_space<hbm>> -> memref<2x64xf32, #tpu.memory_space<hbm>>
            %dma_start3A_1319 = arith.constant 0 : i32
            %dma_start3A_1320 = tpu.memref_slice %arg8[%mul3A_1313, %dma_start3A_1319] : memref<200x64xf32, #tpu.memory_space<vmem>> -> memref<2x64xf32, #tpu.memory_space<vmem>>
            tpu.enqueue_dma source(%dma_start3A_1320 : memref<2x64xf32, #tpu.memory_space<vmem>>) target(%dma_start3A_1318 : memref<2x64xf32, #tpu.memory_space<hbm>>) target_semaphore(%arg15 : memref<!tpu.dma_semaphore, #tpu.memory_space<semaphore_mem>>)
          } else {
          }
          %ge3A_1308 = arith.cmpi sge, %add3A_1301, %select_n3A_572 : i32
          %convert_element_type3A_1309 = arith.extui %ge3A_1308 : i1 to i32
          %cond3A_1310 = arith.constant 0 : i32
          %cond3A_1311 = arith.cmpi ne, %convert_element_type3A_1309, %cond3A_1310 : i32
          scf.if %cond3A_1311 {
            %dma_start3A = arith.constant 0 : i32
            %dma_start3A_1312 = tpu.memref_slice %arg5[%add3A_1304, %dma_start3A] : memref<819200x64xf32, #tpu.memory_space<hbm>> -> memref<2x64xf32, #tpu.memory_space<hbm>>
            %dma_start3A_1313 = arith.constant 0 : i32
            %dma_start3A_1314 = tpu.memref_slice %arg5[%add3A_1304, %dma_start3A_1313] : memref<819200x64xf32, #tpu.memory_space<hbm>> -> memref<2x64xf32, #tpu.memory_space<hbm>>
            tpu.enqueue_dma source(%arg9 : memref<2x64xf32, #tpu.memory_space<vmem>>) target(%dma_start3A_1314 : memref<2x64xf32, #tpu.memory_space<hbm>>) target_semaphore(%arg15 : memref<!tpu.dma_semaphore, #tpu.memory_space<semaphore_mem>>)
          } else {
          }
        }
        %scan3A_1296 = arith.constant 100 : i32
      } else {
      }
      %add3A_1173 = arith.constant 13 : i32
      %add3A_1174 = arith.addi %add3A_85, %add3A_1173 : i32
      %ge3A_1175 = arith.constant 2 : i32
      %ge3A_1176 = arith.cmpi sge, %add3A_1174, %ge3A_1175 : i32
      %convert_element_type3A_1177 = arith.extui %ge3A_1176 : i1 to i32
      %cond3A_1178 = arith.constant 0 : i32
      %cond3A_1179 = arith.cmpi ne, %convert_element_type3A_1177, %cond3A_1178 : i32
      scf.if %cond3A_1179 {
        %scan3A_1266 = arith.constant 0 : i32
        %scan3A_1267 = arith.constant 100 : i32
        %scan3A_1268 = arith.addi %scan3A_1266, %scan3A_1267 : i32
        %scan3A_1269 = arith.constant 1 : i32
        scf.for %scan3A_1271 = %scan3A_1266 to %scan3A_1268 step %scan3A_1269  : i32 {
          %mul3A_1272 = arith.constant 1 : i32
          %mul3A_1273 = arith.muli %scan3A_1271, %mul3A_1272 : i32
          %add3A_1274 = arith.constant 0 : i32
          %add3A_1275 = arith.addi %add3A_1274, %mul3A_1273 : i32
          %dma_wait3A = arith.constant 0 : i32
          %dma_wait3A_1276 = arith.constant 0 : i32
          %dma_wait3A_1277 = tpu.memref_slice %arg8[%dma_wait3A, %dma_wait3A_1276] : memref<200x64xf32, #tpu.memory_space<vmem>> -> memref<2x64xf32, #tpu.memory_space<vmem>>
          %dma_wait3A_1278 = arith.constant 0 : i32
          %dma_wait3A_1279 = arith.constant 0 : i32
          %dma_wait3A_1280 = tpu.memref_slice %arg5[%dma_wait3A_1278, %dma_wait3A_1279] : memref<819200x64xf32, #tpu.memory_space<hbm>> -> memref<2x64xf32, #tpu.memory_space<hbm>>
          %dma_wait3A_1281 = arith.constant 0 : i32
          %dma_wait3A_1282 = arith.constant 0 : i32
          %dma_wait3A_1283 = tpu.memref_slice %arg5[%dma_wait3A_1281, %dma_wait3A_1282] : memref<819200x64xf32, #tpu.memory_space<hbm>> -> memref<2x64xf32, #tpu.memory_space<hbm>>
          %dma_wait3A_1284 = arith.constant 0 : i32
          %dma_wait3A_1285 = arith.constant 0 : i32
          %dma_wait3A_1286 = tpu.memref_slice %arg8[%dma_wait3A_1284, %dma_wait3A_1285] : memref<200x64xf32, #tpu.memory_space<vmem>> -> memref<2x64xf32, #tpu.memory_space<vmem>>
          tpu.wait_dma2 semaphore(%arg15 : memref<!tpu.dma_semaphore, #tpu.memory_space<semaphore_mem>>) src(%dma_wait3A_1286 : memref<2x64xf32, #tpu.memory_space<vmem>>) dst(%dma_wait3A_1283 : memref<2x64xf32, #tpu.memory_space<hbm>>)
        }
        %scan3A_1270 = arith.constant 100 : i32
      } else {
      }
      %sub3A_1180 = arith.constant 0 : i32
      %sub3A_1181 = arith.subi %select_n3A_652, %sub3A_1180 : i32
      %sub3A_1182 = arith.constant 1 : i32
      %sub3A_1183 = arith.constant 1 : i32
      %sub3A_1184 = arith.subi %sub3A_1182, %sub3A_1183 : i32
      %add3A_1185 = arith.addi %sub3A_1181, %sub3A_1184 : i32
      %div3A_1186 = arith.constant 1 : i32
      %div3A_1187 = arith.divsi %add3A_1185, %div3A_1186 : i32
      %while3A_1188 = arith.constant 1 : i32
      %while3A_1189 = arith.constant 0 : i32
      %while3A_1190 = arith.constant 0 : i32
      %while3A_1191 = arith.subi %div3A_1187, %while3A_1190 : i32
      %while3A_1192 = arith.addi %while3A_1190, %while3A_1191 : i32
      %while3A_1193 = arith.constant 1 : i32
      %while3A_1194 = arith.divsi %while3A_1191, %while3A_1193 : i32
      %while3A_1195 = arith.muli %while3A_1194, %while3A_1193 : i32
      %while3A_1196 = arith.addi %while3A_1190, %while3A_1195 : i32
      %while3A_1197 = arith.constant 1 : i32
      scf.for %while3A_1266 = %while3A_1190 to %while3A_1196 step %while3A_1197  : i32 {
        %mul3A_1267 = arith.muli %while3A_1266, %while3A_1188 : i32
        %add3A_1268 = arith.addi %while3A_1189, %mul3A_1267 : i32
        %mul3A_1269 = arith.constant 2 : i32
        %mul3A_1270 = arith.muli %add3A_1268, %mul3A_1269 : i32
        %dma_start3A = arith.constant 0 : i32
        %dma_start3A_1271 = tpu.memref_slice %arg8[%mul3A_1270, %dma_start3A] : memref<200x64xf32, #tpu.memory_space<vmem>> -> memref<2x64xf32, #tpu.memory_space<vmem>>
        %dma_start3A_1272 = arith.constant 0 : i32
        %dma_start3A_1273 = tpu.memref_slice %arg6[%add3A_1174, %add3A_1268, %dma_start3A_1272] : memref<128x100x2xi32, #tpu.memory_space<vmem>> -> memref<1x1x2xi32, #tpu.memory_space<vmem>>
        %dma_start3A_1274 = tpu.memref_squeeze %dma_start3A_1273 : memref<1x1x2xi32, #tpu.memory_space<vmem>> -> memref<2xi32, #tpu.memory_space<vmem>>
        %dma_start3A_1275 = arith.constant 0 : i32
        %dma_start3A_1276 = arith.constant 0 : i32
        %dma_start3A_1277 = tpu.memref_slice %arg2[%dma_start3A_1275, %dma_start3A_1276] : memref<1000000x64xf32, #tpu.memory_space<hbm>> -> memref<1000000x64xf32, #tpu.memory_space<hbm>>
        tpu.enqueue_indirect_dma source(%dma_start3A_1277 : memref<1000000x64xf32, #tpu.memory_space<hbm>>) target(%dma_start3A_1271 : memref<2x64xf32, #tpu.memory_space<vmem>>) offsets(%dma_start3A_1274 : memref<2xi32, #tpu.memory_space<vmem>>) semaphore(%arg13 : memref<!tpu.dma_semaphore, #tpu.memory_space<semaphore_mem>>)
      }
      %while3A_1198 = arith.constant 1 : i32
      scf.for %while3A_1266 = %while3A_1196 to %while3A_1192 step %while3A_1198  : i32 {
        %mul3A_1267 = arith.muli %while3A_1266, %while3A_1188 : i32
        %add3A_1268 = arith.addi %while3A_1189, %mul3A_1267 : i32
        %mul3A_1269 = arith.constant 2 : i32
        %mul3A_1270 = arith.muli %add3A_1268, %mul3A_1269 : i32
        %dma_start3A = arith.constant 0 : i32
        %dma_start3A_1271 = tpu.memref_slice %arg8[%mul3A_1270, %dma_start3A] : memref<200x64xf32, #tpu.memory_space<vmem>> -> memref<2x64xf32, #tpu.memory_space<vmem>>
        %dma_start3A_1272 = arith.constant 0 : i32
        %dma_start3A_1273 = tpu.memref_slice %arg6[%add3A_1174, %add3A_1268, %dma_start3A_1272] : memref<128x100x2xi32, #tpu.memory_space<vmem>> -> memref<1x1x2xi32, #tpu.memory_space<vmem>>
        %dma_start3A_1274 = tpu.memref_squeeze %dma_start3A_1273 : memref<1x1x2xi32, #tpu.memory_space<vmem>> -> memref<2xi32, #tpu.memory_space<vmem>>
        %dma_start3A_1275 = arith.constant 0 : i32
        %dma_start3A_1276 = arith.constant 0 : i32
        %dma_start3A_1277 = tpu.memref_slice %arg2[%dma_start3A_1275, %dma_start3A_1276] : memref<1000000x64xf32, #tpu.memory_space<hbm>> -> memref<1000000x64xf32, #tpu.memory_space<hbm>>
        tpu.enqueue_indirect_dma source(%dma_start3A_1277 : memref<1000000x64xf32, #tpu.memory_space<hbm>>) target(%dma_start3A_1271 : memref<2x64xf32, #tpu.memory_space<vmem>>) offsets(%dma_start3A_1274 : memref<2xi32, #tpu.memory_space<vmem>>) semaphore(%arg13 : memref<!tpu.dma_semaphore, #tpu.memory_space<semaphore_mem>>)
      }
      %ge3A_1199 = arith.constant 1 : i32
      %ge3A_1200 = arith.cmpi sge, %add3A_1174, %ge3A_1199 : i32
      %convert_element_type3A_1201 = arith.extui %ge3A_1200 : i1 to i32
      %cond3A_1202 = arith.constant 0 : i32
      %cond3A_1203 = arith.cmpi ne, %convert_element_type3A_1201, %cond3A_1202 : i32
      scf.if %cond3A_1203 {
        %sub3A_1266 = arith.constant 0 : i32
        %sub3A_1267 = arith.subi %select_n3A_612, %sub3A_1266 : i32
        %sub3A_1268 = arith.constant 1 : i32
        %sub3A_1269 = arith.constant 1 : i32
        %sub3A_1270 = arith.subi %sub3A_1268, %sub3A_1269 : i32
        %add3A_1271 = arith.addi %sub3A_1267, %sub3A_1270 : i32
        %div3A_1272 = arith.constant 1 : i32
        %div3A_1273 = arith.divsi %add3A_1271, %div3A_1272 : i32
        %while3A_1274 = arith.constant 1 : i32
        %while3A_1275 = arith.constant 0 : i32
        %while3A_1276 = arith.constant 0 : i32
        %while3A_1277 = arith.subi %div3A_1273, %while3A_1276 : i32
        %while3A_1278 = arith.addi %while3A_1276, %while3A_1277 : i32
        %while3A_1279 = arith.constant 1 : i32
        %while3A_1280 = arith.divsi %while3A_1277, %while3A_1279 : i32
        %while3A_1281 = arith.muli %while3A_1280, %while3A_1279 : i32
        %while3A_1282 = arith.addi %while3A_1276, %while3A_1281 : i32
        %while3A_1283 = arith.constant 1 : i32
        scf.for %while3A_1297 = %while3A_1276 to %while3A_1282 step %while3A_1283  : i32 {
          %mul3A_1298 = arith.muli %while3A_1297, %while3A_1274 : i32
          %add3A_1299 = arith.addi %while3A_1275, %mul3A_1298 : i32
          %dma_wait3A = arith.constant 0 : i32
          %dma_wait3A_1300 = arith.constant 0 : i32
          %dma_wait3A_1301 = arith.constant 0 : i32
          %dma_wait3A_1302 = arith.constant 0 : i32
          %dma_wait3A_1303 = tpu.memref_slice %arg7[%dma_wait3A_1301, %dma_wait3A_1302] : memref<200x64xf32, #tpu.memory_space<vmem>> -> memref<2x64xf32, #tpu.memory_space<vmem>>
          %dma_wait3A_1304 = arith.constant 0 : i32
          %dma_wait3A_1305 = tpu.memref_slice %arg6[%dma_wait3A, %dma_wait3A_1300, %dma_wait3A_1304] : memref<128x100x2xi32, #tpu.memory_space<vmem>> -> memref<1x1x2xi32, #tpu.memory_space<vmem>>
          %dma_wait3A_1306 = tpu.memref_squeeze %dma_wait3A_1305 : memref<1x1x2xi32, #tpu.memory_space<vmem>> -> memref<2xi32, #tpu.memory_space<vmem>>
          %dma_wait3A_1307 = arith.constant 0 : i32
          %dma_wait3A_1308 = arith.constant 0 : i32
          %dma_wait3A_1309 = tpu.memref_slice %arg2[%dma_wait3A_1307, %dma_wait3A_1308] : memref<1000000x64xf32, #tpu.memory_space<hbm>> -> memref<1000000x64xf32, #tpu.memory_space<hbm>>
          tpu.wait_indirect_dma semaphore(%arg12 : memref<!tpu.dma_semaphore, #tpu.memory_space<semaphore_mem>>) src(%dma_wait3A_1309 : memref<1000000x64xf32, #tpu.memory_space<hbm>>) dst(%dma_wait3A_1303 : memref<2x64xf32, #tpu.memory_space<vmem>>)
        }
        %while3A_1284 = arith.constant 1 : i32
        scf.for %while3A_1297 = %while3A_1282 to %while3A_1278 step %while3A_1284  : i32 {
          %mul3A_1298 = arith.muli %while3A_1297, %while3A_1274 : i32
          %add3A_1299 = arith.addi %while3A_1275, %mul3A_1298 : i32
          %dma_wait3A = arith.constant 0 : i32
          %dma_wait3A_1300 = arith.constant 0 : i32
          %dma_wait3A_1301 = arith.constant 0 : i32
          %dma_wait3A_1302 = arith.constant 0 : i32
          %dma_wait3A_1303 = tpu.memref_slice %arg7[%dma_wait3A_1301, %dma_wait3A_1302] : memref<200x64xf32, #tpu.memory_space<vmem>> -> memref<2x64xf32, #tpu.memory_space<vmem>>
          %dma_wait3A_1304 = arith.constant 0 : i32
          %dma_wait3A_1305 = tpu.memref_slice %arg6[%dma_wait3A, %dma_wait3A_1300, %dma_wait3A_1304] : memref<128x100x2xi32, #tpu.memory_space<vmem>> -> memref<1x1x2xi32, #tpu.memory_space<vmem>>
          %dma_wait3A_1306 = tpu.memref_squeeze %dma_wait3A_1305 : memref<1x1x2xi32, #tpu.memory_space<vmem>> -> memref<2xi32, #tpu.memory_space<vmem>>
          %dma_wait3A_1307 = arith.constant 0 : i32
          %dma_wait3A_1308 = arith.constant 0 : i32
          %dma_wait3A_1309 = tpu.memref_slice %arg2[%dma_wait3A_1307, %dma_wait3A_1308] : memref<1000000x64xf32, #tpu.memory_space<hbm>> -> memref<1000000x64xf32, #tpu.memory_space<hbm>>
          tpu.wait_indirect_dma semaphore(%arg12 : memref<!tpu.dma_semaphore, #tpu.memory_space<semaphore_mem>>) src(%dma_wait3A_1309 : memref<1000000x64xf32, #tpu.memory_space<hbm>>) dst(%dma_wait3A_1303 : memref<2x64xf32, #tpu.memory_space<vmem>>)
        }
        %sub3A_1285 = arith.constant 1 : i32
        %sub3A_1286 = arith.subi %add3A_1174, %sub3A_1285 : i32
        %mul3A_1287 = arith.constant 128 : i32
        %mul3A_1288 = arith.muli %add3A, %mul3A_1287 : i32
        %add3A_1289 = arith.addi %mul3A_1288, %sub3A_1286 : i32
        %mul3A_1290 = arith.constant 200 : i32
        %mul3A_1291 = arith.muli %add3A_1289, %mul3A_1290 : i32
        %scan3A_1292 = arith.constant 0 : i32
        %scan3A_1293 = arith.constant 100 : i32
        %scan3A_1294 = arith.addi %scan3A_1292, %scan3A_1293 : i32
        %scan3A_1295 = arith.constant 1 : i32
        scf.for %scan3A_1297 = %scan3A_1292 to %scan3A_1294 step %scan3A_1295  : i32 {
          %mul3A_1298 = arith.constant 1 : i32
          %mul3A_1299 = arith.muli %scan3A_1297, %mul3A_1298 : i32
          %add3A_1300 = arith.constant 0 : i32
          %add3A_1301 = arith.addi %add3A_1300, %mul3A_1299 : i32
          %mul3A_1302 = arith.constant 2 : i32
          %mul3A_1303 = arith.muli %add3A_1301, %mul3A_1302 : i32
          %add3A_1304 = arith.addi %mul3A_1291, %mul3A_1303 : i32
          %lt3A = arith.cmpi slt, %add3A_1301, %select_n3A_612 : i32
          %convert_element_type3A_1305 = arith.extui %lt3A : i1 to i32
          %cond3A_1306 = arith.constant 0 : i32
          %cond3A_1307 = arith.cmpi ne, %convert_element_type3A_1305, %cond3A_1306 : i32
          scf.if %cond3A_1307 {
            %mul3A_1312 = arith.constant 2 : i32
            %mul3A_1313 = arith.muli %add3A_1301, %mul3A_1312 : i32
            %dma_start3A = arith.constant 0 : i32
            %dma_start3A_1314 = tpu.memref_slice %arg7[%mul3A_1313, %dma_start3A] : memref<200x64xf32, #tpu.memory_space<vmem>> -> memref<2x64xf32, #tpu.memory_space<vmem>>
            %dma_start3A_1315 = arith.constant 0 : i32
            %dma_start3A_1316 = tpu.memref_slice %arg5[%add3A_1304, %dma_start3A_1315] : memref<819200x64xf32, #tpu.memory_space<hbm>> -> memref<2x64xf32, #tpu.memory_space<hbm>>
            %dma_start3A_1317 = arith.constant 0 : i32
            %dma_start3A_1318 = tpu.memref_slice %arg5[%add3A_1304, %dma_start3A_1317] : memref<819200x64xf32, #tpu.memory_space<hbm>> -> memref<2x64xf32, #tpu.memory_space<hbm>>
            %dma_start3A_1319 = arith.constant 0 : i32
            %dma_start3A_1320 = tpu.memref_slice %arg7[%mul3A_1313, %dma_start3A_1319] : memref<200x64xf32, #tpu.memory_space<vmem>> -> memref<2x64xf32, #tpu.memory_space<vmem>>
            tpu.enqueue_dma source(%dma_start3A_1320 : memref<2x64xf32, #tpu.memory_space<vmem>>) target(%dma_start3A_1318 : memref<2x64xf32, #tpu.memory_space<hbm>>) target_semaphore(%arg14 : memref<!tpu.dma_semaphore, #tpu.memory_space<semaphore_mem>>)
          } else {
          }
          %ge3A_1308 = arith.cmpi sge, %add3A_1301, %select_n3A_612 : i32
          %convert_element_type3A_1309 = arith.extui %ge3A_1308 : i1 to i32
          %cond3A_1310 = arith.constant 0 : i32
          %cond3A_1311 = arith.cmpi ne, %convert_element_type3A_1309, %cond3A_1310 : i32
          scf.if %cond3A_1311 {
            %dma_start3A = arith.constant 0 : i32
            %dma_start3A_1312 = tpu.memref_slice %arg5[%add3A_1304, %dma_start3A] : memref<819200x64xf32, #tpu.memory_space<hbm>> -> memref<2x64xf32, #tpu.memory_space<hbm>>
            %dma_start3A_1313 = arith.constant 0 : i32
            %dma_start3A_1314 = tpu.memref_slice %arg5[%add3A_1304, %dma_start3A_1313] : memref<819200x64xf32, #tpu.memory_space<hbm>> -> memref<2x64xf32, #tpu.memory_space<hbm>>
            tpu.enqueue_dma source(%arg9 : memref<2x64xf32, #tpu.memory_space<vmem>>) target(%dma_start3A_1314 : memref<2x64xf32, #tpu.memory_space<hbm>>) target_semaphore(%arg14 : memref<!tpu.dma_semaphore, #tpu.memory_space<semaphore_mem>>)
          } else {
          }
        }
        %scan3A_1296 = arith.constant 100 : i32
      } else {
      }
      %add3A_1204 = arith.constant 14 : i32
      %add3A_1205 = arith.addi %add3A_85, %add3A_1204 : i32
      %ge3A_1206 = arith.constant 2 : i32
      %ge3A_1207 = arith.cmpi sge, %add3A_1205, %ge3A_1206 : i32
      %convert_element_type3A_1208 = arith.extui %ge3A_1207 : i1 to i32
      %cond3A_1209 = arith.constant 0 : i32
      %cond3A_1210 = arith.cmpi ne, %convert_element_type3A_1208, %cond3A_1209 : i32
      scf.if %cond3A_1210 {
        %scan3A_1266 = arith.constant 0 : i32
        %scan3A_1267 = arith.constant 100 : i32
        %scan3A_1268 = arith.addi %scan3A_1266, %scan3A_1267 : i32
        %scan3A_1269 = arith.constant 1 : i32
        scf.for %scan3A_1271 = %scan3A_1266 to %scan3A_1268 step %scan3A_1269  : i32 {
          %mul3A_1272 = arith.constant 1 : i32
          %mul3A_1273 = arith.muli %scan3A_1271, %mul3A_1272 : i32
          %add3A_1274 = arith.constant 0 : i32
          %add3A_1275 = arith.addi %add3A_1274, %mul3A_1273 : i32
          %dma_wait3A = arith.constant 0 : i32
          %dma_wait3A_1276 = arith.constant 0 : i32
          %dma_wait3A_1277 = tpu.memref_slice %arg7[%dma_wait3A, %dma_wait3A_1276] : memref<200x64xf32, #tpu.memory_space<vmem>> -> memref<2x64xf32, #tpu.memory_space<vmem>>
          %dma_wait3A_1278 = arith.constant 0 : i32
          %dma_wait3A_1279 = arith.constant 0 : i32
          %dma_wait3A_1280 = tpu.memref_slice %arg5[%dma_wait3A_1278, %dma_wait3A_1279] : memref<819200x64xf32, #tpu.memory_space<hbm>> -> memref<2x64xf32, #tpu.memory_space<hbm>>
          %dma_wait3A_1281 = arith.constant 0 : i32
          %dma_wait3A_1282 = arith.constant 0 : i32
          %dma_wait3A_1283 = tpu.memref_slice %arg5[%dma_wait3A_1281, %dma_wait3A_1282] : memref<819200x64xf32, #tpu.memory_space<hbm>> -> memref<2x64xf32, #tpu.memory_space<hbm>>
          %dma_wait3A_1284 = arith.constant 0 : i32
          %dma_wait3A_1285 = arith.constant 0 : i32
          %dma_wait3A_1286 = tpu.memref_slice %arg7[%dma_wait3A_1284, %dma_wait3A_1285] : memref<200x64xf32, #tpu.memory_space<vmem>> -> memref<2x64xf32, #tpu.memory_space<vmem>>
          tpu.wait_dma2 semaphore(%arg14 : memref<!tpu.dma_semaphore, #tpu.memory_space<semaphore_mem>>) src(%dma_wait3A_1286 : memref<2x64xf32, #tpu.memory_space<vmem>>) dst(%dma_wait3A_1283 : memref<2x64xf32, #tpu.memory_space<hbm>>)
        }
        %scan3A_1270 = arith.constant 100 : i32
      } else {
      }
      %sub3A_1211 = arith.constant 0 : i32
      %sub3A_1212 = arith.subi %select_n3A_692, %sub3A_1211 : i32
      %sub3A_1213 = arith.constant 1 : i32
      %sub3A_1214 = arith.constant 1 : i32
      %sub3A_1215 = arith.subi %sub3A_1213, %sub3A_1214 : i32
      %add3A_1216 = arith.addi %sub3A_1212, %sub3A_1215 : i32
      %div3A_1217 = arith.constant 1 : i32
      %div3A_1218 = arith.divsi %add3A_1216, %div3A_1217 : i32
      %while3A_1219 = arith.constant 1 : i32
      %while3A_1220 = arith.constant 0 : i32
      %while3A_1221 = arith.constant 0 : i32
      %while3A_1222 = arith.subi %div3A_1218, %while3A_1221 : i32
      %while3A_1223 = arith.addi %while3A_1221, %while3A_1222 : i32
      %while3A_1224 = arith.constant 1 : i32
      %while3A_1225 = arith.divsi %while3A_1222, %while3A_1224 : i32
      %while3A_1226 = arith.muli %while3A_1225, %while3A_1224 : i32
      %while3A_1227 = arith.addi %while3A_1221, %while3A_1226 : i32
      %while3A_1228 = arith.constant 1 : i32
      scf.for %while3A_1266 = %while3A_1221 to %while3A_1227 step %while3A_1228  : i32 {
        %mul3A_1267 = arith.muli %while3A_1266, %while3A_1219 : i32
        %add3A_1268 = arith.addi %while3A_1220, %mul3A_1267 : i32
        %mul3A_1269 = arith.constant 2 : i32
        %mul3A_1270 = arith.muli %add3A_1268, %mul3A_1269 : i32
        %dma_start3A = arith.constant 0 : i32
        %dma_start3A_1271 = tpu.memref_slice %arg7[%mul3A_1270, %dma_start3A] : memref<200x64xf32, #tpu.memory_space<vmem>> -> memref<2x64xf32, #tpu.memory_space<vmem>>
        %dma_start3A_1272 = arith.constant 0 : i32
        %dma_start3A_1273 = tpu.memref_slice %arg6[%add3A_1205, %add3A_1268, %dma_start3A_1272] : memref<128x100x2xi32, #tpu.memory_space<vmem>> -> memref<1x1x2xi32, #tpu.memory_space<vmem>>
        %dma_start3A_1274 = tpu.memref_squeeze %dma_start3A_1273 : memref<1x1x2xi32, #tpu.memory_space<vmem>> -> memref<2xi32, #tpu.memory_space<vmem>>
        %dma_start3A_1275 = arith.constant 0 : i32
        %dma_start3A_1276 = arith.constant 0 : i32
        %dma_start3A_1277 = tpu.memref_slice %arg2[%dma_start3A_1275, %dma_start3A_1276] : memref<1000000x64xf32, #tpu.memory_space<hbm>> -> memref<1000000x64xf32, #tpu.memory_space<hbm>>
        tpu.enqueue_indirect_dma source(%dma_start3A_1277 : memref<1000000x64xf32, #tpu.memory_space<hbm>>) target(%dma_start3A_1271 : memref<2x64xf32, #tpu.memory_space<vmem>>) offsets(%dma_start3A_1274 : memref<2xi32, #tpu.memory_space<vmem>>) semaphore(%arg12 : memref<!tpu.dma_semaphore, #tpu.memory_space<semaphore_mem>>)
      }
      %while3A_1229 = arith.constant 1 : i32
      scf.for %while3A_1266 = %while3A_1227 to %while3A_1223 step %while3A_1229  : i32 {
        %mul3A_1267 = arith.muli %while3A_1266, %while3A_1219 : i32
        %add3A_1268 = arith.addi %while3A_1220, %mul3A_1267 : i32
        %mul3A_1269 = arith.constant 2 : i32
        %mul3A_1270 = arith.muli %add3A_1268, %mul3A_1269 : i32
        %dma_start3A = arith.constant 0 : i32
        %dma_start3A_1271 = tpu.memref_slice %arg7[%mul3A_1270, %dma_start3A] : memref<200x64xf32, #tpu.memory_space<vmem>> -> memref<2x64xf32, #tpu.memory_space<vmem>>
        %dma_start3A_1272 = arith.constant 0 : i32
        %dma_start3A_1273 = tpu.memref_slice %arg6[%add3A_1205, %add3A_1268, %dma_start3A_1272] : memref<128x100x2xi32, #tpu.memory_space<vmem>> -> memref<1x1x2xi32, #tpu.memory_space<vmem>>
        %dma_start3A_1274 = tpu.memref_squeeze %dma_start3A_1273 : memref<1x1x2xi32, #tpu.memory_space<vmem>> -> memref<2xi32, #tpu.memory_space<vmem>>
        %dma_start3A_1275 = arith.constant 0 : i32
        %dma_start3A_1276 = arith.constant 0 : i32
        %dma_start3A_1277 = tpu.memref_slice %arg2[%dma_start3A_1275, %dma_start3A_1276] : memref<1000000x64xf32, #tpu.memory_space<hbm>> -> memref<1000000x64xf32, #tpu.memory_space<hbm>>
        tpu.enqueue_indirect_dma source(%dma_start3A_1277 : memref<1000000x64xf32, #tpu.memory_space<hbm>>) target(%dma_start3A_1271 : memref<2x64xf32, #tpu.memory_space<vmem>>) offsets(%dma_start3A_1274 : memref<2xi32, #tpu.memory_space<vmem>>) semaphore(%arg12 : memref<!tpu.dma_semaphore, #tpu.memory_space<semaphore_mem>>)
      }
      %ge3A_1230 = arith.constant 1 : i32
      %ge3A_1231 = arith.cmpi sge, %add3A_1205, %ge3A_1230 : i32
      %convert_element_type3A_1232 = arith.extui %ge3A_1231 : i1 to i32
      %cond3A_1233 = arith.constant 0 : i32
      %cond3A_1234 = arith.cmpi ne, %convert_element_type3A_1232, %cond3A_1233 : i32
      scf.if %cond3A_1234 {
        %sub3A_1266 = arith.constant 0 : i32
        %sub3A_1267 = arith.subi %select_n3A_652, %sub3A_1266 : i32
        %sub3A_1268 = arith.constant 1 : i32
        %sub3A_1269 = arith.constant 1 : i32
        %sub3A_1270 = arith.subi %sub3A_1268, %sub3A_1269 : i32
        %add3A_1271 = arith.addi %sub3A_1267, %sub3A_1270 : i32
        %div3A_1272 = arith.constant 1 : i32
        %div3A_1273 = arith.divsi %add3A_1271, %div3A_1272 : i32
        %while3A_1274 = arith.constant 1 : i32
        %while3A_1275 = arith.constant 0 : i32
        %while3A_1276 = arith.constant 0 : i32
        %while3A_1277 = arith.subi %div3A_1273, %while3A_1276 : i32
        %while3A_1278 = arith.addi %while3A_1276, %while3A_1277 : i32
        %while3A_1279 = arith.constant 1 : i32
        %while3A_1280 = arith.divsi %while3A_1277, %while3A_1279 : i32
        %while3A_1281 = arith.muli %while3A_1280, %while3A_1279 : i32
        %while3A_1282 = arith.addi %while3A_1276, %while3A_1281 : i32
        %while3A_1283 = arith.constant 1 : i32
        scf.for %while3A_1297 = %while3A_1276 to %while3A_1282 step %while3A_1283  : i32 {
          %mul3A_1298 = arith.muli %while3A_1297, %while3A_1274 : i32
          %add3A_1299 = arith.addi %while3A_1275, %mul3A_1298 : i32
          %dma_wait3A = arith.constant 0 : i32
          %dma_wait3A_1300 = arith.constant 0 : i32
          %dma_wait3A_1301 = arith.constant 0 : i32
          %dma_wait3A_1302 = arith.constant 0 : i32
          %dma_wait3A_1303 = tpu.memref_slice %arg8[%dma_wait3A_1301, %dma_wait3A_1302] : memref<200x64xf32, #tpu.memory_space<vmem>> -> memref<2x64xf32, #tpu.memory_space<vmem>>
          %dma_wait3A_1304 = arith.constant 0 : i32
          %dma_wait3A_1305 = tpu.memref_slice %arg6[%dma_wait3A, %dma_wait3A_1300, %dma_wait3A_1304] : memref<128x100x2xi32, #tpu.memory_space<vmem>> -> memref<1x1x2xi32, #tpu.memory_space<vmem>>
          %dma_wait3A_1306 = tpu.memref_squeeze %dma_wait3A_1305 : memref<1x1x2xi32, #tpu.memory_space<vmem>> -> memref<2xi32, #tpu.memory_space<vmem>>
          %dma_wait3A_1307 = arith.constant 0 : i32
          %dma_wait3A_1308 = arith.constant 0 : i32
          %dma_wait3A_1309 = tpu.memref_slice %arg2[%dma_wait3A_1307, %dma_wait3A_1308] : memref<1000000x64xf32, #tpu.memory_space<hbm>> -> memref<1000000x64xf32, #tpu.memory_space<hbm>>
          tpu.wait_indirect_dma semaphore(%arg13 : memref<!tpu.dma_semaphore, #tpu.memory_space<semaphore_mem>>) src(%dma_wait3A_1309 : memref<1000000x64xf32, #tpu.memory_space<hbm>>) dst(%dma_wait3A_1303 : memref<2x64xf32, #tpu.memory_space<vmem>>)
        }
        %while3A_1284 = arith.constant 1 : i32
        scf.for %while3A_1297 = %while3A_1282 to %while3A_1278 step %while3A_1284  : i32 {
          %mul3A_1298 = arith.muli %while3A_1297, %while3A_1274 : i32
          %add3A_1299 = arith.addi %while3A_1275, %mul3A_1298 : i32
          %dma_wait3A = arith.constant 0 : i32
          %dma_wait3A_1300 = arith.constant 0 : i32
          %dma_wait3A_1301 = arith.constant 0 : i32
          %dma_wait3A_1302 = arith.constant 0 : i32
          %dma_wait3A_1303 = tpu.memref_slice %arg8[%dma_wait3A_1301, %dma_wait3A_1302] : memref<200x64xf32, #tpu.memory_space<vmem>> -> memref<2x64xf32, #tpu.memory_space<vmem>>
          %dma_wait3A_1304 = arith.constant 0 : i32
          %dma_wait3A_1305 = tpu.memref_slice %arg6[%dma_wait3A, %dma_wait3A_1300, %dma_wait3A_1304] : memref<128x100x2xi32, #tpu.memory_space<vmem>> -> memref<1x1x2xi32, #tpu.memory_space<vmem>>
          %dma_wait3A_1306 = tpu.memref_squeeze %dma_wait3A_1305 : memref<1x1x2xi32, #tpu.memory_space<vmem>> -> memref<2xi32, #tpu.memory_space<vmem>>
          %dma_wait3A_1307 = arith.constant 0 : i32
          %dma_wait3A_1308 = arith.constant 0 : i32
          %dma_wait3A_1309 = tpu.memref_slice %arg2[%dma_wait3A_1307, %dma_wait3A_1308] : memref<1000000x64xf32, #tpu.memory_space<hbm>> -> memref<1000000x64xf32, #tpu.memory_space<hbm>>
          tpu.wait_indirect_dma semaphore(%arg13 : memref<!tpu.dma_semaphore, #tpu.memory_space<semaphore_mem>>) src(%dma_wait3A_1309 : memref<1000000x64xf32, #tpu.memory_space<hbm>>) dst(%dma_wait3A_1303 : memref<2x64xf32, #tpu.memory_space<vmem>>)
        }
        %sub3A_1285 = arith.constant 1 : i32
        %sub3A_1286 = arith.subi %add3A_1205, %sub3A_1285 : i32
        %mul3A_1287 = arith.constant 128 : i32
        %mul3A_1288 = arith.muli %add3A, %mul3A_1287 : i32
        %add3A_1289 = arith.addi %mul3A_1288, %sub3A_1286 : i32
        %mul3A_1290 = arith.constant 200 : i32
        %mul3A_1291 = arith.muli %add3A_1289, %mul3A_1290 : i32
        %scan3A_1292 = arith.constant 0 : i32
        %scan3A_1293 = arith.constant 100 : i32
        %scan3A_1294 = arith.addi %scan3A_1292, %scan3A_1293 : i32
        %scan3A_1295 = arith.constant 1 : i32
        scf.for %scan3A_1297 = %scan3A_1292 to %scan3A_1294 step %scan3A_1295  : i32 {
          %mul3A_1298 = arith.constant 1 : i32
          %mul3A_1299 = arith.muli %scan3A_1297, %mul3A_1298 : i32
          %add3A_1300 = arith.constant 0 : i32
          %add3A_1301 = arith.addi %add3A_1300, %mul3A_1299 : i32
          %mul3A_1302 = arith.constant 2 : i32
          %mul3A_1303 = arith.muli %add3A_1301, %mul3A_1302 : i32
          %add3A_1304 = arith.addi %mul3A_1291, %mul3A_1303 : i32
          %lt3A = arith.cmpi slt, %add3A_1301, %select_n3A_652 : i32
          %convert_element_type3A_1305 = arith.extui %lt3A : i1 to i32
          %cond3A_1306 = arith.constant 0 : i32
          %cond3A_1307 = arith.cmpi ne, %convert_element_type3A_1305, %cond3A_1306 : i32
          scf.if %cond3A_1307 {
            %mul3A_1312 = arith.constant 2 : i32
            %mul3A_1313 = arith.muli %add3A_1301, %mul3A_1312 : i32
            %dma_start3A = arith.constant 0 : i32
            %dma_start3A_1314 = tpu.memref_slice %arg8[%mul3A_1313, %dma_start3A] : memref<200x64xf32, #tpu.memory_space<vmem>> -> memref<2x64xf32, #tpu.memory_space<vmem>>
            %dma_start3A_1315 = arith.constant 0 : i32
            %dma_start3A_1316 = tpu.memref_slice %arg5[%add3A_1304, %dma_start3A_1315] : memref<819200x64xf32, #tpu.memory_space<hbm>> -> memref<2x64xf32, #tpu.memory_space<hbm>>
            %dma_start3A_1317 = arith.constant 0 : i32
            %dma_start3A_1318 = tpu.memref_slice %arg5[%add3A_1304, %dma_start3A_1317] : memref<819200x64xf32, #tpu.memory_space<hbm>> -> memref<2x64xf32, #tpu.memory_space<hbm>>
            %dma_start3A_1319 = arith.constant 0 : i32
            %dma_start3A_1320 = tpu.memref_slice %arg8[%mul3A_1313, %dma_start3A_1319] : memref<200x64xf32, #tpu.memory_space<vmem>> -> memref<2x64xf32, #tpu.memory_space<vmem>>
            tpu.enqueue_dma source(%dma_start3A_1320 : memref<2x64xf32, #tpu.memory_space<vmem>>) target(%dma_start3A_1318 : memref<2x64xf32, #tpu.memory_space<hbm>>) target_semaphore(%arg15 : memref<!tpu.dma_semaphore, #tpu.memory_space<semaphore_mem>>)
          } else {
          }
          %ge3A_1308 = arith.cmpi sge, %add3A_1301, %select_n3A_652 : i32
          %convert_element_type3A_1309 = arith.extui %ge3A_1308 : i1 to i32
          %cond3A_1310 = arith.constant 0 : i32
          %cond3A_1311 = arith.cmpi ne, %convert_element_type3A_1309, %cond3A_1310 : i32
          scf.if %cond3A_1311 {
            %dma_start3A = arith.constant 0 : i32
            %dma_start3A_1312 = tpu.memref_slice %arg5[%add3A_1304, %dma_start3A] : memref<819200x64xf32, #tpu.memory_space<hbm>> -> memref<2x64xf32, #tpu.memory_space<hbm>>
            %dma_start3A_1313 = arith.constant 0 : i32
            %dma_start3A_1314 = tpu.memref_slice %arg5[%add3A_1304, %dma_start3A_1313] : memref<819200x64xf32, #tpu.memory_space<hbm>> -> memref<2x64xf32, #tpu.memory_space<hbm>>
            tpu.enqueue_dma source(%arg9 : memref<2x64xf32, #tpu.memory_space<vmem>>) target(%dma_start3A_1314 : memref<2x64xf32, #tpu.memory_space<hbm>>) target_semaphore(%arg15 : memref<!tpu.dma_semaphore, #tpu.memory_space<semaphore_mem>>)
          } else {
          }
        }
        %scan3A_1296 = arith.constant 100 : i32
      } else {
      }
      %add3A_1235 = arith.constant 15 : i32
      %add3A_1236 = arith.addi %add3A_85, %add3A_1235 : i32
      %ge3A_1237 = arith.constant 2 : i32
      %ge3A_1238 = arith.cmpi sge, %add3A_1236, %ge3A_1237 : i32
      %convert_element_type3A_1239 = arith.extui %ge3A_1238 : i1 to i32
      %cond3A_1240 = arith.constant 0 : i32
      %cond3A_1241 = arith.cmpi ne, %convert_element_type3A_1239, %cond3A_1240 : i32
      scf.if %cond3A_1241 {
        %scan3A_1266 = arith.constant 0 : i32
        %scan3A_1267 = arith.constant 100 : i32
        %scan3A_1268 = arith.addi %scan3A_1266, %scan3A_1267 : i32
        %scan3A_1269 = arith.constant 1 : i32
        scf.for %scan3A_1271 = %scan3A_1266 to %scan3A_1268 step %scan3A_1269  : i32 {
          %mul3A_1272 = arith.constant 1 : i32
          %mul3A_1273 = arith.muli %scan3A_1271, %mul3A_1272 : i32
          %add3A_1274 = arith.constant 0 : i32
          %add3A_1275 = arith.addi %add3A_1274, %mul3A_1273 : i32
          %dma_wait3A = arith.constant 0 : i32
          %dma_wait3A_1276 = arith.constant 0 : i32
          %dma_wait3A_1277 = tpu.memref_slice %arg8[%dma_wait3A, %dma_wait3A_1276] : memref<200x64xf32, #tpu.memory_space<vmem>> -> memref<2x64xf32, #tpu.memory_space<vmem>>
          %dma_wait3A_1278 = arith.constant 0 : i32
          %dma_wait3A_1279 = arith.constant 0 : i32
          %dma_wait3A_1280 = tpu.memref_slice %arg5[%dma_wait3A_1278, %dma_wait3A_1279] : memref<819200x64xf32, #tpu.memory_space<hbm>> -> memref<2x64xf32, #tpu.memory_space<hbm>>
          %dma_wait3A_1281 = arith.constant 0 : i32
          %dma_wait3A_1282 = arith.constant 0 : i32
          %dma_wait3A_1283 = tpu.memref_slice %arg5[%dma_wait3A_1281, %dma_wait3A_1282] : memref<819200x64xf32, #tpu.memory_space<hbm>> -> memref<2x64xf32, #tpu.memory_space<hbm>>
          %dma_wait3A_1284 = arith.constant 0 : i32
          %dma_wait3A_1285 = arith.constant 0 : i32
          %dma_wait3A_1286 = tpu.memref_slice %arg8[%dma_wait3A_1284, %dma_wait3A_1285] : memref<200x64xf32, #tpu.memory_space<vmem>> -> memref<2x64xf32, #tpu.memory_space<vmem>>
          tpu.wait_dma2 semaphore(%arg15 : memref<!tpu.dma_semaphore, #tpu.memory_space<semaphore_mem>>) src(%dma_wait3A_1286 : memref<2x64xf32, #tpu.memory_space<vmem>>) dst(%dma_wait3A_1283 : memref<2x64xf32, #tpu.memory_space<hbm>>)
        }
        %scan3A_1270 = arith.constant 100 : i32
      } else {
      }
      %sub3A_1242 = arith.constant 0 : i32
      %sub3A_1243 = arith.subi %select_n3A_732, %sub3A_1242 : i32
      %sub3A_1244 = arith.constant 1 : i32
      %sub3A_1245 = arith.constant 1 : i32
      %sub3A_1246 = arith.subi %sub3A_1244, %sub3A_1245 : i32
      %add3A_1247 = arith.addi %sub3A_1243, %sub3A_1246 : i32
      %div3A_1248 = arith.constant 1 : i32
      %div3A_1249 = arith.divsi %add3A_1247, %div3A_1248 : i32
      %while3A_1250 = arith.constant 1 : i32
      %while3A_1251 = arith.constant 0 : i32
      %while3A_1252 = arith.constant 0 : i32
      %while3A_1253 = arith.subi %div3A_1249, %while3A_1252 : i32
      %while3A_1254 = arith.addi %while3A_1252, %while3A_1253 : i32
      %while3A_1255 = arith.constant 1 : i32
      %while3A_1256 = arith.divsi %while3A_1253, %while3A_1255 : i32
      %while3A_1257 = arith.muli %while3A_1256, %while3A_1255 : i32
      %while3A_1258 = arith.addi %while3A_1252, %while3A_1257 : i32
      %while3A_1259 = arith.constant 1 : i32
      scf.for %while3A_1266 = %while3A_1252 to %while3A_1258 step %while3A_1259  : i32 {
        %mul3A_1267 = arith.muli %while3A_1266, %while3A_1250 : i32
        %add3A_1268 = arith.addi %while3A_1251, %mul3A_1267 : i32
        %mul3A_1269 = arith.constant 2 : i32
        %mul3A_1270 = arith.muli %add3A_1268, %mul3A_1269 : i32
        %dma_start3A = arith.constant 0 : i32
        %dma_start3A_1271 = tpu.memref_slice %arg8[%mul3A_1270, %dma_start3A] : memref<200x64xf32, #tpu.memory_space<vmem>> -> memref<2x64xf32, #tpu.memory_space<vmem>>
        %dma_start3A_1272 = arith.constant 0 : i32
        %dma_start3A_1273 = tpu.memref_slice %arg6[%add3A_1236, %add3A_1268, %dma_start3A_1272] : memref<128x100x2xi32, #tpu.memory_space<vmem>> -> memref<1x1x2xi32, #tpu.memory_space<vmem>>
        %dma_start3A_1274 = tpu.memref_squeeze %dma_start3A_1273 : memref<1x1x2xi32, #tpu.memory_space<vmem>> -> memref<2xi32, #tpu.memory_space<vmem>>
        %dma_start3A_1275 = arith.constant 0 : i32
        %dma_start3A_1276 = arith.constant 0 : i32
        %dma_start3A_1277 = tpu.memref_slice %arg2[%dma_start3A_1275, %dma_start3A_1276] : memref<1000000x64xf32, #tpu.memory_space<hbm>> -> memref<1000000x64xf32, #tpu.memory_space<hbm>>
        tpu.enqueue_indirect_dma source(%dma_start3A_1277 : memref<1000000x64xf32, #tpu.memory_space<hbm>>) target(%dma_start3A_1271 : memref<2x64xf32, #tpu.memory_space<vmem>>) offsets(%dma_start3A_1274 : memref<2xi32, #tpu.memory_space<vmem>>) semaphore(%arg13 : memref<!tpu.dma_semaphore, #tpu.memory_space<semaphore_mem>>)
      }
      %while3A_1260 = arith.constant 1 : i32
      scf.for %while3A_1266 = %while3A_1258 to %while3A_1254 step %while3A_1260  : i32 {
        %mul3A_1267 = arith.muli %while3A_1266, %while3A_1250 : i32
        %add3A_1268 = arith.addi %while3A_1251, %mul3A_1267 : i32
        %mul3A_1269 = arith.constant 2 : i32
        %mul3A_1270 = arith.muli %add3A_1268, %mul3A_1269 : i32
        %dma_start3A = arith.constant 0 : i32
        %dma_start3A_1271 = tpu.memref_slice %arg8[%mul3A_1270, %dma_start3A] : memref<200x64xf32, #tpu.memory_space<vmem>> -> memref<2x64xf32, #tpu.memory_space<vmem>>
        %dma_start3A_1272 = arith.constant 0 : i32
        %dma_start3A_1273 = tpu.memref_slice %arg6[%add3A_1236, %add3A_1268, %dma_start3A_1272] : memref<128x100x2xi32, #tpu.memory_space<vmem>> -> memref<1x1x2xi32, #tpu.memory_space<vmem>>
        %dma_start3A_1274 = tpu.memref_squeeze %dma_start3A_1273 : memref<1x1x2xi32, #tpu.memory_space<vmem>> -> memref<2xi32, #tpu.memory_space<vmem>>
        %dma_start3A_1275 = arith.constant 0 : i32
        %dma_start3A_1276 = arith.constant 0 : i32
        %dma_start3A_1277 = tpu.memref_slice %arg2[%dma_start3A_1275, %dma_start3A_1276] : memref<1000000x64xf32, #tpu.memory_space<hbm>> -> memref<1000000x64xf32, #tpu.memory_space<hbm>>
        tpu.enqueue_indirect_dma source(%dma_start3A_1277 : memref<1000000x64xf32, #tpu.memory_space<hbm>>) target(%dma_start3A_1271 : memref<2x64xf32, #tpu.memory_space<vmem>>) offsets(%dma_start3A_1274 : memref<2xi32, #tpu.memory_space<vmem>>) semaphore(%arg13 : memref<!tpu.dma_semaphore, #tpu.memory_space<semaphore_mem>>)
      }
      %ge3A_1261 = arith.constant 1 : i32
      %ge3A_1262 = arith.cmpi sge, %add3A_1236, %ge3A_1261 : i32
      %convert_element_type3A_1263 = arith.extui %ge3A_1262 : i1 to i32
      %cond3A_1264 = arith.constant 0 : i32
      %cond3A_1265 = arith.cmpi ne, %convert_element_type3A_1263, %cond3A_1264 : i32
      scf.if %cond3A_1265 {
        %sub3A_1266 = arith.constant 0 : i32
        %sub3A_1267 = arith.subi %select_n3A_692, %sub3A_1266 : i32
        %sub3A_1268 = arith.constant 1 : i32
        %sub3A_1269 = arith.constant 1 : i32
        %sub3A_1270 = arith.subi %sub3A_1268, %sub3A_1269 : i32
        %add3A_1271 = arith.addi %sub3A_1267, %sub3A_1270 : i32
        %div3A_1272 = arith.constant 1 : i32
        %div3A_1273 = arith.divsi %add3A_1271, %div3A_1272 : i32
        %while3A_1274 = arith.constant 1 : i32
        %while3A_1275 = arith.constant 0 : i32
        %while3A_1276 = arith.constant 0 : i32
        %while3A_1277 = arith.subi %div3A_1273, %while3A_1276 : i32
        %while3A_1278 = arith.addi %while3A_1276, %while3A_1277 : i32
        %while3A_1279 = arith.constant 1 : i32
        %while3A_1280 = arith.divsi %while3A_1277, %while3A_1279 : i32
        %while3A_1281 = arith.muli %while3A_1280, %while3A_1279 : i32
        %while3A_1282 = arith.addi %while3A_1276, %while3A_1281 : i32
        %while3A_1283 = arith.constant 1 : i32
        scf.for %while3A_1297 = %while3A_1276 to %while3A_1282 step %while3A_1283  : i32 {
          %mul3A_1298 = arith.muli %while3A_1297, %while3A_1274 : i32
          %add3A_1299 = arith.addi %while3A_1275, %mul3A_1298 : i32
          %dma_wait3A = arith.constant 0 : i32
          %dma_wait3A_1300 = arith.constant 0 : i32
          %dma_wait3A_1301 = arith.constant 0 : i32
          %dma_wait3A_1302 = arith.constant 0 : i32
          %dma_wait3A_1303 = tpu.memref_slice %arg7[%dma_wait3A_1301, %dma_wait3A_1302] : memref<200x64xf32, #tpu.memory_space<vmem>> -> memref<2x64xf32, #tpu.memory_space<vmem>>
          %dma_wait3A_1304 = arith.constant 0 : i32
          %dma_wait3A_1305 = tpu.memref_slice %arg6[%dma_wait3A, %dma_wait3A_1300, %dma_wait3A_1304] : memref<128x100x2xi32, #tpu.memory_space<vmem>> -> memref<1x1x2xi32, #tpu.memory_space<vmem>>
          %dma_wait3A_1306 = tpu.memref_squeeze %dma_wait3A_1305 : memref<1x1x2xi32, #tpu.memory_space<vmem>> -> memref<2xi32, #tpu.memory_space<vmem>>
          %dma_wait3A_1307 = arith.constant 0 : i32
          %dma_wait3A_1308 = arith.constant 0 : i32
          %dma_wait3A_1309 = tpu.memref_slice %arg2[%dma_wait3A_1307, %dma_wait3A_1308] : memref<1000000x64xf32, #tpu.memory_space<hbm>> -> memref<1000000x64xf32, #tpu.memory_space<hbm>>
          tpu.wait_indirect_dma semaphore(%arg12 : memref<!tpu.dma_semaphore, #tpu.memory_space<semaphore_mem>>) src(%dma_wait3A_1309 : memref<1000000x64xf32, #tpu.memory_space<hbm>>) dst(%dma_wait3A_1303 : memref<2x64xf32, #tpu.memory_space<vmem>>)
        }
        %while3A_1284 = arith.constant 1 : i32
        scf.for %while3A_1297 = %while3A_1282 to %while3A_1278 step %while3A_1284  : i32 {
          %mul3A_1298 = arith.muli %while3A_1297, %while3A_1274 : i32
          %add3A_1299 = arith.addi %while3A_1275, %mul3A_1298 : i32
          %dma_wait3A = arith.constant 0 : i32
          %dma_wait3A_1300 = arith.constant 0 : i32
          %dma_wait3A_1301 = arith.constant 0 : i32
          %dma_wait3A_1302 = arith.constant 0 : i32
          %dma_wait3A_1303 = tpu.memref_slice %arg7[%dma_wait3A_1301, %dma_wait3A_1302] : memref<200x64xf32, #tpu.memory_space<vmem>> -> memref<2x64xf32, #tpu.memory_space<vmem>>
          %dma_wait3A_1304 = arith.constant 0 : i32
          %dma_wait3A_1305 = tpu.memref_slice %arg6[%dma_wait3A, %dma_wait3A_1300, %dma_wait3A_1304] : memref<128x100x2xi32, #tpu.memory_space<vmem>> -> memref<1x1x2xi32, #tpu.memory_space<vmem>>
          %dma_wait3A_1306 = tpu.memref_squeeze %dma_wait3A_1305 : memref<1x1x2xi32, #tpu.memory_space<vmem>> -> memref<2xi32, #tpu.memory_space<vmem>>
          %dma_wait3A_1307 = arith.constant 0 : i32
          %dma_wait3A_1308 = arith.constant 0 : i32
          %dma_wait3A_1309 = tpu.memref_slice %arg2[%dma_wait3A_1307, %dma_wait3A_1308] : memref<1000000x64xf32, #tpu.memory_space<hbm>> -> memref<1000000x64xf32, #tpu.memory_space<hbm>>
          tpu.wait_indirect_dma semaphore(%arg12 : memref<!tpu.dma_semaphore, #tpu.memory_space<semaphore_mem>>) src(%dma_wait3A_1309 : memref<1000000x64xf32, #tpu.memory_space<hbm>>) dst(%dma_wait3A_1303 : memref<2x64xf32, #tpu.memory_space<vmem>>)
        }
        %sub3A_1285 = arith.constant 1 : i32
        %sub3A_1286 = arith.subi %add3A_1236, %sub3A_1285 : i32
        %mul3A_1287 = arith.constant 128 : i32
        %mul3A_1288 = arith.muli %add3A, %mul3A_1287 : i32
        %add3A_1289 = arith.addi %mul3A_1288, %sub3A_1286 : i32
        %mul3A_1290 = arith.constant 200 : i32
        %mul3A_1291 = arith.muli %add3A_1289, %mul3A_1290 : i32
        %scan3A_1292 = arith.constant 0 : i32
        %scan3A_1293 = arith.constant 100 : i32
        %scan3A_1294 = arith.addi %scan3A_1292, %scan3A_1293 : i32
        %scan3A_1295 = arith.constant 1 : i32
        scf.for %scan3A_1297 = %scan3A_1292 to %scan3A_1294 step %scan3A_1295  : i32 {
          %mul3A_1298 = arith.constant 1 : i32
          %mul3A_1299 = arith.muli %scan3A_1297, %mul3A_1298 : i32
          %add3A_1300 = arith.constant 0 : i32
          %add3A_1301 = arith.addi %add3A_1300, %mul3A_1299 : i32
          %mul3A_1302 = arith.constant 2 : i32
          %mul3A_1303 = arith.muli %add3A_1301, %mul3A_1302 : i32
          %add3A_1304 = arith.addi %mul3A_1291, %mul3A_1303 : i32
          %lt3A = arith.cmpi slt, %add3A_1301, %select_n3A_692 : i32
          %convert_element_type3A_1305 = arith.extui %lt3A : i1 to i32
          %cond3A_1306 = arith.constant 0 : i32
          %cond3A_1307 = arith.cmpi ne, %convert_element_type3A_1305, %cond3A_1306 : i32
          scf.if %cond3A_1307 {
            %mul3A_1312 = arith.constant 2 : i32
            %mul3A_1313 = arith.muli %add3A_1301, %mul3A_1312 : i32
            %dma_start3A = arith.constant 0 : i32
            %dma_start3A_1314 = tpu.memref_slice %arg7[%mul3A_1313, %dma_start3A] : memref<200x64xf32, #tpu.memory_space<vmem>> -> memref<2x64xf32, #tpu.memory_space<vmem>>
            %dma_start3A_1315 = arith.constant 0 : i32
            %dma_start3A_1316 = tpu.memref_slice %arg5[%add3A_1304, %dma_start3A_1315] : memref<819200x64xf32, #tpu.memory_space<hbm>> -> memref<2x64xf32, #tpu.memory_space<hbm>>
            %dma_start3A_1317 = arith.constant 0 : i32
            %dma_start3A_1318 = tpu.memref_slice %arg5[%add3A_1304, %dma_start3A_1317] : memref<819200x64xf32, #tpu.memory_space<hbm>> -> memref<2x64xf32, #tpu.memory_space<hbm>>
            %dma_start3A_1319 = arith.constant 0 : i32
            %dma_start3A_1320 = tpu.memref_slice %arg7[%mul3A_1313, %dma_start3A_1319] : memref<200x64xf32, #tpu.memory_space<vmem>> -> memref<2x64xf32, #tpu.memory_space<vmem>>
            tpu.enqueue_dma source(%dma_start3A_1320 : memref<2x64xf32, #tpu.memory_space<vmem>>) target(%dma_start3A_1318 : memref<2x64xf32, #tpu.memory_space<hbm>>) target_semaphore(%arg14 : memref<!tpu.dma_semaphore, #tpu.memory_space<semaphore_mem>>)
          } else {
          }
          %ge3A_1308 = arith.cmpi sge, %add3A_1301, %select_n3A_692 : i32
          %convert_element_type3A_1309 = arith.extui %ge3A_1308 : i1 to i32
          %cond3A_1310 = arith.constant 0 : i32
          %cond3A_1311 = arith.cmpi ne, %convert_element_type3A_1309, %cond3A_1310 : i32
          scf.if %cond3A_1311 {
            %dma_start3A = arith.constant 0 : i32
            %dma_start3A_1312 = tpu.memref_slice %arg5[%add3A_1304, %dma_start3A] : memref<819200x64xf32, #tpu.memory_space<hbm>> -> memref<2x64xf32, #tpu.memory_space<hbm>>
            %dma_start3A_1313 = arith.constant 0 : i32
            %dma_start3A_1314 = tpu.memref_slice %arg5[%add3A_1304, %dma_start3A_1313] : memref<819200x64xf32, #tpu.memory_space<hbm>> -> memref<2x64xf32, #tpu.memory_space<hbm>>
            tpu.enqueue_dma source(%arg9 : memref<2x64xf32, #tpu.memory_space<vmem>>) target(%dma_start3A_1314 : memref<2x64xf32, #tpu.memory_space<hbm>>) target_semaphore(%arg14 : memref<!tpu.dma_semaphore, #tpu.memory_space<semaphore_mem>>)
          } else {
          }
        }
        %scan3A_1296 = arith.constant 100 : i32
      } else {
      }
    }
    %scan3A_10 = arith.constant 8 : i32
    %get3A = arith.constant 112 : index
    %get3A_11 = tpu.vector_load %arg11[%get3A] {strides = array<i32>} : memref<128xi32, #tpu.memory_space<vmem>>, vector<16xi32>,
    %eq3A = arith.constant 15 : i32
    %eq3A_12 = vector.broadcast %eq3A : i32 to vector<16xi32>
    %eq3A_13 = arith.cmpi eq, %iota3A, %eq3A_12 : vector<16xi32>
    %jit3A = arith.constant 0 : i32
    %broadcast_in_dim3A_14 = vector.broadcast %jit3A : i32 to vector<16xi32>
    %select_n3A = arith.select %eq3A_13, %get3A_11, %broadcast_in_dim3A_14 : vector<16xi1>, vector<16xi32>
    %reduce_max3A = arith.constant true
    %reduce_max3A_15 = vector.broadcast %reduce_max3A : i1 to vector<16xi1>
    %reduce_max3A_16 = arith.constant -2147483648 : i32
    %reduce_max3A_17 = vector.broadcast %reduce_max3A_16 : i32 to vector<16xi32>
    %reduce_max3A_18 = arith.xori %select_n3A, %reduce_max3A_17 : vector<16xi32>
    %reduce_max3A_19 = tpu.scan <max>, %reduce_max3A_18 masked %reduce_max3A_15 : vector<16xi32>, vector<16xi1> -> vector<16xi32>
    %reduce_max3A_20 = arith.xori %reduce_max3A_19, %reduce_max3A_17 : vector<16xi32>
    %reduce_max3A_21 = vector.extract %reduce_max3A_20[15] : i32 from vector<16xi32>
    %add3A_22 = arith.constant 1 : i32
    %add3A_23 = arith.addi %reduce_max3A_21, %add3A_22 : i32
    %jit3A_24 = arith.constant 2 : i32
    %div3A = arith.divsi %add3A_23, %jit3A_24 : i32
    %sign3A = arith.constant 0 : i32
    %sign3A_25 = arith.cmpi sgt, %add3A_23, %sign3A : i32
    %sign3A_26 = arith.extui %sign3A_25 : i1 to i32
    %sign3A_27 = arith.constant 0 : i32
    %sign3A_28 = arith.cmpi slt, %add3A_23, %sign3A_27 : i32
    %sign3A_29 = arith.extui %sign3A_28 : i1 to i32
    %sign3A_30 = arith.subi %sign3A_26, %sign3A_29 : i32
    %sign3A_31 = arith.constant 0 : i32
    %sign3A_32 = arith.cmpi sgt, %jit3A_24, %sign3A_31 : i32
    %sign3A_33 = arith.extui %sign3A_32 : i1 to i32
    %sign3A_34 = arith.constant 0 : i32
    %sign3A_35 = arith.cmpi slt, %jit3A_24, %sign3A_34 : i32
    %sign3A_36 = arith.extui %sign3A_35 : i1 to i32
    %sign3A_37 = arith.subi %sign3A_33, %sign3A_36 : i32
    %ne3A = arith.cmpi ne, %sign3A_30, %sign3A_37 : i32
    %rem3A = arith.remsi %add3A_23, %jit3A_24 : i32
    %ne3A_38 = arith.constant 0 : i32
    %ne3A_39 = arith.cmpi ne, %rem3A, %ne3A_38 : i32
    %and3A = arith.andi %ne3A, %ne3A_39 : i1
    %sub3A = arith.constant 1 : i32
    %sub3A_40 = arith.subi %div3A, %sub3A : i32
    %select_n3A_41 = arith.select %and3A, %sub3A_40, %div3A : i32
    %sub3A_42 = arith.constant 0 : i32
    %sub3A_43 = arith.subi %select_n3A_41, %sub3A_42 : i32
    %sub3A_44 = arith.constant 1 : i32
    %sub3A_45 = arith.constant 1 : i32
    %sub3A_46 = arith.subi %sub3A_44, %sub3A_45 : i32
    %add3A_47 = arith.addi %sub3A_43, %sub3A_46 : i32
    %div3A_48 = arith.constant 1 : i32
    %div3A_49 = arith.divsi %add3A_47, %div3A_48 : i32
    %while3A = arith.constant 1 : i32
    %while3A_50 = arith.constant 0 : i32
    %while3A_51 = arith.constant 0 : i32
    %while3A_52 = arith.subi %div3A_49, %while3A_51 : i32
    %while3A_53 = arith.addi %while3A_51, %while3A_52 : i32
    %while3A_54 = arith.constant 1 : i32
    %while3A_55 = arith.divsi %while3A_52, %while3A_54 : i32
    %while3A_56 = arith.muli %while3A_55, %while3A_54 : i32
    %while3A_57 = arith.addi %while3A_51, %while3A_56 : i32
    %while3A_58 = arith.constant 1 : i32
    scf.for %while3A_81 = %while3A_51 to %while3A_57 step %while3A_58  : i32 {
      %mul3A_82 = arith.muli %while3A_81, %while3A : i32
      %add3A_83 = arith.addi %while3A_50, %mul3A_82 : i32
      %dma_wait3A = arith.constant 0 : i32
      %dma_wait3A_84 = arith.constant 0 : i32
      %dma_wait3A_85 = arith.constant 0 : i32
      %dma_wait3A_86 = arith.constant 0 : i32
      %dma_wait3A_87 = tpu.memref_slice %arg8[%dma_wait3A_85, %dma_wait3A_86] : memref<200x64xf32, #tpu.memory_space<vmem>> -> memref<2x64xf32, #tpu.memory_space<vmem>>
      %dma_wait3A_88 = arith.constant 0 : i32
      %dma_wait3A_89 = tpu.memref_slice %arg6[%dma_wait3A, %dma_wait3A_84, %dma_wait3A_88] : memref<128x100x2xi32, #tpu.memory_space<vmem>> -> memref<1x1x2xi32, #tpu.memory_space<vmem>>
      %dma_wait3A_90 = tpu.memref_squeeze %dma_wait3A_89 : memref<1x1x2xi32, #tpu.memory_space<vmem>> -> memref<2xi32, #tpu.memory_space<vmem>>
      %dma_wait3A_91 = arith.constant 0 : i32
      %dma_wait3A_92 = arith.constant 0 : i32
      %dma_wait3A_93 = tpu.memref_slice %arg2[%dma_wait3A_91, %dma_wait3A_92] : memref<1000000x64xf32, #tpu.memory_space<hbm>> -> memref<1000000x64xf32, #tpu.memory_space<hbm>>
      tpu.wait_indirect_dma semaphore(%arg13 : memref<!tpu.dma_semaphore, #tpu.memory_space<semaphore_mem>>) src(%dma_wait3A_93 : memref<1000000x64xf32, #tpu.memory_space<hbm>>) dst(%dma_wait3A_87 : memref<2x64xf32, #tpu.memory_space<vmem>>)
    }
    %while3A_59 = arith.constant 1 : i32
    scf.for %while3A_81 = %while3A_57 to %while3A_53 step %while3A_59  : i32 {
      %mul3A_82 = arith.muli %while3A_81, %while3A : i32
      %add3A_83 = arith.addi %while3A_50, %mul3A_82 : i32
      %dma_wait3A = arith.constant 0 : i32
      %dma_wait3A_84 = arith.constant 0 : i32
      %dma_wait3A_85 = arith.constant 0 : i32
      %dma_wait3A_86 = arith.constant 0 : i32
      %dma_wait3A_87 = tpu.memref_slice %arg8[%dma_wait3A_85, %dma_wait3A_86] : memref<200x64xf32, #tpu.memory_space<vmem>> -> memref<2x64xf32, #tpu.memory_space<vmem>>
      %dma_wait3A_88 = arith.constant 0 : i32
      %dma_wait3A_89 = tpu.memref_slice %arg6[%dma_wait3A, %dma_wait3A_84, %dma_wait3A_88] : memref<128x100x2xi32, #tpu.memory_space<vmem>> -> memref<1x1x2xi32, #tpu.memory_space<vmem>>
      %dma_wait3A_90 = tpu.memref_squeeze %dma_wait3A_89 : memref<1x1x2xi32, #tpu.memory_space<vmem>> -> memref<2xi32, #tpu.memory_space<vmem>>
      %dma_wait3A_91 = arith.constant 0 : i32
      %dma_wait3A_92 = arith.constant 0 : i32
      %dma_wait3A_93 = tpu.memref_slice %arg2[%dma_wait3A_91, %dma_wait3A_92] : memref<1000000x64xf32, #tpu.memory_space<hbm>> -> memref<1000000x64xf32, #tpu.memory_space<hbm>>
      tpu.wait_indirect_dma semaphore(%arg13 : memref<!tpu.dma_semaphore, #tpu.memory_space<semaphore_mem>>) src(%dma_wait3A_93 : memref<1000000x64xf32, #tpu.memory_space<hbm>>) dst(%dma_wait3A_87 : memref<2x64xf32, #tpu.memory_space<vmem>>)
    }
    %mul3A_60 = arith.constant 128 : i32
    %mul3A_61 = arith.muli %add3A, %mul3A_60 : i32
    %add3A_62 = arith.constant 127 : i32
    %add3A_63 = arith.addi %mul3A_61, %add3A_62 : i32
    %mul3A_64 = arith.constant 200 : i32
    %mul3A_65 = arith.muli %add3A_63, %mul3A_64 : i32
    %scan3A_66 = arith.constant 0 : i32
    %scan3A_67 = arith.constant 100 : i32
    %scan3A_68 = arith.addi %scan3A_66, %scan3A_67 : i32
    %scan3A_69 = arith.constant 1 : i32
    scf.for %scan3A_81 = %scan3A_66 to %scan3A_68 step %scan3A_69  : i32 {
      %mul3A_82 = arith.constant 1 : i32
      %mul3A_83 = arith.muli %scan3A_81, %mul3A_82 : i32
      %add3A_84 = arith.constant 0 : i32
      %add3A_85 = arith.addi %add3A_84, %mul3A_83 : i32
      %mul3A_86 = arith.constant 2 : i32
      %mul3A_87 = arith.muli %add3A_85, %mul3A_86 : i32
      %add3A_88 = arith.addi %mul3A_65, %mul3A_87 : i32
      %lt3A = arith.cmpi slt, %add3A_85, %select_n3A_41 : i32
      %convert_element_type3A = arith.extui %lt3A : i1 to i32
      %cond3A = arith.constant 0 : i32
      %cond3A_89 = arith.cmpi ne, %convert_element_type3A, %cond3A : i32
      scf.if %cond3A_89 {
        %mul3A_93 = arith.constant 2 : i32
        %mul3A_94 = arith.muli %add3A_85, %mul3A_93 : i32
        %dma_start3A = arith.constant 0 : i32
        %dma_start3A_95 = tpu.memref_slice %arg8[%mul3A_94, %dma_start3A] : memref<200x64xf32, #tpu.memory_space<vmem>> -> memref<2x64xf32, #tpu.memory_space<vmem>>
        %dma_start3A_96 = arith.constant 0 : i32
        %dma_start3A_97 = tpu.memref_slice %arg5[%add3A_88, %dma_start3A_96] : memref<819200x64xf32, #tpu.memory_space<hbm>> -> memref<2x64xf32, #tpu.memory_space<hbm>>
        %dma_start3A_98 = arith.constant 0 : i32
        %dma_start3A_99 = tpu.memref_slice %arg5[%add3A_88, %dma_start3A_98] : memref<819200x64xf32, #tpu.memory_space<hbm>> -> memref<2x64xf32, #tpu.memory_space<hbm>>
        %dma_start3A_100 = arith.constant 0 : i32
        %dma_start3A_101 = tpu.memref_slice %arg8[%mul3A_94, %dma_start3A_100] : memref<200x64xf32, #tpu.memory_space<vmem>> -> memref<2x64xf32, #tpu.memory_space<vmem>>
        tpu.enqueue_dma source(%dma_start3A_101 : memref<2x64xf32, #tpu.memory_space<vmem>>) target(%dma_start3A_99 : memref<2x64xf32, #tpu.memory_space<hbm>>) target_semaphore(%arg15 : memref<!tpu.dma_semaphore, #tpu.memory_space<semaphore_mem>>)
      } else {
      }
      %ge3A = arith.cmpi sge, %add3A_85, %select_n3A_41 : i32
      %convert_element_type3A_90 = arith.extui %ge3A : i1 to i32
      %cond3A_91 = arith.constant 0 : i32
      %cond3A_92 = arith.cmpi ne, %convert_element_type3A_90, %cond3A_91 : i32
      scf.if %cond3A_92 {
        %dma_start3A = arith.constant 0 : i32
        %dma_start3A_93 = tpu.memref_slice %arg5[%add3A_88, %dma_start3A] : memref<819200x64xf32, #tpu.memory_space<hbm>> -> memref<2x64xf32, #tpu.memory_space<hbm>>
        %dma_start3A_94 = arith.constant 0 : i32
        %dma_start3A_95 = tpu.memref_slice %arg5[%add3A_88, %dma_start3A_94] : memref<819200x64xf32, #tpu.memory_space<hbm>> -> memref<2x64xf32, #tpu.memory_space<hbm>>
        tpu.enqueue_dma source(%arg9 : memref<2x64xf32, #tpu.memory_space<vmem>>) target(%dma_start3A_95 : memref<2x64xf32, #tpu.memory_space<hbm>>) target_semaphore(%arg15 : memref<!tpu.dma_semaphore, #tpu.memory_space<semaphore_mem>>)
      } else {
      }
    }
    %scan3A_70 = arith.constant 100 : i32
    %scan3A_71 = arith.constant 0 : i32
    %scan3A_72 = arith.constant 100 : i32
    %scan3A_73 = arith.addi %scan3A_71, %scan3A_72 : i32
    %scan3A_74 = arith.constant 1 : i32
    scf.for %scan3A_81 = %scan3A_71 to %scan3A_73 step %scan3A_74  : i32 {
      %mul3A_82 = arith.constant 1 : i32
      %mul3A_83 = arith.muli %scan3A_81, %mul3A_82 : i32
      %add3A_84 = arith.constant 0 : i32
      %add3A_85 = arith.addi %add3A_84, %mul3A_83 : i32
      %dma_wait3A = arith.constant 0 : i32
      %dma_wait3A_86 = arith.constant 0 : i32
      %dma_wait3A_87 = tpu.memref_slice %arg7[%dma_wait3A, %dma_wait3A_86] : memref<200x64xf32, #tpu.memory_space<vmem>> -> memref<2x64xf32, #tpu.memory_space<vmem>>
      %dma_wait3A_88 = arith.constant 0 : i32
      %dma_wait3A_89 = arith.constant 0 : i32
      %dma_wait3A_90 = tpu.memref_slice %arg5[%dma_wait3A_88, %dma_wait3A_89] : memref<819200x64xf32, #tpu.memory_space<hbm>> -> memref<2x64xf32, #tpu.memory_space<hbm>>
      %dma_wait3A_91 = arith.constant 0 : i32
      %dma_wait3A_92 = arith.constant 0 : i32
      %dma_wait3A_93 = tpu.memref_slice %arg5[%dma_wait3A_91, %dma_wait3A_92] : memref<819200x64xf32, #tpu.memory_space<hbm>> -> memref<2x64xf32, #tpu.memory_space<hbm>>
      %dma_wait3A_94 = arith.constant 0 : i32
      %dma_wait3A_95 = arith.constant 0 : i32
      %dma_wait3A_96 = tpu.memref_slice %arg7[%dma_wait3A_94, %dma_wait3A_95] : memref<200x64xf32, #tpu.memory_space<vmem>> -> memref<2x64xf32, #tpu.memory_space<vmem>>
      tpu.wait_dma2 semaphore(%arg14 : memref<!tpu.dma_semaphore, #tpu.memory_space<semaphore_mem>>) src(%dma_wait3A_96 : memref<2x64xf32, #tpu.memory_space<vmem>>) dst(%dma_wait3A_93 : memref<2x64xf32, #tpu.memory_space<hbm>>)
    }
    %scan3A_75 = arith.constant 100 : i32
    %scan3A_76 = arith.constant 0 : i32
    %scan3A_77 = arith.constant 100 : i32
    %scan3A_78 = arith.addi %scan3A_76, %scan3A_77 : i32
    %scan3A_79 = arith.constant 1 : i32
    scf.for %scan3A_81 = %scan3A_76 to %scan3A_78 step %scan3A_79  : i32 {
      %mul3A_82 = arith.constant 1 : i32
      %mul3A_83 = arith.muli %scan3A_81, %mul3A_82 : i32
      %add3A_84 = arith.constant 0 : i32
      %add3A_85 = arith.addi %add3A_84, %mul3A_83 : i32
      %dma_wait3A = arith.constant 0 : i32
      %dma_wait3A_86 = arith.constant 0 : i32
      %dma_wait3A_87 = tpu.memref_slice %arg8[%dma_wait3A, %dma_wait3A_86] : memref<200x64xf32, #tpu.memory_space<vmem>> -> memref<2x64xf32, #tpu.memory_space<vmem>>
      %dma_wait3A_88 = arith.constant 0 : i32
      %dma_wait3A_89 = arith.constant 0 : i32
      %dma_wait3A_90 = tpu.memref_slice %arg5[%dma_wait3A_88, %dma_wait3A_89] : memref<819200x64xf32, #tpu.memory_space<hbm>> -> memref<2x64xf32, #tpu.memory_space<hbm>>
      %dma_wait3A_91 = arith.constant 0 : i32
      %dma_wait3A_92 = arith.constant 0 : i32
      %dma_wait3A_93 = tpu.memref_slice %arg5[%dma_wait3A_91, %dma_wait3A_92] : memref<819200x64xf32, #tpu.memory_space<hbm>> -> memref<2x64xf32, #tpu.memory_space<hbm>>
      %dma_wait3A_94 = arith.constant 0 : i32
      %dma_wait3A_95 = arith.constant 0 : i32
      %dma_wait3A_96 = tpu.memref_slice %arg8[%dma_wait3A_94, %dma_wait3A_95] : memref<200x64xf32, #tpu.memory_space<vmem>> -> memref<2x64xf32, #tpu.memory_space<vmem>>
      tpu.wait_dma2 semaphore(%arg15 : memref<!tpu.dma_semaphore, #tpu.memory_space<semaphore_mem>>) src(%dma_wait3A_96 : memref<2x64xf32, #tpu.memory_space<vmem>>) dst(%dma_wait3A_93 : memref<2x64xf32, #tpu.memory_space<hbm>>)
    }
    %scan3A_80 = arith.constant 100 : i32
    return
  }
}

module attributes {stable_mosaic.version = 14 : i64} {
  func.func @mk(%arg0: i32, %arg1: memref<128x1xi32, #tpu.memory_space<vmem>>, %arg2: memref<128x200xi8, #tpu.memory_space<vmem>>) attributes {dimension_semantics = [#tpu.dimension_semantics<arbitrary>], iteration_bounds = array<i64: 32>, scalar_prefetch = 0 : i64, scratch_operands = 0 : i64, tpu.core_type = #tpu.core_type<tc>, window_params = [{transform_indices = @transform_0, window_bounds = array<i64: 128, 1>}, {transform_indices = @transform_1, window_bounds = array<i64: 128, 200>}]} {
    %iota3A = tpu.iota {dimensions = array<i32: 1>} : vector<128x200xi32>
    %get3A = arith.constant 0 : index
    %get3A_0 = arith.constant 0 : index
    %get3A_1 = vector.load %arg1[%get3A, %get3A_0] : memref<128x1xi32, #tpu.memory_space<vmem>>, vector<128x1xi32>
    %lt3A = vector.broadcast %get3A_1 : vector<128x1xi32> to vector<128x200xi32>
    %lt3A_2 = arith.cmpi slt, %iota3A, %lt3A : vector<128x200xi32>
    %convert_element_type3A = arith.extui %lt3A_2 : vector<128x200xi1> to vector<128x200xi8>
    %swap3A = arith.constant 0 : index
    %swap3A_3 = arith.constant 0 : index
    %swap3A_4 = vector.load %arg2[%swap3A, %swap3A_3] : memref<128x200xi8, #tpu.memory_space<vmem>>, vector<128x200xi8>
    tpu.vector_store %arg2[%swap3A, %swap3A_3], %convert_element_type3A {strides = array<i32>} : memref<128x200xi8, #tpu.memory_space<vmem>>, vector<128x200xi8>,
    return
  }
  func.func @transform_0(%arg0: i32) -> (i32, i32) {
    %c0_i32 = arith.constant 0 : i32
    %c0_i32_0 = arith.constant 0 : i32
    return %arg0, %c0_i32 : i32, i32
  }
  func.func @transform_1(%arg0: i32) -> (i32, i32) {
    %c0_i32 = arith.constant 0 : i32
    %c0_i32_0 = arith.constant 0 : i32
    return %arg0, %c0_i32 : i32, i32
  }
}

</mosaic_0001>

<sc_bundles>
// kernel: kernel.4.cloned.1.call-start
scs
__scs_entry_jumppad:
0x0: {  	(pc) =	sbr.rel $0x88, $3  }
0x1: {  	(tag) =	ssettag $0x0;
	lr =	simm.s32 $0x1  }
0x2: {  	[smem:$0x3F9E] =	sst lr;
	_ =	strace $0xD0000000  }
0x3: {  	_ = 	snop  }
0x4: {  	_ = 	snop  }
0x5: {  	_ = 	snop  }
0x6: {  	_ = 	snop  }
0x7: {  	_ = 	snop  }
__scs_overlays_trampoline_lowered:
0x8: {  	[smem:$0x3FAD] =	sst s0  }
0x9: {  	[smem:$0x3FAE] =	sst s1  }
0xa: {  	[smem:$0x3FAF] =	sst s2  }
0xb: {  	[smem:$0x3FB0] =	sst s3  }
0xc: {  	[smem:$0x3FB1] =	sst s4  }
0xd: {  	[smem:$0x3FB2] =	sst s5  }
0xe: {  	[smem:$0x3FB3] =	sst s6  }
0xf: {  	[smem:$0x3FB4] =	sst s7  }
0x10: {  	[smem:$0x3FB5] =	sst s8  }
0x11: {  	[smem:$0x3FB6] =	sst s9;
	s0 =	simm.s32 @!p0 $0x0  }
0x12: {  	s1 =	sld [smem:$0x3F9C];
	s0 =	simm.s32 @p0 $0x1  }
0x13: {  	[smem:$0x3FB7] =	sst s0;
	s0 =	simm.s32 @!p1 $0x0  }
0x14: {  	s2 =	sld [smem:$0x3F9B];
	s0 =	simm.s32 @p1 $0x1  }
0x15: {  	[smem:$0x3FB8] =	sst s0;
	s0 =	simm.s32 @!p2 $0x0  }
0x16: {  	s3 =	sld [smem:$0x3FDB];
	s0 =	simm.s32 @p2 $0x1  }
0x17: {  	s4 =	simm.s32 $0x1BF5;
	[smem:$0x3FBA] =	sst s0  }
0x18: {  	s0 =	sld [smem:$0x3F9D];
	_ =	swait.ge [sflag:s4], $0x0  }
0x19: {  	s7 =	sld [smem:$0x3F9E]  }
0x1a: {  	s8 =	sadd.s32 $0xFFFFE003, lr  }
0x1b: {  	s9 =	sadd.s32 $0xFFFFFEF7, lr;
	s5 =	simm.s32 $0xFFFFFFFF;
	p2 =	slt.u32 s8, $0xFFFFF086  }
0x1c: {  	p1 =	slt.u32 s9, $0xF7A;
	s5 =	simm.s32 @!p2 $0x0  }
0x1d: {  	s5 =	simm.s32 @p1 $0x1;
	p0 =	seq.s32 s7, s2  }
0x1e: {  	s7 =	smul.u32 @!p0 $0xF7A, s2;
	p2 =	seq.s32 @!p0 s5, $0x0  }
0x1f: {  	s9 =	smul.u32 $0xF7A, s1;
	s8 =	simm.s32 @!p0 $0x1BF5;
	p2 =	por !p2, p0  }
0x20: {  	[sflag:s8] =	ssyncset.s32 @!p0 $0xFFFFF086;
	s6 =	sadd.s32 @!p0 s3, s7;
	s7 =	simm.s32 @!p0 $0x108  }
0x21: {  	s3 =	sadd.s32 s3, s9;
	s6 =	sadd.s32 @!p0 $0x88, s6;
	s7 =	simm.s32 @p2 $0x1082  }
0x22: {  	[simem:s7], [sflag:s8] =	dma.local @!p0 [hbm:s6], $0xF7A  }
0x23: {  	s9 =	sor.u32 $0xD0000000, s2;
	s6 =	simm.s32 $0x108;
	_ =	swait.ge @!p0 [sflag:s8], $0x0  }
0x24: {  	s3 =	sadd.s32 $0x88, s3;
	s6 =	simm.s32 @!p1 $0x1082;
	[sflag:s4] =	ssyncset.s32 $0xFFFFF086  }
0x25: {  	[simem:s6], [sflag:s4] =	dma.local [hbm:s3], $0xF7A  }
0x26: {  	[smem:$0x3F9E] =	sst s1;
	(tag) =	ssettag s2;
	_ =	strace s9  }
0x27: {  	s1 =	sld [smem:$0x3FAE]  }
0x28: {  	s2 =	sld [smem:$0x3FAF]  }
0x29: {  	s4 =	sld [smem:$0x3FB1]  }
0x2a: {  	p0 =	seq.s32 s5, $0x0;
	s5 =	sld [smem:$0x3FB2]  }
0x2b: {  	s6 =	sld [smem:$0x3FB3]  }
0x2c: {  	s7 =	sld [smem:$0x3FB4]  }
0x2d: {  	s3 =	simm.s32 $0x108;
	s8 =	sld [smem:$0x3FB5]  }
0x2e: {  	s3 =	simm.s32 @!p0 $0x1082;
	s9 =	sld [smem:$0x3FB6]  }
0x2f: {  	lr =	sadd.s32 s0, s3;
	s0 =	sld [smem:$0x3FAD]  }
0x30: {  	s3 =	sld [smem:$0x3FB0]  }
0x31: {  	[smem:$0x3FB9] =	sst s10  }
0x32: {  	s10 =	sld [smem:$0x3FB7];
	_ =	sdelay $0x3  }
0x33: {  	p0 =	seq.s32 s10, $0x1;
	s10 =	sld [smem:$0x3FB9];
	_ =	sdelay $0x3  }
0x34: {  	[smem:$0x3FB9] =	sst s10  }
0x35: {  	s10 =	sld [smem:$0x3FB8];
	_ =	sdelay $0x3  }
0x36: {  	p1 =	seq.s32 s10, $0x1;
	s10 =	sld [smem:$0x3FB9];
	_ =	sdelay $0x3  }
0x37: {  	[smem:$0x3FB9] =	sst s10  }
0x38: {  	s10 =	sld [smem:$0x3FBA]  }
0x39: {  	_ = 	snop;
	(pc) =	sbr.ind lr, $3  }
0x3a: {  	_ = 	snop  }
0x3b: {  	_ = 	snop  }
0x3c: {  	p2 =	seq.s32 s10, $0x1;
	s10 =	sld [smem:$0x3FB9]  }
0x3d: {  	_ =	shalt  }
0x3e: {  	_ =	shalt  }
0x3f: {  	_ =	shalt  }
0x40: {  	_ =	shalt  }
0x41: {  	_ =	shalt  }
0x42: {  	_ =	shalt  }
0x43: {  	_ =	shalt  }
0x44: {  	_ =	shalt  }
0x45: {  	_ =	shalt  }
0x46: {  	_ =	shalt  }
0x47: {  	_ =	shalt  }
0x48: {  	_ =	shalt  }
0x49: {  	_ =	shalt  }
0x4a: {  	_ =	shalt  }
0x4b: {  	_ =	shalt  }
0x4c: {  	_ =	shalt  }
0x4d: {  	_ =	shalt  }
0x4e: {  	_ =	shalt  }
0x4f: {  	_ =	shalt  }
0x50: {  	_ =	shalt  }
0x51: {  	_ =	shalt  }
0x52: {  	_ =	shalt  }
0x53: {  	_ =	shalt  }
0x54: {  	_ =	shalt  }
0x55: {  	_ =	shalt  }
0x56: {  	_ =	shalt  }
0x57: {  	_ =	shalt  }
0x58: {  	_ =	shalt  }
0x59: {  	_ =	shalt  }
0x5a: {  	_ =	shalt  }
0x5b: {  	_ =	shalt  }
0x5c: {  	_ =	shalt  }
0x5d: {  	_ =	shalt  }
0x5e: {  	_ =	shalt  }
0x5f: {  	_ =	shalt  }
0x60: {  	_ =	shalt  }
0x61: {  	_ =	shalt  }
0x62: {  	_ =	shalt  }
0x63: {  	_ =	shalt  }
0x64: {  	_ =	shalt  }
0x65: {  	_ =	shalt  }
0x66: {  	_ =	shalt  }
0x67: {  	_ =	shalt  }
0x68: {  	_ =	shalt  }
0x69: {  	_ =	shalt  }
0x6a: {  	_ =	shalt  }
0x6b: {  	_ =	shalt  }
0x6c: {  	_ =	shalt  }
0x6d: {  	_ =	shalt  }
0x6e: {  	_ =	shalt  }
0x6f: {  	_ =	shalt  }
0x70: {  	_ =	shalt  }
0x71: {  	_ =	shalt  }
0x72: {  	_ =	shalt  }
0x73: {  	_ =	shalt  }
0x74: {  	_ =	shalt  }
0x75: {  	_ =	shalt  }
0x76: {  	_ =	shalt  }
0x77: {  	_ =	shalt  }
0x78: {  	_ =	shalt  }
0x79: {  	_ =	shalt  }
0x7a: {  	_ =	shalt  }
0x7b: {  	_ =	shalt  }
0x7c: {  	_ =	shalt  }
0x7d: {  	_ =	shalt  }
0x7e: {  	_ =	shalt  }
0x7f: {  	_ =	shalt  }
0x80: {  	_ =	shalt  }
0x81: {  	_ =	shalt  }
0x82: {  	_ =	shalt  }
0x83: {  	_ =	shalt  }
0x84: {  	_ =	shalt  }
0x85: {  	_ =	shalt  }
0x86: {  	_ =	shalt  }
0x87: {  	_ =	shalt  }
.Lfunc_end0:
.L_simem_size_0:
called_computation.1_lowered:
.L_overlay_start_0:
0x88: {  	s2 =	sld [smem:$0x3FD9]  }
0x89: {  	s3 =	sld [smem:$0x3FFE];
	_ =	sdelay $0x1  }
0x8a: {  	s1 =	srdreg.scid  }
0x8b: {  	s0 =	sand.u32 $0x1, s1  }
0x8c: {  	s14 =	sshll.u32 s0, $0xA;
	s2 =	sadd.s32 s3, s2  }
0x8d: {  	s2 =	sadd.s32 s2, s14  }
0x8e: {  	[smem:$0x3FC5] =	sst s2  }
0x8f: {  	_ = 	snop  }
0x90: {  	s2 =	sld [smem:$0x3FD0];
	_ =	sdelay $0x2  }
0x91: {  	s4 =	simm.s32 $0xA;
	s5 =	simm.s32 $0x10;
	s15 =	sld [smem:$0x3FC8]  }
0x92: {  	[smem:s5], [sflag:s4] =	dma.local [hbm:s2], $0x1  }
0x93: {  	_ =	swait.eq [sflag:s4], $0x1  }
0x94: {  	[sflag:s4] =	ssyncset.done $0x0  }
0x95: {  	[sflag:s4] =	ssyncadd.s32 $0xFFFFFFFF  }
0x96: {  	s16 =	sld [smem:$0x10];
	(tm) =	ssettm $0x1  }
0x97: {  	s17 =	sld [smem:$0x3FFB];
	_ =	sdelay $0x3  }
0x98: {  	_ =	strace s17  }
0x99: {  	s4 =	sld [smem:$0x3FFC];
	_ =	sdelay $0x3  }
0x9a: {  	_ =	strace s4  }
0x9b: {  	s4 =	sld [smem:$0x3FFD];
	_ =	sdelay $0x3  }
0x9c: {  	_ =	strace s4  }
0x9d: {  	_ =	strace $0x8FFFFFFF  }
0x9e: {  	s18 =	sld [smem:$0x3FDB];
	_ =	sdelay $0x1  }
0x9f: {  	s19 =	simm.s32 $_scs_section_size  }
0xa0: {  	s6 =	simm.s32 $_size__tile_overlayer_lowered;
	s7 =	simm.s32 $_tile_overlayer_lowered  }
0xa1: {  	s22 =	simm.s32 $0x1BFF;
	s21 =	sshll.u32 s7, $0x1;
	s4 =	sadd.s32 s19, s18  }
0xa2: {  	s8 =	simm.s32 $0x0;
	s20 =	sshll.u32 s6, $0x1;
	s6 =	sadd.s32 s21, s4  }
0xa3: {  	[timem:s8], [sflag:s22] =	dma.local [hbm:s6], s20  }
0xa4: {  	_ =	swait.ge [sflag:s22], s20  }
0xa5: {  	s5 =	ssub.s32 $0x0, s20;
	[sflag:s22] =	ssyncset.done $0x0  }
0xa6: {  	[sflag:s22] =	ssyncadd.s32 s5;
	_ =	sdelay $0x1  }
0xa7: {  	s23 =	simm.s32 $0x1B8B  }
0xa8: {  	_ =	swait.ge [sflag:s23], $0x1  }
0xa9: {  	[sflag:s23] =	ssyncset.done $0x0  }
0xaa: {  	s25 =	simm.s32 $0x1B8E;
	s24 =	sld [smem:$0x3FFE];
	[sflag:s23] =	ssyncadd.s32 $0xFFFFFFFF  }
0xab: {  	s26 =	simm.s32 $execute0_lowered;
	[smem:$0x3FD2] =	sst s25  }
0xac: {  	s6 =	sshll.u32 s26, $0x1;
	_ =	strace $0x80000046;
	[dreg:$0x1] =	wrdreg $0xFFFFFFFF  }
0xad: {  	s28 =	simm.s32 $_size_execute0_lowered;
	s4 =	sadd.s32 s4, s6;
	[dreg:$0x0] =	wrdreg $0x0  }
0xae: {  	s6 =	sshll.u32 s28, $0x1;
	[dreg:$0x2] =	wrdreg s4  }
0xaf: {  	[dreg:$0x3] =	wrdreg s6  }
0xb0: {  	[dreg:$0x4] =	wrdreg $0xC0  }
0xb1: {  	_ =	task [dreg:s8], $0x5FFFF  }
0xb2: {  	[dreg:$0x1] =	wrdreg $0xFFFFFFFF  }
0xb3: {  	[dreg:$0x0] =	wrdreg $0x60  }
0xb4: {  	[dreg:$0x2] =	wrdreg s24  }
0xb5: {  	[dreg:$0x3] =	wrdreg s15  }
0xb6: {  	[dreg:$0x4] =	wrdreg s16  }
0xb7: {  	[dreg:$0x5] =	wrdreg $0x9  }
0xb8: {  	_ =	task.clear_ibuf [dreg:s8], $0x6FFFF;
	_ =	strace $0x90000046  }
0xb9: {  	s29 =	simm.s32 $0x9;
	_ =	strace $0x80000048  }
0xba: {  	_ =	swait.ge [sflag:s29], $0x1  }
0xbb: {  	[sflag:s29] =	ssyncadd.s32 $0xFFFFFFFF  }
0xbc: {  	_ =	strace $0x90000048  }
0xbd: {  	_ =	sfence  }
0xbe: {  	s30 =	sld [smem:$0x0];
	_ =	sdelay $0x2  }
0xbf: {  	s31 =	sshll.u32 s1, $0xD;
	s1 =	sshrl.u32 s1, $0x2  }
0xc0: {  	s3 =	sand.u32 $0x4000, s31;
	s1 =	sadd.s32 s1, s30  }
0xc1: {  	s0 =	sor.u32 s3, s0;
	s1 =	sshll.u32 s1, $0x11  }
0xc2: {  	s0 =	sor.u32 s1, s0  }
0xc3: {  	s0 =	sadd.s32 $0x8F2B, s0  }
0xc4: {  	[sflag:s0] =	ssyncadd.remote.s32 $0x1  }
0xc5: {  	_ =	sfence.sel $0xFFFF  }
0xc6: {  	[dreg:$0x0] =	wrdreg $0xFFFFFFFF;
	(pc) =	sbr.abs _section_cstart, $3  }
0xc7: {  	[dreg:$0x1] =	wrdreg $0xFFFFFFFF  }
0xc8: {  	_ =	task.clear_ibuf [dreg:s8], $0x2FFFF;
	_ =	strace $0x9FFFFFFF  }
0xc9: {  	(tm) =	ssettm $0x7FFFFFFF  }
tec
execute0_lowered:
.L_overlay_start_1:
0x0: {  	(tag) =	ssettag $0x1  }
0x1: {  	s0 =	rddreg [dreg:$0x0]  }
0x2: {  	s1 =	rddreg [dreg:$0x1]  }
0x3: {  	s2 =	rddreg [dreg:$0x2]  }
0x4: {  	s4 =	srdreg.scid;
	s12 =	stileid.u32  }
0x5: {  	s3 =	simm.s32 $0x0;
	s5 =	sand.u32 $0x1, s4;
	s26 =	sshll.u32 s12, $0x1  }
0x6: {  	[smem:$0x7FF] =	sst s3;
	s9 =	sshll.u32 s12, $0x8;
	s4 =	sadd.s32 $0xF43000, s0  }
0x7: {  	s6 =	sor.u32 s5, s26;
	s8 =	ssub.s32 $0x2, s5;
	s10 =	sshll.u32 s5, $0x7  }
0x8: {  	s7 =	smul.u32 $0x3200, s6;
	s11 =	sshrl.u32 s8, $0x1;
	s9 =	sor.u32 s10, s9  }
0x9: {  	_ =	strace $0x80000047;
	s29 =	ssub.s32 s8, s11;
	[dreg:$0x4] =	wrdreg s9  }
0xa: {  	s30 =	smul.u32 $0x640, s9;
	s0 =	sadd.s32 s7, s0;
	s11 =	smax.u32 s29, $0x1  }
0xb: {  	s0 =	sadd.s32 $0xD00C00, s0;
	[dreg:$0x7] =	wrdreg s11  }
0xc: {  	s9 =	sshll.u32 s6, $0x4;
	s13 =	sadd.s32 $0xFFFFF9C0, s30;
	[dreg:$0x5] =	wrdreg s0  }
0xd: {  	s15 =	sadd.s32 s30, s2;
	s0 =	sadd.s32 s1, s9;
	[dreg:$0x8] =	wrdreg s13  }
0xe: {  	s16 =	sadd.s32 $0xC80, s15;
	[dreg:$0x6] =	wrdreg s0  }
0xf: {  	s17 =	sadd.s32 $0x12C0, s15;
	[dreg:$0xa] =	wrdreg s16  }
0x10: {  	s18 =	sadd.s32 $0x1900, s15;
	[dreg:$0xb] =	wrdreg s17  }
0x11: {  	s19 =	sadd.s32 $0x1F40, s15;
	[dreg:$0xc] =	wrdreg s18  }
0x12: {  	s20 =	sadd.s32 $0x2580, s15;
	[dreg:$0xd] =	wrdreg s19  }
0x13: {  	s21 =	sadd.s32 $0x2BC0, s15;
	[dreg:$0xe] =	wrdreg s20  }
0x14: {  	s22 =	sadd.s32 $0x3200, s15;
	[dreg:$0xf] =	wrdreg s21  }
0x15: {  	s23 =	sadd.s32 $0x3840, s15;
	[dreg:$0x10] =	wrdreg s22  }
0x16: {  	s24 =	sadd.s32 $0x3E80, s15;
	[dreg:$0x11] =	wrdreg s23  }
0x17: {  	s28 =	simm.s32 $0x2;
	s25 =	sadd.s32 $0x44C0, s15;
	[dreg:$0x12] =	wrdreg s24  }
0x18: {  	v0 =	vimm.s32 $0x0;
	vm0 =	vmmov $0x1;
	s10 =	smul.u32 $0x64000, s12;
	s26 =	sadd.s32 $0x4B00, s15;
	[dreg:$0x13] =	wrdreg s25  }
0x19: {  	vm1 =	vcmask $0x308;
	vm2 =	vcmask $0x70C;
	vm3 =	vcmask $0xB10;
	s12 =	smul.u32 $0x32000, s5;
	s29 =	sadd.s32 $0x5140, s15;
	[dreg:$0x14] =	wrdreg s26  }
0x1a: {  	vm4 =	vcmask $0xF14;
	vm5 =	vcmask $0x1318;
	vm6 =	vcmask $0x171C;
	s14 =	sadd.s32 s10, s2;
	s30 =	sadd.s32 $0x5780, s15;
	[dreg:$0x15] =	wrdreg s29  }
0x1b: {  	vm7 =	vcmask $0x1B20;
	vm8 =	vcmask $0x1F24;
	vm9 =	vcmask $0x2328;
	s31 =	simm.s32 $0x1;
	s0 =	sadd.s32 s12, s14;
	[dreg:$0x16] =	wrdreg s30  }
0x1c: {  	vm10 =	vcmask $0x272C;
	vm11 =	vcmask $0x2B30;
	vm12 =	vcmask $0x2F34;
	s6 =	simm.s32 $0x0;
	[dreg:$0x9] =	wrdreg s0;
	s0 =	sadd.s32 $0x319C0, s0  }
0x1d: {  	vm13 =	vcmask $0x3338;
	vm14 =	vcmask $0x373C;
	vm15 =	vmmov $0x7fff;
	s1 =	simm.s32 $0x4;
	[dreg:$0x17] =	wrdreg s0;
	s0 =	simm.s32 $0x3  }
.LBB2_1:
0x1e: {  	[dreg:$0x18] =	wrdreg s6  }
0x1f: {  	s5 =	rddreg [dreg:$0x5];
	s23 =	simm.s32 $0x5  }
0x20: {  	[tilespmem:s3], [sflag:$0x5] =	stream.linear.gather [hbm4b:s5+s3], $0x19000, $0x38;
	[tilespmem:$0x1F520] =	vst v63  }
0x21: {  	_ =	swait.ge [sflag:s23], $0x19000  }
0x22: {  	[sflag:s23] =	ssyncset.done $0x0  }
0x23: {  	s7 =	simm.s32 $0x1F4A0;
	s24 =	rddreg [dreg:$0x6];
	[sflag:s23] =	ssyncadd.s32 $0xFFFE7000  }
0x24: {  	[tilespmem:s7], [sflag:$0x5] =	stream.linear.gather [hbm4b:s24+s3], $0x80, $0x38;
	[tilespmem:$0x1F520] =	vst v63  }
0x25: {  	_ =	swait.ge [sflag:s23], $0x80  }
0x26: {  	[sflag:s23] =	ssyncset.done $0x0  }
0x27: {  	[sflag:s23] =	ssyncadd.s32 $0xFFFFFF80  }
0x28: {  	[tilespmem:$0x1F480] =	vst v0  }
0x29: {  	s25 =	simm.s32 $0x1F480;
	s26 =	simm.s32 $0x1F400;
	[tilespmem:$0x1F490] =	vst v0  }
0x2a: {  	[tilespmem:s26], [sflag:$0x5] =	stream.indirect.gather [hbm4b:s4+s28], $0x40, s25, s28, $0xb8;
	[tilespmem:$0x1F520] =	vst v63  }
0x2b: {  	_ =	swait.ge [sflag:s23], $0x80  }
0x2c: {  	s21 =	rddreg [dreg:$0x16]  }
0x2d: {  	s22 =	rddreg [dreg:$0x15]  }
0x2e: {  	s29 =	rddreg [dreg:$0x14]  }
0x2f: {  	s30 =	rddreg [dreg:$0x13]  }
0x30: {  	s2 =	rddreg [dreg:$0x12]  }
0x31: {  	s6 =	rddreg [dreg:$0x11]  }
0x32: {  	s7 =	rddreg [dreg:$0x10]  }
0x33: {  	s8 =	rddreg [dreg:$0xf]  }
0x34: {  	s25 =	rddreg [dreg:$0xe]  }
0x35: {  	s26 =	rddreg [dreg:$0xd]  }
0x36: {  	[smem:$0x7F2] =	sst s2  }
0x37: {  	[smem:$0x7F3] =	sst s6  }
0x38: {  	[smem:$0x7F4] =	sst s7  }
0x39: {  	[smem:$0x7F5] =	sst s8  }
0x3a: {  	[smem:$0x7F6] =	sst s25  }
0x3b: {  	[smem:$0x7F7] =	sst s26  }
0x3c: {  	s2 =	rddreg [dreg:$0xc]  }
0x3d: {  	s6 =	rddreg [dreg:$0xb]  }
0x3e: {  	s18 =	simm.s32 $0x640;
	s12 =	simm.s32 $0xFA0;
	s7 =	rddreg [dreg:$0xa]  }
0x3f: {  	s11 =	simm.s32 $0x12C0;
	s10 =	simm.s32 $0x15E0;
	s8 =	rddreg [dreg:$0x9]  }
0x40: {  	s13 =	simm.s32 $0x1900;
	s14 =	simm.s32 $0x1C20;
	s25 =	rddreg [dreg:$0x8]  }
0x41: {  	s15 =	simm.s32 $0x1F40;
	s16 =	simm.s32 $0x2260;
	[smem:$0x7F8] =	sst s2  }
0x42: {  	s17 =	simm.s32 $0x2580;
	s19 =	simm.s32 $0x28A0;
	[smem:$0x7F9] =	sst s6  }
0x43: {  	s9 =	simm.s32 $0x2BC0;
	s20 =	simm.s32 $0x2EE0;
	[smem:$0x7FA] =	sst s7  }
0x44: {  	s24 =	simm.s32 $0xC80;
	[sflag:s23] =	ssyncset.done $0x0;
	[smem:$0x7FB] =	sst s8  }
0x45: {  	[sflag:s23] =	ssyncadd.s32 $0xFFFFFF80;
	s26 =	simm.s32 $0x0;
	[smem:$0x7FC] =	sst s25  }
0x46: {  	s23 =	simm.s32 $0x960;
	[smem:$0x7FD] =	sst s26;
	s6 =	simm.s32 $0x0  }
.LBB2_2:
0x47: {  	[dreg:$0x1a] =	wrdreg s11;
	s11 =	sshll.u32 s6, $0x4  }
0x48: {  	v1 =	vld [tilespmem:s11+$0x1F4A0];
	_ =	sdelay $0x4  }
0x49: {  	v2 =	vnsel vm0, $0x0, v1  }
0x4a: {  	v3 =	vsel vm1, $0x0, v1;
	v2 =	vxor.u32 $0x80000000, v2  }
0x4b: {  	(xrf0) =	vmax.scan.msk.u32 $0xffff, v2;
	v2 =	vxor.u32 $0x80000000, v3;
	v3 =	vsel vm2, $0x0, v1  }
0x4c: {  	(xrf0) =	vmax.scan.msk.u32 $0xffff, v2;
	v2 =	vxor.u32 $0x80000000, v3;
	v3 =	vsel vm3, $0x0, v1  }
0x4d: {  	(xrf0) =	vmax.scan.msk.u32 $0xffff, v2;
	v2 =	vxor.u32 $0x80000000, v3;
	v3 =	vsel vm4, $0x0, v1  }
0x4e: {  	(xrf0) =	vmax.scan.msk.u32 $0xffff, v2;
	v2 =	vxor.u32 $0x80000000, v3;
	v3 =	vsel vm5, $0x0, v1  }
0x4f: {  	(xrf0) =	vmax.scan.msk.u32 $0xffff, v2;
	v2 =	vxor.u32 $0x80000000, v3;
	v3 =	vsel vm6, $0x0, v1  }
0x50: {  	(xrf0) =	vmax.scan.msk.u32 $0xffff, v2;
	v2 =	vxor.u32 $0x80000000, v3;
	v3 =	vsel vm7, $0x0, v1  }
0x51: {  	v4, _, _ =	vpop (xrf0);
	(xrf0) =	vmax.scan.msk.u32 $0xffff, v2;
	v2 =	vxor.u32 $0x80000000, v3;
	v3 =	vsel vm8, $0x0, v1  }
0x52: {  	v57, _, _ =	vpop (xrf0);
	(xrf0) =	vmax.scan.msk.u32 $0xffff, v2;
	v2 =	vxor.u32 $0x80000000, v3;
	v3 =	vsel vm9, $0x0, v1  }
0x53: {  	(v2sf) =	vpush v4, $0xF;
	v58, _, _ =	vpop (xrf0);
	(xrf0) =	vmax.scan.msk.u32 $0xffff, v2;
	v2 =	vxor.u32 $0x80000000, v3;
	v3 =	vsel vm10, $0x0, v1  }
0x54: {  	s5 =	smax.u32 s11, $0x10;
	(v2sf) =	vpush v57, $0xF;
	v59, _, _ =	vpop (xrf0);
	(xrf0) =	vmax.scan.msk.u32 $0xffff, v2;
	v2 =	vxor.u32 $0x80000000, v3;
	v3 =	vsel vm11, $0x0, v1  }
0x55: {  	v5 =	vld [tilespmem:s5+$0x1F490];
	(v2sf) =	vpush v58, $0xF;
	v60, _, _ =	vpop (xrf0);
	(xrf0) =	vmax.scan.msk.u32 $0xffff, v2;
	v2 =	vxor.u32 $0x80000000, v3;
	v3 =	vsel vm12, $0x0, v1  }
0x56: {  	(v2sf) =	vpush v59, $0xF;
	v61, _, _ =	vpop (xrf0);
	(xrf0) =	vmax.scan.msk.u32 $0xffff, v2;
	v2 =	vxor.u32 $0x80000000, v3;
	v3 =	vsel vm13, $0x0, v1  }
0x57: {  	(v2sf) =	vpush v60, $0xF;
	v62, _, _ =	vpop (xrf0);
	(xrf0) =	vmax.scan.msk.u32 $0xffff, v2;
	v2 =	vxor.u32 $0x80000000, v3;
	v3 =	vsel vm14, $0x0, v1  }
0x58: {  	(v2sf) =	vpush v61, $0xF  }
0x59: {  	v1 =	vsel vm15, $0x0, v1;
	(v2sf) =	vpush v62, $0xF;
	v63, _, _ =	vpop (xrf0);
	(xrf0) =	vmax.scan.msk.u32 $0xffff, v2;
	v2 =	vxor.u32 $0x80000000, v3  }
0x5a: {  	v1 =	vxor.u32 $0x80000000, v1;
	(v2sf) =	vpush v63, $0xF;
	v3, _, _ =	vpop (xrf0);
	(xrf0) =	vmax.scan.msk.u32 $0xffff, v2;
	v2 =	vsel vm15, $0x0, v5  }
0x5b: {  	(v2sf) =	vpush v3, $0xF;
	v3, _, _ =	vpop (xrf0);
	(xrf0) =	vmax.scan.msk.u32 $0xffff, v1;
	v1 =	vxor.u32 $0x80000000, v2;
	_ =	sdelay $0x1  }
0x5c: {  	(v2sf) =	vpush v3, $0xF;
	v2, _, _ =	vpop (xrf0);
	(xrf0) =	vmax.scan.msk.u32 $0xffff, v1  }
0x5d: {  	v1, _, _ =	vpop (xrf0);
	(v2sf) =	vpush v2, $0xF  }
0x5e: {  	v2, _, _ =	vpop (xrf0);
	(v2sf) =	vpush v1, $0xF  }
0x5f: {  	v1, _, _ =	vpop (xrf0);
	(v2sf) =	vpush v2, $0xF  }
0x60: {  	v2, _, _ =	vpop (xrf0);
	(v2sf) =	vpush v1, $0xF  }
0x61: {  	v1, _, _ =	vpop (xrf0);
	(v2sf) =	vpush v2, $0xF  }
0x62: {  	[smem:$0x7EE] =	sst s9;
	s9 =	spop (v2sf);
	(v2sf) =	vpush v1, $0xF;
	v1, _, _ =	vpop (xrf0)  }
0x63: {  	[dreg:$0x1c] =	wrdreg s13;
	s13 =	spop (v2sf);
	(v2sf) =	vpush v1, $0xF  }
0x64: {  	[dreg:$0x1e] =	wrdreg s15;
	s15 =	spop (v2sf)  }
0x65: {  	[dreg:$0x1d] =	wrdreg s14;
	s14 =	spop (v2sf)  }
0x66: {  	s8 =	spop (v2sf)  }
0x67: {  	[smem:$0x7E9] =	sst s30;
	s7 =	spop (v2sf)  }
0x68: {  	[smem:$0x7EA] =	sst s29;
	s30 =	smov.u32 s6;
	s6 =	spop (v2sf)  }
0x69: {  	[smem:$0x7EB] =	sst s22;
	s29 =	spop (v2sf)  }
0x6a: {  	[smem:$0x7EC] =	sst s21;
	s26 =	spop (v2sf)  }
0x6b: {  	[smem:$0x7EF] =	sst s19;
	s19 =	spop (v2sf)  }
0x6c: {  	[smem:$0x7ED] =	sst s20;
	s20 =	spop (v2sf)  }
0x6d: {  	[smem:$0x7F0] =	sst s17;
	p0 =	seq.s32 s30, $0x0;
	s21 =	spop (v2sf)  }
.Ltmp0:
0x6e: {  	s22 =	spop (v2sf);
	(pc) =	sbr.rel @p0 .LBB2_6-.Ltmp0, $4  }
0x6f: {  	[dreg:$0x1f] =	wrdreg s16;
	s5 =	spop (v2sf)  }
0x70: {  	[dreg:$0x1b] =	wrdreg s10;
	s25 =	spop (v2sf)  }
0x71: {  	[dreg:$0x19] =	wrdreg s12;
	s2 =	spop (v2sf)  }
0x72: {  	s10 =	simm.s32 $0x64;
	[smem:$0x7F1] =	sst s30;
	s12 =	spop (v2sf)  }
0x73: {  	_ =	swait.ge [sflag:s0], $0x80  }
0x74: {  	s16 =	sadd.s32 $0xFFFFFFFF, s10;
	[sflag:s0] =	ssyncset.done $0x0  }
.LBB2_4:
0x75: {  	p1 =	sne.s32 s16, $0x1;
	s16 =	sadd.s32 $0xFFFFFFFF, s16;
	[sflag:s0] =	ssyncadd.s32 $0xFFFFFF80  }
.Ltmp1:
0x76: {  	(pc) =	sbr.rel @p1 .LBB2_4-.Ltmp1, $3  }
0x77: {  	_ =	sdelay $0x1  }
0x78: {  	_ =	swait.ge [sflag:s0], $0x80  }
0x79: {  	[sflag:s0] =	ssyncset.done $0x0  }
0x7a: {  	[sflag:s0] =	ssyncadd.s32 $0xFFFFFF80  }
.LBB2_6:
0x7b: {  	s10 =	sadd.s32 $0x80000001, s9;
	p1 =	slt.s32 s9, $0xFFFFFFFF;
	s9 =	simm.s32 $0x1  }
0x7c: {  	s9 =	simm.s32 @!p1 $0x0;
	s16 =	sshra.s32 s10, $0x1F  }
0x7d: {  	s17 =	sand.u32 $0x1, s10;
	s9 =	sadd.s32 s9, s16  }
0x7e: {  	p2 =	seq.s32 s17, $0x1;
	p6 =	sne.s32 s9, $0x1  }
0x7f: {  	s30 =	sshrl.u32 s10, $0x1F;
	p1 =	por !p6, !p2  }
0x80: {  	s9 =	sadd.s32 s30, s10;
	s10 =	simm.s32 $0x1;
	p1 =	por !p1, !p1  }
0x81: {  	s9 =	sshra.s32 s9, $0x1;
	s10 =	simm.s32 @!p1 $0x0  }
0x82: {  	s9 =	ssub.s32 s9, s10  }
0x83: {  	p1 =	slt.s32 s9, $0x1  }
.Ltmp2:
0x84: {  	_ = 	snop;
	(pc) =	sbr.rel @p1 .LBB2_9-.Ltmp2, $2  }
0x85: {  	_ =	sdelay $0x2  }
0x86: {  	s16 =	simm.s32 $0x19000  }
0x87: {  	p1 =	sne.s32 s9, $0x1  }
.Ltmp3:
0x88: {  	_ = 	snop;
	(pc) =	sbr.rel @!p1 .LBB2_9-.Ltmp3, $3  }
0x89: {  	s10 =	sld [smem:$0x7FD];
	_ =	sdelay $0x1  }
0x8a: {  	s17 =	sadd.s32 $0xFFFFFFFF, s9  }
0x8b: {  	[tilespmem:s16], [sflag:$0x1] =	stream.indirect.gather [hbm4b:s4+s28], $0x40, s10, s28, $0xb8;
	[tilespmem:$0x1F520] =	vst v63  }
.LBB2_8:
0x8c: {  	p1 =	sne.s32 s17, $0x1  }
.Ltmp4:
0x8d: {  	_ = 	snop;
	(pc) =	sbr.rel @p1 .LBB2_8-.Ltmp4, $4  }
0x8e: {  	_ = 	snop  }
0x8f: {  	s10 =	sadd.s32 $0x8, s10;
	s16 =	sadd.s32 $0x80, s16  }
0x90: {  	s17 =	sadd.s32 $0xFFFFFFFF, s17  }
0x91: {  	[tilespmem:s16], [sflag:$0x1] =	stream.indirect.gather [hbm4b:s4+s28], $0x40, s10, s28, $0xb8;
	[tilespmem:$0x1F520] =	vst v63  }
.LBB2_9:
.Ltmp5:
0x92: {  	(pc) =	sbr.rel @p0 .LBB2_10-.Ltmp5, $1  }
0x93: {  	_ =	sdelay $0x3  }
0x94: {  	s10 =	sadd.s32 $0x80000001, s12;
	p0 =	slt.s32 s12, $0xFFFFFFFF;
	s12 =	simm.s32 $0x1  }
0x95: {  	s12 =	simm.s32 @!p0 $0x0;
	s16 =	sshra.s32 s10, $0x1F  }
0x96: {  	s17 =	sand.u32 $0x1, s10;
	s12 =	sadd.s32 s12, s16  }
0x97: {  	p1 =	seq.s32 s17, $0x1;
	p6 =	sne.s32 s12, $0x1  }
0x98: {  	s30 =	sshrl.u32 s10, $0x1F;
	p0 =	por !p6, !p1  }
0x99: {  	s10 =	sadd.s32 s30, s10;
	s12 =	simm.s32 $0x1;
	p0 =	por !p0, !p0  }
0x9a: {  	s10 =	sshra.s32 s10, $0x1;
	s12 =	simm.s32 @!p0 $0x0  }
0x9b: {  	s12 =	ssub.s32 s10, s12  }
0x9c: {  	p0 =	slt.s32 s12, $0x1  }
.Ltmp6:
0x9d: {  	_ = 	snop;
	(pc) =	sbr.rel @p0 .LBB2_15-.Ltmp6, $1  }
0x9e: {  	_ =	sdelay $0x3  }
0x9f: {  	p0 =	sne.s32 s12, $0x1  }
.Ltmp7:
0xa0: {  	_ = 	snop;
	(pc) =	sbr.rel @!p0 .LBB2_14-.Ltmp7, $3  }
0xa1: {  	_ =	sdelay $0x1  }
0xa2: {  	_ =	swait.ge [sflag:s28], $0x80  }
0xa3: {  	s16 =	sadd.s32 $0xFFFFFFFF, s12;
	[sflag:s28] =	ssyncset.done $0x0  }
.LBB2_13:
0xa4: {  	p0 =	sne.s32 s16, $0x1;
	s16 =	sadd.s32 $0xFFFFFFFF, s16;
	[sflag:s28] =	ssyncadd.s32 $0xFFFFFF80  }
.Ltmp8:
0xa5: {  	(pc) =	sbr.rel @p0 .LBB2_13-.Ltmp8, $3  }
0xa6: {  	_ =	sdelay $0x1  }
0xa7: {  	_ =	swait.ge [sflag:s28], $0x80  }
0xa8: {  	[sflag:s28] =	ssyncset.done $0x0  }
.LBB2_14:
0xa9: {  	[sflag:s28] =	ssyncadd.s32 $0xFFFFFF80  }
.LBB2_15:
0xaa: {  	[smem:$0x7E7] =	sst s13  }
0xab: {  	[smem:$0x7E8] =	sst s15;
	s13 =	smov.u32 s14;
	s15 =	smov.u32 s8  }
0xac: {  	s14 =	smov.u32 s7;
	s8 =	smov.u32 s6;
	s7 =	smov.u32 s29  }
0xad: {  	s6 =	smov.u32 s26;
	s30 =	smov.u32 s19;
	s29 =	smov.u32 s20  }
0xae: {  	s19 =	smov.u32 s21;
	s20 =	smov.u32 s22;
	s21 =	smov.u32 s5  }
0xaf: {  	s22 =	smov.u32 s25;
	s5 =	smov.u32 s2;
	s26 =	smov.u32 s24  }
0xb0: {  	s2 =	rddreg [dreg:$0x2];
	s25 =	smov.u32 s23;
	s24 =	smov.u32 s18  }
0xb1: {  	s16 =	simm.s32 $0x0;
	s17 =	simm.s32 $0x1C200;
	s10 =	sld [smem:$0x7FC]  }
.LBB2_16:
0xb2: {  	p0 =	slt.s32 s16, s12  }
0xb3: {  	s23 =	sadd.s32 $0x80, s17;
	s17 =	simm.s32 @!p0 $0x1F400;
	p0 =	sne.s32 s16, $0x63  }
.Ltmp9:
0xb4: {  	_ = 	snop;
	(pc) =	sbr.rel @p0 .LBB2_16-.Ltmp9, $4  }
0xb5: {  	s18 =	sand.u32 $0x1FFFFFF0, s10  }
0xb6: {  	s18 =	sadd.s32 s2, s18  }
0xb7: {  	[hbm4b:s18+s3] =	stream.linear.scatter [tilespmem:s17], [sflag:$0x4], $0x80, $0x38;
	[tilespmem:$0x1F520] =	vst v63  }
0xb8: {  	s10 =	sadd.s32 $0x10, s10;
	s16 =	sadd.s32 $0x1, s16;
	s17 =	smov.u32 s23  }
0xb9: {  	_ =	swait.ge [sflag:s1], $0x80  }
0xba: {  	s12 =	simm.s32 $0x63;
	s2 =	smov.u32 s5;
	[sflag:s1] =	ssyncset.done $0x0  }
.LBB2_18:
0xbb: {  	p0 =	sne.s32 s12, $0x1;
	s12 =	sadd.s32 $0xFFFFFFFF, s12;
	[sflag:s1] =	ssyncadd.s32 $0xFFFFFF80  }
.Ltmp10:
0xbc: {  	(pc) =	sbr.rel @p0 .LBB2_18-.Ltmp10, $3  }
0xbd: {  	_ =	sdelay $0x1  }
0xbe: {  	_ =	swait.ge [sflag:s1], $0x80  }
0xbf: {  	[sflag:s1] =	ssyncset.done $0x0  }
0xc0: {  	[sflag:s1] =	ssyncadd.s32 $0xFFFFFF80;
	s12 =	sor.u32 $0x1, s11  }
0xc1: {  	s18 =	smov.u32 s24;
	s23 =	smov.u32 s25;
	s24 =	smov.u32 s26  }
.Ltmp11:
0xc2: {  	s25 =	smov.u32 s22;
	s5 =	smov.u32 s21;
	(pc) =	sbr.rel .LBB2_20-.Ltmp11, $4  }
0xc3: {  	s22 =	smov.u32 s20;
	s21 =	smov.u32 s19;
	s20 =	smov.u32 s29  }
0xc4: {  	s19 =	smov.u32 s30;
	s26 =	smov.u32 s6;
	s29 =	smov.u32 s7  }
0xc5: {  	s6 =	smov.u32 s8;
	s8 =	smov.u32 s15;
	s15 =	sld [smem:$0x7E8]  }
0xc6: {  	s7 =	smov.u32 s14;
	s14 =	smov.u32 s13;
	s13 =	sld [smem:$0x7E7]  }
.LBB2_10:
0xc7: {  	s12 =	simm.s32 $0x1  }
.LBB2_20:
0xc8: {  	_ =	sdelay $0x1  }
0xc9: {  	s11 =	simm.s32 $0x1;
	s10 =	sadd.s32 $0x80000001, s13;
	p0 =	slt.s32 s13, $0xFFFFFFFF  }
0xca: {  	s11 =	simm.s32 @!p0 $0x0;
	s16 =	sshra.s32 s10, $0x1F  }
0xcb: {  	s17 =	sand.u32 $0x1, s10;
	s11 =	sadd.s32 s11, s16  }
0xcc: {  	p1 =	seq.s32 s17, $0x1;
	p6 =	sne.s32 s11, $0x1  }
0xcd: {  	s30 =	sshrl.u32 s10, $0x1F;
	p0 =	por !p6, !p1  }
0xce: {  	s10 =	sadd.s32 s30, s10;
	s11 =	simm.s32 $0x1;
	p0 =	por !p0, !p0  }
0xcf: {  	s10 =	sshra.s32 s10, $0x1;
	s11 =	simm.s32 @!p0 $0x0  }
0xd0: {  	s13 =	ssub.s32 s10, s11  }
0xd1: {  	p0 =	slt.s32 s13, $0x1  }
.Ltmp12:
0xd2: {  	_ = 	snop;
	(pc) =	sbr.rel @p0 .LBB2_23-.Ltmp12, $1  }
0xd3: {  	_ =	sdelay $0x3  }
0xd4: {  	p0 =	seq.s32 s13, $0x1  }
.Ltmp13:
0xd5: {  	_ = 	snop;
	(pc) =	sbr.rel @p0 .LBB2_23-.Ltmp13, $3  }
0xd6: {  	s10 =	smul.u32 $0xC80, s12;
	_ =	sdelay $0x1  }
0xd7: {  	s16 =	simm.s32 $0x1C200;
	s11 =	sshra.s32 s10, $0x2;
	s10 =	sadd.s32 $0xFFFFFFFF, s13  }
0xd8: {  	[tilespmem:s16], [sflag:$0x2] =	stream.indirect.gather [hbm4b:s4+s28], $0x40, s11, s28, $0xb8;
	[tilespmem:$0x1F520] =	vst v63  }
.LBB2_22:
0xd9: {  	p0 =	seq.s32 s10, $0x1  }
.Ltmp14:
0xda: {  	_ = 	snop;
	(pc) =	sbr.rel @!p0 .LBB2_22-.Ltmp14, $4  }
0xdb: {  	_ = 	snop  }
0xdc: {  	s11 =	sadd.s32 $0x8, s11;
	s16 =	sadd.s32 $0x80, s16  }
0xdd: {  	s10 =	sadd.s32 $0xFFFFFFFF, s10  }
0xde: {  	[tilespmem:s16], [sflag:$0x2] =	stream.indirect.gather [hbm4b:s4+s28], $0x40, s11, s28, $0xb8;
	[tilespmem:$0x1F520] =	vst v63  }
.LBB2_23:
0xdf: {  	p0 =	sgt.s32 s9, $0x0  }
.Ltmp15:
0xe0: {  	_ = 	snop;
	(pc) =	sbr.rel @!p0 .LBB2_27-.Ltmp15, $1  }
0xe1: {  	_ =	sdelay $0x3  }
0xe2: {  	p0 =	sne.s32 s9, $0x1  }
.Ltmp16:
0xe3: {  	_ = 	snop;
	(pc) =	sbr.rel @!p0 .LBB2_26-.Ltmp16, $3  }
0xe4: {  	_ =	sdelay $0x1  }
0xe5: {  	_ =	swait.ge [sflag:s31], $0x80  }
0xe6: {  	s11 =	sadd.s32 $0xFFFFFFFF, s9;
	[sflag:s31] =	ssyncset.done $0x0  }
.LBB2_25:
0xe7: {  	p0 =	sne.s32 s11, $0x1;
	s11 =	sadd.s32 $0xFFFFFFFF, s11;
	[sflag:s31] =	ssyncadd.s32 $0xFFFFFF80  }
.Ltmp17:
0xe8: {  	(pc) =	sbr.rel @p0 .LBB2_25-.Ltmp17, $3  }
0xe9: {  	_ =	sdelay $0x1  }
0xea: {  	_ =	swait.ge [sflag:s31], $0x80  }
0xeb: {  	[sflag:s31] =	ssyncset.done $0x0  }
.LBB2_26:
0xec: {  	[sflag:s31] =	ssyncadd.s32 $0xFFFFFF80  }
.LBB2_27:
0xed: {  	s10 =	sadd.s32 $0x80000001, s15  }
0xee: {  	p0 =	slt.s32 s15, $0xFFFFFFFF;
	s11 =	simm.s32 $0x1;
	s15 =	sadd.s32 $0x80000001, s14  }
0xef: {  	s11 =	simm.s32 @!p0 $0x0;
	s16 =	sshra.s32 s10, $0x1F;
	s17 =	sand.u32 $0x1, s10  }
0xf0: {  	s11 =	sadd.s32 s11, s16;
	s16 =	sshrl.u32 s10, $0x1F;
	p1 =	seq.s32 s17, $0x1  }
0xf1: {  	s17 =	sshra.s32 s15, $0x1F;
	p4 =	sne.s32 s11, $0x1;
	s10 =	sadd.s32 s16, s10  }
0xf2: {  	s11 =	simm.s32 $0x1;
	s16 =	simm.s32 $0x1;
	p0 =	por !p4, !p1  }
0xf3: {  	p1 =	slt.s32 s14, $0xFFFFFFFF;
	s10 =	sshra.s32 s10, $0x1;
	s14 =	sadd.s32 $0x80000001, s8  }
0xf4: {  	p0 =	por !p0, !p0;
	s11 =	simm.s32 @!p1 $0x0;
	p1 =	slt.s32 s8, $0xFFFFFFFF  }
0xf5: {  	s8 =	simm.s32 $0x1;
	s11 =	sadd.s32 s11, s17;
	s17 =	sand.u32 $0x1, s15  }
0xf6: {  	s16 =	simm.s32 @!p0 $0x0;
	s8 =	simm.s32 @!p1 $0x0;
	p5 =	sne.s32 s11, $0x1  }
0xf7: {  	p6 =	seq.s32 s17, $0x1;
	s17 =	sshrl.u32 s15, $0x1F;
	s11 =	ssub.s32 s10, s16  }
0xf8: {  	s16 =	sand.u32 $0x1, s14;
	p0 =	por !p5, !p6;
	s10 =	sadd.s32 s17, s15  }
0xf9: {  	s15 =	simm.s32 $0x1;
	s17 =	sshra.s32 s14, $0x1F;
	p2 =	seq.s32 s16, $0x1  }
0xfa: {  	p0 =	por !p0, !p0;
	s8 =	sadd.s32 s8, s17;
	s17 =	sshrl.u32 s14, $0x1F  }
0xfb: {  	s10 =	sshra.s32 s10, $0x1;
	s15 =	simm.s32 @!p0 $0x0;
	p1 =	sne.s32 s8, $0x1  }
0xfc: {  	s14 =	sadd.s32 s17, s14;
	p0 =	por !p1, !p2;
	s8 =	ssub.s32 s10, s15  }
0xfd: {  	s10 =	sshra.s32 s14, $0x1;
	s14 =	sadd.s32 $0x80000001, s7;
	p1 =	slt.s32 s7, $0xFFFFFFFF  }
0xfe: {  	s7 =	simm.s32 $0x1;
	s15 =	simm.s32 $0x1;
	p0 =	por !p0, !p0  }
0xff: {  	s7 =	simm.s32 @!p1 $0x0;
	s17 =	sshra.s32 s14, $0x1F;
	s16 =	sand.u32 $0x1, s14  }
0x100: {  	p1 =	slt.s32 s6, $0xFFFFFFFF;
	s15 =	simm.s32 @!p0 $0x0;
	s7 =	sadd.s32 s7, s17  }
0x101: {  	s17 =	sshrl.u32 s14, $0x1F;
	p4 =	seq.s32 s16, $0x1;
	s16 =	simm.s32 $0x1  }
0x102: {  	p3 =	sne.s32 s7, $0x1;
	s7 =	ssub.s32 s10, s15;
	s10 =	sadd.s32 s17, s14  }
0x103: {  	s14 =	sadd.s32 $0x80000001, s6;
	s6 =	simm.s32 $0x1;
	p0 =	por !p3, !p4  }
0x104: {  	s6 =	simm.s32 @!p1 $0x0;
	s17 =	sshra.s32 s14, $0x1F;
	s15 =	sshra.s32 s10, $0x1  }
0x105: {  	p1 =	slt.s32 s29, $0xFFFFFFFF;
	s6 =	sadd.s32 s6, s17;
	s17 =	sand.u32 $0x1, s14  }
0x106: {  	p0 =	por !p0, !p0;
	p5 =	sne.s32 s6, $0x1;
	p6 =	seq.s32 s17, $0x1  }
0x107: {  	s16 =	simm.s32 @!p0 $0x0;
	s17 =	sshrl.u32 s14, $0x1F;
	p0 =	por !p5, !p6  }
0x108: {  	s6 =	ssub.s32 s15, s16;
	s10 =	sadd.s32 s17, s14;
	s14 =	sadd.s32 $0x80000001, s29  }
0x109: {  	s15 =	simm.s32 $0x1;
	s16 =	simm.s32 $0x1;
	p0 =	por !p0, !p0  }
0x10a: {  	s15 =	simm.s32 @!p1 $0x0;
	s17 =	sshra.s32 s14, $0x1F;
	s10 =	sshra.s32 s10, $0x1  }
0x10b: {  	s16 =	simm.s32 @!p0 $0x0;
	s15 =	sadd.s32 s15, s17;
	s17 =	sand.u32 $0x1, s14  }
0x10c: {  	p1 =	sne.s32 s15, $0x1;
	s15 =	sshrl.u32 s14, $0x1F;
	p2 =	seq.s32 s17, $0x1  }
0x10d: {  	s30 =	ssub.s32 s10, s16;
	s16 =	simm.s32 $0x1;
	s14 =	sadd.s32 s15, s14  }
0x10e: {  	p0 =	por !p1, !p2;
	p1 =	slt.s32 s26, $0xFFFFFFFF;
	s15 =	simm.s32 $0x1  }
0x10f: {  	s10 =	sshra.s32 s14, $0x1;
	p0 =	por !p0, !p0;
	s14 =	sadd.s32 $0x80000001, s26  }
0x110: {  	s15 =	simm.s32 @!p1 $0x0;
	p1 =	slt.s32 s19, $0xFFFFFFFF;
	s26 =	sshra.s32 s14, $0x1F  }
0x111: {  	s16 =	simm.s32 @!p0 $0x0;
	s17 =	sand.u32 $0x1, s14;
	s15 =	sadd.s32 s15, s26  }
0x112: {  	s26 =	sshrl.u32 s14, $0x1F;
	p4 =	seq.s32 s17, $0x1;
	s29 =	ssub.s32 s10, s16  }
0x113: {  	s17 =	simm.s32 $0x1;
	p3 =	sne.s32 s15, $0x1;
	s10 =	sadd.s32 s26, s14  }
0x114: {  	s14 =	sadd.s32 $0x80000001, s19;
	s15 =	simm.s32 $0x1;
	p0 =	por !p3, !p4  }
0x115: {  	s15 =	simm.s32 @!p1 $0x0;
	s19 =	sshra.s32 s14, $0x1F;
	s26 =	sand.u32 $0x1, s14  }
0x116: {  	s10 =	sshra.s32 s10, $0x1;
	s16 =	sshrl.u32 s14, $0x1F;
	p1 =	slt.s32 s20, $0xFFFFFFFF  }
0x117: {  	p0 =	por !p0, !p0;
	s15 =	sadd.s32 s15, s19;
	p6 =	seq.s32 s26, $0x1  }
0x118: {  	s17 =	simm.s32 @!p0 $0x0;
	p5 =	sne.s32 s15, $0x1;
	s15 =	simm.s32 $0x1  }
0x119: {  	p0 =	por !p5, !p6;
	s19 =	ssub.s32 s10, s17;
	s10 =	sadd.s32 s16, s14  }
0x11a: {  	s14 =	sadd.s32 $0x80000001, s20;
	s16 =	simm.s32 $0x1;
	s15 =	simm.s32 @!p1 $0x0  }
0x11b: {  	s17 =	simm.s32 $0x1;
	p0 =	por !p0, !p0;
	s20 =	sshra.s32 s14, $0x1F  }
0x11c: {  	s26 =	sand.u32 $0x1, s14;
	s10 =	sshra.s32 s10, $0x1;
	s16 =	simm.s32 @!p0 $0x0  }
0x11d: {  	s15 =	sadd.s32 s15, s20;
	s20 =	sshrl.u32 s14, $0x1F;
	p2 =	seq.s32 s26, $0x1  }
0x11e: {  	p1 =	sne.s32 s15, $0x1;
	s14 =	sadd.s32 s20, s14;
	s20 =	ssub.s32 s10, s16  }
0x11f: {  	s15 =	simm.s32 $0x1;
	s16 =	simm.s32 $0x1;
	p0 =	por !p1, !p2  }
0x120: {  	s10 =	sshra.s32 s14, $0x1;
	s14 =	sadd.s32 $0x80000001, s21;
	p1 =	slt.s32 s21, $0xFFFFFFFF  }
0x121: {  	p0 =	por !p0, !p0;
	s15 =	simm.s32 @!p1 $0x0;
	s26 =	sshra.s32 s14, $0x1F  }
0x122: {  	s21 =	sand.u32 $0x1, s14;
	p1 =	slt.s32 s22, $0xFFFFFFFF;
	s16 =	simm.s32 @!p0 $0x0  }
0x123: {  	s15 =	sadd.s32 s15, s26;
	s26 =	sshrl.u32 s14, $0x1F;
	p4 =	seq.s32 s21, $0x1  }
0x124: {  	p3 =	sne.s32 s15, $0x1;
	s21 =	ssub.s32 s10, s16;
	s10 =	sadd.s32 s26, s14  }
0x125: {  	s14 =	sadd.s32 $0x80000001, s22;
	s15 =	simm.s32 $0x1;
	p0 =	por !p3, !p4  }
0x126: {  	s15 =	simm.s32 @!p1 $0x0;
	s22 =	sshra.s32 s14, $0x1F;
	s26 =	sand.u32 $0x1, s14  }
0x127: {  	s10 =	sshra.s32 s10, $0x1;
	s16 =	sshrl.u32 s14, $0x1F;
	p1 =	slt.s32 s5, $0xFFFFFFFF  }
0x128: {  	p0 =	por !p0, !p0;
	s15 =	sadd.s32 s15, s22;
	p6 =	seq.s32 s26, $0x1  }
0x129: {  	s17 =	simm.s32 @!p0 $0x0;
	p5 =	sne.s32 s15, $0x1;
	s15 =	simm.s32 $0x1  }
0x12a: {  	p0 =	por !p5, !p6;
	s22 =	ssub.s32 s10, s17;
	s10 =	sadd.s32 s16, s14  }
0x12b: {  	s14 =	sadd.s32 $0x80000001, s5;
	s5 =	simm.s32 $0x1;
	s16 =	simm.s32 $0x1  }
0x12c: {  	p0 =	por !p0, !p0;
	s5 =	simm.s32 @!p1 $0x0;
	s17 =	sshra.s32 s14, $0x1F  }
0x12d: {  	s26 =	sand.u32 $0x1, s14;
	s10 =	sshra.s32 s10, $0x1;
	s15 =	simm.s32 @!p0 $0x0  }
0x12e: {  	s5 =	sadd.s32 s5, s17;
	s17 =	sshrl.u32 s14, $0x1F;
	p2 =	seq.s32 s26, $0x1  }
0x12f: {  	p1 =	sne.s32 s5, $0x1;
	s14 =	sadd.s32 s17, s14;
	s5 =	ssub.s32 s10, s15  }
0x130: {  	s15 =	simm.s32 $0x1;
	s17 =	simm.s32 $0x1;
	p0 =	por !p1, !p2  }
0x131: {  	s10 =	sshra.s32 s14, $0x1;
	s14 =	sadd.s32 $0x80000001, s25;
	p1 =	slt.s32 s25, $0xFFFFFFFF  }
0x132: {  	p0 =	por !p0, !p0;
	s15 =	simm.s32 @!p1 $0x0;
	s25 =	sshra.s32 s14, $0x1F  }
0x133: {  	s26 =	sand.u32 $0x1, s14;
	p1 =	slt.s32 s2, $0xFFFFFFFF;
	s16 =	simm.s32 @!p0 $0x0  }
0x134: {  	s15 =	sadd.s32 s15, s25;
	s25 =	sshrl.u32 s14, $0x1F;
	p4 =	seq.s32 s26, $0x1  }
0x135: {  	p3 =	sne.s32 s15, $0x1;
	s26 =	ssub.s32 s10, s16;
	s10 =	sadd.s32 s25, s14  }
0x136: {  	s14 =	sadd.s32 $0x80000001, s2;
	s15 =	simm.s32 $0x1;
	p0 =	por !p3, !p4  }
0x137: {  	s15 =	simm.s32 @!p1 $0x0;
	s25 =	sshra.s32 s14, $0x1F;
	s2 =	sand.u32 $0x1, s14  }
0x138: {  	s10 =	sshra.s32 s10, $0x1;
	s16 =	sshrl.u32 s14, $0x1F;
	s15 =	sadd.s32 s15, s25  }
0x139: {  	p0 =	por !p0, !p0;
	p6 =	seq.s32 s2, $0x1;
	p5 =	sne.s32 s15, $0x1  }
0x13a: {  	s14 =	sadd.s32 s16, s14;
	s17 =	simm.s32 @!p0 $0x0;
	p0 =	por !p5, !p6  }
0x13b: {  	s15 =	simm.s32 $0x1;
	s25 =	ssub.s32 s10, s17;
	p0 =	por !p0, !p0  }
0x13c: {  	s17 =	sshra.s32 s14, $0x1;
	s10 =	simm.s32 $0x0;
	s15 =	simm.s32 @!p0 $0x0  }
0x13d: {  	s14 =	sld [smem:$0x7FB];
	s2 =	ssub.s32 s17, s15;
	s15 =	simm.s32 $0x19000  }
.LBB2_28:
0x13e: {  	p0 =	slt.s32 s10, s9  }
0x13f: {  	s16 =	sadd.s32 $0x80, s15;
	s15 =	simm.s32 @!p0 $0x1F400;
	p0 =	seq.s32 s10, $0x63  }
.Ltmp18:
0x140: {  	_ = 	snop;
	(pc) =	sbr.rel @!p0 .LBB2_28-.Ltmp18, $3  }
0x141: {  	_ =	sdelay $0x1  }
0x142: {  	[hbm4b:s14+s3] =	stream.linear.scatter [tilespmem:s15], [sflag:$0x3], $0x80, $0x38;
	[tilespmem:$0x1F520] =	vst v63  }
0x143: {  	s10 =	sadd.s32 $0x1, s10;
	s14 =	sadd.s32 $0x10, s14;
	s15 =	smov.u32 s16  }
0x144: {  	_ =	swait.ge [sflag:s0], $0x80  }
0x145: {  	s15 =	rddreg [dreg:$0x1e]  }
0x146: {  	s9 =	simm.s32 $0x63;
	[sflag:s0] =	ssyncset.done $0x0;
	s16 =	rddreg [dreg:$0x1f]  }
.LBB2_30:
0x147: {  	p0 =	seq.s32 s9, $0x1;
	s9 =	sadd.s32 $0xFFFFFFFF, s9;
	[sflag:s0] =	ssyncadd.s32 $0xFFFFFF80  }
.Ltmp19:
0x148: {  	(pc) =	sbr.rel @!p0 .LBB2_30-.Ltmp19, $3  }
0x149: {  	_ =	sdelay $0x1  }
0x14a: {  	_ =	swait.ge [sflag:s0], $0x80  }
0x14b: {  	[sflag:s0] =	ssyncset.done $0x0  }
0x14c: {  	p0 =	sgt.s32 s11, $0x0  }
.Ltmp20:
0x14d: {  	_ = 	snop;
	(pc) =	sbr.rel @!p0 .LBB2_32-.Ltmp20, $2  }
0x14e: {  	_ =	sdelay $0x2  }
0x14f: {  	[sflag:s0] =	ssyncadd.s32 $0xFFFFFF80;
	s9 =	simm.s32 $0x19000  }
0x150: {  	p1 =	seq.s32 s11, $0x1  }
.Ltmp21:
0x151: {  	_ = 	snop;
	(pc) =	sbr.rel @p1 .LBB2_32-.Ltmp21, $3  }
0x152: {  	_ =	sdelay $0x1  }
0x153: {  	[tilespmem:s9], [sflag:$0x1] =	stream.indirect.gather [hbm4b:s4+s28], $0x40, s18, s28, $0xb8;
	[tilespmem:$0x1F520] =	vst v63  }
0x154: {  	s14 =	sadd.s32 $0xFFFFFFFF, s11;
	s10 =	smov.u32 s18  }
.LBB2_183:
0x155: {  	p1 =	seq.s32 s14, $0x1  }
.Ltmp22:
0x156: {  	_ = 	snop;
	(pc) =	sbr.rel @!p1 .LBB2_183-.Ltmp22, $4  }
0x157: {  	_ = 	snop  }
0x158: {  	s10 =	sadd.s32 $0x8, s10;
	s9 =	sadd.s32 $0x80, s9  }
0x159: {  	s14 =	sadd.s32 $0xFFFFFFFF, s14  }
0x15a: {  	[tilespmem:s9], [sflag:$0x1] =	stream.indirect.gather [hbm4b:s4+s28], $0x40, s10, s28, $0xb8;
	[tilespmem:$0x1F520] =	vst v63  }
.LBB2_32:
0x15b: {  	p1 =	sgt.s32 s13, $0x0  }
.Ltmp23:
0x15c: {  	_ = 	snop;
	(pc) =	sbr.rel @!p1 .LBB2_36-.Ltmp23, $1  }
0x15d: {  	_ =	sdelay $0x3  }
0x15e: {  	p1 =	sne.s32 s13, $0x1  }
.Ltmp24:
0x15f: {  	_ = 	snop;
	(pc) =	sbr.rel @!p1 .LBB2_35-.Ltmp24, $3  }
0x160: {  	_ =	sdelay $0x1  }
0x161: {  	_ =	swait.ge [sflag:s28], $0x80  }
0x162: {  	s9 =	sadd.s32 $0xFFFFFFFF, s13;
	[sflag:s28] =	ssyncset.done $0x0  }
.LBB2_34:
0x163: {  	p1 =	sne.s32 s9, $0x1;
	s9 =	sadd.s32 $0xFFFFFFFF, s9;
	[sflag:s28] =	ssyncadd.s32 $0xFFFFFF80  }
.Ltmp25:
0x164: {  	(pc) =	sbr.rel @p1 .LBB2_34-.Ltmp25, $3  }
0x165: {  	_ =	sdelay $0x1  }
0x166: {  	_ =	swait.ge [sflag:s28], $0x80  }
0x167: {  	[sflag:s28] =	ssyncset.done $0x0  }
.LBB2_35:
0x168: {  	[sflag:s28] =	ssyncadd.s32 $0xFFFFFF80  }
.LBB2_36:
0x169: {  	s9 =	rddreg [dreg:$0x4]  }
0x16a: {  	s9 =	sadd.s32 s12, s9  }
0x16b: {  	s9 =	sand.u32 $0x1FFFFFF, s9  }
0x16c: {  	s9 =	smul.u32 $0x640, s9  }
0x16d: {  	s10 =	rddreg [dreg:$0x2]  }
0x16e: {  	s12 =	simm.s32 $0x1C200;
	s9 =	sadd.s32 s9, s10;
	s10 =	simm.s32 $0x0  }
.LBB2_37:
0x16f: {  	p1 =	slt.s32 s10, s13  }
0x170: {  	s14 =	sadd.s32 $0x80, s12;
	s12 =	simm.s32 @!p1 $0x1F400;
	p1 =	seq.s32 s10, $0x63  }
.Ltmp26:
0x171: {  	_ = 	snop;
	(pc) =	sbr.rel @!p1 .LBB2_37-.Ltmp26, $3  }
0x172: {  	_ =	sdelay $0x1  }
0x173: {  	[hbm4b:s9+s3] =	stream.linear.scatter [tilespmem:s12], [sflag:$0x4], $0x80, $0x38;
	[tilespmem:$0x1F520] =	vst v63  }
0x174: {  	s10 =	sadd.s32 $0x1, s10;
	s9 =	sadd.s32 $0x10, s9;
	s12 =	smov.u32 s14  }
0x175: {  	_ =	swait.ge [sflag:s1], $0x80  }
0x176: {  	s9 =	simm.s32 $0x63;
	[sflag:s1] =	ssyncset.done $0x0;
	s14 =	rddreg [dreg:$0x1d]  }
.LBB2_39:
0x177: {  	p1 =	seq.s32 s9, $0x1;
	s9 =	sadd.s32 $0xFFFFFFFF, s9;
	[sflag:s1] =	ssyncadd.s32 $0xFFFFFF80  }
.Ltmp27:
0x178: {  	(pc) =	sbr.rel @!p1 .LBB2_39-.Ltmp27, $3  }
0x179: {  	_ =	sdelay $0x1  }
0x17a: {  	_ =	swait.ge [sflag:s1], $0x80  }
0x17b: {  	[sflag:s1] =	ssyncset.done $0x0  }
0x17c: {  	p1 =	sgt.s32 s8, $0x0  }
.Ltmp28:
0x17d: {  	_ = 	snop;
	(pc) =	sbr.rel @!p1 .LBB2_43-.Ltmp28, $2  }
0x17e: {  	_ =	sdelay $0x2  }
0x17f: {  	[sflag:s1] =	ssyncadd.s32 $0xFFFFFF80;
	s9 =	simm.s32 $0x1C200  }
0x180: {  	p2 =	seq.s32 s8, $0x1  }
.Ltmp29:
0x181: {  	_ = 	snop;
	(pc) =	sbr.rel @p2 .LBB2_43-.Ltmp29, $3  }
0x182: {  	_ =	sdelay $0x1  }
0x183: {  	[tilespmem:s9], [sflag:$0x2] =	stream.indirect.gather [hbm4b:s4+s28], $0x40, s23, s28, $0xb8;
	[tilespmem:$0x1F520] =	vst v63  }
0x184: {  	s12 =	sadd.s32 $0xFFFFFFFF, s8;
	s10 =	smov.u32 s23  }
.LBB2_42:
0x185: {  	p2 =	seq.s32 s12, $0x1  }
.Ltmp30:
0x186: {  	_ = 	snop;
	(pc) =	sbr.rel @!p2 .LBB2_42-.Ltmp30, $4  }
0x187: {  	_ = 	snop  }
0x188: {  	s10 =	sadd.s32 $0x8, s10;
	s9 =	sadd.s32 $0x80, s9  }
0x189: {  	s12 =	sadd.s32 $0xFFFFFFFF, s12  }
0x18a: {  	[tilespmem:s9], [sflag:$0x2] =	stream.indirect.gather [hbm4b:s4+s28], $0x40, s10, s28, $0xb8;
	[tilespmem:$0x1F520] =	vst v63  }
.LBB2_43:
.Ltmp31:
0x18b: {  	(pc) =	sbr.rel @!p0 .LBB2_47-.Ltmp31, $1  }
0x18c: {  	_ =	sdelay $0x3  }
0x18d: {  	p0 =	sne.s32 s11, $0x1  }
.Ltmp32:
0x18e: {  	_ = 	snop;
	(pc) =	sbr.rel @!p0 .LBB2_46-.Ltmp32, $3  }
0x18f: {  	_ =	sdelay $0x1  }
0x190: {  	_ =	swait.ge [sflag:s31], $0x80  }
0x191: {  	s9 =	sadd.s32 $0xFFFFFFFF, s11;
	[sflag:s31] =	ssyncset.done $0x0  }
.LBB2_45:
0x192: {  	p0 =	sne.s32 s9, $0x1;
	s9 =	sadd.s32 $0xFFFFFFFF, s9;
	[sflag:s31] =	ssyncadd.s32 $0xFFFFFF80  }
.Ltmp33:
0x193: {  	(pc) =	sbr.rel @p0 .LBB2_45-.Ltmp33, $3  }
0x194: {  	_ =	sdelay $0x1  }
0x195: {  	_ =	swait.ge [sflag:s31], $0x80  }
0x196: {  	[sflag:s31] =	ssyncset.done $0x0  }
.LBB2_46:
0x197: {  	[sflag:s31] =	ssyncadd.s32 $0xFFFFFF80  }
.LBB2_47:
0x198: {  	s9 =	simm.s32 $0x0;
	s12 =	simm.s32 $0x19000;
	s10 =	sld [smem:$0x7FA]  }
.LBB2_48:
0x199: {  	p0 =	slt.s32 s9, s11  }
0x19a: {  	s13 =	sadd.s32 $0x80, s12;
	s12 =	simm.s32 @!p0 $0x1F400;
	p0 =	seq.s32 s9, $0x63  }
.Ltmp34:
0x19b: {  	_ = 	snop;
	(pc) =	sbr.rel @!p0 .LBB2_48-.Ltmp34, $3  }
0x19c: {  	_ =	sdelay $0x1  }
0x19d: {  	[hbm4b:s10+s3] =	stream.linear.scatter [tilespmem:s12], [sflag:$0x3], $0x80, $0x38;
	[tilespmem:$0x1F520] =	vst v63  }
0x19e: {  	s9 =	sadd.s32 $0x1, s9;
	s10 =	sadd.s32 $0x10, s10;
	s12 =	smov.u32 s13  }
0x19f: {  	_ =	swait.ge [sflag:s0], $0x80  }
0x1a0: {  	s9 =	simm.s32 $0x63;
	[sflag:s0] =	ssyncset.done $0x0;
	s13 =	rddreg [dreg:$0x1c]  }
.LBB2_50:
0x1a1: {  	p0 =	seq.s32 s9, $0x1;
	s9 =	sadd.s32 $0xFFFFFFFF, s9;
	[sflag:s0] =	ssyncadd.s32 $0xFFFFFF80  }
.Ltmp35:
0x1a2: {  	(pc) =	sbr.rel @!p0 .LBB2_50-.Ltmp35, $3  }
0x1a3: {  	_ =	sdelay $0x1  }
0x1a4: {  	_ =	swait.ge [sflag:s0], $0x80  }
0x1a5: {  	[sflag:s0] =	ssyncset.done $0x0  }
0x1a6: {  	p0 =	sgt.s32 s7, $0x0  }
.Ltmp36:
0x1a7: {  	_ = 	snop;
	(pc) =	sbr.rel @!p0 .LBB2_52-.Ltmp36, $2  }
0x1a8: {  	_ =	sdelay $0x2  }
0x1a9: {  	[sflag:s0] =	ssyncadd.s32 $0xFFFFFF80;
	s9 =	simm.s32 $0x19000  }
0x1aa: {  	p2 =	seq.s32 s7, $0x1  }
.Ltmp37:
0x1ab: {  	_ = 	snop;
	(pc) =	sbr.rel @p2 .LBB2_52-.Ltmp37, $3  }
0x1ac: {  	_ =	sdelay $0x1  }
0x1ad: {  	[tilespmem:s9], [sflag:$0x1] =	stream.indirect.gather [hbm4b:s4+s28], $0x40, s24, s28, $0xb8;
	[tilespmem:$0x1F520] =	vst v63  }
0x1ae: {  	s11 =	sadd.s32 $0xFFFFFFFF, s7;
	s10 =	smov.u32 s24  }
.LBB2_185:
0x1af: {  	p2 =	seq.s32 s11, $0x1  }
.Ltmp38:
0x1b0: {  	_ = 	snop;
	(pc) =	sbr.rel @!p2 .LBB2_185-.Ltmp38, $4  }
0x1b1: {  	_ = 	snop  }
0x1b2: {  	s10 =	sadd.s32 $0x8, s10;
	s9 =	sadd.s32 $0x80, s9  }
0x1b3: {  	s11 =	sadd.s32 $0xFFFFFFFF, s11  }
0x1b4: {  	[tilespmem:s9], [sflag:$0x1] =	stream.indirect.gather [hbm4b:s4+s28], $0x40, s10, s28, $0xb8;
	[tilespmem:$0x1F520] =	vst v63  }
.LBB2_52:
.Ltmp39:
0x1b5: {  	(pc) =	sbr.rel @!p1 .LBB2_56-.Ltmp39, $1  }
0x1b6: {  	_ =	sdelay $0x3  }
0x1b7: {  	p1 =	sne.s32 s8, $0x1  }
.Ltmp40:
0x1b8: {  	_ = 	snop;
	(pc) =	sbr.rel @!p1 .LBB2_55-.Ltmp40, $3  }
0x1b9: {  	_ =	sdelay $0x1  }
0x1ba: {  	_ =	swait.ge [sflag:s28], $0x80  }
0x1bb: {  	s9 =	sadd.s32 $0xFFFFFFFF, s8;
	[sflag:s28] =	ssyncset.done $0x0  }
.LBB2_54:
0x1bc: {  	p1 =	sne.s32 s9, $0x1;
	s9 =	sadd.s32 $0xFFFFFFFF, s9;
	[sflag:s28] =	ssyncadd.s32 $0xFFFFFF80  }
.Ltmp41:
0x1bd: {  	(pc) =	sbr.rel @p1 .LBB2_54-.Ltmp41, $3  }
0x1be: {  	_ =	sdelay $0x1  }
0x1bf: {  	_ =	swait.ge [sflag:s28], $0x80  }
0x1c0: {  	[sflag:s28] =	ssyncset.done $0x0  }
.LBB2_55:
0x1c1: {  	[sflag:s28] =	ssyncadd.s32 $0xFFFFFF80  }
.LBB2_56:
0x1c2: {  	s9 =	simm.s32 $0x0;
	s11 =	simm.s32 $0x1C200;
	s10 =	sld [smem:$0x7F9]  }
.LBB2_57:
0x1c3: {  	p1 =	slt.s32 s9, s8  }
0x1c4: {  	s12 =	sadd.s32 $0x80, s11;
	s11 =	simm.s32 @!p1 $0x1F400;
	p1 =	seq.s32 s9, $0x63  }
.Ltmp42:
0x1c5: {  	_ = 	snop;
	(pc) =	sbr.rel @!p1 .LBB2_57-.Ltmp42, $3  }
0x1c6: {  	_ =	sdelay $0x1  }
0x1c7: {  	[hbm4b:s10+s3] =	stream.linear.scatter [tilespmem:s11], [sflag:$0x4], $0x80, $0x38;
	[tilespmem:$0x1F520] =	vst v63  }
0x1c8: {  	s9 =	sadd.s32 $0x1, s9;
	s10 =	sadd.s32 $0x10, s10;
	s11 =	smov.u32 s12  }
0x1c9: {  	_ =	swait.ge [sflag:s1], $0x80  }
0x1ca: {  	s8 =	simm.s32 $0x63;
	[sflag:s1] =	ssyncset.done $0x0;
	s12 =	rddreg [dreg:$0x19]  }
.LBB2_59:
0x1cb: {  	p1 =	seq.s32 s8, $0x1;
	s8 =	sadd.s32 $0xFFFFFFFF, s8;
	[sflag:s1] =	ssyncadd.s32 $0xFFFFFF80  }
.Ltmp43:
0x1cc: {  	(pc) =	sbr.rel @!p1 .LBB2_59-.Ltmp43, $3  }
0x1cd: {  	_ =	sdelay $0x1  }
0x1ce: {  	_ =	swait.ge [sflag:s1], $0x80  }
0x1cf: {  	[sflag:s1] =	ssyncset.done $0x0  }
0x1d0: {  	p1 =	sgt.s32 s6, $0x0  }
.Ltmp44:
0x1d1: {  	_ = 	snop;
	(pc) =	sbr.rel @!p1 .LBB2_63-.Ltmp44, $2  }
0x1d2: {  	_ =	sdelay $0x2  }
0x1d3: {  	[sflag:s1] =	ssyncadd.s32 $0xFFFFFF80;
	s8 =	simm.s32 $0x1C200  }
0x1d4: {  	p2 =	seq.s32 s6, $0x1  }
.Ltmp45:
0x1d5: {  	_ = 	snop;
	(pc) =	sbr.rel @p2 .LBB2_63-.Ltmp45, $3  }
0x1d6: {  	_ =	sdelay $0x1  }
0x1d7: {  	[tilespmem:s8], [sflag:$0x2] =	stream.indirect.gather [hbm4b:s4+s28], $0x40, s12, s28, $0xb8;
	[tilespmem:$0x1F520] =	vst v63  }
0x1d8: {  	s9 =	sadd.s32 $0xFFFFFFFF, s6;
	s10 =	smov.u32 s12  }
.LBB2_62:
0x1d9: {  	p2 =	seq.s32 s9, $0x1  }
.Ltmp46:
0x1da: {  	_ = 	snop;
	(pc) =	sbr.rel @!p2 .LBB2_62-.Ltmp46, $4  }
0x1db: {  	_ = 	snop  }
0x1dc: {  	s10 =	sadd.s32 $0x8, s10;
	s8 =	sadd.s32 $0x80, s8  }
0x1dd: {  	s9 =	sadd.s32 $0xFFFFFFFF, s9  }
0x1de: {  	[tilespmem:s8], [sflag:$0x2] =	stream.indirect.gather [hbm4b:s4+s28], $0x40, s10, s28, $0xb8;
	[tilespmem:$0x1F520] =	vst v63  }
.LBB2_63:
.Ltmp47:
0x1df: {  	(pc) =	sbr.rel @!p0 .LBB2_67-.Ltmp47, $1  }
0x1e0: {  	_ =	sdelay $0x3  }
0x1e1: {  	p0 =	sne.s32 s7, $0x1  }
.Ltmp48:
0x1e2: {  	_ = 	snop;
	(pc) =	sbr.rel @!p0 .LBB2_66-.Ltmp48, $3  }
0x1e3: {  	_ =	sdelay $0x1  }
0x1e4: {  	_ =	swait.ge [sflag:s31], $0x80  }
0x1e5: {  	s8 =	sadd.s32 $0xFFFFFFFF, s7;
	[sflag:s31] =	ssyncset.done $0x0  }
.LBB2_65:
0x1e6: {  	p0 =	sne.s32 s8, $0x1;
	s8 =	sadd.s32 $0xFFFFFFFF, s8;
	[sflag:s31] =	ssyncadd.s32 $0xFFFFFF80  }
.Ltmp49:
0x1e7: {  	(pc) =	sbr.rel @p0 .LBB2_65-.Ltmp49, $3  }
0x1e8: {  	_ =	sdelay $0x1  }
0x1e9: {  	_ =	swait.ge [sflag:s31], $0x80  }
0x1ea: {  	[sflag:s31] =	ssyncset.done $0x0  }
.LBB2_66:
0x1eb: {  	[sflag:s31] =	ssyncadd.s32 $0xFFFFFF80  }
.LBB2_67:
0x1ec: {  	s8 =	simm.s32 $0x0;
	s10 =	simm.s32 $0x19000;
	s9 =	sld [smem:$0x7F8]  }
.LBB2_68:
0x1ed: {  	p0 =	slt.s32 s8, s7  }
0x1ee: {  	s11 =	sadd.s32 $0x80, s10;
	s10 =	simm.s32 @!p0 $0x1F400;
	p0 =	seq.s32 s8, $0x63  }
.Ltmp50:
0x1ef: {  	_ = 	snop;
	(pc) =	sbr.rel @!p0 .LBB2_68-.Ltmp50, $3  }
0x1f0: {  	_ =	sdelay $0x1  }
0x1f1: {  	[hbm4b:s9+s3] =	stream.linear.scatter [tilespmem:s10], [sflag:$0x3], $0x80, $0x38;
	[tilespmem:$0x1F520] =	vst v63  }
0x1f2: {  	s8 =	sadd.s32 $0x1, s8;
	s9 =	sadd.s32 $0x10, s9;
	s10 =	smov.u32 s11  }
0x1f3: {  	_ =	swait.ge [sflag:s0], $0x80  }
0x1f4: {  	s7 =	simm.s32 $0x63;
	[sflag:s0] =	ssyncset.done $0x0;
	s11 =	rddreg [dreg:$0x1a]  }
.LBB2_70:
0x1f5: {  	p0 =	seq.s32 s7, $0x1;
	s7 =	sadd.s32 $0xFFFFFFFF, s7;
	[sflag:s0] =	ssyncadd.s32 $0xFFFFFF80  }
.Ltmp51:
0x1f6: {  	(pc) =	sbr.rel @!p0 .LBB2_70-.Ltmp51, $3  }
0x1f7: {  	_ =	sdelay $0x1  }
0x1f8: {  	_ =	swait.ge [sflag:s0], $0x80  }
0x1f9: {  	[sflag:s0] =	ssyncset.done $0x0  }
0x1fa: {  	p0 =	sgt.s32 s30, $0x0  }
.Ltmp52:
0x1fb: {  	_ = 	snop;
	(pc) =	sbr.rel @!p0 .LBB2_72-.Ltmp52, $2  }
0x1fc: {  	_ =	sdelay $0x2  }
0x1fd: {  	[sflag:s0] =	ssyncadd.s32 $0xFFFFFF80;
	s7 =	simm.s32 $0x19000  }
0x1fe: {  	p2 =	seq.s32 s30, $0x1  }
.Ltmp53:
0x1ff: {  	_ = 	snop;
	(pc) =	sbr.rel @p2 .LBB2_72-.Ltmp53, $3  }
0x200: {  	_ =	sdelay $0x1  }
0x201: {  	[tilespmem:s7], [sflag:$0x1] =	stream.indirect.gather [hbm4b:s4+s28], $0x40, s11, s28, $0xb8;
	[tilespmem:$0x1F520] =	vst v63  }
0x202: {  	s8 =	sadd.s32 $0xFFFFFFFF, s30;
	s9 =	smov.u32 s11  }
.LBB2_187:
0x203: {  	p2 =	seq.s32 s8, $0x1  }
.Ltmp54:
0x204: {  	_ = 	snop;
	(pc) =	sbr.rel @!p2 .LBB2_187-.Ltmp54, $4  }
0x205: {  	_ = 	snop  }
0x206: {  	s9 =	sadd.s32 $0x8, s9;
	s7 =	sadd.s32 $0x80, s7  }
0x207: {  	s8 =	sadd.s32 $0xFFFFFFFF, s8  }
0x208: {  	[tilespmem:s7], [sflag:$0x1] =	stream.indirect.gather [hbm4b:s4+s28], $0x40, s9, s28, $0xb8;
	[tilespmem:$0x1F520] =	vst v63  }
.LBB2_72:
.Ltmp55:
0x209: {  	(pc) =	sbr.rel @!p1 .LBB2_76-.Ltmp55, $1  }
0x20a: {  	_ =	sdelay $0x3  }
0x20b: {  	p1 =	sne.s32 s6, $0x1  }
.Ltmp56:
0x20c: {  	_ = 	snop;
	(pc) =	sbr.rel @!p1 .LBB2_75-.Ltmp56, $3  }
0x20d: {  	_ =	sdelay $0x1  }
0x20e: {  	_ =	swait.ge [sflag:s28], $0x80  }
0x20f: {  	s7 =	sadd.s32 $0xFFFFFFFF, s6;
	[sflag:s28] =	ssyncset.done $0x0  }
.LBB2_74:
0x210: {  	p1 =	sne.s32 s7, $0x1;
	s7 =	sadd.s32 $0xFFFFFFFF, s7;
	[sflag:s28] =	ssyncadd.s32 $0xFFFFFF80  }
.Ltmp57:
0x211: {  	(pc) =	sbr.rel @p1 .LBB2_74-.Ltmp57, $3  }
0x212: {  	_ =	sdelay $0x1  }
0x213: {  	_ =	swait.ge [sflag:s28], $0x80  }
0x214: {  	[sflag:s28] =	ssyncset.done $0x0  }
.LBB2_75:
0x215: {  	[sflag:s28] =	ssyncadd.s32 $0xFFFFFF80  }
.LBB2_76:
0x216: {  	s7 =	simm.s32 $0x0;
	s9 =	simm.s32 $0x1C200;
	s8 =	sld [smem:$0x7F7]  }
.LBB2_77:
0x217: {  	p1 =	slt.s32 s7, s6  }
0x218: {  	s10 =	sadd.s32 $0x80, s9;
	s9 =	simm.s32 @!p1 $0x1F400;
	p1 =	seq.s32 s7, $0x63  }
.Ltmp58:
0x219: {  	_ = 	snop;
	(pc) =	sbr.rel @!p1 .LBB2_77-.Ltmp58, $3  }
0x21a: {  	_ =	sdelay $0x1  }
0x21b: {  	[hbm4b:s8+s3] =	stream.linear.scatter [tilespmem:s9], [sflag:$0x4], $0x80, $0x38;
	[tilespmem:$0x1F520] =	vst v63  }
0x21c: {  	s7 =	sadd.s32 $0x1, s7;
	s8 =	sadd.s32 $0x10, s8;
	s9 =	smov.u32 s10  }
0x21d: {  	_ =	swait.ge [sflag:s1], $0x80  }
0x21e: {  	s6 =	simm.s32 $0x63;
	[sflag:s1] =	ssyncset.done $0x0;
	s10 =	rddreg [dreg:$0x1b]  }
.LBB2_79:
0x21f: {  	p1 =	seq.s32 s6, $0x1;
	s6 =	sadd.s32 $0xFFFFFFFF, s6;
	[sflag:s1] =	ssyncadd.s32 $0xFFFFFF80  }
.Ltmp59:
0x220: {  	(pc) =	sbr.rel @!p1 .LBB2_79-.Ltmp59, $3  }
0x221: {  	_ =	sdelay $0x1  }
0x222: {  	_ =	swait.ge [sflag:s1], $0x80  }
0x223: {  	[sflag:s1] =	ssyncset.done $0x0  }
0x224: {  	p1 =	sgt.s32 s29, $0x0  }
.Ltmp60:
0x225: {  	_ = 	snop;
	(pc) =	sbr.rel @!p1 .LBB2_83-.Ltmp60, $2  }
0x226: {  	_ =	sdelay $0x2  }
0x227: {  	[sflag:s1] =	ssyncadd.s32 $0xFFFFFF80;
	s6 =	simm.s32 $0x1C200  }
0x228: {  	p2 =	seq.s32 s29, $0x1  }
.Ltmp61:
0x229: {  	_ = 	snop;
	(pc) =	sbr.rel @p2 .LBB2_83-.Ltmp61, $3  }
0x22a: {  	_ =	sdelay $0x1  }
0x22b: {  	[tilespmem:s6], [sflag:$0x2] =	stream.indirect.gather [hbm4b:s4+s28], $0x40, s10, s28, $0xb8;
	[tilespmem:$0x1F520] =	vst v63  }
0x22c: {  	s7 =	sadd.s32 $0xFFFFFFFF, s29;
	s8 =	smov.u32 s10  }
.LBB2_82:
0x22d: {  	p2 =	seq.s32 s7, $0x1  }
.Ltmp62:
0x22e: {  	_ = 	snop;
	(pc) =	sbr.rel @!p2 .LBB2_82-.Ltmp62, $4  }
0x22f: {  	_ = 	snop  }
0x230: {  	s8 =	sadd.s32 $0x8, s8;
	s6 =	sadd.s32 $0x80, s6  }
0x231: {  	s7 =	sadd.s32 $0xFFFFFFFF, s7  }
0x232: {  	[tilespmem:s6], [sflag:$0x2] =	stream.indirect.gather [hbm4b:s4+s28], $0x40, s8, s28, $0xb8;
	[tilespmem:$0x1F520] =	vst v63  }
.LBB2_83:
.Ltmp63:
0x233: {  	(pc) =	sbr.rel @!p0 .LBB2_87-.Ltmp63, $1  }
0x234: {  	_ =	sdelay $0x3  }
0x235: {  	p0 =	sne.s32 s30, $0x1  }
.Ltmp64:
0x236: {  	_ = 	snop;
	(pc) =	sbr.rel @!p0 .LBB2_86-.Ltmp64, $3  }
0x237: {  	_ =	sdelay $0x1  }
0x238: {  	_ =	swait.ge [sflag:s31], $0x80  }
0x239: {  	s6 =	sadd.s32 $0xFFFFFFFF, s30;
	[sflag:s31] =	ssyncset.done $0x0  }
.LBB2_85:
0x23a: {  	p0 =	sne.s32 s6, $0x1;
	s6 =	sadd.s32 $0xFFFFFFFF, s6;
	[sflag:s31] =	ssyncadd.s32 $0xFFFFFF80  }
.Ltmp65:
0x23b: {  	(pc) =	sbr.rel @p0 .LBB2_85-.Ltmp65, $3  }
0x23c: {  	_ =	sdelay $0x1  }
0x23d: {  	_ =	swait.ge [sflag:s31], $0x80  }
0x23e: {  	[sflag:s31] =	ssyncset.done $0x0  }
.LBB2_86:
0x23f: {  	[sflag:s31] =	ssyncadd.s32 $0xFFFFFF80  }
.LBB2_87:
0x240: {  	s6 =	simm.s32 $0x0;
	s8 =	simm.s32 $0x19000;
	s7 =	sld [smem:$0x7F6]  }
.LBB2_88:
0x241: {  	p0 =	slt.s32 s6, s30  }
0x242: {  	s9 =	sadd.s32 $0x80, s8;
	s8 =	simm.s32 @!p0 $0x1F400;
	p0 =	seq.s32 s6, $0x63  }
.Ltmp66:
0x243: {  	_ = 	snop;
	(pc) =	sbr.rel @!p0 .LBB2_88-.Ltmp66, $3  }
0x244: {  	_ =	sdelay $0x1  }
0x245: {  	[hbm4b:s7+s3] =	stream.linear.scatter [tilespmem:s8], [sflag:$0x3], $0x80, $0x38;
	[tilespmem:$0x1F520] =	vst v63  }
0x246: {  	s6 =	sadd.s32 $0x1, s6;
	s7 =	sadd.s32 $0x10, s7;
	s8 =	smov.u32 s9  }
0x247: {  	_ =	swait.ge [sflag:s0], $0x80  }
0x248: {  	s6 =	simm.s32 $0x63;
	[sflag:s0] =	ssyncset.done $0x0;
	s30 =	sld [smem:$0x7E9]  }
.LBB2_90:
0x249: {  	p0 =	seq.s32 s6, $0x1;
	s6 =	sadd.s32 $0xFFFFFFFF, s6;
	[sflag:s0] =	ssyncadd.s32 $0xFFFFFF80  }
.Ltmp67:
0x24a: {  	(pc) =	sbr.rel @!p0 .LBB2_90-.Ltmp67, $3  }
0x24b: {  	_ =	sdelay $0x1  }
0x24c: {  	_ =	swait.ge [sflag:s0], $0x80  }
0x24d: {  	[sflag:s0] =	ssyncset.done $0x0  }
0x24e: {  	p0 =	sgt.s32 s19, $0x0  }
.Ltmp68:
0x24f: {  	_ = 	snop;
	(pc) =	sbr.rel @!p0 .LBB2_92-.Ltmp68, $2  }
0x250: {  	_ =	sdelay $0x2  }
0x251: {  	[sflag:s0] =	ssyncadd.s32 $0xFFFFFF80;
	s6 =	simm.s32 $0x19000  }
0x252: {  	p2 =	seq.s32 s19, $0x1  }
.Ltmp69:
0x253: {  	_ = 	snop;
	(pc) =	sbr.rel @p2 .LBB2_92-.Ltmp69, $3  }
0x254: {  	_ =	sdelay $0x1  }
0x255: {  	[tilespmem:s6], [sflag:$0x1] =	stream.indirect.gather [hbm4b:s4+s28], $0x40, s13, s28, $0xb8;
	[tilespmem:$0x1F520] =	vst v63  }
0x256: {  	s7 =	sadd.s32 $0xFFFFFFFF, s19;
	s8 =	smov.u32 s13  }
.LBB2_189:
0x257: {  	p2 =	seq.s32 s7, $0x1  }
.Ltmp70:
0x258: {  	_ = 	snop;
	(pc) =	sbr.rel @!p2 .LBB2_189-.Ltmp70, $4  }
0x259: {  	_ = 	snop  }
0x25a: {  	s8 =	sadd.s32 $0x8, s8;
	s6 =	sadd.s32 $0x80, s6  }
0x25b: {  	s7 =	sadd.s32 $0xFFFFFFFF, s7  }
0x25c: {  	[tilespmem:s6], [sflag:$0x1] =	stream.indirect.gather [hbm4b:s4+s28], $0x40, s8, s28, $0xb8;
	[tilespmem:$0x1F520] =	vst v63  }
.LBB2_92:
.Ltmp71:
0x25d: {  	(pc) =	sbr.rel @!p1 .LBB2_96-.Ltmp71, $1  }
0x25e: {  	_ =	sdelay $0x3  }
0x25f: {  	p1 =	sne.s32 s29, $0x1  }
.Ltmp72:
0x260: {  	_ = 	snop;
	(pc) =	sbr.rel @!p1 .LBB2_95-.Ltmp72, $3  }
0x261: {  	_ =	sdelay $0x1  }
0x262: {  	_ =	swait.ge [sflag:s28], $0x80  }
0x263: {  	s6 =	sadd.s32 $0xFFFFFFFF, s29;
	[sflag:s28] =	ssyncset.done $0x0  }
.LBB2_94:
0x264: {  	p1 =	sne.s32 s6, $0x1;
	s6 =	sadd.s32 $0xFFFFFFFF, s6;
	[sflag:s28] =	ssyncadd.s32 $0xFFFFFF80  }
.Ltmp73:
0x265: {  	(pc) =	sbr.rel @p1 .LBB2_94-.Ltmp73, $3  }
0x266: {  	_ =	sdelay $0x1  }
0x267: {  	_ =	swait.ge [sflag:s28], $0x80  }
0x268: {  	[sflag:s28] =	ssyncset.done $0x0  }
.LBB2_95:
0x269: {  	[sflag:s28] =	ssyncadd.s32 $0xFFFFFF80  }
.LBB2_96:
0x26a: {  	s6 =	simm.s32 $0x0;
	s8 =	simm.s32 $0x1C200;
	s7 =	sld [smem:$0x7F5]  }
.LBB2_97:
0x26b: {  	p1 =	slt.s32 s6, s29  }
0x26c: {  	s9 =	sadd.s32 $0x80, s8;
	s8 =	simm.s32 @!p1 $0x1F400;
	p1 =	seq.s32 s6, $0x63  }
.Ltmp74:
0x26d: {  	_ = 	snop;
	(pc) =	sbr.rel @!p1 .LBB2_97-.Ltmp74, $3  }
0x26e: {  	_ =	sdelay $0x1  }
0x26f: {  	[hbm4b:s7+s3] =	stream.linear.scatter [tilespmem:s8], [sflag:$0x4], $0x80, $0x38;
	[tilespmem:$0x1F520] =	vst v63  }
0x270: {  	s6 =	sadd.s32 $0x1, s6;
	s7 =	sadd.s32 $0x10, s7;
	s8 =	smov.u32 s9  }
0x271: {  	_ =	swait.ge [sflag:s1], $0x80  }
0x272: {  	s6 =	simm.s32 $0x63;
	[sflag:s1] =	ssyncset.done $0x0;
	s29 =	sld [smem:$0x7EA]  }
.LBB2_99:
0x273: {  	p1 =	seq.s32 s6, $0x1;
	s6 =	sadd.s32 $0xFFFFFFFF, s6;
	[sflag:s1] =	ssyncadd.s32 $0xFFFFFF80  }
.Ltmp75:
0x274: {  	(pc) =	sbr.rel @!p1 .LBB2_99-.Ltmp75, $3  }
0x275: {  	_ =	sdelay $0x1  }
0x276: {  	_ =	swait.ge [sflag:s1], $0x80  }
0x277: {  	[sflag:s1] =	ssyncset.done $0x0  }
0x278: {  	p1 =	sgt.s32 s20, $0x0  }
.Ltmp76:
0x279: {  	_ = 	snop;
	(pc) =	sbr.rel @!p1 .LBB2_103-.Ltmp76, $2  }
0x27a: {  	_ =	sdelay $0x2  }
0x27b: {  	[sflag:s1] =	ssyncadd.s32 $0xFFFFFF80;
	s6 =	simm.s32 $0x1C200  }
0x27c: {  	p2 =	seq.s32 s20, $0x1  }
.Ltmp77:
0x27d: {  	_ = 	snop;
	(pc) =	sbr.rel @p2 .LBB2_103-.Ltmp77, $3  }
0x27e: {  	_ =	sdelay $0x1  }
0x27f: {  	[tilespmem:s6], [sflag:$0x2] =	stream.indirect.gather [hbm4b:s4+s28], $0x40, s14, s28, $0xb8;
	[tilespmem:$0x1F520] =	vst v63  }
0x280: {  	s7 =	sadd.s32 $0xFFFFFFFF, s20;
	s8 =	smov.u32 s14  }
.LBB2_102:
0x281: {  	p2 =	seq.s32 s7, $0x1  }
.Ltmp78:
0x282: {  	_ = 	snop;
	(pc) =	sbr.rel @!p2 .LBB2_102-.Ltmp78, $4  }
0x283: {  	_ = 	snop  }
0x284: {  	s8 =	sadd.s32 $0x8, s8;
	s6 =	sadd.s32 $0x80, s6  }
0x285: {  	s7 =	sadd.s32 $0xFFFFFFFF, s7  }
0x286: {  	[tilespmem:s6], [sflag:$0x2] =	stream.indirect.gather [hbm4b:s4+s28], $0x40, s8, s28, $0xb8;
	[tilespmem:$0x1F520] =	vst v63  }
.LBB2_103:
.Ltmp79:
0x287: {  	(pc) =	sbr.rel @!p0 .LBB2_107-.Ltmp79, $1  }
0x288: {  	_ =	sdelay $0x3  }
0x289: {  	p0 =	sne.s32 s19, $0x1  }
.Ltmp80:
0x28a: {  	_ = 	snop;
	(pc) =	sbr.rel @!p0 .LBB2_106-.Ltmp80, $3  }
0x28b: {  	_ =	sdelay $0x1  }
0x28c: {  	_ =	swait.ge [sflag:s31], $0x80  }
0x28d: {  	s6 =	sadd.s32 $0xFFFFFFFF, s19;
	[sflag:s31] =	ssyncset.done $0x0  }
.LBB2_105:
0x28e: {  	p0 =	sne.s32 s6, $0x1;
	s6 =	sadd.s32 $0xFFFFFFFF, s6;
	[sflag:s31] =	ssyncadd.s32 $0xFFFFFF80  }
.Ltmp81:
0x28f: {  	(pc) =	sbr.rel @p0 .LBB2_105-.Ltmp81, $3  }
0x290: {  	_ =	sdelay $0x1  }
0x291: {  	_ =	swait.ge [sflag:s31], $0x80  }
0x292: {  	[sflag:s31] =	ssyncset.done $0x0  }
.LBB2_106:
0x293: {  	[sflag:s31] =	ssyncadd.s32 $0xFFFFFF80  }
.LBB2_107:
0x294: {  	s6 =	simm.s32 $0x0;
	s8 =	simm.s32 $0x19000;
	s7 =	sld [smem:$0x7F4]  }
.LBB2_108:
0x295: {  	p0 =	slt.s32 s6, s19  }
0x296: {  	s9 =	sadd.s32 $0x80, s8;
	s8 =	simm.s32 @!p0 $0x1F400;
	p0 =	seq.s32 s6, $0x63  }
.Ltmp82:
0x297: {  	_ = 	snop;
	(pc) =	sbr.rel @!p0 .LBB2_108-.Ltmp82, $3  }
0x298: {  	_ =	sdelay $0x1  }
0x299: {  	[hbm4b:s7+s3] =	stream.linear.scatter [tilespmem:s8], [sflag:$0x3], $0x80, $0x38;
	[tilespmem:$0x1F520] =	vst v63  }
0x29a: {  	s6 =	sadd.s32 $0x1, s6;
	s7 =	sadd.s32 $0x10, s7;
	s8 =	smov.u32 s9  }
0x29b: {  	_ =	swait.ge [sflag:s0], $0x80  }
0x29c: {  	s17 =	sld [smem:$0x7F0]  }
0x29d: {  	s6 =	simm.s32 $0x63;
	[sflag:s0] =	ssyncset.done $0x0;
	s19 =	sld [smem:$0x7EF]  }
.LBB2_110:
0x29e: {  	p0 =	seq.s32 s6, $0x1;
	s6 =	sadd.s32 $0xFFFFFFFF, s6;
	[sflag:s0] =	ssyncadd.s32 $0xFFFFFF80  }
.Ltmp83:
0x29f: {  	(pc) =	sbr.rel @!p0 .LBB2_110-.Ltmp83, $3  }
0x2a0: {  	_ =	sdelay $0x1  }
0x2a1: {  	_ =	swait.ge [sflag:s0], $0x80  }
0x2a2: {  	[sflag:s0] =	ssyncset.done $0x0  }
0x2a3: {  	p0 =	sgt.s32 s21, $0x0  }
.Ltmp84:
0x2a4: {  	_ = 	snop;
	(pc) =	sbr.rel @!p0 .LBB2_112-.Ltmp84, $2  }
0x2a5: {  	_ =	sdelay $0x2  }
0x2a6: {  	[sflag:s0] =	ssyncadd.s32 $0xFFFFFF80;
	s6 =	simm.s32 $0x19000  }
0x2a7: {  	p2 =	seq.s32 s21, $0x1  }
.Ltmp85:
0x2a8: {  	_ = 	snop;
	(pc) =	sbr.rel @p2 .LBB2_112-.Ltmp85, $3  }
0x2a9: {  	_ =	sdelay $0x1  }
0x2aa: {  	[tilespmem:s6], [sflag:$0x1] =	stream.indirect.gather [hbm4b:s4+s28], $0x40, s15, s28, $0xb8;
	[tilespmem:$0x1F520] =	vst v63  }
0x2ab: {  	s7 =	sadd.s32 $0xFFFFFFFF, s21;
	s8 =	smov.u32 s15  }
.LBB2_191:
0x2ac: {  	p2 =	seq.s32 s7, $0x1  }
.Ltmp86:
0x2ad: {  	_ = 	snop;
	(pc) =	sbr.rel @!p2 .LBB2_191-.Ltmp86, $4  }
0x2ae: {  	_ = 	snop  }
0x2af: {  	s8 =	sadd.s32 $0x8, s8;
	s6 =	sadd.s32 $0x80, s6  }
0x2b0: {  	s7 =	sadd.s32 $0xFFFFFFFF, s7  }
0x2b1: {  	[tilespmem:s6], [sflag:$0x1] =	stream.indirect.gather [hbm4b:s4+s28], $0x40, s8, s28, $0xb8;
	[tilespmem:$0x1F520] =	vst v63  }
.LBB2_112:
.Ltmp87:
0x2b2: {  	(pc) =	sbr.rel @!p1 .LBB2_116-.Ltmp87, $1  }
0x2b3: {  	_ =	sdelay $0x3  }
0x2b4: {  	p1 =	sne.s32 s20, $0x1  }
.Ltmp88:
0x2b5: {  	_ = 	snop;
	(pc) =	sbr.rel @!p1 .LBB2_115-.Ltmp88, $3  }
0x2b6: {  	_ =	sdelay $0x1  }
0x2b7: {  	_ =	swait.ge [sflag:s28], $0x80  }
0x2b8: {  	s6 =	sadd.s32 $0xFFFFFFFF, s20;
	[sflag:s28] =	ssyncset.done $0x0  }
.LBB2_114:
0x2b9: {  	p1 =	sne.s32 s6, $0x1;
	s6 =	sadd.s32 $0xFFFFFFFF, s6;
	[sflag:s28] =	ssyncadd.s32 $0xFFFFFF80  }
.Ltmp89:
0x2ba: {  	(pc) =	sbr.rel @p1 .LBB2_114-.Ltmp89, $3  }
0x2bb: {  	_ =	sdelay $0x1  }
0x2bc: {  	_ =	swait.ge [sflag:s28], $0x80  }
0x2bd: {  	[sflag:s28] =	ssyncset.done $0x0  }
.LBB2_115:
0x2be: {  	[sflag:s28] =	ssyncadd.s32 $0xFFFFFF80  }
.LBB2_116:
0x2bf: {  	s6 =	simm.s32 $0x0;
	s8 =	simm.s32 $0x1C200;
	s7 =	sld [smem:$0x7F3]  }
.LBB2_117:
0x2c0: {  	p1 =	slt.s32 s6, s20  }
0x2c1: {  	s9 =	sadd.s32 $0x80, s8;
	s8 =	simm.s32 @!p1 $0x1F400;
	p1 =	seq.s32 s6, $0x63  }
.Ltmp90:
0x2c2: {  	_ = 	snop;
	(pc) =	sbr.rel @!p1 .LBB2_117-.Ltmp90, $3  }
0x2c3: {  	_ =	sdelay $0x1  }
0x2c4: {  	[hbm4b:s7+s3] =	stream.linear.scatter [tilespmem:s8], [sflag:$0x4], $0x80, $0x38;
	[tilespmem:$0x1F520] =	vst v63  }
0x2c5: {  	s6 =	sadd.s32 $0x1, s6;
	s7 =	sadd.s32 $0x10, s7;
	s8 =	smov.u32 s9  }
0x2c6: {  	_ =	swait.ge [sflag:s1], $0x80  }
0x2c7: {  	s6 =	simm.s32 $0x63;
	[sflag:s1] =	ssyncset.done $0x0;
	s20 =	sld [smem:$0x7ED]  }
.LBB2_119:
0x2c8: {  	p1 =	seq.s32 s6, $0x1;
	s6 =	sadd.s32 $0xFFFFFFFF, s6;
	[sflag:s1] =	ssyncadd.s32 $0xFFFFFF80  }
.Ltmp91:
0x2c9: {  	(pc) =	sbr.rel @!p1 .LBB2_119-.Ltmp91, $3  }
0x2ca: {  	_ =	sdelay $0x1  }
0x2cb: {  	_ =	swait.ge [sflag:s1], $0x80  }
0x2cc: {  	[sflag:s1] =	ssyncset.done $0x0  }
0x2cd: {  	p1 =	sgt.s32 s22, $0x0  }
.Ltmp92:
0x2ce: {  	_ = 	snop;
	(pc) =	sbr.rel @!p1 .LBB2_123-.Ltmp92, $2  }
0x2cf: {  	_ =	sdelay $0x2  }
0x2d0: {  	[sflag:s1] =	ssyncadd.s32 $0xFFFFFF80;
	s6 =	simm.s32 $0x1C200  }
0x2d1: {  	p2 =	seq.s32 s22, $0x1  }
.Ltmp93:
0x2d2: {  	_ = 	snop;
	(pc) =	sbr.rel @p2 .LBB2_123-.Ltmp93, $3  }
0x2d3: {  	_ =	sdelay $0x1  }
0x2d4: {  	[tilespmem:s6], [sflag:$0x2] =	stream.indirect.gather [hbm4b:s4+s28], $0x40, s16, s28, $0xb8;
	[tilespmem:$0x1F520] =	vst v63  }
0x2d5: {  	s7 =	sadd.s32 $0xFFFFFFFF, s22;
	s8 =	smov.u32 s16  }
.LBB2_122:
0x2d6: {  	p2 =	seq.s32 s7, $0x1  }
.Ltmp94:
0x2d7: {  	_ = 	snop;
	(pc) =	sbr.rel @!p2 .LBB2_122-.Ltmp94, $4  }
0x2d8: {  	_ = 	snop  }
0x2d9: {  	s8 =	sadd.s32 $0x8, s8;
	s6 =	sadd.s32 $0x80, s6  }
0x2da: {  	s7 =	sadd.s32 $0xFFFFFFFF, s7  }
0x2db: {  	[tilespmem:s6], [sflag:$0x2] =	stream.indirect.gather [hbm4b:s4+s28], $0x40, s8, s28, $0xb8;
	[tilespmem:$0x1F520] =	vst v63  }
.LBB2_123:
.Ltmp95:
0x2dc: {  	(pc) =	sbr.rel @!p0 .LBB2_127-.Ltmp95, $1  }
0x2dd: {  	_ =	sdelay $0x3  }
0x2de: {  	p0 =	sne.s32 s21, $0x1  }
.Ltmp96:
0x2df: {  	_ = 	snop;
	(pc) =	sbr.rel @!p0 .LBB2_126-.Ltmp96, $3  }
0x2e0: {  	_ =	sdelay $0x1  }
0x2e1: {  	_ =	swait.ge [sflag:s31], $0x80  }
0x2e2: {  	s6 =	sadd.s32 $0xFFFFFFFF, s21;
	[sflag:s31] =	ssyncset.done $0x0  }
.LBB2_125:
0x2e3: {  	p0 =	sne.s32 s6, $0x1;
	s6 =	sadd.s32 $0xFFFFFFFF, s6;
	[sflag:s31] =	ssyncadd.s32 $0xFFFFFF80  }
.Ltmp97:
0x2e4: {  	(pc) =	sbr.rel @p0 .LBB2_125-.Ltmp97, $3  }
0x2e5: {  	_ =	sdelay $0x1  }
0x2e6: {  	_ =	swait.ge [sflag:s31], $0x80  }
0x2e7: {  	[sflag:s31] =	ssyncset.done $0x0  }
.LBB2_126:
0x2e8: {  	[sflag:s31] =	ssyncadd.s32 $0xFFFFFF80  }
.LBB2_127:
0x2e9: {  	s6 =	simm.s32 $0x0;
	s8 =	simm.s32 $0x19000;
	s7 =	sld [smem:$0x7F2]  }
.LBB2_128:
0x2ea: {  	p0 =	slt.s32 s6, s21  }
0x2eb: {  	s9 =	sadd.s32 $0x80, s8;
	s8 =	simm.s32 @!p0 $0x1F400;
	p0 =	seq.s32 s6, $0x63  }
.Ltmp98:
0x2ec: {  	_ = 	snop;
	(pc) =	sbr.rel @!p0 .LBB2_128-.Ltmp98, $3  }
0x2ed: {  	_ =	sdelay $0x1  }
0x2ee: {  	[hbm4b:s7+s3] =	stream.linear.scatter [tilespmem:s8], [sflag:$0x3], $0x80, $0x38;
	[tilespmem:$0x1F520] =	vst v63  }
0x2ef: {  	s6 =	sadd.s32 $0x1, s6;
	s7 =	sadd.s32 $0x10, s7;
	s8 =	smov.u32 s9  }
0x2f0: {  	_ =	swait.ge [sflag:s0], $0x80  }
0x2f1: {  	s6 =	simm.s32 $0x63;
	[sflag:s0] =	ssyncset.done $0x0;
	s21 =	sld [smem:$0x7EC]  }
.LBB2_130:
0x2f2: {  	p0 =	seq.s32 s6, $0x1;
	s6 =	sadd.s32 $0xFFFFFFFF, s6;
	[sflag:s0] =	ssyncadd.s32 $0xFFFFFF80  }
.Ltmp99:
0x2f3: {  	(pc) =	sbr.rel @!p0 .LBB2_130-.Ltmp99, $3  }
0x2f4: {  	_ =	sdelay $0x1  }
0x2f5: {  	_ =	swait.ge [sflag:s0], $0x80  }
0x2f6: {  	[sflag:s0] =	ssyncset.done $0x0  }
0x2f7: {  	p0 =	sgt.s32 s5, $0x0  }
.Ltmp100:
0x2f8: {  	_ = 	snop;
	(pc) =	sbr.rel @!p0 .LBB2_132-.Ltmp100, $2  }
0x2f9: {  	_ =	sdelay $0x2  }
0x2fa: {  	[sflag:s0] =	ssyncadd.s32 $0xFFFFFF80;
	s6 =	simm.s32 $0x19000  }
0x2fb: {  	p2 =	seq.s32 s5, $0x1  }
.Ltmp101:
0x2fc: {  	_ = 	snop;
	(pc) =	sbr.rel @p2 .LBB2_132-.Ltmp101, $3  }
0x2fd: {  	_ =	sdelay $0x1  }
0x2fe: {  	[tilespmem:s6], [sflag:$0x1] =	stream.indirect.gather [hbm4b:s4+s28], $0x40, s17, s28, $0xb8;
	[tilespmem:$0x1F520] =	vst v63  }
0x2ff: {  	s7 =	sadd.s32 $0xFFFFFFFF, s5;
	s8 =	smov.u32 s17  }
.LBB2_193:
0x300: {  	p2 =	seq.s32 s7, $0x1  }
.Ltmp102:
0x301: {  	_ = 	snop;
	(pc) =	sbr.rel @!p2 .LBB2_193-.Ltmp102, $4  }
0x302: {  	_ = 	snop  }
0x303: {  	s8 =	sadd.s32 $0x8, s8;
	s6 =	sadd.s32 $0x80, s6  }
0x304: {  	s7 =	sadd.s32 $0xFFFFFFFF, s7  }
0x305: {  	[tilespmem:s6], [sflag:$0x1] =	stream.indirect.gather [hbm4b:s4+s28], $0x40, s8, s28, $0xb8;
	[tilespmem:$0x1F520] =	vst v63  }
.LBB2_132:
.Ltmp103:
0x306: {  	(pc) =	sbr.rel @!p1 .LBB2_136-.Ltmp103, $1  }
0x307: {  	_ =	sdelay $0x3  }
0x308: {  	p1 =	sne.s32 s22, $0x1  }
.Ltmp104:
0x309: {  	_ = 	snop;
	(pc) =	sbr.rel @!p1 .LBB2_135-.Ltmp104, $3  }
0x30a: {  	_ =	sdelay $0x1  }
0x30b: {  	_ =	swait.ge [sflag:s28], $0x80  }
0x30c: {  	s6 =	sadd.s32 $0xFFFFFFFF, s22;
	[sflag:s28] =	ssyncset.done $0x0  }
.LBB2_134:
0x30d: {  	p1 =	sne.s32 s6, $0x1;
	s6 =	sadd.s32 $0xFFFFFFFF, s6;
	[sflag:s28] =	ssyncadd.s32 $0xFFFFFF80  }
.Ltmp105:
0x30e: {  	(pc) =	sbr.rel @p1 .LBB2_134-.Ltmp105, $3  }
0x30f: {  	_ =	sdelay $0x1  }
0x310: {  	_ =	swait.ge [sflag:s28], $0x80  }
0x311: {  	[sflag:s28] =	ssyncset.done $0x0  }
.LBB2_135:
0x312: {  	[sflag:s28] =	ssyncadd.s32 $0xFFFFFF80  }
.LBB2_136:
0x313: {  	s6 =	simm.s32 $0x0;
	s8 =	simm.s32 $0x1C200;
	s7 =	smov.u32 s30  }
.LBB2_137:
0x314: {  	p1 =	slt.s32 s6, s22  }
0x315: {  	s9 =	sadd.s32 $0x80, s8;
	s8 =	simm.s32 @!p1 $0x1F400;
	p1 =	seq.s32 s6, $0x63  }
.Ltmp106:
0x316: {  	_ = 	snop;
	(pc) =	sbr.rel @!p1 .LBB2_137-.Ltmp106, $3  }
0x317: {  	_ =	sdelay $0x1  }
0x318: {  	[hbm4b:s7+s3] =	stream.linear.scatter [tilespmem:s8], [sflag:$0x4], $0x80, $0x38;
	[tilespmem:$0x1F520] =	vst v63  }
0x319: {  	s6 =	sadd.s32 $0x1, s6;
	s7 =	sadd.s32 $0x10, s7;
	s8 =	smov.u32 s9  }
0x31a: {  	_ =	swait.ge [sflag:s1], $0x80  }
0x31b: {  	s6 =	simm.s32 $0x63;
	[sflag:s1] =	ssyncset.done $0x0;
	s22 =	sld [smem:$0x7EB]  }
.LBB2_139:
0x31c: {  	p1 =	seq.s32 s6, $0x1;
	s6 =	sadd.s32 $0xFFFFFFFF, s6;
	[sflag:s1] =	ssyncadd.s32 $0xFFFFFF80  }
.Ltmp107:
0x31d: {  	(pc) =	sbr.rel @!p1 .LBB2_139-.Ltmp107, $3  }
0x31e: {  	_ =	sdelay $0x1  }
0x31f: {  	_ =	swait.ge [sflag:s1], $0x80  }
0x320: {  	[sflag:s1] =	ssyncset.done $0x0  }
0x321: {  	p1 =	sgt.s32 s26, $0x0  }
.Ltmp108:
0x322: {  	_ = 	snop;
	(pc) =	sbr.rel @!p1 .LBB2_143-.Ltmp108, $2  }
0x323: {  	_ =	sdelay $0x2  }
0x324: {  	[sflag:s1] =	ssyncadd.s32 $0xFFFFFF80;
	s6 =	simm.s32 $0x1C200  }
0x325: {  	p2 =	seq.s32 s26, $0x1  }
.Ltmp109:
0x326: {  	_ = 	snop;
	(pc) =	sbr.rel @p2 .LBB2_143-.Ltmp109, $3  }
0x327: {  	_ =	sdelay $0x1  }
0x328: {  	[tilespmem:s6], [sflag:$0x2] =	stream.indirect.gather [hbm4b:s4+s28], $0x40, s19, s28, $0xb8;
	[tilespmem:$0x1F520] =	vst v63  }
0x329: {  	s7 =	sadd.s32 $0xFFFFFFFF, s26;
	s8 =	smov.u32 s19  }
.LBB2_142:
0x32a: {  	p2 =	seq.s32 s7, $0x1  }
.Ltmp110:
0x32b: {  	_ = 	snop;
	(pc) =	sbr.rel @!p2 .LBB2_142-.Ltmp110, $4  }
0x32c: {  	_ = 	snop  }
0x32d: {  	s8 =	sadd.s32 $0x8, s8;
	s6 =	sadd.s32 $0x80, s6  }
0x32e: {  	s7 =	sadd.s32 $0xFFFFFFFF, s7  }
0x32f: {  	[tilespmem:s6], [sflag:$0x2] =	stream.indirect.gather [hbm4b:s4+s28], $0x40, s8, s28, $0xb8;
	[tilespmem:$0x1F520] =	vst v63  }
.LBB2_143:
.Ltmp111:
0x330: {  	(pc) =	sbr.rel @!p0 .LBB2_147-.Ltmp111, $1  }
0x331: {  	_ =	sdelay $0x3  }
0x332: {  	p0 =	sne.s32 s5, $0x1  }
.Ltmp112:
0x333: {  	_ = 	snop;
	(pc) =	sbr.rel @!p0 .LBB2_146-.Ltmp112, $3  }
0x334: {  	_ =	sdelay $0x1  }
0x335: {  	_ =	swait.ge [sflag:s31], $0x80  }
0x336: {  	s6 =	sadd.s32 $0xFFFFFFFF, s5;
	[sflag:s31] =	ssyncset.done $0x0  }
.LBB2_145:
0x337: {  	p0 =	sne.s32 s6, $0x1;
	s6 =	sadd.s32 $0xFFFFFFFF, s6;
	[sflag:s31] =	ssyncadd.s32 $0xFFFFFF80  }
.Ltmp113:
0x338: {  	(pc) =	sbr.rel @p0 .LBB2_145-.Ltmp113, $3  }
0x339: {  	_ =	sdelay $0x1  }
0x33a: {  	_ =	swait.ge [sflag:s31], $0x80  }
0x33b: {  	[sflag:s31] =	ssyncset.done $0x0  }
.LBB2_146:
0x33c: {  	[sflag:s31] =	ssyncadd.s32 $0xFFFFFF80  }
.LBB2_147:
0x33d: {  	s6 =	simm.s32 $0x0;
	s8 =	simm.s32 $0x19000;
	s7 =	smov.u32 s29  }
.LBB2_148:
0x33e: {  	p0 =	slt.s32 s6, s5  }
0x33f: {  	s9 =	sadd.s32 $0x80, s8;
	s8 =	simm.s32 @!p0 $0x1F400;
	p0 =	seq.s32 s6, $0x63  }
.Ltmp114:
0x340: {  	_ = 	snop;
	(pc) =	sbr.rel @!p0 .LBB2_148-.Ltmp114, $3  }
0x341: {  	_ =	sdelay $0x1  }
0x342: {  	[hbm4b:s7+s3] =	stream.linear.scatter [tilespmem:s8], [sflag:$0x3], $0x80, $0x38;
	[tilespmem:$0x1F520] =	vst v63  }
0x343: {  	s6 =	sadd.s32 $0x1, s6;
	s7 =	sadd.s32 $0x10, s7;
	s8 =	smov.u32 s9  }
0x344: {  	_ =	swait.ge [sflag:s0], $0x80  }
0x345: {  	s5 =	simm.s32 $0x63;
	[sflag:s0] =	ssyncset.done $0x0;
	s9 =	sld [smem:$0x7EE]  }
.LBB2_150:
0x346: {  	p0 =	seq.s32 s5, $0x1;
	s5 =	sadd.s32 $0xFFFFFFFF, s5;
	[sflag:s0] =	ssyncadd.s32 $0xFFFFFF80  }
.Ltmp115:
0x347: {  	(pc) =	sbr.rel @!p0 .LBB2_150-.Ltmp115, $3  }
0x348: {  	_ =	sdelay $0x1  }
0x349: {  	_ =	swait.ge [sflag:s0], $0x80  }
0x34a: {  	[sflag:s0] =	ssyncset.done $0x0  }
0x34b: {  	p0 =	sgt.s32 s25, $0x0  }
.Ltmp116:
0x34c: {  	_ = 	snop;
	(pc) =	sbr.rel @!p0 .LBB2_152-.Ltmp116, $2  }
0x34d: {  	_ =	sdelay $0x2  }
0x34e: {  	[sflag:s0] =	ssyncadd.s32 $0xFFFFFF80;
	s5 =	simm.s32 $0x19000  }
0x34f: {  	p2 =	seq.s32 s25, $0x1  }
.Ltmp117:
0x350: {  	_ = 	snop;
	(pc) =	sbr.rel @p2 .LBB2_152-.Ltmp117, $3  }
0x351: {  	_ =	sdelay $0x1  }
0x352: {  	[tilespmem:s5], [sflag:$0x1] =	stream.indirect.gather [hbm4b:s4+s28], $0x40, s9, s28, $0xb8;
	[tilespmem:$0x1F520] =	vst v63  }
0x353: {  	s6 =	sadd.s32 $0xFFFFFFFF, s25;
	s7 =	smov.u32 s9  }
.LBB2_195:
0x354: {  	p2 =	seq.s32 s6, $0x1  }
.Ltmp118:
0x355: {  	_ = 	snop;
	(pc) =	sbr.rel @!p2 .LBB2_195-.Ltmp118, $4  }
0x356: {  	_ = 	snop  }
0x357: {  	s7 =	sadd.s32 $0x8, s7;
	s5 =	sadd.s32 $0x80, s5  }
0x358: {  	s6 =	sadd.s32 $0xFFFFFFFF, s6  }
0x359: {  	[tilespmem:s5], [sflag:$0x1] =	stream.indirect.gather [hbm4b:s4+s28], $0x40, s7, s28, $0xb8;
	[tilespmem:$0x1F520] =	vst v63  }
.LBB2_152:
.Ltmp119:
0x35a: {  	(pc) =	sbr.rel @!p1 .LBB2_156-.Ltmp119, $1  }
0x35b: {  	_ =	sdelay $0x3  }
0x35c: {  	p1 =	sne.s32 s26, $0x1  }
.Ltmp120:
0x35d: {  	_ = 	snop;
	(pc) =	sbr.rel @!p1 .LBB2_155-.Ltmp120, $3  }
0x35e: {  	_ =	sdelay $0x1  }
0x35f: {  	_ =	swait.ge [sflag:s28], $0x80  }
0x360: {  	s5 =	sadd.s32 $0xFFFFFFFF, s26;
	[sflag:s28] =	ssyncset.done $0x0  }
.LBB2_154:
0x361: {  	p1 =	sne.s32 s5, $0x1;
	s5 =	sadd.s32 $0xFFFFFFFF, s5;
	[sflag:s28] =	ssyncadd.s32 $0xFFFFFF80  }
.Ltmp121:
0x362: {  	(pc) =	sbr.rel @p1 .LBB2_154-.Ltmp121, $3  }
0x363: {  	_ =	sdelay $0x1  }
0x364: {  	_ =	swait.ge [sflag:s28], $0x80  }
0x365: {  	[sflag:s28] =	ssyncset.done $0x0  }
.LBB2_155:
0x366: {  	[sflag:s28] =	ssyncadd.s32 $0xFFFFFF80  }
.LBB2_156:
0x367: {  	s5 =	simm.s32 $0x0;
	s7 =	simm.s32 $0x1C200;
	s6 =	smov.u32 s22  }
.LBB2_157:
0x368: {  	p1 =	slt.s32 s5, s26  }
0x369: {  	s8 =	sadd.s32 $0x80, s7;
	s7 =	simm.s32 @!p1 $0x1F400;
	p1 =	seq.s32 s5, $0x63  }
.Ltmp122:
0x36a: {  	_ = 	snop;
	(pc) =	sbr.rel @!p1 .LBB2_157-.Ltmp122, $3  }
0x36b: {  	_ =	sdelay $0x1  }
0x36c: {  	[hbm4b:s6+s3] =	stream.linear.scatter [tilespmem:s7], [sflag:$0x4], $0x80, $0x38;
	[tilespmem:$0x1F520] =	vst v63  }
0x36d: {  	s5 =	sadd.s32 $0x1, s5;
	s6 =	sadd.s32 $0x10, s6;
	s7 =	smov.u32 s8  }
0x36e: {  	_ =	swait.ge [sflag:s1], $0x80  }
0x36f: {  	s5 =	simm.s32 $0x63;
	[sflag:s1] =	ssyncset.done $0x0  }
.LBB2_159:
0x370: {  	p1 =	seq.s32 s5, $0x1;
	s5 =	sadd.s32 $0xFFFFFFFF, s5;
	[sflag:s1] =	ssyncadd.s32 $0xFFFFFF80  }
.Ltmp123:
0x371: {  	(pc) =	sbr.rel @!p1 .LBB2_159-.Ltmp123, $3  }
0x372: {  	_ =	sdelay $0x1  }
0x373: {  	_ =	swait.ge [sflag:s1], $0x80  }
0x374: {  	[sflag:s1] =	ssyncset.done $0x0  }
0x375: {  	p1 =	sgt.s32 s2, $0x0  }
.Ltmp124:
0x376: {  	_ = 	snop;
	(pc) =	sbr.rel @!p1 .LBB2_163-.Ltmp124, $2  }
0x377: {  	_ =	sdelay $0x2  }
0x378: {  	[sflag:s1] =	ssyncadd.s32 $0xFFFFFF80;
	s5 =	simm.s32 $0x1C200  }
0x379: {  	p1 =	seq.s32 s2, $0x1  }
.Ltmp125:
0x37a: {  	_ = 	snop;
	(pc) =	sbr.rel @p1 .LBB2_163-.Ltmp125, $3  }
0x37b: {  	_ =	sdelay $0x1  }
0x37c: {  	[tilespmem:s5], [sflag:$0x2] =	stream.indirect.gather [hbm4b:s4+s28], $0x40, s20, s28, $0xb8;
	[tilespmem:$0x1F520] =	vst v63  }
0x37d: {  	s6 =	sadd.s32 $0xFFFFFFFF, s2;
	s7 =	smov.u32 s20  }
.LBB2_162:
0x37e: {  	p1 =	seq.s32 s6, $0x1  }
.Ltmp126:
0x37f: {  	_ = 	snop;
	(pc) =	sbr.rel @!p1 .LBB2_162-.Ltmp126, $4  }
0x380: {  	_ = 	snop  }
0x381: {  	s7 =	sadd.s32 $0x8, s7;
	s5 =	sadd.s32 $0x80, s5  }
0x382: {  	s6 =	sadd.s32 $0xFFFFFFFF, s6  }
0x383: {  	[tilespmem:s5], [sflag:$0x2] =	stream.indirect.gather [hbm4b:s4+s28], $0x40, s7, s28, $0xb8;
	[tilespmem:$0x1F520] =	vst v63  }
.LBB2_163:
.Ltmp127:
0x384: {  	(pc) =	sbr.rel @!p0 .LBB2_167-.Ltmp127, $1  }
0x385: {  	_ =	sdelay $0x3  }
0x386: {  	p0 =	sne.s32 s25, $0x1  }
.Ltmp128:
0x387: {  	_ = 	snop;
	(pc) =	sbr.rel @!p0 .LBB2_166-.Ltmp128, $3  }
0x388: {  	_ =	sdelay $0x1  }
0x389: {  	_ =	swait.ge [sflag:s31], $0x80  }
0x38a: {  	s5 =	sadd.s32 $0xFFFFFFFF, s25;
	[sflag:s31] =	ssyncset.done $0x0  }
.LBB2_165:
0x38b: {  	p0 =	sne.s32 s5, $0x1;
	s5 =	sadd.s32 $0xFFFFFFFF, s5;
	[sflag:s31] =	ssyncadd.s32 $0xFFFFFF80  }
.Ltmp129:
0x38c: {  	(pc) =	sbr.rel @p0 .LBB2_165-.Ltmp129, $3  }
0x38d: {  	_ =	sdelay $0x1  }
0x38e: {  	_ =	swait.ge [sflag:s31], $0x80  }
0x38f: {  	[sflag:s31] =	ssyncset.done $0x0  }
.LBB2_166:
0x390: {  	[sflag:s31] =	ssyncadd.s32 $0xFFFFFF80  }
.LBB2_167:
0x391: {  	s5 =	simm.s32 $0x19000;
	p0 =	sgt.s32 s25, $0x0  }
0x392: {  	s5 =	simm.s32 @!p0 $0x1F400  }
0x393: {  	[hbm4b:s21+s3] =	stream.linear.scatter [tilespmem:s5], [sflag:$0x3], $0x80, $0x38;
	[tilespmem:$0x1F520] =	vst v63  }
0x394: {  	s6 =	simm.s32 $0x19080;
	s7 =	smov.u32 s21;
	s5 =	simm.s32 $0x1  }
.LBB2_168:
0x395: {  	p0 =	slt.s32 s5, s25  }
0x396: {  	p1 =	sne.s32 s5, $0x63;
	s5 =	sadd.s32 $0x1, s5;
	s8 =	smov.u32 s6  }
.Ltmp130:
0x397: {  	s7 =	sadd.s32 $0x10, s7;
	s8 =	simm.s32 @!p0 $0x1F400;
	(pc) =	sbr.rel @p1 .LBB2_168-.Ltmp130, $3  }
0x398: {  	[hbm4b:s7+s3] =	stream.linear.scatter [tilespmem:s8], [sflag:$0x3], $0x80, $0x38;
	[tilespmem:$0x1F520] =	vst v63  }
0x399: {  	_ =	sdelay $0x1  }
0x39a: {  	s6 =	sadd.s32 $0x80, s6  }
0x39b: {  	s6 =	sld [smem:$0x7F1]  }
0x39c: {  	s5 =	sld [smem:$0x7FD]  }
0x39d: {  	s26 =	sld [smem:$0x7FC]  }
0x39e: {  	s2 =	sld [smem:$0x7FB]  }
0x39f: {  	s7 =	sld [smem:$0x7FA]  }
0x3a0: {  	s8 =	sld [smem:$0x7F9]  }
0x3a1: {  	s25 =	sld [smem:$0x7F8];
	s5 =	sadd.s32 $0x3200, s5  }
0x3a2: {  	[smem:$0x7FD] =	sst s5  }
0x3a3: {  	s5 =	sadd.s32 $0x6400, s26;
	s26 =	sld [smem:$0x7F7]  }
0x3a4: {  	s18 =	sadd.s32 $0x3200, s18;
	[smem:$0x7FC] =	sst s5  }
0x3a5: {  	s23 =	sadd.s32 $0x3200, s23;
	s5 =	sadd.s32 $0x6400, s2;
	s2 =	sld [smem:$0x7F6]  }
0x3a6: {  	s24 =	sadd.s32 $0x3200, s24;
	s12 =	sadd.s32 $0x3200, s12;
	[smem:$0x7FB] =	sst s5  }
0x3a7: {  	s11 =	sadd.s32 $0x3200, s11;
	s5 =	sadd.s32 $0x6400, s7;
	s7 =	sld [smem:$0x7F5]  }
0x3a8: {  	s10 =	sadd.s32 $0x3200, s10;
	s13 =	sadd.s32 $0x3200, s13;
	[smem:$0x7FA] =	sst s5  }
0x3a9: {  	s14 =	sadd.s32 $0x3200, s14;
	s5 =	sadd.s32 $0x6400, s8;
	s8 =	sld [smem:$0x7F4]  }
0x3aa: {  	s15 =	sadd.s32 $0x3200, s15;
	s16 =	sadd.s32 $0x3200, s16;
	[smem:$0x7F9] =	sst s5  }
0x3ab: {  	s17 =	sadd.s32 $0x3200, s17;
	s5 =	sadd.s32 $0x6400, s25;
	s25 =	sld [smem:$0x7F3]  }
0x3ac: {  	s30 =	sadd.s32 $0x6400, s30;
	s19 =	sadd.s32 $0x3200, s19;
	[smem:$0x7F8] =	sst s5  }
0x3ad: {  	s6 =	sadd.s32 $0x1, s6;
	s5 =	sadd.s32 $0x6400, s26;
	s26 =	sld [smem:$0x7F2]  }
0x3ae: {  	p0 =	sne.s32 s6, $0x8;
	[smem:$0x7F7] =	sst s5;
	s5 =	sadd.s32 $0x6400, s2  }
.Ltmp131:
0x3af: {  	[smem:$0x7F6] =	sst s5;
	s5 =	sadd.s32 $0x6400, s7;
	(pc) =	sbr.rel @p0 .LBB2_2-.Ltmp131, $4  }
0x3b0: {  	s29 =	sadd.s32 $0x6400, s29;
	[smem:$0x7F5] =	sst s5;
	s5 =	sadd.s32 $0x6400, s8  }
0x3b1: {  	s9 =	sadd.s32 $0x3200, s9;
	[smem:$0x7F4] =	sst s5;
	s5 =	sadd.s32 $0x6400, s25  }
0x3b2: {  	s22 =	sadd.s32 $0x6400, s22;
	[smem:$0x7F3] =	sst s5;
	s5 =	sadd.s32 $0x6400, s26  }
0x3b3: {  	s20 =	sadd.s32 $0x3200, s20;
	s21 =	sadd.s32 $0x6400, s21;
	[smem:$0x7F2] =	sst s5  }
0x3b4: {  	v1 =	vld [tilespmem:$0x1F510];
	_ =	sdelay $0x4  }
0x3b5: {  	v1 =	vsel vm15, $0x0, v1  }
0x3b6: {  	v1 =	vxor.u32 $0x80000000, v1  }
0x3b7: {  	(xrf0) =	vmax.scan.msk.u32 $0xffff, v1;
	_ =	sdelay $0x5  }
0x3b8: {  	v1, _, _ =	vpop (xrf0)  }
0x3b9: {  	(v2sf) =	vpush v1, $0xF;
	_ =	sdelay $0xe  }
0x3ba: {  	s5 =	spop (v2sf)  }
0x3bb: {  	s6 =	sadd.s32 $0x80000001, s5;
	p0 =	slt.s32 s5, $0xFFFFFFFF;
	s5 =	simm.s32 $0x1  }
0x3bc: {  	s5 =	simm.s32 @!p0 $0x0;
	s7 =	sshra.s32 s6, $0x1F  }
0x3bd: {  	s29 =	sand.u32 $0x1, s6;
	s5 =	sadd.s32 s5, s7  }
0x3be: {  	p1 =	seq.s32 s29, $0x1;
	p6 =	sne.s32 s5, $0x1  }
0x3bf: {  	s30 =	sshrl.u32 s6, $0x1F;
	p0 =	por !p6, !p1  }
0x3c0: {  	s5 =	sadd.s32 s30, s6;
	s6 =	simm.s32 $0x1;
	p0 =	por !p0, !p0  }
0x3c1: {  	s5 =	sshra.s32 s5, $0x1;
	s6 =	simm.s32 @!p0 $0x0  }
0x3c2: {  	s5 =	ssub.s32 s5, s6  }
0x3c3: {  	p0 =	slt.s32 s5, $0x1  }
.Ltmp132:
0x3c4: {  	_ = 	snop;
	(pc) =	sbr.rel @p0 .LBB2_174-.Ltmp132, $1  }
0x3c5: {  	_ =	sdelay $0x3  }
0x3c6: {  	p0 =	sne.s32 s5, $0x1  }
.Ltmp133:
0x3c7: {  	_ = 	snop;
	(pc) =	sbr.rel @!p0 .LBB2_173-.Ltmp133, $3  }
0x3c8: {  	_ =	sdelay $0x1  }
0x3c9: {  	_ =	swait.ge [sflag:s28], $0x80  }
0x3ca: {  	s6 =	sadd.s32 $0xFFFFFFFF, s5;
	[sflag:s28] =	ssyncset.done $0x0  }
.LBB2_172:
0x3cb: {  	p0 =	sne.s32 s6, $0x1;
	s6 =	sadd.s32 $0xFFFFFFFF, s6;
	[sflag:s28] =	ssyncadd.s32 $0xFFFFFF80  }
.Ltmp134:
0x3cc: {  	(pc) =	sbr.rel @p0 .LBB2_172-.Ltmp134, $3  }
0x3cd: {  	_ =	sdelay $0x1  }
0x3ce: {  	_ =	swait.ge [sflag:s28], $0x80  }
0x3cf: {  	[sflag:s28] =	ssyncset.done $0x0  }
.LBB2_173:
0x3d0: {  	[sflag:s28] =	ssyncadd.s32 $0xFFFFFF80  }
.LBB2_174:
0x3d1: {  	s6 =	simm.s32 $0x1C200;
	p0 =	sgt.s32 s5, $0x0  }
0x3d2: {  	s8 =	rddreg [dreg:$0x17];
	s6 =	simm.s32 @!p0 $0x1F400  }
0x3d3: {  	[hbm4b:s8+s3] =	stream.linear.scatter [tilespmem:s6], [sflag:$0x4], $0x80, $0x38;
	[tilespmem:$0x1F520] =	vst v63  }
0x3d4: {  	s7 =	simm.s32 $0x1C280;
	s6 =	simm.s32 $0x1  }
.LBB2_175:
0x3d5: {  	p0 =	slt.s32 s6, s5  }
0x3d6: {  	p1 =	sne.s32 s6, $0x63;
	s6 =	sadd.s32 $0x1, s6;
	s9 =	smov.u32 s7  }
.Ltmp135:
0x3d7: {  	s8 =	sadd.s32 $0x10, s8;
	s9 =	simm.s32 @!p0 $0x1F400;
	(pc) =	sbr.rel @p1 .LBB2_175-.Ltmp135, $3  }
0x3d8: {  	[hbm4b:s8+s3] =	stream.linear.scatter [tilespmem:s9], [sflag:$0x4], $0x80, $0x38;
	[tilespmem:$0x1F520] =	vst v63  }
0x3d9: {  	_ =	sdelay $0x1  }
0x3da: {  	s7 =	sadd.s32 $0x80, s7  }
0x3db: {  	_ =	swait.ge [sflag:s0], $0x80  }
0x3dc: {  	s5 =	simm.s32 $0x63;
	[sflag:s0] =	ssyncset.done $0x0  }
.LBB2_177:
0x3dd: {  	p0 =	sne.s32 s5, $0x1;
	s5 =	sadd.s32 $0xFFFFFFFF, s5;
	[sflag:s0] =	ssyncadd.s32 $0xFFFFFF80  }
.Ltmp136:
0x3de: {  	(pc) =	sbr.rel @p0 .LBB2_177-.Ltmp136, $3  }
0x3df: {  	_ =	sdelay $0x1  }
0x3e0: {  	_ =	swait.ge [sflag:s0], $0x80  }
0x3e1: {  	[sflag:s0] =	ssyncset.done $0x0  }
0x3e2: {  	[sflag:s0] =	ssyncadd.s32 $0xFFFFFF80  }
0x3e3: {  	_ =	swait.ge [sflag:s1], $0x80  }
0x3e4: {  	s5 =	simm.s32 $0x63;
	[sflag:s1] =	ssyncset.done $0x0;
	s6 =	rddreg [dreg:$0x18]  }
.LBB2_179:
0x3e5: {  	p0 =	sne.s32 s5, $0x1;
	s5 =	sadd.s32 $0xFFFFFFFF, s5;
	[sflag:s1] =	ssyncadd.s32 $0xFFFFFF80  }
.Ltmp137:
0x3e6: {  	(pc) =	sbr.rel @p0 .LBB2_179-.Ltmp137, $3  }
0x3e7: {  	_ =	sdelay $0x1  }
0x3e8: {  	_ =	swait.ge [sflag:s1], $0x80  }
0x3e9: {  	[sflag:s1] =	ssyncset.done $0x0  }
0x3ea: {  	s6 =	sadd.s32 $0x1, s6;
	s5 =	rddreg [dreg:$0x7]  }
0x3eb: {  	p0 =	sne.s32 s6, s5  }
.Ltmp138:
0x3ec: {  	_ = 	snop;
	(pc) =	sbr.rel @p0 .LBB2_1-.Ltmp138, $2  }
0x3ed: {  	_ =	sdelay $0x2  }
0x3ee: {  	[sflag:s1] =	ssyncadd.s32 $0xFFFFFF80  }
0x3ef: {  	_ =	sfence.sel $0x180000  }
0x3f0: {  	[bflag:$0x0] =	sbarrier.arrive $0xFFFF  }
0x3f1: {  	_ =	strace $0x90000047  }
0x3f2: {  	s0 =	stileid.u32;
	[bflag:$0x2] =	sbarrier.arrive $0xFFFF  }
0x3f3: {  	p0 =	sne.s32 s0, $0x0;
	s0 =	rddreg [dreg:$0x3]  }
0x3f4: {  	s0 =	sadd.s32 @!p0 $0x100000, s0  }
0x3f5: {  	[sflag:s0] =	ssyncadd.tile.s32 @!p0 $0x1;
	_ =	shalt  }
.Lfunc_end2:
_tile_overlayer_lowered:
.L_overlay_start_2:
0x3f6: {  	(tag) =	ssettag $0x2  }
0x3f7: {  	s0 =	rddreg [dreg:$0x0];
	s2 =	stileid.u32  }
0x3f8: {  	s1 =	rddreg [dreg:$0x1];
	p0 =	sne.s32 s2, $0x0  }
0x3f9: {  	s3 =	rddreg [dreg:$0x2];
	[bflag:$0x3] =	sbarrier.arrive $0xFFFF;
	s2 =	simm.s32 @!p0 $0x1C05  }
0x3fa: {  	[timem:s3], [sflag:s2] =	dma.local @!p0 [hbm:s0], s1  }
0x3fb: {  	s0 =	simm.s32 @!p0 $0x5  }
0x3fc: {  	_ =	swait.ge @!p0 [sflag:s0], s1  }
0x3fd: {  	s1 =	ssub.s32 @!p0 $0x0, s1;
	[sflag:s0] =	ssyncset.done @!p0 $0x0  }
0x3fe: {  	[sflag:s0] =	ssyncadd.s32 @!p0 s1  }
0x3ff: {  	[bflag:$0x3] =	sbarrier.arrive $0xFFFF  }
0x400: {  	_ =	shalt  }

// kernel: sparse-core-data-format-call.cloned.1.call-start
scs
called_computation_lowered:
.L_overlay_start_0:
0x0: {  	s2 =	sld [smem:$0x3FD9]  }
0x1: {  	s3 =	sld [smem:$0x3FFE];
	_ =	sdelay $0x1  }
0x2: {  	s1 =	srdreg.scid  }
0x3: {  	s0 =	sand.u32 $0x1, s1  }
0x4: {  	s15 =	sshll.u32 s0, $0xA;
	s2 =	sadd.s32 s3, s2  }
0x5: {  	s2 =	sadd.s32 s2, s15  }
0x6: {  	[smem:$0x3FC5] =	sst s2  }
0x7: {  	_ = 	snop  }
0x8: {  	s2 =	sld [smem:$0x3FD0];
	_ =	sdelay $0x2  }
0x9: {  	s16 =	simm.s32 $0xA;
	s4 =	simm.s32 $0x10  }
0xa: {  	[smem:s4], [sflag:s16] =	dma.local [hbm:s2], $0x1  }
0xb: {  	_ =	swait.eq [sflag:s16], $0x1  }
0xc: {  	[sflag:s16] =	ssyncset.done $0x0  }
0xd: {  	[sflag:s16] =	ssyncadd.s32 $0xFFFFFFFF  }
0xe: {  	s17 =	sld [smem:$0x10];
	(tm) =	ssettm $0x1  }
0xf: {  	s18 =	sld [smem:$0x3FFB];
	_ =	sdelay $0x3  }
0x10: {  	_ =	strace s18  }
0x11: {  	s3 =	sld [smem:$0x3FFC];
	_ =	sdelay $0x3  }
0x12: {  	_ =	strace s3  }
0x13: {  	s3 =	sld [smem:$0x3FFD];
	_ =	sdelay $0x3  }
0x14: {  	_ =	strace s3  }
0x15: {  	_ =	strace $0x8FFFFFFF  }
0x16: {  	s19 =	sld [smem:$0x3FDB];
	_ =	sdelay $0x1  }
0x17: {  	s20 =	simm.s32 $_scs_section_size  }
0x18: {  	s5 =	simm.s32 $_size__tile_overlayer_lowered;
	s6 =	simm.s32 $_tile_overlayer_lowered  }
0x19: {  	s23 =	simm.s32 $0x1BFF;
	s22 =	sshll.u32 s6, $0x1;
	s3 =	sadd.s32 s20, s19  }
0x1a: {  	s7 =	simm.s32 $0x0;
	s21 =	sshll.u32 s5, $0x1;
	s5 =	sadd.s32 s22, s3  }
0x1b: {  	[timem:s7], [sflag:s23] =	dma.local [hbm:s5], s21  }
0x1c: {  	_ =	swait.ge [sflag:s23], s21  }
0x1d: {  	s4 =	ssub.s32 $0x0, s21;
	[sflag:s23] =	ssyncset.done $0x0  }
0x1e: {  	[sflag:s23] =	ssyncadd.s32 s4;
	_ =	sdelay $0x1  }
0x1f: {  	s24 =	simm.s32 $0x1B8B  }
0x20: {  	_ =	swait.ge [sflag:s24], $0x1  }
0x21: {  	[sflag:s24] =	ssyncset.done $0x0  }
0x22: {  	s26 =	simm.s32 $0x1B8E;
	s25 =	sld [smem:$0x3FFE];
	[sflag:s24] =	ssyncadd.s32 $0xFFFFFFFF  }
0x23: {  	s27 =	simm.s32 $execute0_lowered;
	[smem:$0x3FD2] =	sst s26  }
0x24: {  	s5 =	sshll.u32 s27, $0x1;
	_ =	strace $0x80000049;
	[dreg:$0x1] =	wrdreg $0xFFFFFFFF  }
0x25: {  	s28 =	simm.s32 $_size_execute0_lowered;
	s3 =	sadd.s32 s3, s5;
	[dreg:$0x0] =	wrdreg $0x0  }
0x26: {  	s5 =	sshll.u32 s28, $0x1;
	[dreg:$0x2] =	wrdreg s3  }
0x27: {  	[dreg:$0x3] =	wrdreg s5  }
0x28: {  	[dreg:$0x4] =	wrdreg $0xC0  }
0x29: {  	_ =	task [dreg:s7], $0x5FFFF  }
0x2a: {  	[dreg:$0x1] =	wrdreg $0xFFFFFFFF  }
0x2b: {  	[dreg:$0x0] =	wrdreg $0x60  }
0x2c: {  	[dreg:$0x2] =	wrdreg s25  }
0x2d: {  	[dreg:$0x3] =	wrdreg s17  }
0x2e: {  	[dreg:$0x4] =	wrdreg $0x9  }
0x2f: {  	_ =	task.clear_ibuf [dreg:s7], $0x5FFFF;
	_ =	strace $0x90000049  }
0x30: {  	s29 =	simm.s32 $0x9;
	_ =	strace $0x8000004B  }
0x31: {  	_ =	swait.ge [sflag:s29], $0x1  }
0x32: {  	[sflag:s29] =	ssyncadd.s32 $0xFFFFFFFF  }
0x33: {  	_ =	strace $0x9000004B  }
0x34: {  	_ =	sfence  }
0x35: {  	s30 =	sld [smem:$0x0];
	_ =	sdelay $0x2  }
0x36: {  	s31 =	sshll.u32 s1, $0xD;
	s1 =	sshrl.u32 s1, $0x2  }
0x37: {  	s3 =	sand.u32 $0x4000, s31;
	s1 =	sadd.s32 s1, s30  }
0x38: {  	s0 =	sor.u32 s3, s0;
	s1 =	sshll.u32 s1, $0x11  }
0x39: {  	s0 =	sor.u32 s1, s0  }
0x3a: {  	s0 =	sadd.s32 $0x8F2B, s0  }
0x3b: {  	[sflag:s0] =	ssyncadd.remote.s32 $0x1  }
0x3c: {  	_ =	sfence.sel $0xFFFF  }
0x3d: {  	[dreg:$0x0] =	wrdreg $0xFFFFFFFF;
	(pc) =	sbr.abs _section_cstart, $3  }
0x3e: {  	[dreg:$0x1] =	wrdreg $0xFFFFFFFF  }
0x3f: {  	_ =	task.clear_ibuf [dreg:s7], $0x2FFFF;
	_ =	strace $0x9FFFFFFF  }
0x40: {  	(tm) =	ssettm $0x7FFFFFFF  }
0x41: {  	_ =	shalt  }
tec
execute0_lowered:
.L_overlay_start_1:
0x0: {  	(tag) =	ssettag $0x1  }
0x1: {  	s0 =	srdreg.scid  }
0x2: {  	s1 =	sshll.u32 s0, $0x4  }
0x3: {  	s0 =	stileid.u32;
	s1 =	sand.u32 $0x10, s1  }
0x4: {  	s1 =	sor.u32 s0, s1  }
0x5: {  	s6 =	rddreg [dreg:$0x0];
	s4 =	simm.s32 $0x1;
	s2 =	sshll.u32 s1, $0x7  }
0x6: {  	s7 =	simm.s32 $0x2;
	s12 =	simm.s32 $0x0;
	s1 =	ssub.s32 $0x1000, s2  }
0x7: {  	s8 =	simm.s32 $0x8000;
	s13 =	simm.s32 $0x0;
	s3 =	sand.u32 $0xF80, s1  }
0x8: {  	s9 =	simm.s32 $0x0;
	s5 =	sshrl.u32 s1, $0xC;
	p0 =	sne.s32 s3, $0x0  }
.Ltmp0:
0x9: {  	s1 =	rddreg [dreg:$0x2];
	s4 =	simm.s32 @!p0 $0x0;
	(pc) =	sbr.rel .LBB1_1-.Ltmp0, $4  }
0xa: {  	s11 =	simm.s32 $0x0;
	s3 =	rddreg [dreg:$0x1];
	s5 =	sadd.s32 s4, s5  }
0xb: {  	_ =	strace $0x8000004A;
	s4 =	simm.s32 $0x1;
	s5 =	smul.u32 $0xC8, s5  }
0xc: {  	s6 =	sadd.s32 $0xC00, s6;
	s10 =	smov.u32 s2;
	[sflag:s4] =	ssyncpa.u1 $0x0  }
0xd: {  	p0 =	por $0x0, $0x0;
	[sflag:s7] =	ssyncpa.u1 $0x0;
	s7 =	sor.u32 $0x1, s5  }
.LBB1_4:
0xe: {  	s16 =	sshll.u32 s13, $0x3;
	s17 =	sand.u32 $0x78, s13  }
0xf: {  	s30 =	sand.u32 $0x7E00, s13;
	s12 =	sshll.u32 s12, $0xF;
	s16 =	sand.u32 $0xC00, s16  }
0x10: {  	[tilespmem:s15+$0x810 ss:$0x81] =	vst.msk $0xffff, v2;
	s31 =	sand.u32 $0x7, s13;
	s16 =	sor.u32 s17, s16;
	s17 =	sadd.s32 s3, s30  }
0x11: {  	[tilespmem:s15+$0x1020 ss:$0x81] =	vst.msk $0xffff, v0;
	s13 =	sshll.u32 s31, $0x12;
	s12 =	sadd.s32 s12, s17;
	s16 =	sshrl.u32 s16, $0x3  }
0x12: {  	[tilespmem:s15+$0x0 ss:$0x81] =	vst.msk $0xffff, v1;
	s13 =	sor.u32 $0x400, s13;
	s12 =	sadd.s32 s16, s12  }
0x13: {  	[hbm4b:s12+s13] =	stream.strided.scatter [tilespmem:s14], [sflag:$0x2], $0x2000, s8, s13, $0x20;
	[tilespmem:$0x8080] =	vst v63  }
.LBB1_5:
0x14: {  	s14 =	sadd.s32 $0x1, s9  }
0x15: {  	s12 =	sadd.s32 $0x1000, s10;
	s16 =	smov.u32 s10;
	p2 =	sgt.s32 s14, $0xC7  }
0x16: {  	s16 =	smov.u32 @p2 s12  }
0x17: {  	s14 =	simm.s32 @p2 $0x0;
	p2 =	sgt.s32 s16, $0xFFF  }
0x18: {  	s16 =	smov.u32 @p2 s2;
	p2 =	sne.s32 s11, s7  }
.Ltmp1:
0x19: {  	p1 =	slt.u32 s11, $0x2;
	(pc) =	sbr.rel @!p2 .LBB1_6-.Ltmp1, $4  }
0x1a: {  	s15 =	simm.s32 @!p1 $0x2  }
0x1b: {  	s13 =	smov.u32 s10;
	p0 =	por !p0, !p0;
	_ =	swait.ge @!p1 [sflag:s15], $0x2000  }
0x1c: {  	s12 =	smov.u32 s9;
	[sflag:s15] =	ssyncset.done @!p1 $0x0;
	s9 =	smov.u32 s14  }
0x1d: {  	s11 =	sadd.s32 $0x1, s11;
	[sflag:s15] =	ssyncadd.s32 @!p1 $0xFFFFE000;
	s10 =	smov.u32 s16  }
.LBB1_1:
0x1e: {  	p1 =	sge.u32 s11, s5  }
0x1f: {  	s14 =	sand.u32 @!p1 $0x1FFFFFF, s9  }
0x20: {  	s15 =	smulhi.u32 @!p1 $0x147AE15, s14;
	_ =	sdelay $0x1  }
0x21: {  	s15 =	smul.u32 @!p1 $0xC8, s15  }
0x22: {  	s16 =	sxor.u32 @!p1 $0xFFFFFFFF, s11;
	s17 =	smul.u32 @!p1 $0xC80, s10  }
0x23: {  	s31 =	sadd.s32 $0xFFFFFFFF, s11;
	s16 =	sshll.u32 @!p1 s16, $0xD;
	s14 =	ssub.s32 @!p1 s14, s15  }
0x24: {  	s15 =	sand.u32 @!p1 $0x2000, s16;
	s16 =	sadd.s32 @!p1 s6, s17;
	s14 =	sshll.u32 @!p1 s14, $0x4  }
0x25: {  	s17 =	simm.s32 @!p1 $0x6400;
	s14 =	sadd.s32 @!p1 s14, s16;
	s16 =	simm.s32 @!p1 $0x40  }
0x26: {  	[tilespmem:s15], [sflag:$0x1] =	stream.strided.gather @!p1 [hbm4b:s14+s16], $0x2000, s17, s16, $0x38;
	[tilespmem:$0x8080] =	vst v63  }
0x27: {  	p1 =	sge.u32 s31, s5  }
.Ltmp2:
0x28: {  	_ = 	snop;
	(pc) =	sbr.rel @p1 .LBB1_5-.Ltmp2, $1  }
0x29: {  	_ =	sdelay $0x3  }
0x2a: {  	s14 =	simm.s32 $0x1  }
0x2b: {  	_ =	swait.ge [sflag:s4], $0x2000;
	s14 =	simm.s32 @!p0 $0x0  }
0x2c: {  	[sflag:s4] =	ssyncset.done $0x0;
	s15 =	sshll.u32 s14, $0xD  }
0x2d: {  	[sflag:s4] =	ssyncadd.s32 $0xFFFFE000;
	s18 =	sor.u32 $0x20, s15  }
0x2e: {  	s14 =	smul.u32 $0x8100, s14;
	v3 =	vld [tilespmem:s18+$0x10]  }
0x2f: {  	s30 =	sand.u32 $0x1, s11;
	v2 =	vld [tilespmem:s18+$0xFFFFFFF0]  }
0x30: {  	s15 =	smul.u32 $0x8100, s30;
	s14 =	sshrl.u32 s14, $0x2;
	v0 =	vld [tilespmem:s18+$0x0]  }
0x31: {  	v1 =	vld [tilespmem:s18+$0xFFFFFFE0];
	s16 =	sor.u32 $0x4000, s14  }
0x32: {  	s31 =	sshrl.u32 s15, $0x2;
	s15 =	sadd.s32 $0x0, s16  }
0x33: {  	s17 =	simm.s32 $0x4;
	s18 =	sadd.s32 $0x40, s18;
	s14 =	sor.u32 $0x4000, s31;
	[tilespmem:s15+$0x1830 ss:$0x81] =	vst.msk $0xffff, v3  }
.LBB1_3:
0x34: {  	v3 =	vld [tilespmem:s18+$0x10];
	p1 =	sne.s32 s17, $0x1FC;
	[tilespmem:s15+$0x810 ss:$0x81] =	vst.msk $0xffff, v2;
	s19 =	smov.u32 s17;
	s17 =	sadd.s32 $0x4, s17  }
.Ltmp3:
0x35: {  	v2 =	vld [tilespmem:s18+$0xFFFFFFF0];
	[tilespmem:s15+$0x1020 ss:$0x81] =	vst.msk $0xffff, v0;
	(pc) =	sbr.rel @p1 .LBB1_3-.Ltmp3, $4  }
0x36: {  	v0 =	vld [tilespmem:s18+$0x0];
	[tilespmem:s15+$0x0 ss:$0x81] =	vst.msk $0xffff, v1  }
0x37: {  	s15 =	sshra.s32 s19, $0x2;
	v1 =	vld [tilespmem:s18+$0xFFFFFFE0]  }
0x38: {  	s15 =	sadd.s32 s15, s16  }
0x39: {  	s18 =	sadd.s32 $0x40, s18;
	[tilespmem:s15+$0x1830 ss:$0x81] =	vst.msk $0xffff, v3  }
.Ltmp4:
0x3a: {  	_ = 	snop;
	(pc) =	sbr.rel .LBB1_4-.Ltmp4, $1  }
0x3b: {  	_ =	sdelay $0x3  }
.LBB1_6:
0x3c: {  	_ =	sfence.sel $0x180000  }
0x3d: {  	s2 =	simm.s32 $0x1;
	[bflag:$0x0] =	sbarrier.arrive $0xFFFF  }
0x3e: {  	s31 =	simm.s32 $0x2;
	[sflag:s2] =	ssyncpa.u1 $0x1  }
0x3f: {  	[sflag:s31] =	ssyncpa.u1 $0x1  }
0x40: {  	p0 =	sne.s32 s0, $0x0;
	_ =	strace $0x9000004A  }
0x41: {  	s0 =	sadd.s32 @!p0 $0x100000, s1;
	[bflag:$0x2] =	sbarrier.arrive $0xFFFF  }
0x42: {  	[sflag:s0] =	ssyncadd.tile.s32 @!p0 $0x1;
	_ =	shalt  }
.Lfunc_end1:
_tile_overlayer_lowered:
.L_overlay_start_2:
0x43: {  	(tag) =	ssettag $0x2  }
0x44: {  	s0 =	rddreg [dreg:$0x0];
	s2 =	stileid.u32  }
0x45: {  	s1 =	rddreg [dreg:$0x1];
	p0 =	sne.s32 s2, $0x0  }
0x46: {  	s3 =	rddreg [dreg:$0x2];
	[bflag:$0x3] =	sbarrier.arrive $0xFFFF;
	s2 =	simm.s32 @!p0 $0x1C01  }
0x47: {  	[timem:s3], [sflag:s2] =	dma.local @!p0 [hbm:s0], s1  }
0x48: {  	s0 =	simm.s32 @!p0 $0x1  }
0x49: {  	_ =	swait.ge @!p0 [sflag:s0], s1  }
0x4a: {  	s1 =	ssub.s32 @!p0 $0x0, s1;
	[sflag:s0] =	ssyncset.done @!p0 $0x0  }
0x4b: {  	[sflag:s0] =	ssyncadd.s32 @!p0 s1  }
0x4c: {  	[bflag:$0x3] =	sbarrier.arrive $0xFFFF  }
0x4d: {  	_ =	shalt  }

</sc_bundles>
